<compile_context>
chip_gen: v7x
topology: tpu7x:2x2x1
jax: 0.10.2.dev20260603
libtpu: 0.0.44.dev20260713+nightly
codegen_flags: <defaults>
</compile_context>

<pallas_src>
import functools

import jax
import jax.numpy as jnp
from jax import lax
from jax.experimental import pallas as pl
from jax.experimental.pallas import tpu as pltpu
from jax.experimental.pallas import tpu_sc as plsc

BATCH = 16384
CH = 26
OUT = 64
NUM_STEPS = 3
LANES = 16
NUM_CORES = 2
NUM_SUBCORES = 16
NW = NUM_CORES * NUM_SUBCORES
ROWS_W = BATCH // NW
GROUPS = ROWS_W // LANES
MAGIC = float(2.0 ** 23)

_GATHER_DNUMS = lax.GatherDimensionNumbers(
    offset_dims=(), collapsed_slice_dims=(0,), start_index_map=(0,)
)


def _take16(table, idx):
    return lax.gather(
        table,
        idx[:, None],
        _GATHER_DNUMS,
        slice_sizes=(1,),
        mode=lax.GatherScatterMode.PROMISE_IN_BOUNDS,
    )


def _sc_body(data_hbm, vc_hbm, vs_hbm, out_hbm, data_v, out_v, vc_v, vs_v):
    wid = lax.axis_index("s") * NUM_CORES + lax.axis_index("c")
    base = wid * ROWS_W
    pltpu.sync_copy(data_hbm.at[:, pl.ds(base, ROWS_W)], data_v)
    pltpu.sync_copy(vc_hbm, vc_v)
    pltpu.sync_copy(vs_hbm, vs_v)

    tvc = vc_v[...]
    tvs = vs_v[...]

    @plsc.parallel_loop(0, GROUPS)
    def group(g):
        rowbase = g * LANES
        acc = jnp.zeros((LANES,), jnp.float32)
        for c in range(CH):
            x = data_v[c, pl.ds(rowbase, LANES)]
            for _ in range(NUM_STEPS):
                u = 2.0 / (1.0 + jnp.exp(x + x))
                r = jnp.minimum(((16.0 - 8.0 * u) + MAGIC) - MAGIC, 15.0)
                pos = r.astype(jnp.int32)
                x = (x + _take16(tvc, pos)) - u * _take16(tvs, pos)
            acc = acc + x
        for rloc in range(LANES):
            splat = _take16(acc, jnp.full((LANES,), rloc, jnp.int32))
            obase = (rowbase + rloc) * OUT
            for k in range(OUT // LANES):
                out_v[pl.ds(obase + k * LANES, LANES)] = splat

    pltpu.sync_copy(out_v, out_hbm.at[pl.ds(wid * ROWS_W * OUT, ROWS_W * OUT)])


@jax.jit
def kernel(data, angles, velo):
    vs = velo * jnp.sin(angles) * (1.0 / NUM_STEPS)
    vc = velo * jnp.cos(angles) * (1.0 / NUM_STEPS) + vs
    run = functools.partial(
        pl.kernel,
        out_type=jax.ShapeDtypeStruct((BATCH * OUT,), jnp.float32),
        mesh=plsc.VectorSubcoreMesh(core_axis_name="c", subcore_axis_name="s"),
        scratch_types=[
            pltpu.VMEM((CH, ROWS_W), jnp.float32),
            pltpu.VMEM((ROWS_W * OUT,), jnp.float32),
            pltpu.VMEM((LANES,), jnp.float32),
            pltpu.VMEM((LANES,), jnp.float32),
        ],
    )(_sc_body)
    out = run(data.T, vc, vs)
    return out.reshape(BATCH, OUT)

# --- scband reference (transcript-rebuilt; emitter-appended) ---
"""Pipeline reference for scband-functional-flow-25907242729814 (READ-ONLY COPY).

The authoritative reference and input builder live on the scoring server;
editing this copy changes nothing except your own understanding.
"""

import jax, jax.numpy as jnp
import numpy as np

IN_CHANNELS = 26
OUT_CHANNELS = 64
NUM_STEPS = 3
NUM_POINTS = 16
BATCH = 16384


def setup_inputs(seed: int = 0) -> dict:
    key = jax.random.key(seed)
    k1, k2, k3 = jax.random.split(key, 3)
    data = jax.random.normal(k1, (BATCH, IN_CHANNELS), dtype=jnp.float32)
    # parameters initialized as 2*rand-1, matching torch init
    angles = 2.0 * jax.random.uniform(k2, (NUM_POINTS,), dtype=jnp.float32) - 1.0
    velo = 2.0 * jax.random.uniform(k3, (NUM_POINTS,), dtype=jnp.float32) - 1.0
    return {"data": data, "angles": angles, "velo": velo}


def reference(data, angles, velo):
    ones = jnp.ones((1, 1, OUT_CHANNELS), dtype=jnp.float32)
    x = data.reshape(-1, IN_CHANNELS, 1) * ones

    def step(d):
        d = jnp.tanh(d)
        pos = jnp.round((1.0 + d) * NUM_POINTS / 2.0).astype(jnp.int32)
        pos = jnp.clip(pos, 0, NUM_POINTS - 1)
        v = jnp.take(velo, pos, axis=0)
        a = jnp.take(angles, pos, axis=0)
        return v * jnp.cos(a) + d * v * jnp.sin(a)

    for _ in range(NUM_STEPS):
        x = x + step(x) / NUM_STEPS
    return jnp.sum(x.reshape(-1, IN_CHANNELS, OUT_CHANNELS), axis=1)

if __name__ == "__main__":
    import jax
    _d = setup_inputs()
    print(jax.jit(kernel)(*tuple(_d.values())))

</pallas_src>

<mosaic_0001>
#map = affine_map<(d0, d1) -> (0, 0)>
#map1 = affine_map<(d0, d1) -> (0)>
module attributes {stable_mosaic.version = 14 : i64} {
  func.func @_sc_body(%arg0: i32, %arg1: i32, %arg2: memref<26x16384xf32, #tpu.memory_space<hbm>>, %arg3: memref<16xf32, #tpu.memory_space<hbm>>, %arg4: memref<16xf32, #tpu.memory_space<hbm>>, %arg5: memref<1048576xf32, #tpu.memory_space<hbm>>, %arg6: memref<26x512xf32, #tpu.memory_space<vmem>>, %arg7: memref<32768xf32, #tpu.memory_space<vmem>>, %arg8: memref<16xf32, #tpu.memory_space<vmem>>, %arg9: memref<16xf32, #tpu.memory_space<vmem>>) attributes {dimension_semantics = [#tpu.dimension_semantics<core_parallel>, #tpu.dimension_semantics<subcore_parallel>], iteration_bounds = array<i64: 2, 16>, scalar_prefetch = 0 : i64, scratch_operands = 4 : i64, tpu.core_type = #tpu.core_type<sc_vector_subcore>, window_params = [{transform_indices = #map}, {transform_indices = #map1}, {transform_indices = #map1}, {transform_indices = #map1}]} {
    %mul3A = arith.constant 2 : i32
    %mul3A_0 = arith.muli %arg1, %mul3A : i32
    %add3A = arith.addi %mul3A_0, %arg0 : i32
    %mul3A_1 = arith.constant 512 : i32
    %mul3A_2 = arith.muli %add3A, %mul3A_1 : i32
    "tpu.region"() ({
      %run_scoped3A = tpu.sem_alloc : memref<!tpu.dma_semaphore, #tpu.memory_space<semaphore_mem>>
      %dma_start3A = arith.constant 0 : i32
      %dma_start3A_14 = tpu.memref_slice %arg2[%dma_start3A, %mul3A_2] : memref<26x16384xf32, #tpu.memory_space<hbm>> -> memref<26x512xf32, #tpu.memory_space<hbm>>
      %dma_start3A_15 = arith.constant 0 : i32
      %dma_start3A_16 = tpu.memref_slice %arg2[%dma_start3A_15, %mul3A_2] : memref<26x16384xf32, #tpu.memory_space<hbm>> -> memref<26x512xf32, #tpu.memory_space<hbm>>
      tpu.enqueue_dma source(%dma_start3A_16 : memref<26x512xf32, #tpu.memory_space<hbm>>) target(%arg6 : memref<26x512xf32, #tpu.memory_space<vmem>>) target_semaphore(%run_scoped3A : memref<!tpu.dma_semaphore, #tpu.memory_space<semaphore_mem>>)
      %dma_wait3A = arith.constant 0 : i32
      %dma_wait3A_17 = tpu.memref_slice %arg2[%dma_wait3A, %mul3A_2] : memref<26x16384xf32, #tpu.memory_space<hbm>> -> memref<26x512xf32, #tpu.memory_space<hbm>>
      %dma_wait3A_18 = arith.constant 0 : i32
      %dma_wait3A_19 = tpu.memref_slice %arg2[%dma_wait3A_18, %mul3A_2] : memref<26x16384xf32, #tpu.memory_space<hbm>> -> memref<26x512xf32, #tpu.memory_space<hbm>>
      tpu.wait_dma2 semaphore(%run_scoped3A : memref<!tpu.dma_semaphore, #tpu.memory_space<semaphore_mem>>) src(%dma_wait3A_19 : memref<26x512xf32, #tpu.memory_space<hbm>>) dst(%arg6 : memref<26x512xf32, #tpu.memory_space<vmem>>)
      tpu.yield
    }) : () -> ()
    "tpu.region"() ({
      %run_scoped3A = tpu.sem_alloc : memref<!tpu.dma_semaphore, #tpu.memory_space<semaphore_mem>>
      tpu.enqueue_dma source(%arg3 : memref<16xf32, #tpu.memory_space<hbm>>) target(%arg8 : memref<16xf32, #tpu.memory_space<vmem>>) target_semaphore(%run_scoped3A : memref<!tpu.dma_semaphore, #tpu.memory_space<semaphore_mem>>)
      tpu.wait_dma2 semaphore(%run_scoped3A : memref<!tpu.dma_semaphore, #tpu.memory_space<semaphore_mem>>) src(%arg3 : memref<16xf32, #tpu.memory_space<hbm>>) dst(%arg8 : memref<16xf32, #tpu.memory_space<vmem>>)
      tpu.yield
    }) : () -> ()
    "tpu.region"() ({
      %run_scoped3A = tpu.sem_alloc : memref<!tpu.dma_semaphore, #tpu.memory_space<semaphore_mem>>
      tpu.enqueue_dma source(%arg4 : memref<16xf32, #tpu.memory_space<hbm>>) target(%arg9 : memref<16xf32, #tpu.memory_space<vmem>>) target_semaphore(%run_scoped3A : memref<!tpu.dma_semaphore, #tpu.memory_space<semaphore_mem>>)
      tpu.wait_dma2 semaphore(%run_scoped3A : memref<!tpu.dma_semaphore, #tpu.memory_space<semaphore_mem>>) src(%arg4 : memref<16xf32, #tpu.memory_space<hbm>>) dst(%arg9 : memref<16xf32, #tpu.memory_space<vmem>>)
      tpu.yield
    }) : () -> ()
    %get3A = arith.constant 0 : index
    %get3A_3 = tpu.vector_load %arg8[%get3A] {strides = array<i32>} : memref<16xf32, #tpu.memory_space<vmem>>, vector<16xf32>,
    %get3A_4 = vector.shape_cast %get3A_3 : vector<16xf32> to vector<16xf32>
    %get3A_5 = arith.constant 0 : index
    %get3A_6 = tpu.vector_load %arg9[%get3A_5] {strides = array<i32>} : memref<16xf32, #tpu.memory_space<vmem>>, vector<16xf32>,
    %get3A_7 = vector.shape_cast %get3A_6 : vector<16xf32> to vector<16xf32>
    %parallel_loop3A = arith.constant 0 : i32
    %parallel_loop3A_8 = arith.constant 32 : i32
    %parallel_loop3A_9 = arith.constant 1 : i32
    scf.for %parallel_loop3A_14 = %parallel_loop3A to %parallel_loop3A_8 step %parallel_loop3A_9  : i32 {
      %parallel_loop3A_15 = arith.constant 16 : i32
      %parallel_loop3A_16 = arith.muli %parallel_loop3A_14, %parallel_loop3A_15 : i32
      %parallel_loop3A_17 = arith.constant 0.000000e+00 : f32
      %parallel_loop3A_18 = vector.broadcast %parallel_loop3A_17 : f32 to vector<16xf32>
      %parallel_loop3A_19 = arith.constant 0 : i32
      %parallel_loop3A_20 = arith.index_cast %parallel_loop3A_19 : i32 to index
      %parallel_loop3A_21 = arith.index_cast %parallel_loop3A_16 : i32 to index
      %parallel_loop3A_22 = tpu.vector_load %arg6[%parallel_loop3A_20, %parallel_loop3A_21] {strides = array<i32>} : memref<26x512xf32, #tpu.memory_space<vmem>>, vector<1x16xf32>,
      %parallel_loop3A_23 = vector.shape_cast %parallel_loop3A_22 : vector<1x16xf32> to vector<16xf32>
      %parallel_loop3A_24 = arith.addf %parallel_loop3A_23, %parallel_loop3A_23 : vector<16xf32>
      %parallel_loop3A_25 = math.exp %parallel_loop3A_24 : vector<16xf32>
      %parallel_loop3A_26 = arith.constant 1.000000e+00 : f32
      %parallel_loop3A_27 = vector.broadcast %parallel_loop3A_26 : f32 to vector<16xf32>
      %parallel_loop3A_28 = arith.addf %parallel_loop3A_27, %parallel_loop3A_25 : vector<16xf32>
      %parallel_loop3A_29 = arith.constant 2.000000e+00 : f32
      %parallel_loop3A_30 = vector.broadcast %parallel_loop3A_29 : f32 to vector<16xf32>
      %parallel_loop3A_31 = arith.divf %parallel_loop3A_30, %parallel_loop3A_28 : vector<16xf32>
      %parallel_loop3A_32 = arith.constant 8.000000e+00 : f32
      %parallel_loop3A_33 = vector.broadcast %parallel_loop3A_32 : f32 to vector<16xf32>
      %parallel_loop3A_34 = arith.mulf %parallel_loop3A_33, %parallel_loop3A_31 : vector<16xf32>
      %parallel_loop3A_35 = arith.constant 1.600000e+01 : f32
      %parallel_loop3A_36 = vector.broadcast %parallel_loop3A_35 : f32 to vector<16xf32>
      %parallel_loop3A_37 = arith.subf %parallel_loop3A_36, %parallel_loop3A_34 : vector<16xf32>
      %parallel_loop3A_38 = arith.constant 0x4B000000 : f32
      %parallel_loop3A_39 = vector.broadcast %parallel_loop3A_38 : f32 to vector<16xf32>
      %parallel_loop3A_40 = arith.addf %parallel_loop3A_37, %parallel_loop3A_39 : vector<16xf32>
      %parallel_loop3A_41 = arith.constant 0x4B000000 : f32
      %parallel_loop3A_42 = vector.broadcast %parallel_loop3A_41 : f32 to vector<16xf32>
      %parallel_loop3A_43 = arith.subf %parallel_loop3A_40, %parallel_loop3A_42 : vector<16xf32>
      %parallel_loop3A_44 = arith.constant 1.500000e+01 : f32
      %parallel_loop3A_45 = vector.broadcast %parallel_loop3A_44 : f32 to vector<16xf32>
      %parallel_loop3A_46 = arith.minimumf %parallel_loop3A_43, %parallel_loop3A_45 : vector<16xf32>
      %parallel_loop3A_47 = arith.fptosi %parallel_loop3A_46 : vector<16xf32> to vector<16xi32>
      %parallel_loop3A_48 = vector.shape_cast %parallel_loop3A_47 : vector<16xi32> to vector<16x1xi32>
      %parallel_loop3A_49 = vector.shape_cast %parallel_loop3A_48 : vector<16x1xi32> to vector<16xi32>
      %parallel_loop3A_50 = tpu.dynamic_gather %get3A_4[%parallel_loop3A_49] in [0] : vector<16xf32>, vector<16xi32> -> vector<16xf32>
      %parallel_loop3A_51 = arith.addf %parallel_loop3A_23, %parallel_loop3A_50 : vector<16xf32>
      %parallel_loop3A_52 = vector.shape_cast %parallel_loop3A_47 : vector<16xi32> to vector<16x1xi32>
      %parallel_loop3A_53 = vector.shape_cast %parallel_loop3A_52 : vector<16x1xi32> to vector<16xi32>
      %parallel_loop3A_54 = tpu.dynamic_gather %get3A_7[%parallel_loop3A_53] in [0] : vector<16xf32>, vector<16xi32> -> vector<16xf32>
      %parallel_loop3A_55 = arith.mulf %parallel_loop3A_31, %parallel_loop3A_54 : vector<16xf32>
      %parallel_loop3A_56 = arith.subf %parallel_loop3A_51, %parallel_loop3A_55 : vector<16xf32>
      %parallel_loop3A_57 = arith.addf %parallel_loop3A_56, %parallel_loop3A_56 : vector<16xf32>
      %parallel_loop3A_58 = math.exp %parallel_loop3A_57 : vector<16xf32>
      %parallel_loop3A_59 = arith.constant 1.000000e+00 : f32
      %parallel_loop3A_60 = vector.broadcast %parallel_loop3A_59 : f32 to vector<16xf32>
      %parallel_loop3A_61 = arith.addf %parallel_loop3A_60, %parallel_loop3A_58 : vector<16xf32>
      %parallel_loop3A_62 = arith.constant 2.000000e+00 : f32
      %parallel_loop3A_63 = vector.broadcast %parallel_loop3A_62 : f32 to vector<16xf32>
      %parallel_loop3A_64 = arith.divf %parallel_loop3A_63, %parallel_loop3A_61 : vector<16xf32>
      %parallel_loop3A_65 = arith.constant 8.000000e+00 : f32
      %parallel_loop3A_66 = vector.broadcast %parallel_loop3A_65 : f32 to vector<16xf32>
      %parallel_loop3A_67 = arith.mulf %parallel_loop3A_66, %parallel_loop3A_64 : vector<16xf32>
      %parallel_loop3A_68 = arith.constant 1.600000e+01 : f32
      %parallel_loop3A_69 = vector.broadcast %parallel_loop3A_68 : f32 to vector<16xf32>
      %parallel_loop3A_70 = arith.subf %parallel_loop3A_69, %parallel_loop3A_67 : vector<16xf32>
      %parallel_loop3A_71 = arith.constant 0x4B000000 : f32
      %parallel_loop3A_72 = vector.broadcast %parallel_loop3A_71 : f32 to vector<16xf32>
      %parallel_loop3A_73 = arith.addf %parallel_loop3A_70, %parallel_loop3A_72 : vector<16xf32>
      %parallel_loop3A_74 = arith.constant 0x4B000000 : f32
      %parallel_loop3A_75 = vector.broadcast %parallel_loop3A_74 : f32 to vector<16xf32>
      %parallel_loop3A_76 = arith.subf %parallel_loop3A_73, %parallel_loop3A_75 : vector<16xf32>
      %parallel_loop3A_77 = arith.constant 1.500000e+01 : f32
      %parallel_loop3A_78 = vector.broadcast %parallel_loop3A_77 : f32 to vector<16xf32>
      %parallel_loop3A_79 = arith.minimumf %parallel_loop3A_76, %parallel_loop3A_78 : vector<16xf32>
      %parallel_loop3A_80 = arith.fptosi %parallel_loop3A_79 : vector<16xf32> to vector<16xi32>
      %parallel_loop3A_81 = vector.shape_cast %parallel_loop3A_80 : vector<16xi32> to vector<16x1xi32>
      %parallel_loop3A_82 = vector.shape_cast %parallel_loop3A_81 : vector<16x1xi32> to vector<16xi32>
      %parallel_loop3A_83 = tpu.dynamic_gather %get3A_4[%parallel_loop3A_82] in [0] : vector<16xf32>, vector<16xi32> -> vector<16xf32>
      %parallel_loop3A_84 = arith.addf %parallel_loop3A_56, %parallel_loop3A_83 : vector<16xf32>
      %parallel_loop3A_85 = vector.shape_cast %parallel_loop3A_80 : vector<16xi32> to vector<16x1xi32>
      %parallel_loop3A_86 = vector.shape_cast %parallel_loop3A_85 : vector<16x1xi32> to vector<16xi32>
      %parallel_loop3A_87 = tpu.dynamic_gather %get3A_7[%parallel_loop3A_86] in [0] : vector<16xf32>, vector<16xi32> -> vector<16xf32>
      %parallel_loop3A_88 = arith.mulf %parallel_loop3A_64, %parallel_loop3A_87 : vector<16xf32>
      %parallel_loop3A_89 = arith.subf %parallel_loop3A_84, %parallel_loop3A_88 : vector<16xf32>
      %parallel_loop3A_90 = arith.addf %parallel_loop3A_89, %parallel_loop3A_89 : vector<16xf32>
      %parallel_loop3A_91 = math.exp %parallel_loop3A_90 : vector<16xf32>
      %parallel_loop3A_92 = arith.constant 1.000000e+00 : f32
      %parallel_loop3A_93 = vector.broadcast %parallel_loop3A_92 : f32 to vector<16xf32>
      %parallel_loop3A_94 = arith.addf %parallel_loop3A_93, %parallel_loop3A_91 : vector<16xf32>
      %parallel_loop3A_95 = arith.constant 2.000000e+00 : f32
      %parallel_loop3A_96 = vector.broadcast %parallel_loop3A_95 : f32 to vector<16xf32>
      %parallel_loop3A_97 = arith.divf %parallel_loop3A_96, %parallel_loop3A_94 : vector<16xf32>
      %parallel_loop3A_98 = arith.constant 8.000000e+00 : f32
      %parallel_loop3A_99 = vector.broadcast %parallel_loop3A_98 : f32 to vector<16xf32>
      %parallel_loop3A_100 = arith.mulf %parallel_loop3A_99, %parallel_loop3A_97 : vector<16xf32>
      %parallel_loop3A_101 = arith.constant 1.600000e+01 : f32
      %parallel_loop3A_102 = vector.broadcast %parallel_loop3A_101 : f32 to vector<16xf32>
      %parallel_loop3A_103 = arith.subf %parallel_loop3A_102, %parallel_loop3A_100 : vector<16xf32>
      %parallel_loop3A_104 = arith.constant 0x4B000000 : f32
      %parallel_loop3A_105 = vector.broadcast %parallel_loop3A_104 : f32 to vector<16xf32>
      %parallel_loop3A_106 = arith.addf %parallel_loop3A_103, %parallel_loop3A_105 : vector<16xf32>
      %parallel_loop3A_107 = arith.constant 0x4B000000 : f32
      %parallel_loop3A_108 = vector.broadcast %parallel_loop3A_107 : f32 to vector<16xf32>
      %parallel_loop3A_109 = arith.subf %parallel_loop3A_106, %parallel_loop3A_108 : vector<16xf32>
      %parallel_loop3A_110 = arith.constant 1.500000e+01 : f32
      %parallel_loop3A_111 = vector.broadcast %parallel_loop3A_110 : f32 to vector<16xf32>
      %parallel_loop3A_112 = arith.minimumf %parallel_loop3A_109, %parallel_loop3A_111 : vector<16xf32>
      %parallel_loop3A_113 = arith.fptosi %parallel_loop3A_112 : vector<16xf32> to vector<16xi32>
      %parallel_loop3A_114 = vector.shape_cast %parallel_loop3A_113 : vector<16xi32> to vector<16x1xi32>
      %parallel_loop3A_115 = vector.shape_cast %parallel_loop3A_114 : vector<16x1xi32> to vector<16xi32>
      %parallel_loop3A_116 = tpu.dynamic_gather %get3A_4[%parallel_loop3A_115] in [0] : vector<16xf32>, vector<16xi32> -> vector<16xf32>
      %parallel_loop3A_117 = arith.addf %parallel_loop3A_89, %parallel_loop3A_116 : vector<16xf32>
      %parallel_loop3A_118 = vector.shape_cast %parallel_loop3A_113 : vector<16xi32> to vector<16x1xi32>
      %parallel_loop3A_119 = vector.shape_cast %parallel_loop3A_118 : vector<16x1xi32> to vector<16xi32>
      %parallel_loop3A_120 = tpu.dynamic_gather %get3A_7[%parallel_loop3A_119] in [0] : vector<16xf32>, vector<16xi32> -> vector<16xf32>
      %parallel_loop3A_121 = arith.mulf %parallel_loop3A_97, %parallel_loop3A_120 : vector<16xf32>
      %parallel_loop3A_122 = arith.subf %parallel_loop3A_117, %parallel_loop3A_121 : vector<16xf32>
      %parallel_loop3A_123 = arith.addf %parallel_loop3A_18, %parallel_loop3A_122 : vector<16xf32>
      %parallel_loop3A_124 = arith.constant 1 : i32
      %parallel_loop3A_125 = arith.index_cast %parallel_loop3A_124 : i32 to index
      %parallel_loop3A_126 = arith.index_cast %parallel_loop3A_16 : i32 to index
      %parallel_loop3A_127 = tpu.vector_load %arg6[%parallel_loop3A_125, %parallel_loop3A_126] {strides = array<i32>} : memref<26x512xf32, #tpu.memory_space<vmem>>, vector<1x16xf32>,
      %parallel_loop3A_128 = vector.shape_cast %parallel_loop3A_127 : vector<1x16xf32> to vector<16xf32>
      %parallel_loop3A_129 = arith.addf %parallel_loop3A_128, %parallel_loop3A_128 : vector<16xf32>
      %parallel_loop3A_130 = math.exp %parallel_loop3A_129 : vector<16xf32>
      %parallel_loop3A_131 = arith.constant 1.000000e+00 : f32
      %parallel_loop3A_132 = vector.broadcast %parallel_loop3A_131 : f32 to vector<16xf32>
      %parallel_loop3A_133 = arith.addf %parallel_loop3A_132, %parallel_loop3A_130 : vector<16xf32>
      %parallel_loop3A_134 = arith.constant 2.000000e+00 : f32
      %parallel_loop3A_135 = vector.broadcast %parallel_loop3A_134 : f32 to vector<16xf32>
      %parallel_loop3A_136 = arith.divf %parallel_loop3A_135, %parallel_loop3A_133 : vector<16xf32>
      %parallel_loop3A_137 = arith.constant 8.000000e+00 : f32
      %parallel_loop3A_138 = vector.broadcast %parallel_loop3A_137 : f32 to vector<16xf32>
      %parallel_loop3A_139 = arith.mulf %parallel_loop3A_138, %parallel_loop3A_136 : vector<16xf32>
      %parallel_loop3A_140 = arith.constant 1.600000e+01 : f32
      %parallel_loop3A_141 = vector.broadcast %parallel_loop3A_140 : f32 to vector<16xf32>
      %parallel_loop3A_142 = arith.subf %parallel_loop3A_141, %parallel_loop3A_139 : vector<16xf32>
      %parallel_loop3A_143 = arith.constant 0x4B000000 : f32
      %parallel_loop3A_144 = vector.broadcast %parallel_loop3A_143 : f32 to vector<16xf32>
      %parallel_loop3A_145 = arith.addf %parallel_loop3A_142, %parallel_loop3A_144 : vector<16xf32>
      %parallel_loop3A_146 = arith.constant 0x4B000000 : f32
      %parallel_loop3A_147 = vector.broadcast %parallel_loop3A_146 : f32 to vector<16xf32>
      %parallel_loop3A_148 = arith.subf %parallel_loop3A_145, %parallel_loop3A_147 : vector<16xf32>
      %parallel_loop3A_149 = arith.constant 1.500000e+01 : f32
      %parallel_loop3A_150 = vector.broadcast %parallel_loop3A_149 : f32 to vector<16xf32>
      %parallel_loop3A_151 = arith.minimumf %parallel_loop3A_148, %parallel_loop3A_150 : vector<16xf32>
      %parallel_loop3A_152 = arith.fptosi %parallel_loop3A_151 : vector<16xf32> to vector<16xi32>
      %parallel_loop3A_153 = vector.shape_cast %parallel_loop3A_152 : vector<16xi32> to vector<16x1xi32>
      %parallel_loop3A_154 = vector.shape_cast %parallel_loop3A_153 : vector<16x1xi32> to vector<16xi32>
      %parallel_loop3A_155 = tpu.dynamic_gather %get3A_4[%parallel_loop3A_154] in [0] : vector<16xf32>, vector<16xi32> -> vector<16xf32>
      %parallel_loop3A_156 = arith.addf %parallel_loop3A_128, %parallel_loop3A_155 : vector<16xf32>
      %parallel_loop3A_157 = vector.shape_cast %parallel_loop3A_152 : vector<16xi32> to vector<16x1xi32>
      %parallel_loop3A_158 = vector.shape_cast %parallel_loop3A_157 : vector<16x1xi32> to vector<16xi32>
      %parallel_loop3A_159 = tpu.dynamic_gather %get3A_7[%parallel_loop3A_158] in [0] : vector<16xf32>, vector<16xi32> -> vector<16xf32>
      %parallel_loop3A_160 = arith.mulf %parallel_loop3A_136, %parallel_loop3A_159 : vector<16xf32>
      %parallel_loop3A_161 = arith.subf %parallel_loop3A_156, %parallel_loop3A_160 : vector<16xf32>
      %parallel_loop3A_162 = arith.addf %parallel_loop3A_161, %parallel_loop3A_161 : vector<16xf32>
      %parallel_loop3A_163 = math.exp %parallel_loop3A_162 : vector<16xf32>
      %parallel_loop3A_164 = arith.constant 1.000000e+00 : f32
      %parallel_loop3A_165 = vector.broadcast %parallel_loop3A_164 : f32 to vector<16xf32>
      %parallel_loop3A_166 = arith.addf %parallel_loop3A_165, %parallel_loop3A_163 : vector<16xf32>
      %parallel_loop3A_167 = arith.constant 2.000000e+00 : f32
      %parallel_loop3A_168 = vector.broadcast %parallel_loop3A_167 : f32 to vector<16xf32>
      %parallel_loop3A_169 = arith.divf %parallel_loop3A_168, %parallel_loop3A_166 : vector<16xf32>
      %parallel_loop3A_170 = arith.constant 8.000000e+00 : f32
      %parallel_loop3A_171 = vector.broadcast %parallel_loop3A_170 : f32 to vector<16xf32>
      %parallel_loop3A_172 = arith.mulf %parallel_loop3A_171, %parallel_loop3A_169 : vector<16xf32>
      %parallel_loop3A_173 = arith.constant 1.600000e+01 : f32
      %parallel_loop3A_174 = vector.broadcast %parallel_loop3A_173 : f32 to vector<16xf32>
      %parallel_loop3A_175 = arith.subf %parallel_loop3A_174, %parallel_loop3A_172 : vector<16xf32>
      %parallel_loop3A_176 = arith.constant 0x4B000000 : f32
      %parallel_loop3A_177 = vector.broadcast %parallel_loop3A_176 : f32 to vector<16xf32>
      %parallel_loop3A_178 = arith.addf %parallel_loop3A_175, %parallel_loop3A_177 : vector<16xf32>
      %parallel_loop3A_179 = arith.constant 0x4B000000 : f32
      %parallel_loop3A_180 = vector.broadcast %parallel_loop3A_179 : f32 to vector<16xf32>
      %parallel_loop3A_181 = arith.subf %parallel_loop3A_178, %parallel_loop3A_180 : vector<16xf32>
      %parallel_loop3A_182 = arith.constant 1.500000e+01 : f32
      %parallel_loop3A_183 = vector.broadcast %parallel_loop3A_182 : f32 to vector<16xf32>
      %parallel_loop3A_184 = arith.minimumf %parallel_loop3A_181, %parallel_loop3A_183 : vector<16xf32>
      %parallel_loop3A_185 = arith.fptosi %parallel_loop3A_184 : vector<16xf32> to vector<16xi32>
      %parallel_loop3A_186 = vector.shape_cast %parallel_loop3A_185 : vector<16xi32> to vector<16x1xi32>
      %parallel_loop3A_187 = vector.shape_cast %parallel_loop3A_186 : vector<16x1xi32> to vector<16xi32>
      %parallel_loop3A_188 = tpu.dynamic_gather %get3A_4[%parallel_loop3A_187] in [0] : vector<16xf32>, vector<16xi32> -> vector<16xf32>
      %parallel_loop3A_189 = arith.addf %parallel_loop3A_161, %parallel_loop3A_188 : vector<16xf32>
      %parallel_loop3A_190 = vector.shape_cast %parallel_loop3A_185 : vector<16xi32> to vector<16x1xi32>
      %parallel_loop3A_191 = vector.shape_cast %parallel_loop3A_190 : vector<16x1xi32> to vector<16xi32>
      %parallel_loop3A_192 = tpu.dynamic_gather %get3A_7[%parallel_loop3A_191] in [0] : vector<16xf32>, vector<16xi32> -> vector<16xf32>
      %parallel_loop3A_193 = arith.mulf %parallel_loop3A_169, %parallel_loop3A_192 : vector<16xf32>
      %parallel_loop3A_194 = arith.subf %parallel_loop3A_189, %parallel_loop3A_193 : vector<16xf32>
      %parallel_loop3A_195 = arith.addf %parallel_loop3A_194, %parallel_loop3A_194 : vector<16xf32>
      %parallel_loop3A_196 = math.exp %parallel_loop3A_195 : vector<16xf32>
      %parallel_loop3A_197 = arith.constant 1.000000e+00 : f32
      %parallel_loop3A_198 = vector.broadcast %parallel_loop3A_197 : f32 to vector<16xf32>
      %parallel_loop3A_199 = arith.addf %parallel_loop3A_198, %parallel_loop3A_196 : vector<16xf32>
      %parallel_loop3A_200 = arith.constant 2.000000e+00 : f32
      %parallel_loop3A_201 = vector.broadcast %parallel_loop3A_200 : f32 to vector<16xf32>
      %parallel_loop3A_202 = arith.divf %parallel_loop3A_201, %parallel_loop3A_199 : vector<16xf32>
      %parallel_loop3A_203 = arith.constant 8.000000e+00 : f32
      %parallel_loop3A_204 = vector.broadcast %parallel_loop3A_203 : f32 to vector<16xf32>
      %parallel_loop3A_205 = arith.mulf %parallel_loop3A_204, %parallel_loop3A_202 : vector<16xf32>
      %parallel_loop3A_206 = arith.constant 1.600000e+01 : f32
      %parallel_loop3A_207 = vector.broadcast %parallel_loop3A_206 : f32 to vector<16xf32>
      %parallel_loop3A_208 = arith.subf %parallel_loop3A_207, %parallel_loop3A_205 : vector<16xf32>
      %parallel_loop3A_209 = arith.constant 0x4B000000 : f32
      %parallel_loop3A_210 = vector.broadcast %parallel_loop3A_209 : f32 to vector<16xf32>
      %parallel_loop3A_211 = arith.addf %parallel_loop3A_208, %parallel_loop3A_210 : vector<16xf32>
      %parallel_loop3A_212 = arith.constant 0x4B000000 : f32
      %parallel_loop3A_213 = vector.broadcast %parallel_loop3A_212 : f32 to vector<16xf32>
      %parallel_loop3A_214 = arith.subf %parallel_loop3A_211, %parallel_loop3A_213 : vector<16xf32>
      %parallel_loop3A_215 = arith.constant 1.500000e+01 : f32
      %parallel_loop3A_216 = vector.broadcast %parallel_loop3A_215 : f32 to vector<16xf32>
      %parallel_loop3A_217 = arith.minimumf %parallel_loop3A_214, %parallel_loop3A_216 : vector<16xf32>
      %parallel_loop3A_218 = arith.fptosi %parallel_loop3A_217 : vector<16xf32> to vector<16xi32>
      %parallel_loop3A_219 = vector.shape_cast %parallel_loop3A_218 : vector<16xi32> to vector<16x1xi32>
      %parallel_loop3A_220 = vector.shape_cast %parallel_loop3A_219 : vector<16x1xi32> to vector<16xi32>
      %parallel_loop3A_221 = tpu.dynamic_gather %get3A_4[%parallel_loop3A_220] in [0] : vector<16xf32>, vector<16xi32> -> vector<16xf32>
      %parallel_loop3A_222 = arith.addf %parallel_loop3A_194, %parallel_loop3A_221 : vector<16xf32>
      %parallel_loop3A_223 = vector.shape_cast %parallel_loop3A_218 : vector<16xi32> to vector<16x1xi32>
      %parallel_loop3A_224 = vector.shape_cast %parallel_loop3A_223 : vector<16x1xi32> to vector<16xi32>
      %parallel_loop3A_225 = tpu.dynamic_gather %get3A_7[%parallel_loop3A_224] in [0] : vector<16xf32>, vector<16xi32> -> vector<16xf32>
      %parallel_loop3A_226 = arith.mulf %parallel_loop3A_202, %parallel_loop3A_225 : vector<16xf32>
      %parallel_loop3A_227 = arith.subf %parallel_loop3A_222, %parallel_loop3A_226 : vector<16xf32>
      %parallel_loop3A_228 = arith.addf %parallel_loop3A_123, %parallel_loop3A_227 : vector<16xf32>
      %parallel_loop3A_229 = arith.constant 2 : i32
      %parallel_loop3A_230 = arith.index_cast %parallel_loop3A_229 : i32 to index
      %parallel_loop3A_231 = arith.index_cast %parallel_loop3A_16 : i32 to index
      %parallel_loop3A_232 = tpu.vector_load %arg6[%parallel_loop3A_230, %parallel_loop3A_231] {strides = array<i32>} : memref<26x512xf32, #tpu.memory_space<vmem>>, vector<1x16xf32>,
      %parallel_loop3A_233 = vector.shape_cast %parallel_loop3A_232 : vector<1x16xf32> to vector<16xf32>
      %parallel_loop3A_234 = arith.addf %parallel_loop3A_233, %parallel_loop3A_233 : vector<16xf32>
      %parallel_loop3A_235 = math.exp %parallel_loop3A_234 : vector<16xf32>
      %parallel_loop3A_236 = arith.constant 1.000000e+00 : f32
      %parallel_loop3A_237 = vector.broadcast %parallel_loop3A_236 : f32 to vector<16xf32>
      %parallel_loop3A_238 = arith.addf %parallel_loop3A_237, %parallel_loop3A_235 : vector<16xf32>
      %parallel_loop3A_239 = arith.constant 2.000000e+00 : f32
      %parallel_loop3A_240 = vector.broadcast %parallel_loop3A_239 : f32 to vector<16xf32>
      %parallel_loop3A_241 = arith.divf %parallel_loop3A_240, %parallel_loop3A_238 : vector<16xf32>
      %parallel_loop3A_242 = arith.constant 8.000000e+00 : f32
      %parallel_loop3A_243 = vector.broadcast %parallel_loop3A_242 : f32 to vector<16xf32>
      %parallel_loop3A_244 = arith.mulf %parallel_loop3A_243, %parallel_loop3A_241 : vector<16xf32>
      %parallel_loop3A_245 = arith.constant 1.600000e+01 : f32
      %parallel_loop3A_246 = vector.broadcast %parallel_loop3A_245 : f32 to vector<16xf32>
      %parallel_loop3A_247 = arith.subf %parallel_loop3A_246, %parallel_loop3A_244 : vector<16xf32>
      %parallel_loop3A_248 = arith.constant 0x4B000000 : f32
      %parallel_loop3A_249 = vector.broadcast %parallel_loop3A_248 : f32 to vector<16xf32>
      %parallel_loop3A_250 = arith.addf %parallel_loop3A_247, %parallel_loop3A_249 : vector<16xf32>
      %parallel_loop3A_251 = arith.constant 0x4B000000 : f32
      %parallel_loop3A_252 = vector.broadcast %parallel_loop3A_251 : f32 to vector<16xf32>
      %parallel_loop3A_253 = arith.subf %parallel_loop3A_250, %parallel_loop3A_252 : vector<16xf32>
      %parallel_loop3A_254 = arith.constant 1.500000e+01 : f32
      %parallel_loop3A_255 = vector.broadcast %parallel_loop3A_254 : f32 to vector<16xf32>
      %parallel_loop3A_256 = arith.minimumf %parallel_loop3A_253, %parallel_loop3A_255 : vector<16xf32>
      %parallel_loop3A_257 = arith.fptosi %parallel_loop3A_256 : vector<16xf32> to vector<16xi32>
      %parallel_loop3A_258 = vector.shape_cast %parallel_loop3A_257 : vector<16xi32> to vector<16x1xi32>
      %parallel_loop3A_259 = vector.shape_cast %parallel_loop3A_258 : vector<16x1xi32> to vector<16xi32>
      %parallel_loop3A_260 = tpu.dynamic_gather %get3A_4[%parallel_loop3A_259] in [0] : vector<16xf32>, vector<16xi32> -> vector<16xf32>
      %parallel_loop3A_261 = arith.addf %parallel_loop3A_233, %parallel_loop3A_260 : vector<16xf32>
      %parallel_loop3A_262 = vector.shape_cast %parallel_loop3A_257 : vector<16xi32> to vector<16x1xi32>
      %parallel_loop3A_263 = vector.shape_cast %parallel_loop3A_262 : vector<16x1xi32> to vector<16xi32>
      %parallel_loop3A_264 = tpu.dynamic_gather %get3A_7[%parallel_loop3A_263] in [0] : vector<16xf32>, vector<16xi32> -> vector<16xf32>
      %parallel_loop3A_265 = arith.mulf %parallel_loop3A_241, %parallel_loop3A_264 : vector<16xf32>
      %parallel_loop3A_266 = arith.subf %parallel_loop3A_261, %parallel_loop3A_265 : vector<16xf32>
      %parallel_loop3A_267 = arith.addf %parallel_loop3A_266, %parallel_loop3A_266 : vector<16xf32>
      %parallel_loop3A_268 = math.exp %parallel_loop3A_267 : vector<16xf32>
      %parallel_loop3A_269 = arith.constant 1.000000e+00 : f32
      %parallel_loop3A_270 = vector.broadcast %parallel_loop3A_269 : f32 to vector<16xf32>
      %parallel_loop3A_271 = arith.addf %parallel_loop3A_270, %parallel_loop3A_268 : vector<16xf32>
      %parallel_loop3A_272 = arith.constant 2.000000e+00 : f32
      %parallel_loop3A_273 = vector.broadcast %parallel_loop3A_272 : f32 to vector<16xf32>
      %parallel_loop3A_274 = arith.divf %parallel_loop3A_273, %parallel_loop3A_271 : vector<16xf32>
      %parallel_loop3A_275 = arith.constant 8.000000e+00 : f32
      %parallel_loop3A_276 = vector.broadcast %parallel_loop3A_275 : f32 to vector<16xf32>
      %parallel_loop3A_277 = arith.mulf %parallel_loop3A_276, %parallel_loop3A_274 : vector<16xf32>
      %parallel_loop3A_278 = arith.constant 1.600000e+01 : f32
      %parallel_loop3A_279 = vector.broadcast %parallel_loop3A_278 : f32 to vector<16xf32>
      %parallel_loop3A_280 = arith.subf %parallel_loop3A_279, %parallel_loop3A_277 : vector<16xf32>
      %parallel_loop3A_281 = arith.constant 0x4B000000 : f32
      %parallel_loop3A_282 = vector.broadcast %parallel_loop3A_281 : f32 to vector<16xf32>
      %parallel_loop3A_283 = arith.addf %parallel_loop3A_280, %parallel_loop3A_282 : vector<16xf32>
      %parallel_loop3A_284 = arith.constant 0x4B000000 : f32
      %parallel_loop3A_285 = vector.broadcast %parallel_loop3A_284 : f32 to vector<16xf32>
      %parallel_loop3A_286 = arith.subf %parallel_loop3A_283, %parallel_loop3A_285 : vector<16xf32>
      %parallel_loop3A_287 = arith.constant 1.500000e+01 : f32
      %parallel_loop3A_288 = vector.broadcast %parallel_loop3A_287 : f32 to vector<16xf32>
      %parallel_loop3A_289 = arith.minimumf %parallel_loop3A_286, %parallel_loop3A_288 : vector<16xf32>
      %parallel_loop3A_290 = arith.fptosi %parallel_loop3A_289 : vector<16xf32> to vector<16xi32>
      %parallel_loop3A_291 = vector.shape_cast %parallel_loop3A_290 : vector<16xi32> to vector<16x1xi32>
      %parallel_loop3A_292 = vector.shape_cast %parallel_loop3A_291 : vector<16x1xi32> to vector<16xi32>
      %parallel_loop3A_293 = tpu.dynamic_gather %get3A_4[%parallel_loop3A_292] in [0] : vector<16xf32>, vector<16xi32> -> vector<16xf32>
      %parallel_loop3A_294 = arith.addf %parallel_loop3A_266, %parallel_loop3A_293 : vector<16xf32>
      %parallel_loop3A_295 = vector.shape_cast %parallel_loop3A_290 : vector<16xi32> to vector<16x1xi32>
      %parallel_loop3A_296 = vector.shape_cast %parallel_loop3A_295 : vector<16x1xi32> to vector<16xi32>
      %parallel_loop3A_297 = tpu.dynamic_gather %get3A_7[%parallel_loop3A_296] in [0] : vector<16xf32>, vector<16xi32> -> vector<16xf32>
      %parallel_loop3A_298 = arith.mulf %parallel_loop3A_274, %parallel_loop3A_297 : vector<16xf32>
      %parallel_loop3A_299 = arith.subf %parallel_loop3A_294, %parallel_loop3A_298 : vector<16xf32>
      %parallel_loop3A_300 = arith.addf %parallel_loop3A_299, %parallel_loop3A_299 : vector<16xf32>
      %parallel_loop3A_301 = math.exp %parallel_loop3A_300 : vector<16xf32>
      %parallel_loop3A_302 = arith.constant 1.000000e+00 : f32
      %parallel_loop3A_303 = vector.broadcast %parallel_loop3A_302 : f32 to vector<16xf32>
      %parallel_loop3A_304 = arith.addf %parallel_loop3A_303, %parallel_loop3A_301 : vector<16xf32>
      %parallel_loop3A_305 = arith.constant 2.000000e+00 : f32
      %parallel_loop3A_306 = vector.broadcast %parallel_loop3A_305 : f32 to vector<16xf32>
      %parallel_loop3A_307 = arith.divf %parallel_loop3A_306, %parallel_loop3A_304 : vector<16xf32>
      %parallel_loop3A_308 = arith.constant 8.000000e+00 : f32
      %parallel_loop3A_309 = vector.broadcast %parallel_loop3A_308 : f32 to vector<16xf32>
      %parallel_loop3A_310 = arith.mulf %parallel_loop3A_309, %parallel_loop3A_307 : vector<16xf32>
      %parallel_loop3A_311 = arith.constant 1.600000e+01 : f32
      %parallel_loop3A_312 = vector.broadcast %parallel_loop3A_311 : f32 to vector<16xf32>
      %parallel_loop3A_313 = arith.subf %parallel_loop3A_312, %parallel_loop3A_310 : vector<16xf32>
      %parallel_loop3A_314 = arith.constant 0x4B000000 : f32
      %parallel_loop3A_315 = vector.broadcast %parallel_loop3A_314 : f32 to vector<16xf32>
      %parallel_loop3A_316 = arith.addf %parallel_loop3A_313, %parallel_loop3A_315 : vector<16xf32>
      %parallel_loop3A_317 = arith.constant 0x4B000000 : f32
      %parallel_loop3A_318 = vector.broadcast %parallel_loop3A_317 : f32 to vector<16xf32>
      %parallel_loop3A_319 = arith.subf %parallel_loop3A_316, %parallel_loop3A_318 : vector<16xf32>
      %parallel_loop3A_320 = arith.constant 1.500000e+01 : f32
      %parallel_loop3A_321 = vector.broadcast %parallel_loop3A_320 : f32 to vector<16xf32>
      %parallel_loop3A_322 = arith.minimumf %parallel_loop3A_319, %parallel_loop3A_321 : vector<16xf32>
      %parallel_loop3A_323 = arith.fptosi %parallel_loop3A_322 : vector<16xf32> to vector<16xi32>
      %parallel_loop3A_324 = vector.shape_cast %parallel_loop3A_323 : vector<16xi32> to vector<16x1xi32>
      %parallel_loop3A_325 = vector.shape_cast %parallel_loop3A_324 : vector<16x1xi32> to vector<16xi32>
      %parallel_loop3A_326 = tpu.dynamic_gather %get3A_4[%parallel_loop3A_325] in [0] : vector<16xf32>, vector<16xi32> -> vector<16xf32>
      %parallel_loop3A_327 = arith.addf %parallel_loop3A_299, %parallel_loop3A_326 : vector<16xf32>
      %parallel_loop3A_328 = vector.shape_cast %parallel_loop3A_323 : vector<16xi32> to vector<16x1xi32>
      %parallel_loop3A_329 = vector.shape_cast %parallel_loop3A_328 : vector<16x1xi32> to vector<16xi32>
      %parallel_loop3A_330 = tpu.dynamic_gather %get3A_7[%parallel_loop3A_329] in [0] : vector<16xf32>, vector<16xi32> -> vector<16xf32>
      %parallel_loop3A_331 = arith.mulf %parallel_loop3A_307, %parallel_loop3A_330 : vector<16xf32>
      %parallel_loop3A_332 = arith.subf %parallel_loop3A_327, %parallel_loop3A_331 : vector<16xf32>
      %parallel_loop3A_333 = arith.addf %parallel_loop3A_228, %parallel_loop3A_332 : vector<16xf32>
      %parallel_loop3A_334 = arith.constant 3 : i32
      %parallel_loop3A_335 = arith.index_cast %parallel_loop3A_334 : i32 to index
      %parallel_loop3A_336 = arith.index_cast %parallel_loop3A_16 : i32 to index
      %parallel_loop3A_337 = tpu.vector_load %arg6[%parallel_loop3A_335, %parallel_loop3A_336] {strides = array<i32>} : memref<26x512xf32, #tpu.memory_space<vmem>>, vector<1x16xf32>,
      %parallel_loop3A_338 = vector.shape_cast %parallel_loop3A_337 : vector<1x16xf32> to vector<16xf32>
      %parallel_loop3A_339 = arith.addf %parallel_loop3A_338, %parallel_loop3A_338 : vector<16xf32>
      %parallel_loop3A_340 = math.exp %parallel_loop3A_339 : vector<16xf32>
      %parallel_loop3A_341 = arith.constant 1.000000e+00 : f32
      %parallel_loop3A_342 = vector.broadcast %parallel_loop3A_341 : f32 to vector<16xf32>
      %parallel_loop3A_343 = arith.addf %parallel_loop3A_342, %parallel_loop3A_340 : vector<16xf32>
      %parallel_loop3A_344 = arith.constant 2.000000e+00 : f32
      %parallel_loop3A_345 = vector.broadcast %parallel_loop3A_344 : f32 to vector<16xf32>
      %parallel_loop3A_346 = arith.divf %parallel_loop3A_345, %parallel_loop3A_343 : vector<16xf32>
      %parallel_loop3A_347 = arith.constant 8.000000e+00 : f32
      %parallel_loop3A_348 = vector.broadcast %parallel_loop3A_347 : f32 to vector<16xf32>
      %parallel_loop3A_349 = arith.mulf %parallel_loop3A_348, %parallel_loop3A_346 : vector<16xf32>
      %parallel_loop3A_350 = arith.constant 1.600000e+01 : f32
      %parallel_loop3A_351 = vector.broadcast %parallel_loop3A_350 : f32 to vector<16xf32>
      %parallel_loop3A_352 = arith.subf %parallel_loop3A_351, %parallel_loop3A_349 : vector<16xf32>
      %parallel_loop3A_353 = arith.constant 0x4B000000 : f32
      %parallel_loop3A_354 = vector.broadcast %parallel_loop3A_353 : f32 to vector<16xf32>
      %parallel_loop3A_355 = arith.addf %parallel_loop3A_352, %parallel_loop3A_354 : vector<16xf32>
      %parallel_loop3A_356 = arith.constant 0x4B000000 : f32
      %parallel_loop3A_357 = vector.broadcast %parallel_loop3A_356 : f32 to vector<16xf32>
      %parallel_loop3A_358 = arith.subf %parallel_loop3A_355, %parallel_loop3A_357 : vector<16xf32>
      %parallel_loop3A_359 = arith.constant 1.500000e+01 : f32
      %parallel_loop3A_360 = vector.broadcast %parallel_loop3A_359 : f32 to vector<16xf32>
      %parallel_loop3A_361 = arith.minimumf %parallel_loop3A_358, %parallel_loop3A_360 : vector<16xf32>
      %parallel_loop3A_362 = arith.fptosi %parallel_loop3A_361 : vector<16xf32> to vector<16xi32>
      %parallel_loop3A_363 = vector.shape_cast %parallel_loop3A_362 : vector<16xi32> to vector<16x1xi32>
      %parallel_loop3A_364 = vector.shape_cast %parallel_loop3A_363 : vector<16x1xi32> to vector<16xi32>
      %parallel_loop3A_365 = tpu.dynamic_gather %get3A_4[%parallel_loop3A_364] in [0] : vector<16xf32>, vector<16xi32> -> vector<16xf32>
      %parallel_loop3A_366 = arith.addf %parallel_loop3A_338, %parallel_loop3A_365 : vector<16xf32>
      %parallel_loop3A_367 = vector.shape_cast %parallel_loop3A_362 : vector<16xi32> to vector<16x1xi32>
      %parallel_loop3A_368 = vector.shape_cast %parallel_loop3A_367 : vector<16x1xi32> to vector<16xi32>
      %parallel_loop3A_369 = tpu.dynamic_gather %get3A_7[%parallel_loop3A_368] in [0] : vector<16xf32>, vector<16xi32> -> vector<16xf32>
      %parallel_loop3A_370 = arith.mulf %parallel_loop3A_346, %parallel_loop3A_369 : vector<16xf32>
      %parallel_loop3A_371 = arith.subf %parallel_loop3A_366, %parallel_loop3A_370 : vector<16xf32>
      %parallel_loop3A_372 = arith.addf %parallel_loop3A_371, %parallel_loop3A_371 : vector<16xf32>
      %parallel_loop3A_373 = math.exp %parallel_loop3A_372 : vector<16xf32>
      %parallel_loop3A_374 = arith.constant 1.000000e+00 : f32
      %parallel_loop3A_375 = vector.broadcast %parallel_loop3A_374 : f32 to vector<16xf32>
      %parallel_loop3A_376 = arith.addf %parallel_loop3A_375, %parallel_loop3A_373 : vector<16xf32>
      %parallel_loop3A_377 = arith.constant 2.000000e+00 : f32
      %parallel_loop3A_378 = vector.broadcast %parallel_loop3A_377 : f32 to vector<16xf32>
      %parallel_loop3A_379 = arith.divf %parallel_loop3A_378, %parallel_loop3A_376 : vector<16xf32>
      %parallel_loop3A_380 = arith.constant 8.000000e+00 : f32
      %parallel_loop3A_381 = vector.broadcast %parallel_loop3A_380 : f32 to vector<16xf32>
      %parallel_loop3A_382 = arith.mulf %parallel_loop3A_381, %parallel_loop3A_379 : vector<16xf32>
      %parallel_loop3A_383 = arith.constant 1.600000e+01 : f32
      %parallel_loop3A_384 = vector.broadcast %parallel_loop3A_383 : f32 to vector<16xf32>
      %parallel_loop3A_385 = arith.subf %parallel_loop3A_384, %parallel_loop3A_382 : vector<16xf32>
      %parallel_loop3A_386 = arith.constant 0x4B000000 : f32
      %parallel_loop3A_387 = vector.broadcast %parallel_loop3A_386 : f32 to vector<16xf32>
      %parallel_loop3A_388 = arith.addf %parallel_loop3A_385, %parallel_loop3A_387 : vector<16xf32>
      %parallel_loop3A_389 = arith.constant 0x4B000000 : f32
      %parallel_loop3A_390 = vector.broadcast %parallel_loop3A_389 : f32 to vector<16xf32>
      %parallel_loop3A_391 = arith.subf %parallel_loop3A_388, %parallel_loop3A_390 : vector<16xf32>
      %parallel_loop3A_392 = arith.constant 1.500000e+01 : f32
      %parallel_loop3A_393 = vector.broadcast %parallel_loop3A_392 : f32 to vector<16xf32>
      %parallel_loop3A_394 = arith.minimumf %parallel_loop3A_391, %parallel_loop3A_393 : vector<16xf32>
      %parallel_loop3A_395 = arith.fptosi %parallel_loop3A_394 : vector<16xf32> to vector<16xi32>
      %parallel_loop3A_396 = vector.shape_cast %parallel_loop3A_395 : vector<16xi32> to vector<16x1xi32>
      %parallel_loop3A_397 = vector.shape_cast %parallel_loop3A_396 : vector<16x1xi32> to vector<16xi32>
      %parallel_loop3A_398 = tpu.dynamic_gather %get3A_4[%parallel_loop3A_397] in [0] : vector<16xf32>, vector<16xi32> -> vector<16xf32>
      %parallel_loop3A_399 = arith.addf %parallel_loop3A_371, %parallel_loop3A_398 : vector<16xf32>
      %parallel_loop3A_400 = vector.shape_cast %parallel_loop3A_395 : vector<16xi32> to vector<16x1xi32>
      %parallel_loop3A_401 = vector.shape_cast %parallel_loop3A_400 : vector<16x1xi32> to vector<16xi32>
      %parallel_loop3A_402 = tpu.dynamic_gather %get3A_7[%parallel_loop3A_401] in [0] : vector<16xf32>, vector<16xi32> -> vector<16xf32>
      %parallel_loop3A_403 = arith.mulf %parallel_loop3A_379, %parallel_loop3A_402 : vector<16xf32>
      %parallel_loop3A_404 = arith.subf %parallel_loop3A_399, %parallel_loop3A_403 : vector<16xf32>
      %parallel_loop3A_405 = arith.addf %parallel_loop3A_404, %parallel_loop3A_404 : vector<16xf32>
      %parallel_loop3A_406 = math.exp %parallel_loop3A_405 : vector<16xf32>
      %parallel_loop3A_407 = arith.constant 1.000000e+00 : f32
      %parallel_loop3A_408 = vector.broadcast %parallel_loop3A_407 : f32 to vector<16xf32>
      %parallel_loop3A_409 = arith.addf %parallel_loop3A_408, %parallel_loop3A_406 : vector<16xf32>
      %parallel_loop3A_410 = arith.constant 2.000000e+00 : f32
      %parallel_loop3A_411 = vector.broadcast %parallel_loop3A_410 : f32 to vector<16xf32>
      %parallel_loop3A_412 = arith.divf %parallel_loop3A_411, %parallel_loop3A_409 : vector<16xf32>
      %parallel_loop3A_413 = arith.constant 8.000000e+00 : f32
      %parallel_loop3A_414 = vector.broadcast %parallel_loop3A_413 : f32 to vector<16xf32>
      %parallel_loop3A_415 = arith.mulf %parallel_loop3A_414, %parallel_loop3A_412 : vector<16xf32>
      %parallel_loop3A_416 = arith.constant 1.600000e+01 : f32
      %parallel_loop3A_417 = vector.broadcast %parallel_loop3A_416 : f32 to vector<16xf32>
      %parallel_loop3A_418 = arith.subf %parallel_loop3A_417, %parallel_loop3A_415 : vector<16xf32>
      %parallel_loop3A_419 = arith.constant 0x4B000000 : f32
      %parallel_loop3A_420 = vector.broadcast %parallel_loop3A_419 : f32 to vector<16xf32>
      %parallel_loop3A_421 = arith.addf %parallel_loop3A_418, %parallel_loop3A_420 : vector<16xf32>
      %parallel_loop3A_422 = arith.constant 0x4B000000 : f32
      %parallel_loop3A_423 = vector.broadcast %parallel_loop3A_422 : f32 to vector<16xf32>
      %parallel_loop3A_424 = arith.subf %parallel_loop3A_421, %parallel_loop3A_423 : vector<16xf32>
      %parallel_loop3A_425 = arith.constant 1.500000e+01 : f32
      %parallel_loop3A_426 = vector.broadcast %parallel_loop3A_425 : f32 to vector<16xf32>
      %parallel_loop3A_427 = arith.minimumf %parallel_loop3A_424, %parallel_loop3A_426 : vector<16xf32>
      %parallel_loop3A_428 = arith.fptosi %parallel_loop3A_427 : vector<16xf32> to vector<16xi32>
      %parallel_loop3A_429 = vector.shape_cast %parallel_loop3A_428 : vector<16xi32> to vector<16x1xi32>
      %parallel_loop3A_430 = vector.shape_cast %parallel_loop3A_429 : vector<16x1xi32> to vector<16xi32>
      %parallel_loop3A_431 = tpu.dynamic_gather %get3A_4[%parallel_loop3A_430] in [0] : vector<16xf32>, vector<16xi32> -> vector<16xf32>
      %parallel_loop3A_432 = arith.addf %parallel_loop3A_404, %parallel_loop3A_431 : vector<16xf32>
      %parallel_loop3A_433 = vector.shape_cast %parallel_loop3A_428 : vector<16xi32> to vector<16x1xi32>
      %parallel_loop3A_434 = vector.shape_cast %parallel_loop3A_433 : vector<16x1xi32> to vector<16xi32>
      %parallel_loop3A_435 = tpu.dynamic_gather %get3A_7[%parallel_loop3A_434] in [0] : vector<16xf32>, vector<16xi32> -> vector<16xf32>
      %parallel_loop3A_436 = arith.mulf %parallel_loop3A_412, %parallel_loop3A_435 : vector<16xf32>
      %parallel_loop3A_437 = arith.subf %parallel_loop3A_432, %parallel_loop3A_436 : vector<16xf32>
      %parallel_loop3A_438 = arith.addf %parallel_loop3A_333, %parallel_loop3A_437 : vector<16xf32>
      %parallel_loop3A_439 = arith.constant 4 : i32
      %parallel_loop3A_440 = arith.index_cast %parallel_loop3A_439 : i32 to index
      %parallel_loop3A_441 = arith.index_cast %parallel_loop3A_16 : i32 to index
      %parallel_loop3A_442 = tpu.vector_load %arg6[%parallel_loop3A_440, %parallel_loop3A_441] {strides = array<i32>} : memref<26x512xf32, #tpu.memory_space<vmem>>, vector<1x16xf32>,
      %parallel_loop3A_443 = vector.shape_cast %parallel_loop3A_442 : vector<1x16xf32> to vector<16xf32>
      %parallel_loop3A_444 = arith.addf %parallel_loop3A_443, %parallel_loop3A_443 : vector<16xf32>
      %parallel_loop3A_445 = math.exp %parallel_loop3A_444 : vector<16xf32>
      %parallel_loop3A_446 = arith.constant 1.000000e+00 : f32
      %parallel_loop3A_447 = vector.broadcast %parallel_loop3A_446 : f32 to vector<16xf32>
      %parallel_loop3A_448 = arith.addf %parallel_loop3A_447, %parallel_loop3A_445 : vector<16xf32>
      %parallel_loop3A_449 = arith.constant 2.000000e+00 : f32
      %parallel_loop3A_450 = vector.broadcast %parallel_loop3A_449 : f32 to vector<16xf32>
      %parallel_loop3A_451 = arith.divf %parallel_loop3A_450, %parallel_loop3A_448 : vector<16xf32>
      %parallel_loop3A_452 = arith.constant 8.000000e+00 : f32
      %parallel_loop3A_453 = vector.broadcast %parallel_loop3A_452 : f32 to vector<16xf32>
      %parallel_loop3A_454 = arith.mulf %parallel_loop3A_453, %parallel_loop3A_451 : vector<16xf32>
      %parallel_loop3A_455 = arith.constant 1.600000e+01 : f32
      %parallel_loop3A_456 = vector.broadcast %parallel_loop3A_455 : f32 to vector<16xf32>
      %parallel_loop3A_457 = arith.subf %parallel_loop3A_456, %parallel_loop3A_454 : vector<16xf32>
      %parallel_loop3A_458 = arith.constant 0x4B000000 : f32
      %parallel_loop3A_459 = vector.broadcast %parallel_loop3A_458 : f32 to vector<16xf32>
      %parallel_loop3A_460 = arith.addf %parallel_loop3A_457, %parallel_loop3A_459 : vector<16xf32>
      %parallel_loop3A_461 = arith.constant 0x4B000000 : f32
      %parallel_loop3A_462 = vector.broadcast %parallel_loop3A_461 : f32 to vector<16xf32>
      %parallel_loop3A_463 = arith.subf %parallel_loop3A_460, %parallel_loop3A_462 : vector<16xf32>
      %parallel_loop3A_464 = arith.constant 1.500000e+01 : f32
      %parallel_loop3A_465 = vector.broadcast %parallel_loop3A_464 : f32 to vector<16xf32>
      %parallel_loop3A_466 = arith.minimumf %parallel_loop3A_463, %parallel_loop3A_465 : vector<16xf32>
      %parallel_loop3A_467 = arith.fptosi %parallel_loop3A_466 : vector<16xf32> to vector<16xi32>
      %parallel_loop3A_468 = vector.shape_cast %parallel_loop3A_467 : vector<16xi32> to vector<16x1xi32>
      %parallel_loop3A_469 = vector.shape_cast %parallel_loop3A_468 : vector<16x1xi32> to vector<16xi32>
      %parallel_loop3A_470 = tpu.dynamic_gather %get3A_4[%parallel_loop3A_469] in [0] : vector<16xf32>, vector<16xi32> -> vector<16xf32>
      %parallel_loop3A_471 = arith.addf %parallel_loop3A_443, %parallel_loop3A_470 : vector<16xf32>
      %parallel_loop3A_472 = vector.shape_cast %parallel_loop3A_467 : vector<16xi32> to vector<16x1xi32>
      %parallel_loop3A_473 = vector.shape_cast %parallel_loop3A_472 : vector<16x1xi32> to vector<16xi32>
      %parallel_loop3A_474 = tpu.dynamic_gather %get3A_7[%parallel_loop3A_473] in [0] : vector<16xf32>, vector<16xi32> -> vector<16xf32>
      %parallel_loop3A_475 = arith.mulf %parallel_loop3A_451, %parallel_loop3A_474 : vector<16xf32>
      %parallel_loop3A_476 = arith.subf %parallel_loop3A_471, %parallel_loop3A_475 : vector<16xf32>
      %parallel_loop3A_477 = arith.addf %parallel_loop3A_476, %parallel_loop3A_476 : vector<16xf32>
      %parallel_loop3A_478 = math.exp %parallel_loop3A_477 : vector<16xf32>
      %parallel_loop3A_479 = arith.constant 1.000000e+00 : f32
      %parallel_loop3A_480 = vector.broadcast %parallel_loop3A_479 : f32 to vector<16xf32>
      %parallel_loop3A_481 = arith.addf %parallel_loop3A_480, %parallel_loop3A_478 : vector<16xf32>
      %parallel_loop3A_482 = arith.constant 2.000000e+00 : f32
      %parallel_loop3A_483 = vector.broadcast %parallel_loop3A_482 : f32 to vector<16xf32>
      %parallel_loop3A_484 = arith.divf %parallel_loop3A_483, %parallel_loop3A_481 : vector<16xf32>
      %parallel_loop3A_485 = arith.constant 8.000000e+00 : f32
      %parallel_loop3A_486 = vector.broadcast %parallel_loop3A_485 : f32 to vector<16xf32>
      %parallel_loop3A_487 = arith.mulf %parallel_loop3A_486, %parallel_loop3A_484 : vector<16xf32>
      %parallel_loop3A_488 = arith.constant 1.600000e+01 : f32
      %parallel_loop3A_489 = vector.broadcast %parallel_loop3A_488 : f32 to vector<16xf32>
      %parallel_loop3A_490 = arith.subf %parallel_loop3A_489, %parallel_loop3A_487 : vector<16xf32>
      %parallel_loop3A_491 = arith.constant 0x4B000000 : f32
      %parallel_loop3A_492 = vector.broadcast %parallel_loop3A_491 : f32 to vector<16xf32>
      %parallel_loop3A_493 = arith.addf %parallel_loop3A_490, %parallel_loop3A_492 : vector<16xf32>
      %parallel_loop3A_494 = arith.constant 0x4B000000 : f32
      %parallel_loop3A_495 = vector.broadcast %parallel_loop3A_494 : f32 to vector<16xf32>
      %parallel_loop3A_496 = arith.subf %parallel_loop3A_493, %parallel_loop3A_495 : vector<16xf32>
      %parallel_loop3A_497 = arith.constant 1.500000e+01 : f32
      %parallel_loop3A_498 = vector.broadcast %parallel_loop3A_497 : f32 to vector<16xf32>
      %parallel_loop3A_499 = arith.minimumf %parallel_loop3A_496, %parallel_loop3A_498 : vector<16xf32>
      %parallel_loop3A_500 = arith.fptosi %parallel_loop3A_499 : vector<16xf32> to vector<16xi32>
      %parallel_loop3A_501 = vector.shape_cast %parallel_loop3A_500 : vector<16xi32> to vector<16x1xi32>
      %parallel_loop3A_502 = vector.shape_cast %parallel_loop3A_501 : vector<16x1xi32> to vector<16xi32>
      %parallel_loop3A_503 = tpu.dynamic_gather %get3A_4[%parallel_loop3A_502] in [0] : vector<16xf32>, vector<16xi32> -> vector<16xf32>
      %parallel_loop3A_504 = arith.addf %parallel_loop3A_476, %parallel_loop3A_503 : vector<16xf32>
      %parallel_loop3A_505 = vector.shape_cast %parallel_loop3A_500 : vector<16xi32> to vector<16x1xi32>
      %parallel_loop3A_506 = vector.shape_cast %parallel_loop3A_505 : vector<16x1xi32> to vector<16xi32>
      %parallel_loop3A_507 = tpu.dynamic_gather %get3A_7[%parallel_loop3A_506] in [0] : vector<16xf32>, vector<16xi32> -> vector<16xf32>
      %parallel_loop3A_508 = arith.mulf %parallel_loop3A_484, %parallel_loop3A_507 : vector<16xf32>
      %parallel_loop3A_509 = arith.subf %parallel_loop3A_504, %parallel_loop3A_508 : vector<16xf32>
      %parallel_loop3A_510 = arith.addf %parallel_loop3A_509, %parallel_loop3A_509 : vector<16xf32>
      %parallel_loop3A_511 = math.exp %parallel_loop3A_510 : vector<16xf32>
      %parallel_loop3A_512 = arith.constant 1.000000e+00 : f32
      %parallel_loop3A_513 = vector.broadcast %parallel_loop3A_512 : f32 to vector<16xf32>
      %parallel_loop3A_514 = arith.addf %parallel_loop3A_513, %parallel_loop3A_511 : vector<16xf32>
      %parallel_loop3A_515 = arith.constant 2.000000e+00 : f32
      %parallel_loop3A_516 = vector.broadcast %parallel_loop3A_515 : f32 to vector<16xf32>
      %parallel_loop3A_517 = arith.divf %parallel_loop3A_516, %parallel_loop3A_514 : vector<16xf32>
      %parallel_loop3A_518 = arith.constant 8.000000e+00 : f32
      %parallel_loop3A_519 = vector.broadcast %parallel_loop3A_518 : f32 to vector<16xf32>
      %parallel_loop3A_520 = arith.mulf %parallel_loop3A_519, %parallel_loop3A_517 : vector<16xf32>
      %parallel_loop3A_521 = arith.constant 1.600000e+01 : f32
      %parallel_loop3A_522 = vector.broadcast %parallel_loop3A_521 : f32 to vector<16xf32>
      %parallel_loop3A_523 = arith.subf %parallel_loop3A_522, %parallel_loop3A_520 : vector<16xf32>
      %parallel_loop3A_524 = arith.constant 0x4B000000 : f32
      %parallel_loop3A_525 = vector.broadcast %parallel_loop3A_524 : f32 to vector<16xf32>
      %parallel_loop3A_526 = arith.addf %parallel_loop3A_523, %parallel_loop3A_525 : vector<16xf32>
      %parallel_loop3A_527 = arith.constant 0x4B000000 : f32
      %parallel_loop3A_528 = vector.broadcast %parallel_loop3A_527 : f32 to vector<16xf32>
      %parallel_loop3A_529 = arith.subf %parallel_loop3A_526, %parallel_loop3A_528 : vector<16xf32>
      %parallel_loop3A_530 = arith.constant 1.500000e+01 : f32
      %parallel_loop3A_531 = vector.broadcast %parallel_loop3A_530 : f32 to vector<16xf32>
      %parallel_loop3A_532 = arith.minimumf %parallel_loop3A_529, %parallel_loop3A_531 : vector<16xf32>
      %parallel_loop3A_533 = arith.fptosi %parallel_loop3A_532 : vector<16xf32> to vector<16xi32>
      %parallel_loop3A_534 = vector.shape_cast %parallel_loop3A_533 : vector<16xi32> to vector<16x1xi32>
      %parallel_loop3A_535 = vector.shape_cast %parallel_loop3A_534 : vector<16x1xi32> to vector<16xi32>
      %parallel_loop3A_536 = tpu.dynamic_gather %get3A_4[%parallel_loop3A_535] in [0] : vector<16xf32>, vector<16xi32> -> vector<16xf32>
      %parallel_loop3A_537 = arith.addf %parallel_loop3A_509, %parallel_loop3A_536 : vector<16xf32>
      %parallel_loop3A_538 = vector.shape_cast %parallel_loop3A_533 : vector<16xi32> to vector<16x1xi32>
      %parallel_loop3A_539 = vector.shape_cast %parallel_loop3A_538 : vector<16x1xi32> to vector<16xi32>
      %parallel_loop3A_540 = tpu.dynamic_gather %get3A_7[%parallel_loop3A_539] in [0] : vector<16xf32>, vector<16xi32> -> vector<16xf32>
      %parallel_loop3A_541 = arith.mulf %parallel_loop3A_517, %parallel_loop3A_540 : vector<16xf32>
      %parallel_loop3A_542 = arith.subf %parallel_loop3A_537, %parallel_loop3A_541 : vector<16xf32>
      %parallel_loop3A_543 = arith.addf %parallel_loop3A_438, %parallel_loop3A_542 : vector<16xf32>
      %parallel_loop3A_544 = arith.constant 5 : i32
      %parallel_loop3A_545 = arith.index_cast %parallel_loop3A_544 : i32 to index
      %parallel_loop3A_546 = arith.index_cast %parallel_loop3A_16 : i32 to index
      %parallel_loop3A_547 = tpu.vector_load %arg6[%parallel_loop3A_545, %parallel_loop3A_546] {strides = array<i32>} : memref<26x512xf32, #tpu.memory_space<vmem>>, vector<1x16xf32>,
      %parallel_loop3A_548 = vector.shape_cast %parallel_loop3A_547 : vector<1x16xf32> to vector<16xf32>
      %parallel_loop3A_549 = arith.addf %parallel_loop3A_548, %parallel_loop3A_548 : vector<16xf32>
      %parallel_loop3A_550 = math.exp %parallel_loop3A_549 : vector<16xf32>
      %parallel_loop3A_551 = arith.constant 1.000000e+00 : f32
      %parallel_loop3A_552 = vector.broadcast %parallel_loop3A_551 : f32 to vector<16xf32>
      %parallel_loop3A_553 = arith.addf %parallel_loop3A_552, %parallel_loop3A_550 : vector<16xf32>
      %parallel_loop3A_554 = arith.constant 2.000000e+00 : f32
      %parallel_loop3A_555 = vector.broadcast %parallel_loop3A_554 : f32 to vector<16xf32>
      %parallel_loop3A_556 = arith.divf %parallel_loop3A_555, %parallel_loop3A_553 : vector<16xf32>
      %parallel_loop3A_557 = arith.constant 8.000000e+00 : f32
      %parallel_loop3A_558 = vector.broadcast %parallel_loop3A_557 : f32 to vector<16xf32>
      %parallel_loop3A_559 = arith.mulf %parallel_loop3A_558, %parallel_loop3A_556 : vector<16xf32>
      %parallel_loop3A_560 = arith.constant 1.600000e+01 : f32
      %parallel_loop3A_561 = vector.broadcast %parallel_loop3A_560 : f32 to vector<16xf32>
      %parallel_loop3A_562 = arith.subf %parallel_loop3A_561, %parallel_loop3A_559 : vector<16xf32>
      %parallel_loop3A_563 = arith.constant 0x4B000000 : f32
      %parallel_loop3A_564 = vector.broadcast %parallel_loop3A_563 : f32 to vector<16xf32>
      %parallel_loop3A_565 = arith.addf %parallel_loop3A_562, %parallel_loop3A_564 : vector<16xf32>
      %parallel_loop3A_566 = arith.constant 0x4B000000 : f32
      %parallel_loop3A_567 = vector.broadcast %parallel_loop3A_566 : f32 to vector<16xf32>
      %parallel_loop3A_568 = arith.subf %parallel_loop3A_565, %parallel_loop3A_567 : vector<16xf32>
      %parallel_loop3A_569 = arith.constant 1.500000e+01 : f32
      %parallel_loop3A_570 = vector.broadcast %parallel_loop3A_569 : f32 to vector<16xf32>
      %parallel_loop3A_571 = arith.minimumf %parallel_loop3A_568, %parallel_loop3A_570 : vector<16xf32>
      %parallel_loop3A_572 = arith.fptosi %parallel_loop3A_571 : vector<16xf32> to vector<16xi32>
      %parallel_loop3A_573 = vector.shape_cast %parallel_loop3A_572 : vector<16xi32> to vector<16x1xi32>
      %parallel_loop3A_574 = vector.shape_cast %parallel_loop3A_573 : vector<16x1xi32> to vector<16xi32>
      %parallel_loop3A_575 = tpu.dynamic_gather %get3A_4[%parallel_loop3A_574] in [0] : vector<16xf32>, vector<16xi32> -> vector<16xf32>
      %parallel_loop3A_576 = arith.addf %parallel_loop3A_548, %parallel_loop3A_575 : vector<16xf32>
      %parallel_loop3A_577 = vector.shape_cast %parallel_loop3A_572 : vector<16xi32> to vector<16x1xi32>
      %parallel_loop3A_578 = vector.shape_cast %parallel_loop3A_577 : vector<16x1xi32> to vector<16xi32>
      %parallel_loop3A_579 = tpu.dynamic_gather %get3A_7[%parallel_loop3A_578] in [0] : vector<16xf32>, vector<16xi32> -> vector<16xf32>
      %parallel_loop3A_580 = arith.mulf %parallel_loop3A_556, %parallel_loop3A_579 : vector<16xf32>
      %parallel_loop3A_581 = arith.subf %parallel_loop3A_576, %parallel_loop3A_580 : vector<16xf32>
      %parallel_loop3A_582 = arith.addf %parallel_loop3A_581, %parallel_loop3A_581 : vector<16xf32>
      %parallel_loop3A_583 = math.exp %parallel_loop3A_582 : vector<16xf32>
      %parallel_loop3A_584 = arith.constant 1.000000e+00 : f32
      %parallel_loop3A_585 = vector.broadcast %parallel_loop3A_584 : f32 to vector<16xf32>
      %parallel_loop3A_586 = arith.addf %parallel_loop3A_585, %parallel_loop3A_583 : vector<16xf32>
      %parallel_loop3A_587 = arith.constant 2.000000e+00 : f32
      %parallel_loop3A_588 = vector.broadcast %parallel_loop3A_587 : f32 to vector<16xf32>
      %parallel_loop3A_589 = arith.divf %parallel_loop3A_588, %parallel_loop3A_586 : vector<16xf32>
      %parallel_loop3A_590 = arith.constant 8.000000e+00 : f32
      %parallel_loop3A_591 = vector.broadcast %parallel_loop3A_590 : f32 to vector<16xf32>
      %parallel_loop3A_592 = arith.mulf %parallel_loop3A_591, %parallel_loop3A_589 : vector<16xf32>
      %parallel_loop3A_593 = arith.constant 1.600000e+01 : f32
      %parallel_loop3A_594 = vector.broadcast %parallel_loop3A_593 : f32 to vector<16xf32>
      %parallel_loop3A_595 = arith.subf %parallel_loop3A_594, %parallel_loop3A_592 : vector<16xf32>
      %parallel_loop3A_596 = arith.constant 0x4B000000 : f32
      %parallel_loop3A_597 = vector.broadcast %parallel_loop3A_596 : f32 to vector<16xf32>
      %parallel_loop3A_598 = arith.addf %parallel_loop3A_595, %parallel_loop3A_597 : vector<16xf32>
      %parallel_loop3A_599 = arith.constant 0x4B000000 : f32
      %parallel_loop3A_600 = vector.broadcast %parallel_loop3A_599 : f32 to vector<16xf32>
      %parallel_loop3A_601 = arith.subf %parallel_loop3A_598, %parallel_loop3A_600 : vector<16xf32>
      %parallel_loop3A_602 = arith.constant 1.500000e+01 : f32
      %parallel_loop3A_603 = vector.broadcast %parallel_loop3A_602 : f32 to vector<16xf32>
      %parallel_loop3A_604 = arith.minimumf %parallel_loop3A_601, %parallel_loop3A_603 : vector<16xf32>
      %parallel_loop3A_605 = arith.fptosi %parallel_loop3A_604 : vector<16xf32> to vector<16xi32>
      %parallel_loop3A_606 = vector.shape_cast %parallel_loop3A_605 : vector<16xi32> to vector<16x1xi32>
      %parallel_loop3A_607 = vector.shape_cast %parallel_loop3A_606 : vector<16x1xi32> to vector<16xi32>
      %parallel_loop3A_608 = tpu.dynamic_gather %get3A_4[%parallel_loop3A_607] in [0] : vector<16xf32>, vector<16xi32> -> vector<16xf32>
      %parallel_loop3A_609 = arith.addf %parallel_loop3A_581, %parallel_loop3A_608 : vector<16xf32>
      %parallel_loop3A_610 = vector.shape_cast %parallel_loop3A_605 : vector<16xi32> to vector<16x1xi32>
      %parallel_loop3A_611 = vector.shape_cast %parallel_loop3A_610 : vector<16x1xi32> to vector<16xi32>
      %parallel_loop3A_612 = tpu.dynamic_gather %get3A_7[%parallel_loop3A_611] in [0] : vector<16xf32>, vector<16xi32> -> vector<16xf32>
      %parallel_loop3A_613 = arith.mulf %parallel_loop3A_589, %parallel_loop3A_612 : vector<16xf32>
      %parallel_loop3A_614 = arith.subf %parallel_loop3A_609, %parallel_loop3A_613 : vector<16xf32>
      %parallel_loop3A_615 = arith.addf %parallel_loop3A_614, %parallel_loop3A_614 : vector<16xf32>
      %parallel_loop3A_616 = math.exp %parallel_loop3A_615 : vector<16xf32>
      %parallel_loop3A_617 = arith.constant 1.000000e+00 : f32
      %parallel_loop3A_618 = vector.broadcast %parallel_loop3A_617 : f32 to vector<16xf32>
      %parallel_loop3A_619 = arith.addf %parallel_loop3A_618, %parallel_loop3A_616 : vector<16xf32>
      %parallel_loop3A_620 = arith.constant 2.000000e+00 : f32
      %parallel_loop3A_621 = vector.broadcast %parallel_loop3A_620 : f32 to vector<16xf32>
      %parallel_loop3A_622 = arith.divf %parallel_loop3A_621, %parallel_loop3A_619 : vector<16xf32>
      %parallel_loop3A_623 = arith.constant 8.000000e+00 : f32
      %parallel_loop3A_624 = vector.broadcast %parallel_loop3A_623 : f32 to vector<16xf32>
      %parallel_loop3A_625 = arith.mulf %parallel_loop3A_624, %parallel_loop3A_622 : vector<16xf32>
      %parallel_loop3A_626 = arith.constant 1.600000e+01 : f32
      %parallel_loop3A_627 = vector.broadcast %parallel_loop3A_626 : f32 to vector<16xf32>
      %parallel_loop3A_628 = arith.subf %parallel_loop3A_627, %parallel_loop3A_625 : vector<16xf32>
      %parallel_loop3A_629 = arith.constant 0x4B000000 : f32
      %parallel_loop3A_630 = vector.broadcast %parallel_loop3A_629 : f32 to vector<16xf32>
      %parallel_loop3A_631 = arith.addf %parallel_loop3A_628, %parallel_loop3A_630 : vector<16xf32>
      %parallel_loop3A_632 = arith.constant 0x4B000000 : f32
      %parallel_loop3A_633 = vector.broadcast %parallel_loop3A_632 : f32 to vector<16xf32>
      %parallel_loop3A_634 = arith.subf %parallel_loop3A_631, %parallel_loop3A_633 : vector<16xf32>
      %parallel_loop3A_635 = arith.constant 1.500000e+01 : f32
      %parallel_loop3A_636 = vector.broadcast %parallel_loop3A_635 : f32 to vector<16xf32>
      %parallel_loop3A_637 = arith.minimumf %parallel_loop3A_634, %parallel_loop3A_636 : vector<16xf32>
      %parallel_loop3A_638 = arith.fptosi %parallel_loop3A_637 : vector<16xf32> to vector<16xi32>
      %parallel_loop3A_639 = vector.shape_cast %parallel_loop3A_638 : vector<16xi32> to vector<16x1xi32>
      %parallel_loop3A_640 = vector.shape_cast %parallel_loop3A_639 : vector<16x1xi32> to vector<16xi32>
      %parallel_loop3A_641 = tpu.dynamic_gather %get3A_4[%parallel_loop3A_640] in [0] : vector<16xf32>, vector<16xi32> -> vector<16xf32>
      %parallel_loop3A_642 = arith.addf %parallel_loop3A_614, %parallel_loop3A_641 : vector<16xf32>
      %parallel_loop3A_643 = vector.shape_cast %parallel_loop3A_638 : vector<16xi32> to vector<16x1xi32>
      %parallel_loop3A_644 = vector.shape_cast %parallel_loop3A_643 : vector<16x1xi32> to vector<16xi32>
      %parallel_loop3A_645 = tpu.dynamic_gather %get3A_7[%parallel_loop3A_644] in [0] : vector<16xf32>, vector<16xi32> -> vector<16xf32>
      %parallel_loop3A_646 = arith.mulf %parallel_loop3A_622, %parallel_loop3A_645 : vector<16xf32>
      %parallel_loop3A_647 = arith.subf %parallel_loop3A_642, %parallel_loop3A_646 : vector<16xf32>
      %parallel_loop3A_648 = arith.addf %parallel_loop3A_543, %parallel_loop3A_647 : vector<16xf32>
      %parallel_loop3A_649 = arith.constant 6 : i32
      %parallel_loop3A_650 = arith.index_cast %parallel_loop3A_649 : i32 to index
      %parallel_loop3A_651 = arith.index_cast %parallel_loop3A_16 : i32 to index
      %parallel_loop3A_652 = tpu.vector_load %arg6[%parallel_loop3A_650, %parallel_loop3A_651] {strides = array<i32>} : memref<26x512xf32, #tpu.memory_space<vmem>>, vector<1x16xf32>,
      %parallel_loop3A_653 = vector.shape_cast %parallel_loop3A_652 : vector<1x16xf32> to vector<16xf32>
      %parallel_loop3A_654 = arith.addf %parallel_loop3A_653, %parallel_loop3A_653 : vector<16xf32>
      %parallel_loop3A_655 = math.exp %parallel_loop3A_654 : vector<16xf32>
      %parallel_loop3A_656 = arith.constant 1.000000e+00 : f32
      %parallel_loop3A_657 = vector.broadcast %parallel_loop3A_656 : f32 to vector<16xf32>
      %parallel_loop3A_658 = arith.addf %parallel_loop3A_657, %parallel_loop3A_655 : vector<16xf32>
      %parallel_loop3A_659 = arith.constant 2.000000e+00 : f32
      %parallel_loop3A_660 = vector.broadcast %parallel_loop3A_659 : f32 to vector<16xf32>
      %parallel_loop3A_661 = arith.divf %parallel_loop3A_660, %parallel_loop3A_658 : vector<16xf32>
      %parallel_loop3A_662 = arith.constant 8.000000e+00 : f32
      %parallel_loop3A_663 = vector.broadcast %parallel_loop3A_662 : f32 to vector<16xf32>
      %parallel_loop3A_664 = arith.mulf %parallel_loop3A_663, %parallel_loop3A_661 : vector<16xf32>
      %parallel_loop3A_665 = arith.constant 1.600000e+01 : f32
      %parallel_loop3A_666 = vector.broadcast %parallel_loop3A_665 : f32 to vector<16xf32>
      %parallel_loop3A_667 = arith.subf %parallel_loop3A_666, %parallel_loop3A_664 : vector<16xf32>
      %parallel_loop3A_668 = arith.constant 0x4B000000 : f32
      %parallel_loop3A_669 = vector.broadcast %parallel_loop3A_668 : f32 to vector<16xf32>
      %parallel_loop3A_670 = arith.addf %parallel_loop3A_667, %parallel_loop3A_669 : vector<16xf32>
      %parallel_loop3A_671 = arith.constant 0x4B000000 : f32
      %parallel_loop3A_672 = vector.broadcast %parallel_loop3A_671 : f32 to vector<16xf32>
      %parallel_loop3A_673 = arith.subf %parallel_loop3A_670, %parallel_loop3A_672 : vector<16xf32>
      %parallel_loop3A_674 = arith.constant 1.500000e+01 : f32
      %parallel_loop3A_675 = vector.broadcast %parallel_loop3A_674 : f32 to vector<16xf32>
      %parallel_loop3A_676 = arith.minimumf %parallel_loop3A_673, %parallel_loop3A_675 : vector<16xf32>
      %parallel_loop3A_677 = arith.fptosi %parallel_loop3A_676 : vector<16xf32> to vector<16xi32>
      %parallel_loop3A_678 = vector.shape_cast %parallel_loop3A_677 : vector<16xi32> to vector<16x1xi32>
      %parallel_loop3A_679 = vector.shape_cast %parallel_loop3A_678 : vector<16x1xi32> to vector<16xi32>
      %parallel_loop3A_680 = tpu.dynamic_gather %get3A_4[%parallel_loop3A_679] in [0] : vector<16xf32>, vector<16xi32> -> vector<16xf32>
      %parallel_loop3A_681 = arith.addf %parallel_loop3A_653, %parallel_loop3A_680 : vector<16xf32>
      %parallel_loop3A_682 = vector.shape_cast %parallel_loop3A_677 : vector<16xi32> to vector<16x1xi32>
      %parallel_loop3A_683 = vector.shape_cast %parallel_loop3A_682 : vector<16x1xi32> to vector<16xi32>
      %parallel_loop3A_684 = tpu.dynamic_gather %get3A_7[%parallel_loop3A_683] in [0] : vector<16xf32>, vector<16xi32> -> vector<16xf32>
      %parallel_loop3A_685 = arith.mulf %parallel_loop3A_661, %parallel_loop3A_684 : vector<16xf32>
      %parallel_loop3A_686 = arith.subf %parallel_loop3A_681, %parallel_loop3A_685 : vector<16xf32>
      %parallel_loop3A_687 = arith.addf %parallel_loop3A_686, %parallel_loop3A_686 : vector<16xf32>
      %parallel_loop3A_688 = math.exp %parallel_loop3A_687 : vector<16xf32>
      %parallel_loop3A_689 = arith.constant 1.000000e+00 : f32
      %parallel_loop3A_690 = vector.broadcast %parallel_loop3A_689 : f32 to vector<16xf32>
      %parallel_loop3A_691 = arith.addf %parallel_loop3A_690, %parallel_loop3A_688 : vector<16xf32>
      %parallel_loop3A_692 = arith.constant 2.000000e+00 : f32
      %parallel_loop3A_693 = vector.broadcast %parallel_loop3A_692 : f32 to vector<16xf32>
      %parallel_loop3A_694 = arith.divf %parallel_loop3A_693, %parallel_loop3A_691 : vector<16xf32>
      %parallel_loop3A_695 = arith.constant 8.000000e+00 : f32
      %parallel_loop3A_696 = vector.broadcast %parallel_loop3A_695 : f32 to vector<16xf32>
      %parallel_loop3A_697 = arith.mulf %parallel_loop3A_696, %parallel_loop3A_694 : vector<16xf32>
      %parallel_loop3A_698 = arith.constant 1.600000e+01 : f32
      %parallel_loop3A_699 = vector.broadcast %parallel_loop3A_698 : f32 to vector<16xf32>
      %parallel_loop3A_700 = arith.subf %parallel_loop3A_699, %parallel_loop3A_697 : vector<16xf32>
      %parallel_loop3A_701 = arith.constant 0x4B000000 : f32
      %parallel_loop3A_702 = vector.broadcast %parallel_loop3A_701 : f32 to vector<16xf32>
      %parallel_loop3A_703 = arith.addf %parallel_loop3A_700, %parallel_loop3A_702 : vector<16xf32>
      %parallel_loop3A_704 = arith.constant 0x4B000000 : f32
      %parallel_loop3A_705 = vector.broadcast %parallel_loop3A_704 : f32 to vector<16xf32>
      %parallel_loop3A_706 = arith.subf %parallel_loop3A_703, %parallel_loop3A_705 : vector<16xf32>
      %parallel_loop3A_707 = arith.constant 1.500000e+01 : f32
      %parallel_loop3A_708 = vector.broadcast %parallel_loop3A_707 : f32 to vector<16xf32>
      %parallel_loop3A_709 = arith.minimumf %parallel_loop3A_706, %parallel_loop3A_708 : vector<16xf32>
      %parallel_loop3A_710 = arith.fptosi %parallel_loop3A_709 : vector<16xf32> to vector<16xi32>
      %parallel_loop3A_711 = vector.shape_cast %parallel_loop3A_710 : vector<16xi32> to vector<16x1xi32>
      %parallel_loop3A_712 = vector.shape_cast %parallel_loop3A_711 : vector<16x1xi32> to vector<16xi32>
      %parallel_loop3A_713 = tpu.dynamic_gather %get3A_4[%parallel_loop3A_712] in [0] : vector<16xf32>, vector<16xi32> -> vector<16xf32>
      %parallel_loop3A_714 = arith.addf %parallel_loop3A_686, %parallel_loop3A_713 : vector<16xf32>
      %parallel_loop3A_715 = vector.shape_cast %parallel_loop3A_710 : vector<16xi32> to vector<16x1xi32>
      %parallel_loop3A_716 = vector.shape_cast %parallel_loop3A_715 : vector<16x1xi32> to vector<16xi32>
      %parallel_loop3A_717 = tpu.dynamic_gather %get3A_7[%parallel_loop3A_716] in [0] : vector<16xf32>, vector<16xi32> -> vector<16xf32>
      %parallel_loop3A_718 = arith.mulf %parallel_loop3A_694, %parallel_loop3A_717 : vector<16xf32>
      %parallel_loop3A_719 = arith.subf %parallel_loop3A_714, %parallel_loop3A_718 : vector<16xf32>
      %parallel_loop3A_720 = arith.addf %parallel_loop3A_719, %parallel_loop3A_719 : vector<16xf32>
      %parallel_loop3A_721 = math.exp %parallel_loop3A_720 : vector<16xf32>
      %parallel_loop3A_722 = arith.constant 1.000000e+00 : f32
      %parallel_loop3A_723 = vector.broadcast %parallel_loop3A_722 : f32 to vector<16xf32>
      %parallel_loop3A_724 = arith.addf %parallel_loop3A_723, %parallel_loop3A_721 : vector<16xf32>
      %parallel_loop3A_725 = arith.constant 2.000000e+00 : f32
      %parallel_loop3A_726 = vector.broadcast %parallel_loop3A_725 : f32 to vector<16xf32>
      %parallel_loop3A_727 = arith.divf %parallel_loop3A_726, %parallel_loop3A_724 : vector<16xf32>
      %parallel_loop3A_728 = arith.constant 8.000000e+00 : f32
      %parallel_loop3A_729 = vector.broadcast %parallel_loop3A_728 : f32 to vector<16xf32>
      %parallel_loop3A_730 = arith.mulf %parallel_loop3A_729, %parallel_loop3A_727 : vector<16xf32>
      %parallel_loop3A_731 = arith.constant 1.600000e+01 : f32
      %parallel_loop3A_732 = vector.broadcast %parallel_loop3A_731 : f32 to vector<16xf32>
      %parallel_loop3A_733 = arith.subf %parallel_loop3A_732, %parallel_loop3A_730 : vector<16xf32>
      %parallel_loop3A_734 = arith.constant 0x4B000000 : f32
      %parallel_loop3A_735 = vector.broadcast %parallel_loop3A_734 : f32 to vector<16xf32>
      %parallel_loop3A_736 = arith.addf %parallel_loop3A_733, %parallel_loop3A_735 : vector<16xf32>
      %parallel_loop3A_737 = arith.constant 0x4B000000 : f32
      %parallel_loop3A_738 = vector.broadcast %parallel_loop3A_737 : f32 to vector<16xf32>
      %parallel_loop3A_739 = arith.subf %parallel_loop3A_736, %parallel_loop3A_738 : vector<16xf32>
      %parallel_loop3A_740 = arith.constant 1.500000e+01 : f32
      %parallel_loop3A_741 = vector.broadcast %parallel_loop3A_740 : f32 to vector<16xf32>
      %parallel_loop3A_742 = arith.minimumf %parallel_loop3A_739, %parallel_loop3A_741 : vector<16xf32>
      %parallel_loop3A_743 = arith.fptosi %parallel_loop3A_742 : vector<16xf32> to vector<16xi32>
      %parallel_loop3A_744 = vector.shape_cast %parallel_loop3A_743 : vector<16xi32> to vector<16x1xi32>
      %parallel_loop3A_745 = vector.shape_cast %parallel_loop3A_744 : vector<16x1xi32> to vector<16xi32>
      %parallel_loop3A_746 = tpu.dynamic_gather %get3A_4[%parallel_loop3A_745] in [0] : vector<16xf32>, vector<16xi32> -> vector<16xf32>
      %parallel_loop3A_747 = arith.addf %parallel_loop3A_719, %parallel_loop3A_746 : vector<16xf32>
      %parallel_loop3A_748 = vector.shape_cast %parallel_loop3A_743 : vector<16xi32> to vector<16x1xi32>
      %parallel_loop3A_749 = vector.shape_cast %parallel_loop3A_748 : vector<16x1xi32> to vector<16xi32>
      %parallel_loop3A_750 = tpu.dynamic_gather %get3A_7[%parallel_loop3A_749] in [0] : vector<16xf32>, vector<16xi32> -> vector<16xf32>
      %parallel_loop3A_751 = arith.mulf %parallel_loop3A_727, %parallel_loop3A_750 : vector<16xf32>
      %parallel_loop3A_752 = arith.subf %parallel_loop3A_747, %parallel_loop3A_751 : vector<16xf32>
      %parallel_loop3A_753 = arith.addf %parallel_loop3A_648, %parallel_loop3A_752 : vector<16xf32>
      %parallel_loop3A_754 = arith.constant 7 : i32
      %parallel_loop3A_755 = arith.index_cast %parallel_loop3A_754 : i32 to index
      %parallel_loop3A_756 = arith.index_cast %parallel_loop3A_16 : i32 to index
      %parallel_loop3A_757 = tpu.vector_load %arg6[%parallel_loop3A_755, %parallel_loop3A_756] {strides = array<i32>} : memref<26x512xf32, #tpu.memory_space<vmem>>, vector<1x16xf32>,
      %parallel_loop3A_758 = vector.shape_cast %parallel_loop3A_757 : vector<1x16xf32> to vector<16xf32>
      %parallel_loop3A_759 = arith.addf %parallel_loop3A_758, %parallel_loop3A_758 : vector<16xf32>
      %parallel_loop3A_760 = math.exp %parallel_loop3A_759 : vector<16xf32>
      %parallel_loop3A_761 = arith.constant 1.000000e+00 : f32
      %parallel_loop3A_762 = vector.broadcast %parallel_loop3A_761 : f32 to vector<16xf32>
      %parallel_loop3A_763 = arith.addf %parallel_loop3A_762, %parallel_loop3A_760 : vector<16xf32>
      %parallel_loop3A_764 = arith.constant 2.000000e+00 : f32
      %parallel_loop3A_765 = vector.broadcast %parallel_loop3A_764 : f32 to vector<16xf32>
      %parallel_loop3A_766 = arith.divf %parallel_loop3A_765, %parallel_loop3A_763 : vector<16xf32>
      %parallel_loop3A_767 = arith.constant 8.000000e+00 : f32
      %parallel_loop3A_768 = vector.broadcast %parallel_loop3A_767 : f32 to vector<16xf32>
      %parallel_loop3A_769 = arith.mulf %parallel_loop3A_768, %parallel_loop3A_766 : vector<16xf32>
      %parallel_loop3A_770 = arith.constant 1.600000e+01 : f32
      %parallel_loop3A_771 = vector.broadcast %parallel_loop3A_770 : f32 to vector<16xf32>
      %parallel_loop3A_772 = arith.subf %parallel_loop3A_771, %parallel_loop3A_769 : vector<16xf32>
      %parallel_loop3A_773 = arith.constant 0x4B000000 : f32
      %parallel_loop3A_774 = vector.broadcast %parallel_loop3A_773 : f32 to vector<16xf32>
      %parallel_loop3A_775 = arith.addf %parallel_loop3A_772, %parallel_loop3A_774 : vector<16xf32>
      %parallel_loop3A_776 = arith.constant 0x4B000000 : f32
      %parallel_loop3A_777 = vector.broadcast %parallel_loop3A_776 : f32 to vector<16xf32>
      %parallel_loop3A_778 = arith.subf %parallel_loop3A_775, %parallel_loop3A_777 : vector<16xf32>
      %parallel_loop3A_779 = arith.constant 1.500000e+01 : f32
      %parallel_loop3A_780 = vector.broadcast %parallel_loop3A_779 : f32 to vector<16xf32>
      %parallel_loop3A_781 = arith.minimumf %parallel_loop3A_778, %parallel_loop3A_780 : vector<16xf32>
      %parallel_loop3A_782 = arith.fptosi %parallel_loop3A_781 : vector<16xf32> to vector<16xi32>
      %parallel_loop3A_783 = vector.shape_cast %parallel_loop3A_782 : vector<16xi32> to vector<16x1xi32>
      %parallel_loop3A_784 = vector.shape_cast %parallel_loop3A_783 : vector<16x1xi32> to vector<16xi32>
      %parallel_loop3A_785 = tpu.dynamic_gather %get3A_4[%parallel_loop3A_784] in [0] : vector<16xf32>, vector<16xi32> -> vector<16xf32>
      %parallel_loop3A_786 = arith.addf %parallel_loop3A_758, %parallel_loop3A_785 : vector<16xf32>
      %parallel_loop3A_787 = vector.shape_cast %parallel_loop3A_782 : vector<16xi32> to vector<16x1xi32>
      %parallel_loop3A_788 = vector.shape_cast %parallel_loop3A_787 : vector<16x1xi32> to vector<16xi32>
      %parallel_loop3A_789 = tpu.dynamic_gather %get3A_7[%parallel_loop3A_788] in [0] : vector<16xf32>, vector<16xi32> -> vector<16xf32>
      %parallel_loop3A_790 = arith.mulf %parallel_loop3A_766, %parallel_loop3A_789 : vector<16xf32>
      %parallel_loop3A_791 = arith.subf %parallel_loop3A_786, %parallel_loop3A_790 : vector<16xf32>
      %parallel_loop3A_792 = arith.addf %parallel_loop3A_791, %parallel_loop3A_791 : vector<16xf32>
      %parallel_loop3A_793 = math.exp %parallel_loop3A_792 : vector<16xf32>
      %parallel_loop3A_794 = arith.constant 1.000000e+00 : f32
      %parallel_loop3A_795 = vector.broadcast %parallel_loop3A_794 : f32 to vector<16xf32>
      %parallel_loop3A_796 = arith.addf %parallel_loop3A_795, %parallel_loop3A_793 : vector<16xf32>
      %parallel_loop3A_797 = arith.constant 2.000000e+00 : f32
      %parallel_loop3A_798 = vector.broadcast %parallel_loop3A_797 : f32 to vector<16xf32>
      %parallel_loop3A_799 = arith.divf %parallel_loop3A_798, %parallel_loop3A_796 : vector<16xf32>
      %parallel_loop3A_800 = arith.constant 8.000000e+00 : f32
      %parallel_loop3A_801 = vector.broadcast %parallel_loop3A_800 : f32 to vector<16xf32>
      %parallel_loop3A_802 = arith.mulf %parallel_loop3A_801, %parallel_loop3A_799 : vector<16xf32>
      %parallel_loop3A_803 = arith.constant 1.600000e+01 : f32
      %parallel_loop3A_804 = vector.broadcast %parallel_loop3A_803 : f32 to vector<16xf32>
      %parallel_loop3A_805 = arith.subf %parallel_loop3A_804, %parallel_loop3A_802 : vector<16xf32>
      %parallel_loop3A_806 = arith.constant 0x4B000000 : f32
      %parallel_loop3A_807 = vector.broadcast %parallel_loop3A_806 : f32 to vector<16xf32>
      %parallel_loop3A_808 = arith.addf %parallel_loop3A_805, %parallel_loop3A_807 : vector<16xf32>
      %parallel_loop3A_809 = arith.constant 0x4B000000 : f32
      %parallel_loop3A_810 = vector.broadcast %parallel_loop3A_809 : f32 to vector<16xf32>
      %parallel_loop3A_811 = arith.subf %parallel_loop3A_808, %parallel_loop3A_810 : vector<16xf32>
      %parallel_loop3A_812 = arith.constant 1.500000e+01 : f32
      %parallel_loop3A_813 = vector.broadcast %parallel_loop3A_812 : f32 to vector<16xf32>
      %parallel_loop3A_814 = arith.minimumf %parallel_loop3A_811, %parallel_loop3A_813 : vector<16xf32>
      %parallel_loop3A_815 = arith.fptosi %parallel_loop3A_814 : vector<16xf32> to vector<16xi32>
      %parallel_loop3A_816 = vector.shape_cast %parallel_loop3A_815 : vector<16xi32> to vector<16x1xi32>
      %parallel_loop3A_817 = vector.shape_cast %parallel_loop3A_816 : vector<16x1xi32> to vector<16xi32>
      %parallel_loop3A_818 = tpu.dynamic_gather %get3A_4[%parallel_loop3A_817] in [0] : vector<16xf32>, vector<16xi32> -> vector<16xf32>
      %parallel_loop3A_819 = arith.addf %parallel_loop3A_791, %parallel_loop3A_818 : vector<16xf32>
      %parallel_loop3A_820 = vector.shape_cast %parallel_loop3A_815 : vector<16xi32> to vector<16x1xi32>
      %parallel_loop3A_821 = vector.shape_cast %parallel_loop3A_820 : vector<16x1xi32> to vector<16xi32>
      %parallel_loop3A_822 = tpu.dynamic_gather %get3A_7[%parallel_loop3A_821] in [0] : vector<16xf32>, vector<16xi32> -> vector<16xf32>
      %parallel_loop3A_823 = arith.mulf %parallel_loop3A_799, %parallel_loop3A_822 : vector<16xf32>
      %parallel_loop3A_824 = arith.subf %parallel_loop3A_819, %parallel_loop3A_823 : vector<16xf32>
      %parallel_loop3A_825 = arith.addf %parallel_loop3A_824, %parallel_loop3A_824 : vector<16xf32>
      %parallel_loop3A_826 = math.exp %parallel_loop3A_825 : vector<16xf32>
      %parallel_loop3A_827 = arith.constant 1.000000e+00 : f32
      %parallel_loop3A_828 = vector.broadcast %parallel_loop3A_827 : f32 to vector<16xf32>
      %parallel_loop3A_829 = arith.addf %parallel_loop3A_828, %parallel_loop3A_826 : vector<16xf32>
      %parallel_loop3A_830 = arith.constant 2.000000e+00 : f32
      %parallel_loop3A_831 = vector.broadcast %parallel_loop3A_830 : f32 to vector<16xf32>
      %parallel_loop3A_832 = arith.divf %parallel_loop3A_831, %parallel_loop3A_829 : vector<16xf32>
      %parallel_loop3A_833 = arith.constant 8.000000e+00 : f32
      %parallel_loop3A_834 = vector.broadcast %parallel_loop3A_833 : f32 to vector<16xf32>
      %parallel_loop3A_835 = arith.mulf %parallel_loop3A_834, %parallel_loop3A_832 : vector<16xf32>
      %parallel_loop3A_836 = arith.constant 1.600000e+01 : f32
      %parallel_loop3A_837 = vector.broadcast %parallel_loop3A_836 : f32 to vector<16xf32>
      %parallel_loop3A_838 = arith.subf %parallel_loop3A_837, %parallel_loop3A_835 : vector<16xf32>
      %parallel_loop3A_839 = arith.constant 0x4B000000 : f32
      %parallel_loop3A_840 = vector.broadcast %parallel_loop3A_839 : f32 to vector<16xf32>
      %parallel_loop3A_841 = arith.addf %parallel_loop3A_838, %parallel_loop3A_840 : vector<16xf32>
      %parallel_loop3A_842 = arith.constant 0x4B000000 : f32
      %parallel_loop3A_843 = vector.broadcast %parallel_loop3A_842 : f32 to vector<16xf32>
      %parallel_loop3A_844 = arith.subf %parallel_loop3A_841, %parallel_loop3A_843 : vector<16xf32>
      %parallel_loop3A_845 = arith.constant 1.500000e+01 : f32
      %parallel_loop3A_846 = vector.broadcast %parallel_loop3A_845 : f32 to vector<16xf32>
      %parallel_loop3A_847 = arith.minimumf %parallel_loop3A_844, %parallel_loop3A_846 : vector<16xf32>
      %parallel_loop3A_848 = arith.fptosi %parallel_loop3A_847 : vector<16xf32> to vector<16xi32>
      %parallel_loop3A_849 = vector.shape_cast %parallel_loop3A_848 : vector<16xi32> to vector<16x1xi32>
      %parallel_loop3A_850 = vector.shape_cast %parallel_loop3A_849 : vector<16x1xi32> to vector<16xi32>
      %parallel_loop3A_851 = tpu.dynamic_gather %get3A_4[%parallel_loop3A_850] in [0] : vector<16xf32>, vector<16xi32> -> vector<16xf32>
      %parallel_loop3A_852 = arith.addf %parallel_loop3A_824, %parallel_loop3A_851 : vector<16xf32>
      %parallel_loop3A_853 = vector.shape_cast %parallel_loop3A_848 : vector<16xi32> to vector<16x1xi32>
      %parallel_loop3A_854 = vector.shape_cast %parallel_loop3A_853 : vector<16x1xi32> to vector<16xi32>
      %parallel_loop3A_855 = tpu.dynamic_gather %get3A_7[%parallel_loop3A_854] in [0] : vector<16xf32>, vector<16xi32> -> vector<16xf32>
      %parallel_loop3A_856 = arith.mulf %parallel_loop3A_832, %parallel_loop3A_855 : vector<16xf32>
      %parallel_loop3A_857 = arith.subf %parallel_loop3A_852, %parallel_loop3A_856 : vector<16xf32>
      %parallel_loop3A_858 = arith.addf %parallel_loop3A_753, %parallel_loop3A_857 : vector<16xf32>
      %parallel_loop3A_859 = arith.constant 8 : i32
      %parallel_loop3A_860 = arith.index_cast %parallel_loop3A_859 : i32 to index
      %parallel_loop3A_861 = arith.index_cast %parallel_loop3A_16 : i32 to index
      %parallel_loop3A_862 = tpu.vector_load %arg6[%parallel_loop3A_860, %parallel_loop3A_861] {strides = array<i32>} : memref<26x512xf32, #tpu.memory_space<vmem>>, vector<1x16xf32>,
      %parallel_loop3A_863 = vector.shape_cast %parallel_loop3A_862 : vector<1x16xf32> to vector<16xf32>
      %parallel_loop3A_864 = arith.addf %parallel_loop3A_863, %parallel_loop3A_863 : vector<16xf32>
      %parallel_loop3A_865 = math.exp %parallel_loop3A_864 : vector<16xf32>
      %parallel_loop3A_866 = arith.constant 1.000000e+00 : f32
      %parallel_loop3A_867 = vector.broadcast %parallel_loop3A_866 : f32 to vector<16xf32>
      %parallel_loop3A_868 = arith.addf %parallel_loop3A_867, %parallel_loop3A_865 : vector<16xf32>
      %parallel_loop3A_869 = arith.constant 2.000000e+00 : f32
      %parallel_loop3A_870 = vector.broadcast %parallel_loop3A_869 : f32 to vector<16xf32>
      %parallel_loop3A_871 = arith.divf %parallel_loop3A_870, %parallel_loop3A_868 : vector<16xf32>
      %parallel_loop3A_872 = arith.constant 8.000000e+00 : f32
      %parallel_loop3A_873 = vector.broadcast %parallel_loop3A_872 : f32 to vector<16xf32>
      %parallel_loop3A_874 = arith.mulf %parallel_loop3A_873, %parallel_loop3A_871 : vector<16xf32>
      %parallel_loop3A_875 = arith.constant 1.600000e+01 : f32
      %parallel_loop3A_876 = vector.broadcast %parallel_loop3A_875 : f32 to vector<16xf32>
      %parallel_loop3A_877 = arith.subf %parallel_loop3A_876, %parallel_loop3A_874 : vector<16xf32>
      %parallel_loop3A_878 = arith.constant 0x4B000000 : f32
      %parallel_loop3A_879 = vector.broadcast %parallel_loop3A_878 : f32 to vector<16xf32>
      %parallel_loop3A_880 = arith.addf %parallel_loop3A_877, %parallel_loop3A_879 : vector<16xf32>
      %parallel_loop3A_881 = arith.constant 0x4B000000 : f32
      %parallel_loop3A_882 = vector.broadcast %parallel_loop3A_881 : f32 to vector<16xf32>
      %parallel_loop3A_883 = arith.subf %parallel_loop3A_880, %parallel_loop3A_882 : vector<16xf32>
      %parallel_loop3A_884 = arith.constant 1.500000e+01 : f32
      %parallel_loop3A_885 = vector.broadcast %parallel_loop3A_884 : f32 to vector<16xf32>
      %parallel_loop3A_886 = arith.minimumf %parallel_loop3A_883, %parallel_loop3A_885 : vector<16xf32>
      %parallel_loop3A_887 = arith.fptosi %parallel_loop3A_886 : vector<16xf32> to vector<16xi32>
      %parallel_loop3A_888 = vector.shape_cast %parallel_loop3A_887 : vector<16xi32> to vector<16x1xi32>
      %parallel_loop3A_889 = vector.shape_cast %parallel_loop3A_888 : vector<16x1xi32> to vector<16xi32>
      %parallel_loop3A_890 = tpu.dynamic_gather %get3A_4[%parallel_loop3A_889] in [0] : vector<16xf32>, vector<16xi32> -> vector<16xf32>
      %parallel_loop3A_891 = arith.addf %parallel_loop3A_863, %parallel_loop3A_890 : vector<16xf32>
      %parallel_loop3A_892 = vector.shape_cast %parallel_loop3A_887 : vector<16xi32> to vector<16x1xi32>
      %parallel_loop3A_893 = vector.shape_cast %parallel_loop3A_892 : vector<16x1xi32> to vector<16xi32>
      %parallel_loop3A_894 = tpu.dynamic_gather %get3A_7[%parallel_loop3A_893] in [0] : vector<16xf32>, vector<16xi32> -> vector<16xf32>
      %parallel_loop3A_895 = arith.mulf %parallel_loop3A_871, %parallel_loop3A_894 : vector<16xf32>
      %parallel_loop3A_896 = arith.subf %parallel_loop3A_891, %parallel_loop3A_895 : vector<16xf32>
      %parallel_loop3A_897 = arith.addf %parallel_loop3A_896, %parallel_loop3A_896 : vector<16xf32>
      %parallel_loop3A_898 = math.exp %parallel_loop3A_897 : vector<16xf32>
      %parallel_loop3A_899 = arith.constant 1.000000e+00 : f32
      %parallel_loop3A_900 = vector.broadcast %parallel_loop3A_899 : f32 to vector<16xf32>
      %parallel_loop3A_901 = arith.addf %parallel_loop3A_900, %parallel_loop3A_898 : vector<16xf32>
      %parallel_loop3A_902 = arith.constant 2.000000e+00 : f32
      %parallel_loop3A_903 = vector.broadcast %parallel_loop3A_902 : f32 to vector<16xf32>
      %parallel_loop3A_904 = arith.divf %parallel_loop3A_903, %parallel_loop3A_901 : vector<16xf32>
      %parallel_loop3A_905 = arith.constant 8.000000e+00 : f32
      %parallel_loop3A_906 = vector.broadcast %parallel_loop3A_905 : f32 to vector<16xf32>
      %parallel_loop3A_907 = arith.mulf %parallel_loop3A_906, %parallel_loop3A_904 : vector<16xf32>
      %parallel_loop3A_908 = arith.constant 1.600000e+01 : f32
      %parallel_loop3A_909 = vector.broadcast %parallel_loop3A_908 : f32 to vector<16xf32>
      %parallel_loop3A_910 = arith.subf %parallel_loop3A_909, %parallel_loop3A_907 : vector<16xf32>
      %parallel_loop3A_911 = arith.constant 0x4B000000 : f32
      %parallel_loop3A_912 = vector.broadcast %parallel_loop3A_911 : f32 to vector<16xf32>
      %parallel_loop3A_913 = arith.addf %parallel_loop3A_910, %parallel_loop3A_912 : vector<16xf32>
      %parallel_loop3A_914 = arith.constant 0x4B000000 : f32
      %parallel_loop3A_915 = vector.broadcast %parallel_loop3A_914 : f32 to vector<16xf32>
      %parallel_loop3A_916 = arith.subf %parallel_loop3A_913, %parallel_loop3A_915 : vector<16xf32>
      %parallel_loop3A_917 = arith.constant 1.500000e+01 : f32
      %parallel_loop3A_918 = vector.broadcast %parallel_loop3A_917 : f32 to vector<16xf32>
      %parallel_loop3A_919 = arith.minimumf %parallel_loop3A_916, %parallel_loop3A_918 : vector<16xf32>
      %parallel_loop3A_920 = arith.fptosi %parallel_loop3A_919 : vector<16xf32> to vector<16xi32>
      %parallel_loop3A_921 = vector.shape_cast %parallel_loop3A_920 : vector<16xi32> to vector<16x1xi32>
      %parallel_loop3A_922 = vector.shape_cast %parallel_loop3A_921 : vector<16x1xi32> to vector<16xi32>
      %parallel_loop3A_923 = tpu.dynamic_gather %get3A_4[%parallel_loop3A_922] in [0] : vector<16xf32>, vector<16xi32> -> vector<16xf32>
      %parallel_loop3A_924 = arith.addf %parallel_loop3A_896, %parallel_loop3A_923 : vector<16xf32>
      %parallel_loop3A_925 = vector.shape_cast %parallel_loop3A_920 : vector<16xi32> to vector<16x1xi32>
      %parallel_loop3A_926 = vector.shape_cast %parallel_loop3A_925 : vector<16x1xi32> to vector<16xi32>
      %parallel_loop3A_927 = tpu.dynamic_gather %get3A_7[%parallel_loop3A_926] in [0] : vector<16xf32>, vector<16xi32> -> vector<16xf32>
      %parallel_loop3A_928 = arith.mulf %parallel_loop3A_904, %parallel_loop3A_927 : vector<16xf32>
      %parallel_loop3A_929 = arith.subf %parallel_loop3A_924, %parallel_loop3A_928 : vector<16xf32>
      %parallel_loop3A_930 = arith.addf %parallel_loop3A_929, %parallel_loop3A_929 : vector<16xf32>
      %parallel_loop3A_931 = math.exp %parallel_loop3A_930 : vector<16xf32>
      %parallel_loop3A_932 = arith.constant 1.000000e+00 : f32
      %parallel_loop3A_933 = vector.broadcast %parallel_loop3A_932 : f32 to vector<16xf32>
      %parallel_loop3A_934 = arith.addf %parallel_loop3A_933, %parallel_loop3A_931 : vector<16xf32>
      %parallel_loop3A_935 = arith.constant 2.000000e+00 : f32
      %parallel_loop3A_936 = vector.broadcast %parallel_loop3A_935 : f32 to vector<16xf32>
      %parallel_loop3A_937 = arith.divf %parallel_loop3A_936, %parallel_loop3A_934 : vector<16xf32>
      %parallel_loop3A_938 = arith.constant 8.000000e+00 : f32
      %parallel_loop3A_939 = vector.broadcast %parallel_loop3A_938 : f32 to vector<16xf32>
      %parallel_loop3A_940 = arith.mulf %parallel_loop3A_939, %parallel_loop3A_937 : vector<16xf32>
      %parallel_loop3A_941 = arith.constant 1.600000e+01 : f32
      %parallel_loop3A_942 = vector.broadcast %parallel_loop3A_941 : f32 to vector<16xf32>
      %parallel_loop3A_943 = arith.subf %parallel_loop3A_942, %parallel_loop3A_940 : vector<16xf32>
      %parallel_loop3A_944 = arith.constant 0x4B000000 : f32
      %parallel_loop3A_945 = vector.broadcast %parallel_loop3A_944 : f32 to vector<16xf32>
      %parallel_loop3A_946 = arith.addf %parallel_loop3A_943, %parallel_loop3A_945 : vector<16xf32>
      %parallel_loop3A_947 = arith.constant 0x4B000000 : f32
      %parallel_loop3A_948 = vector.broadcast %parallel_loop3A_947 : f32 to vector<16xf32>
      %parallel_loop3A_949 = arith.subf %parallel_loop3A_946, %parallel_loop3A_948 : vector<16xf32>
      %parallel_loop3A_950 = arith.constant 1.500000e+01 : f32
      %parallel_loop3A_951 = vector.broadcast %parallel_loop3A_950 : f32 to vector<16xf32>
      %parallel_loop3A_952 = arith.minimumf %parallel_loop3A_949, %parallel_loop3A_951 : vector<16xf32>
      %parallel_loop3A_953 = arith.fptosi %parallel_loop3A_952 : vector<16xf32> to vector<16xi32>
      %parallel_loop3A_954 = vector.shape_cast %parallel_loop3A_953 : vector<16xi32> to vector<16x1xi32>
      %parallel_loop3A_955 = vector.shape_cast %parallel_loop3A_954 : vector<16x1xi32> to vector<16xi32>
      %parallel_loop3A_956 = tpu.dynamic_gather %get3A_4[%parallel_loop3A_955] in [0] : vector<16xf32>, vector<16xi32> -> vector<16xf32>
      %parallel_loop3A_957 = arith.addf %parallel_loop3A_929, %parallel_loop3A_956 : vector<16xf32>
      %parallel_loop3A_958 = vector.shape_cast %parallel_loop3A_953 : vector<16xi32> to vector<16x1xi32>
      %parallel_loop3A_959 = vector.shape_cast %parallel_loop3A_958 : vector<16x1xi32> to vector<16xi32>
      %parallel_loop3A_960 = tpu.dynamic_gather %get3A_7[%parallel_loop3A_959] in [0] : vector<16xf32>, vector<16xi32> -> vector<16xf32>
      %parallel_loop3A_961 = arith.mulf %parallel_loop3A_937, %parallel_loop3A_960 : vector<16xf32>
      %parallel_loop3A_962 = arith.subf %parallel_loop3A_957, %parallel_loop3A_961 : vector<16xf32>
      %parallel_loop3A_963 = arith.addf %parallel_loop3A_858, %parallel_loop3A_962 : vector<16xf32>
      %parallel_loop3A_964 = arith.constant 9 : i32
      %parallel_loop3A_965 = arith.index_cast %parallel_loop3A_964 : i32 to index
      %parallel_loop3A_966 = arith.index_cast %parallel_loop3A_16 : i32 to index
      %parallel_loop3A_967 = tpu.vector_load %arg6[%parallel_loop3A_965, %parallel_loop3A_966] {strides = array<i32>} : memref<26x512xf32, #tpu.memory_space<vmem>>, vector<1x16xf32>,
      %parallel_loop3A_968 = vector.shape_cast %parallel_loop3A_967 : vector<1x16xf32> to vector<16xf32>
      %parallel_loop3A_969 = arith.addf %parallel_loop3A_968, %parallel_loop3A_968 : vector<16xf32>
      %parallel_loop3A_970 = math.exp %parallel_loop3A_969 : vector<16xf32>
      %parallel_loop3A_971 = arith.constant 1.000000e+00 : f32
      %parallel_loop3A_972 = vector.broadcast %parallel_loop3A_971 : f32 to vector<16xf32>
      %parallel_loop3A_973 = arith.addf %parallel_loop3A_972, %parallel_loop3A_970 : vector<16xf32>
      %parallel_loop3A_974 = arith.constant 2.000000e+00 : f32
      %parallel_loop3A_975 = vector.broadcast %parallel_loop3A_974 : f32 to vector<16xf32>
      %parallel_loop3A_976 = arith.divf %parallel_loop3A_975, %parallel_loop3A_973 : vector<16xf32>
      %parallel_loop3A_977 = arith.constant 8.000000e+00 : f32
      %parallel_loop3A_978 = vector.broadcast %parallel_loop3A_977 : f32 to vector<16xf32>
      %parallel_loop3A_979 = arith.mulf %parallel_loop3A_978, %parallel_loop3A_976 : vector<16xf32>
      %parallel_loop3A_980 = arith.constant 1.600000e+01 : f32
      %parallel_loop3A_981 = vector.broadcast %parallel_loop3A_980 : f32 to vector<16xf32>
      %parallel_loop3A_982 = arith.subf %parallel_loop3A_981, %parallel_loop3A_979 : vector<16xf32>
      %parallel_loop3A_983 = arith.constant 0x4B000000 : f32
      %parallel_loop3A_984 = vector.broadcast %parallel_loop3A_983 : f32 to vector<16xf32>
      %parallel_loop3A_985 = arith.addf %parallel_loop3A_982, %parallel_loop3A_984 : vector<16xf32>
      %parallel_loop3A_986 = arith.constant 0x4B000000 : f32
      %parallel_loop3A_987 = vector.broadcast %parallel_loop3A_986 : f32 to vector<16xf32>
      %parallel_loop3A_988 = arith.subf %parallel_loop3A_985, %parallel_loop3A_987 : vector<16xf32>
      %parallel_loop3A_989 = arith.constant 1.500000e+01 : f32
      %parallel_loop3A_990 = vector.broadcast %parallel_loop3A_989 : f32 to vector<16xf32>
      %parallel_loop3A_991 = arith.minimumf %parallel_loop3A_988, %parallel_loop3A_990 : vector<16xf32>
      %parallel_loop3A_992 = arith.fptosi %parallel_loop3A_991 : vector<16xf32> to vector<16xi32>
      %parallel_loop3A_993 = vector.shape_cast %parallel_loop3A_992 : vector<16xi32> to vector<16x1xi32>
      %parallel_loop3A_994 = vector.shape_cast %parallel_loop3A_993 : vector<16x1xi32> to vector<16xi32>
      %parallel_loop3A_995 = tpu.dynamic_gather %get3A_4[%parallel_loop3A_994] in [0] : vector<16xf32>, vector<16xi32> -> vector<16xf32>
      %parallel_loop3A_996 = arith.addf %parallel_loop3A_968, %parallel_loop3A_995 : vector<16xf32>
      %parallel_loop3A_997 = vector.shape_cast %parallel_loop3A_992 : vector<16xi32> to vector<16x1xi32>
      %parallel_loop3A_998 = vector.shape_cast %parallel_loop3A_997 : vector<16x1xi32> to vector<16xi32>
      %parallel_loop3A_999 = tpu.dynamic_gather %get3A_7[%parallel_loop3A_998] in [0] : vector<16xf32>, vector<16xi32> -> vector<16xf32>
      %parallel_loop3A_1000 = arith.mulf %parallel_loop3A_976, %parallel_loop3A_999 : vector<16xf32>
      %parallel_loop3A_1001 = arith.subf %parallel_loop3A_996, %parallel_loop3A_1000 : vector<16xf32>
      %parallel_loop3A_1002 = arith.addf %parallel_loop3A_1001, %parallel_loop3A_1001 : vector<16xf32>
      %parallel_loop3A_1003 = math.exp %parallel_loop3A_1002 : vector<16xf32>
      %parallel_loop3A_1004 = arith.constant 1.000000e+00 : f32
      %parallel_loop3A_1005 = vector.broadcast %parallel_loop3A_1004 : f32 to vector<16xf32>
      %parallel_loop3A_1006 = arith.addf %parallel_loop3A_1005, %parallel_loop3A_1003 : vector<16xf32>
      %parallel_loop3A_1007 = arith.constant 2.000000e+00 : f32
      %parallel_loop3A_1008 = vector.broadcast %parallel_loop3A_1007 : f32 to vector<16xf32>
      %parallel_loop3A_1009 = arith.divf %parallel_loop3A_1008, %parallel_loop3A_1006 : vector<16xf32>
      %parallel_loop3A_1010 = arith.constant 8.000000e+00 : f32
      %parallel_loop3A_1011 = vector.broadcast %parallel_loop3A_1010 : f32 to vector<16xf32>
      %parallel_loop3A_1012 = arith.mulf %parallel_loop3A_1011, %parallel_loop3A_1009 : vector<16xf32>
      %parallel_loop3A_1013 = arith.constant 1.600000e+01 : f32
      %parallel_loop3A_1014 = vector.broadcast %parallel_loop3A_1013 : f32 to vector<16xf32>
      %parallel_loop3A_1015 = arith.subf %parallel_loop3A_1014, %parallel_loop3A_1012 : vector<16xf32>
      %parallel_loop3A_1016 = arith.constant 0x4B000000 : f32
      %parallel_loop3A_1017 = vector.broadcast %parallel_loop3A_1016 : f32 to vector<16xf32>
      %parallel_loop3A_1018 = arith.addf %parallel_loop3A_1015, %parallel_loop3A_1017 : vector<16xf32>
      %parallel_loop3A_1019 = arith.constant 0x4B000000 : f32
      %parallel_loop3A_1020 = vector.broadcast %parallel_loop3A_1019 : f32 to vector<16xf32>
      %parallel_loop3A_1021 = arith.subf %parallel_loop3A_1018, %parallel_loop3A_1020 : vector<16xf32>
      %parallel_loop3A_1022 = arith.constant 1.500000e+01 : f32
      %parallel_loop3A_1023 = vector.broadcast %parallel_loop3A_1022 : f32 to vector<16xf32>
      %parallel_loop3A_1024 = arith.minimumf %parallel_loop3A_1021, %parallel_loop3A_1023 : vector<16xf32>
      %parallel_loop3A_1025 = arith.fptosi %parallel_loop3A_1024 : vector<16xf32> to vector<16xi32>
      %parallel_loop3A_1026 = vector.shape_cast %parallel_loop3A_1025 : vector<16xi32> to vector<16x1xi32>
      %parallel_loop3A_1027 = vector.shape_cast %parallel_loop3A_1026 : vector<16x1xi32> to vector<16xi32>
      %parallel_loop3A_1028 = tpu.dynamic_gather %get3A_4[%parallel_loop3A_1027] in [0] : vector<16xf32>, vector<16xi32> -> vector<16xf32>
      %parallel_loop3A_1029 = arith.addf %parallel_loop3A_1001, %parallel_loop3A_1028 : vector<16xf32>
      %parallel_loop3A_1030 = vector.shape_cast %parallel_loop3A_1025 : vector<16xi32> to vector<16x1xi32>
      %parallel_loop3A_1031 = vector.shape_cast %parallel_loop3A_1030 : vector<16x1xi32> to vector<16xi32>
      %parallel_loop3A_1032 = tpu.dynamic_gather %get3A_7[%parallel_loop3A_1031] in [0] : vector<16xf32>, vector<16xi32> -> vector<16xf32>
      %parallel_loop3A_1033 = arith.mulf %parallel_loop3A_1009, %parallel_loop3A_1032 : vector<16xf32>
      %parallel_loop3A_1034 = arith.subf %parallel_loop3A_1029, %parallel_loop3A_1033 : vector<16xf32>
      %parallel_loop3A_1035 = arith.addf %parallel_loop3A_1034, %parallel_loop3A_1034 : vector<16xf32>
      %parallel_loop3A_1036 = math.exp %parallel_loop3A_1035 : vector<16xf32>
      %parallel_loop3A_1037 = arith.constant 1.000000e+00 : f32
      %parallel_loop3A_1038 = vector.broadcast %parallel_loop3A_1037 : f32 to vector<16xf32>
      %parallel_loop3A_1039 = arith.addf %parallel_loop3A_1038, %parallel_loop3A_1036 : vector<16xf32>
      %parallel_loop3A_1040 = arith.constant 2.000000e+00 : f32
      %parallel_loop3A_1041 = vector.broadcast %parallel_loop3A_1040 : f32 to vector<16xf32>
      %parallel_loop3A_1042 = arith.divf %parallel_loop3A_1041, %parallel_loop3A_1039 : vector<16xf32>
      %parallel_loop3A_1043 = arith.constant 8.000000e+00 : f32
      %parallel_loop3A_1044 = vector.broadcast %parallel_loop3A_1043 : f32 to vector<16xf32>
      %parallel_loop3A_1045 = arith.mulf %parallel_loop3A_1044, %parallel_loop3A_1042 : vector<16xf32>
      %parallel_loop3A_1046 = arith.constant 1.600000e+01 : f32
      %parallel_loop3A_1047 = vector.broadcast %parallel_loop3A_1046 : f32 to vector<16xf32>
      %parallel_loop3A_1048 = arith.subf %parallel_loop3A_1047, %parallel_loop3A_1045 : vector<16xf32>
      %parallel_loop3A_1049 = arith.constant 0x4B000000 : f32
      %parallel_loop3A_1050 = vector.broadcast %parallel_loop3A_1049 : f32 to vector<16xf32>
      %parallel_loop3A_1051 = arith.addf %parallel_loop3A_1048, %parallel_loop3A_1050 : vector<16xf32>
      %parallel_loop3A_1052 = arith.constant 0x4B000000 : f32
      %parallel_loop3A_1053 = vector.broadcast %parallel_loop3A_1052 : f32 to vector<16xf32>
      %parallel_loop3A_1054 = arith.subf %parallel_loop3A_1051, %parallel_loop3A_1053 : vector<16xf32>
      %parallel_loop3A_1055 = arith.constant 1.500000e+01 : f32
      %parallel_loop3A_1056 = vector.broadcast %parallel_loop3A_1055 : f32 to vector<16xf32>
      %parallel_loop3A_1057 = arith.minimumf %parallel_loop3A_1054, %parallel_loop3A_1056 : vector<16xf32>
      %parallel_loop3A_1058 = arith.fptosi %parallel_loop3A_1057 : vector<16xf32> to vector<16xi32>
      %parallel_loop3A_1059 = vector.shape_cast %parallel_loop3A_1058 : vector<16xi32> to vector<16x1xi32>
      %parallel_loop3A_1060 = vector.shape_cast %parallel_loop3A_1059 : vector<16x1xi32> to vector<16xi32>
      %parallel_loop3A_1061 = tpu.dynamic_gather %get3A_4[%parallel_loop3A_1060] in [0] : vector<16xf32>, vector<16xi32> -> vector<16xf32>
      %parallel_loop3A_1062 = arith.addf %parallel_loop3A_1034, %parallel_loop3A_1061 : vector<16xf32>
      %parallel_loop3A_1063 = vector.shape_cast %parallel_loop3A_1058 : vector<16xi32> to vector<16x1xi32>
      %parallel_loop3A_1064 = vector.shape_cast %parallel_loop3A_1063 : vector<16x1xi32> to vector<16xi32>
      %parallel_loop3A_1065 = tpu.dynamic_gather %get3A_7[%parallel_loop3A_1064] in [0] : vector<16xf32>, vector<16xi32> -> vector<16xf32>
      %parallel_loop3A_1066 = arith.mulf %parallel_loop3A_1042, %parallel_loop3A_1065 : vector<16xf32>
      %parallel_loop3A_1067 = arith.subf %parallel_loop3A_1062, %parallel_loop3A_1066 : vector<16xf32>
      %parallel_loop3A_1068 = arith.addf %parallel_loop3A_963, %parallel_loop3A_1067 : vector<16xf32>
      %parallel_loop3A_1069 = arith.constant 10 : i32
      %parallel_loop3A_1070 = arith.index_cast %parallel_loop3A_1069 : i32 to index
      %parallel_loop3A_1071 = arith.index_cast %parallel_loop3A_16 : i32 to index
      %parallel_loop3A_1072 = tpu.vector_load %arg6[%parallel_loop3A_1070, %parallel_loop3A_1071] {strides = array<i32>} : memref<26x512xf32, #tpu.memory_space<vmem>>, vector<1x16xf32>,
      %parallel_loop3A_1073 = vector.shape_cast %parallel_loop3A_1072 : vector<1x16xf32> to vector<16xf32>
      %parallel_loop3A_1074 = arith.addf %parallel_loop3A_1073, %parallel_loop3A_1073 : vector<16xf32>
      %parallel_loop3A_1075 = math.exp %parallel_loop3A_1074 : vector<16xf32>
      %parallel_loop3A_1076 = arith.constant 1.000000e+00 : f32
      %parallel_loop3A_1077 = vector.broadcast %parallel_loop3A_1076 : f32 to vector<16xf32>
      %parallel_loop3A_1078 = arith.addf %parallel_loop3A_1077, %parallel_loop3A_1075 : vector<16xf32>
      %parallel_loop3A_1079 = arith.constant 2.000000e+00 : f32
      %parallel_loop3A_1080 = vector.broadcast %parallel_loop3A_1079 : f32 to vector<16xf32>
      %parallel_loop3A_1081 = arith.divf %parallel_loop3A_1080, %parallel_loop3A_1078 : vector<16xf32>
      %parallel_loop3A_1082 = arith.constant 8.000000e+00 : f32
      %parallel_loop3A_1083 = vector.broadcast %parallel_loop3A_1082 : f32 to vector<16xf32>
      %parallel_loop3A_1084 = arith.mulf %parallel_loop3A_1083, %parallel_loop3A_1081 : vector<16xf32>
      %parallel_loop3A_1085 = arith.constant 1.600000e+01 : f32
      %parallel_loop3A_1086 = vector.broadcast %parallel_loop3A_1085 : f32 to vector<16xf32>
      %parallel_loop3A_1087 = arith.subf %parallel_loop3A_1086, %parallel_loop3A_1084 : vector<16xf32>
      %parallel_loop3A_1088 = arith.constant 0x4B000000 : f32
      %parallel_loop3A_1089 = vector.broadcast %parallel_loop3A_1088 : f32 to vector<16xf32>
      %parallel_loop3A_1090 = arith.addf %parallel_loop3A_1087, %parallel_loop3A_1089 : vector<16xf32>
      %parallel_loop3A_1091 = arith.constant 0x4B000000 : f32
      %parallel_loop3A_1092 = vector.broadcast %parallel_loop3A_1091 : f32 to vector<16xf32>
      %parallel_loop3A_1093 = arith.subf %parallel_loop3A_1090, %parallel_loop3A_1092 : vector<16xf32>
      %parallel_loop3A_1094 = arith.constant 1.500000e+01 : f32
      %parallel_loop3A_1095 = vector.broadcast %parallel_loop3A_1094 : f32 to vector<16xf32>
      %parallel_loop3A_1096 = arith.minimumf %parallel_loop3A_1093, %parallel_loop3A_1095 : vector<16xf32>
      %parallel_loop3A_1097 = arith.fptosi %parallel_loop3A_1096 : vector<16xf32> to vector<16xi32>
      %parallel_loop3A_1098 = vector.shape_cast %parallel_loop3A_1097 : vector<16xi32> to vector<16x1xi32>
      %parallel_loop3A_1099 = vector.shape_cast %parallel_loop3A_1098 : vector<16x1xi32> to vector<16xi32>
      %parallel_loop3A_1100 = tpu.dynamic_gather %get3A_4[%parallel_loop3A_1099] in [0] : vector<16xf32>, vector<16xi32> -> vector<16xf32>
      %parallel_loop3A_1101 = arith.addf %parallel_loop3A_1073, %parallel_loop3A_1100 : vector<16xf32>
      %parallel_loop3A_1102 = vector.shape_cast %parallel_loop3A_1097 : vector<16xi32> to vector<16x1xi32>
      %parallel_loop3A_1103 = vector.shape_cast %parallel_loop3A_1102 : vector<16x1xi32> to vector<16xi32>
      %parallel_loop3A_1104 = tpu.dynamic_gather %get3A_7[%parallel_loop3A_1103] in [0] : vector<16xf32>, vector<16xi32> -> vector<16xf32>
      %parallel_loop3A_1105 = arith.mulf %parallel_loop3A_1081, %parallel_loop3A_1104 : vector<16xf32>
      %parallel_loop3A_1106 = arith.subf %parallel_loop3A_1101, %parallel_loop3A_1105 : vector<16xf32>
      %parallel_loop3A_1107 = arith.addf %parallel_loop3A_1106, %parallel_loop3A_1106 : vector<16xf32>
      %parallel_loop3A_1108 = math.exp %parallel_loop3A_1107 : vector<16xf32>
      %parallel_loop3A_1109 = arith.constant 1.000000e+00 : f32
      %parallel_loop3A_1110 = vector.broadcast %parallel_loop3A_1109 : f32 to vector<16xf32>
      %parallel_loop3A_1111 = arith.addf %parallel_loop3A_1110, %parallel_loop3A_1108 : vector<16xf32>
      %parallel_loop3A_1112 = arith.constant 2.000000e+00 : f32
      %parallel_loop3A_1113 = vector.broadcast %parallel_loop3A_1112 : f32 to vector<16xf32>
      %parallel_loop3A_1114 = arith.divf %parallel_loop3A_1113, %parallel_loop3A_1111 : vector<16xf32>
      %parallel_loop3A_1115 = arith.constant 8.000000e+00 : f32
      %parallel_loop3A_1116 = vector.broadcast %parallel_loop3A_1115 : f32 to vector<16xf32>
      %parallel_loop3A_1117 = arith.mulf %parallel_loop3A_1116, %parallel_loop3A_1114 : vector<16xf32>
      %parallel_loop3A_1118 = arith.constant 1.600000e+01 : f32
      %parallel_loop3A_1119 = vector.broadcast %parallel_loop3A_1118 : f32 to vector<16xf32>
      %parallel_loop3A_1120 = arith.subf %parallel_loop3A_1119, %parallel_loop3A_1117 : vector<16xf32>
      %parallel_loop3A_1121 = arith.constant 0x4B000000 : f32
      %parallel_loop3A_1122 = vector.broadcast %parallel_loop3A_1121 : f32 to vector<16xf32>
      %parallel_loop3A_1123 = arith.addf %parallel_loop3A_1120, %parallel_loop3A_1122 : vector<16xf32>
      %parallel_loop3A_1124 = arith.constant 0x4B000000 : f32
      %parallel_loop3A_1125 = vector.broadcast %parallel_loop3A_1124 : f32 to vector<16xf32>
      %parallel_loop3A_1126 = arith.subf %parallel_loop3A_1123, %parallel_loop3A_1125 : vector<16xf32>
      %parallel_loop3A_1127 = arith.constant 1.500000e+01 : f32
      %parallel_loop3A_1128 = vector.broadcast %parallel_loop3A_1127 : f32 to vector<16xf32>
      %parallel_loop3A_1129 = arith.minimumf %parallel_loop3A_1126, %parallel_loop3A_1128 : vector<16xf32>
      %parallel_loop3A_1130 = arith.fptosi %parallel_loop3A_1129 : vector<16xf32> to vector<16xi32>
      %parallel_loop3A_1131 = vector.shape_cast %parallel_loop3A_1130 : vector<16xi32> to vector<16x1xi32>
      %parallel_loop3A_1132 = vector.shape_cast %parallel_loop3A_1131 : vector<16x1xi32> to vector<16xi32>
      %parallel_loop3A_1133 = tpu.dynamic_gather %get3A_4[%parallel_loop3A_1132] in [0] : vector<16xf32>, vector<16xi32> -> vector<16xf32>
      %parallel_loop3A_1134 = arith.addf %parallel_loop3A_1106, %parallel_loop3A_1133 : vector<16xf32>
      %parallel_loop3A_1135 = vector.shape_cast %parallel_loop3A_1130 : vector<16xi32> to vector<16x1xi32>
      %parallel_loop3A_1136 = vector.shape_cast %parallel_loop3A_1135 : vector<16x1xi32> to vector<16xi32>
      %parallel_loop3A_1137 = tpu.dynamic_gather %get3A_7[%parallel_loop3A_1136] in [0] : vector<16xf32>, vector<16xi32> -> vector<16xf32>
      %parallel_loop3A_1138 = arith.mulf %parallel_loop3A_1114, %parallel_loop3A_1137 : vector<16xf32>
      %parallel_loop3A_1139 = arith.subf %parallel_loop3A_1134, %parallel_loop3A_1138 : vector<16xf32>
      %parallel_loop3A_1140 = arith.addf %parallel_loop3A_1139, %parallel_loop3A_1139 : vector<16xf32>
      %parallel_loop3A_1141 = math.exp %parallel_loop3A_1140 : vector<16xf32>
      %parallel_loop3A_1142 = arith.constant 1.000000e+00 : f32
      %parallel_loop3A_1143 = vector.broadcast %parallel_loop3A_1142 : f32 to vector<16xf32>
      %parallel_loop3A_1144 = arith.addf %parallel_loop3A_1143, %parallel_loop3A_1141 : vector<16xf32>
      %parallel_loop3A_1145 = arith.constant 2.000000e+00 : f32
      %parallel_loop3A_1146 = vector.broadcast %parallel_loop3A_1145 : f32 to vector<16xf32>
      %parallel_loop3A_1147 = arith.divf %parallel_loop3A_1146, %parallel_loop3A_1144 : vector<16xf32>
      %parallel_loop3A_1148 = arith.constant 8.000000e+00 : f32
      %parallel_loop3A_1149 = vector.broadcast %parallel_loop3A_1148 : f32 to vector<16xf32>
      %parallel_loop3A_1150 = arith.mulf %parallel_loop3A_1149, %parallel_loop3A_1147 : vector<16xf32>
      %parallel_loop3A_1151 = arith.constant 1.600000e+01 : f32
      %parallel_loop3A_1152 = vector.broadcast %parallel_loop3A_1151 : f32 to vector<16xf32>
      %parallel_loop3A_1153 = arith.subf %parallel_loop3A_1152, %parallel_loop3A_1150 : vector<16xf32>
      %parallel_loop3A_1154 = arith.constant 0x4B000000 : f32
      %parallel_loop3A_1155 = vector.broadcast %parallel_loop3A_1154 : f32 to vector<16xf32>
      %parallel_loop3A_1156 = arith.addf %parallel_loop3A_1153, %parallel_loop3A_1155 : vector<16xf32>
      %parallel_loop3A_1157 = arith.constant 0x4B000000 : f32
      %parallel_loop3A_1158 = vector.broadcast %parallel_loop3A_1157 : f32 to vector<16xf32>
      %parallel_loop3A_1159 = arith.subf %parallel_loop3A_1156, %parallel_loop3A_1158 : vector<16xf32>
      %parallel_loop3A_1160 = arith.constant 1.500000e+01 : f32
      %parallel_loop3A_1161 = vector.broadcast %parallel_loop3A_1160 : f32 to vector<16xf32>
      %parallel_loop3A_1162 = arith.minimumf %parallel_loop3A_1159, %parallel_loop3A_1161 : vector<16xf32>
      %parallel_loop3A_1163 = arith.fptosi %parallel_loop3A_1162 : vector<16xf32> to vector<16xi32>
      %parallel_loop3A_1164 = vector.shape_cast %parallel_loop3A_1163 : vector<16xi32> to vector<16x1xi32>
      %parallel_loop3A_1165 = vector.shape_cast %parallel_loop3A_1164 : vector<16x1xi32> to vector<16xi32>
      %parallel_loop3A_1166 = tpu.dynamic_gather %get3A_4[%parallel_loop3A_1165] in [0] : vector<16xf32>, vector<16xi32> -> vector<16xf32>
      %parallel_loop3A_1167 = arith.addf %parallel_loop3A_1139, %parallel_loop3A_1166 : vector<16xf32>
      %parallel_loop3A_1168 = vector.shape_cast %parallel_loop3A_1163 : vector<16xi32> to vector<16x1xi32>
      %parallel_loop3A_1169 = vector.shape_cast %parallel_loop3A_1168 : vector<16x1xi32> to vector<16xi32>
      %parallel_loop3A_1170 = tpu.dynamic_gather %get3A_7[%parallel_loop3A_1169] in [0] : vector<16xf32>, vector<16xi32> -> vector<16xf32>
      %parallel_loop3A_1171 = arith.mulf %parallel_loop3A_1147, %parallel_loop3A_1170 : vector<16xf32>
      %parallel_loop3A_1172 = arith.subf %parallel_loop3A_1167, %parallel_loop3A_1171 : vector<16xf32>
      %parallel_loop3A_1173 = arith.addf %parallel_loop3A_1068, %parallel_loop3A_1172 : vector<16xf32>
      %parallel_loop3A_1174 = arith.constant 11 : i32
      %parallel_loop3A_1175 = arith.index_cast %parallel_loop3A_1174 : i32 to index
      %parallel_loop3A_1176 = arith.index_cast %parallel_loop3A_16 : i32 to index
      %parallel_loop3A_1177 = tpu.vector_load %arg6[%parallel_loop3A_1175, %parallel_loop3A_1176] {strides = array<i32>} : memref<26x512xf32, #tpu.memory_space<vmem>>, vector<1x16xf32>,
      %parallel_loop3A_1178 = vector.shape_cast %parallel_loop3A_1177 : vector<1x16xf32> to vector<16xf32>
      %parallel_loop3A_1179 = arith.addf %parallel_loop3A_1178, %parallel_loop3A_1178 : vector<16xf32>
      %parallel_loop3A_1180 = math.exp %parallel_loop3A_1179 : vector<16xf32>
      %parallel_loop3A_1181 = arith.constant 1.000000e+00 : f32
      %parallel_loop3A_1182 = vector.broadcast %parallel_loop3A_1181 : f32 to vector<16xf32>
      %parallel_loop3A_1183 = arith.addf %parallel_loop3A_1182, %parallel_loop3A_1180 : vector<16xf32>
      %parallel_loop3A_1184 = arith.constant 2.000000e+00 : f32
      %parallel_loop3A_1185 = vector.broadcast %parallel_loop3A_1184 : f32 to vector<16xf32>
      %parallel_loop3A_1186 = arith.divf %parallel_loop3A_1185, %parallel_loop3A_1183 : vector<16xf32>
      %parallel_loop3A_1187 = arith.constant 8.000000e+00 : f32
      %parallel_loop3A_1188 = vector.broadcast %parallel_loop3A_1187 : f32 to vector<16xf32>
      %parallel_loop3A_1189 = arith.mulf %parallel_loop3A_1188, %parallel_loop3A_1186 : vector<16xf32>
      %parallel_loop3A_1190 = arith.constant 1.600000e+01 : f32
      %parallel_loop3A_1191 = vector.broadcast %parallel_loop3A_1190 : f32 to vector<16xf32>
      %parallel_loop3A_1192 = arith.subf %parallel_loop3A_1191, %parallel_loop3A_1189 : vector<16xf32>
      %parallel_loop3A_1193 = arith.constant 0x4B000000 : f32
      %parallel_loop3A_1194 = vector.broadcast %parallel_loop3A_1193 : f32 to vector<16xf32>
      %parallel_loop3A_1195 = arith.addf %parallel_loop3A_1192, %parallel_loop3A_1194 : vector<16xf32>
      %parallel_loop3A_1196 = arith.constant 0x4B000000 : f32
      %parallel_loop3A_1197 = vector.broadcast %parallel_loop3A_1196 : f32 to vector<16xf32>
      %parallel_loop3A_1198 = arith.subf %parallel_loop3A_1195, %parallel_loop3A_1197 : vector<16xf32>
      %parallel_loop3A_1199 = arith.constant 1.500000e+01 : f32
      %parallel_loop3A_1200 = vector.broadcast %parallel_loop3A_1199 : f32 to vector<16xf32>
      %parallel_loop3A_1201 = arith.minimumf %parallel_loop3A_1198, %parallel_loop3A_1200 : vector<16xf32>
      %parallel_loop3A_1202 = arith.fptosi %parallel_loop3A_1201 : vector<16xf32> to vector<16xi32>
      %parallel_loop3A_1203 = vector.shape_cast %parallel_loop3A_1202 : vector<16xi32> to vector<16x1xi32>
      %parallel_loop3A_1204 = vector.shape_cast %parallel_loop3A_1203 : vector<16x1xi32> to vector<16xi32>
      %parallel_loop3A_1205 = tpu.dynamic_gather %get3A_4[%parallel_loop3A_1204] in [0] : vector<16xf32>, vector<16xi32> -> vector<16xf32>
      %parallel_loop3A_1206 = arith.addf %parallel_loop3A_1178, %parallel_loop3A_1205 : vector<16xf32>
      %parallel_loop3A_1207 = vector.shape_cast %parallel_loop3A_1202 : vector<16xi32> to vector<16x1xi32>
      %parallel_loop3A_1208 = vector.shape_cast %parallel_loop3A_1207 : vector<16x1xi32> to vector<16xi32>
      %parallel_loop3A_1209 = tpu.dynamic_gather %get3A_7[%parallel_loop3A_1208] in [0] : vector<16xf32>, vector<16xi32> -> vector<16xf32>
      %parallel_loop3A_1210 = arith.mulf %parallel_loop3A_1186, %parallel_loop3A_1209 : vector<16xf32>
      %parallel_loop3A_1211 = arith.subf %parallel_loop3A_1206, %parallel_loop3A_1210 : vector<16xf32>
      %parallel_loop3A_1212 = arith.addf %parallel_loop3A_1211, %parallel_loop3A_1211 : vector<16xf32>
      %parallel_loop3A_1213 = math.exp %parallel_loop3A_1212 : vector<16xf32>
      %parallel_loop3A_1214 = arith.constant 1.000000e+00 : f32
      %parallel_loop3A_1215 = vector.broadcast %parallel_loop3A_1214 : f32 to vector<16xf32>
      %parallel_loop3A_1216 = arith.addf %parallel_loop3A_1215, %parallel_loop3A_1213 : vector<16xf32>
      %parallel_loop3A_1217 = arith.constant 2.000000e+00 : f32
      %parallel_loop3A_1218 = vector.broadcast %parallel_loop3A_1217 : f32 to vector<16xf32>
      %parallel_loop3A_1219 = arith.divf %parallel_loop3A_1218, %parallel_loop3A_1216 : vector<16xf32>
      %parallel_loop3A_1220 = arith.constant 8.000000e+00 : f32
      %parallel_loop3A_1221 = vector.broadcast %parallel_loop3A_1220 : f32 to vector<16xf32>
      %parallel_loop3A_1222 = arith.mulf %parallel_loop3A_1221, %parallel_loop3A_1219 : vector<16xf32>
      %parallel_loop3A_1223 = arith.constant 1.600000e+01 : f32
      %parallel_loop3A_1224 = vector.broadcast %parallel_loop3A_1223 : f32 to vector<16xf32>
      %parallel_loop3A_1225 = arith.subf %parallel_loop3A_1224, %parallel_loop3A_1222 : vector<16xf32>
      %parallel_loop3A_1226 = arith.constant 0x4B000000 : f32
      %parallel_loop3A_1227 = vector.broadcast %parallel_loop3A_1226 : f32 to vector<16xf32>
      %parallel_loop3A_1228 = arith.addf %parallel_loop3A_1225, %parallel_loop3A_1227 : vector<16xf32>
      %parallel_loop3A_1229 = arith.constant 0x4B000000 : f32
      %parallel_loop3A_1230 = vector.broadcast %parallel_loop3A_1229 : f32 to vector<16xf32>
      %parallel_loop3A_1231 = arith.subf %parallel_loop3A_1228, %parallel_loop3A_1230 : vector<16xf32>
      %parallel_loop3A_1232 = arith.constant 1.500000e+01 : f32
      %parallel_loop3A_1233 = vector.broadcast %parallel_loop3A_1232 : f32 to vector<16xf32>
      %parallel_loop3A_1234 = arith.minimumf %parallel_loop3A_1231, %parallel_loop3A_1233 : vector<16xf32>
      %parallel_loop3A_1235 = arith.fptosi %parallel_loop3A_1234 : vector<16xf32> to vector<16xi32>
      %parallel_loop3A_1236 = vector.shape_cast %parallel_loop3A_1235 : vector<16xi32> to vector<16x1xi32>
      %parallel_loop3A_1237 = vector.shape_cast %parallel_loop3A_1236 : vector<16x1xi32> to vector<16xi32>
      %parallel_loop3A_1238 = tpu.dynamic_gather %get3A_4[%parallel_loop3A_1237] in [0] : vector<16xf32>, vector<16xi32> -> vector<16xf32>
      %parallel_loop3A_1239 = arith.addf %parallel_loop3A_1211, %parallel_loop3A_1238 : vector<16xf32>
      %parallel_loop3A_1240 = vector.shape_cast %parallel_loop3A_1235 : vector<16xi32> to vector<16x1xi32>
      %parallel_loop3A_1241 = vector.shape_cast %parallel_loop3A_1240 : vector<16x1xi32> to vector<16xi32>
      %parallel_loop3A_1242 = tpu.dynamic_gather %get3A_7[%parallel_loop3A_1241] in [0] : vector<16xf32>, vector<16xi32> -> vector<16xf32>
      %parallel_loop3A_1243 = arith.mulf %parallel_loop3A_1219, %parallel_loop3A_1242 : vector<16xf32>
      %parallel_loop3A_1244 = arith.subf %parallel_loop3A_1239, %parallel_loop3A_1243 : vector<16xf32>
      %parallel_loop3A_1245 = arith.addf %parallel_loop3A_1244, %parallel_loop3A_1244 : vector<16xf32>
      %parallel_loop3A_1246 = math.exp %parallel_loop3A_1245 : vector<16xf32>
      %parallel_loop3A_1247 = arith.constant 1.000000e+00 : f32
      %parallel_loop3A_1248 = vector.broadcast %parallel_loop3A_1247 : f32 to vector<16xf32>
      %parallel_loop3A_1249 = arith.addf %parallel_loop3A_1248, %parallel_loop3A_1246 : vector<16xf32>
      %parallel_loop3A_1250 = arith.constant 2.000000e+00 : f32
      %parallel_loop3A_1251 = vector.broadcast %parallel_loop3A_1250 : f32 to vector<16xf32>
      %parallel_loop3A_1252 = arith.divf %parallel_loop3A_1251, %parallel_loop3A_1249 : vector<16xf32>
      %parallel_loop3A_1253 = arith.constant 8.000000e+00 : f32
      %parallel_loop3A_1254 = vector.broadcast %parallel_loop3A_1253 : f32 to vector<16xf32>
      %parallel_loop3A_1255 = arith.mulf %parallel_loop3A_1254, %parallel_loop3A_1252 : vector<16xf32>
      %parallel_loop3A_1256 = arith.constant 1.600000e+01 : f32
      %parallel_loop3A_1257 = vector.broadcast %parallel_loop3A_1256 : f32 to vector<16xf32>
      %parallel_loop3A_1258 = arith.subf %parallel_loop3A_1257, %parallel_loop3A_1255 : vector<16xf32>
      %parallel_loop3A_1259 = arith.constant 0x4B000000 : f32
      %parallel_loop3A_1260 = vector.broadcast %parallel_loop3A_1259 : f32 to vector<16xf32>
      %parallel_loop3A_1261 = arith.addf %parallel_loop3A_1258, %parallel_loop3A_1260 : vector<16xf32>
      %parallel_loop3A_1262 = arith.constant 0x4B000000 : f32
      %parallel_loop3A_1263 = vector.broadcast %parallel_loop3A_1262 : f32 to vector<16xf32>
      %parallel_loop3A_1264 = arith.subf %parallel_loop3A_1261, %parallel_loop3A_1263 : vector<16xf32>
      %parallel_loop3A_1265 = arith.constant 1.500000e+01 : f32
      %parallel_loop3A_1266 = vector.broadcast %parallel_loop3A_1265 : f32 to vector<16xf32>
      %parallel_loop3A_1267 = arith.minimumf %parallel_loop3A_1264, %parallel_loop3A_1266 : vector<16xf32>
      %parallel_loop3A_1268 = arith.fptosi %parallel_loop3A_1267 : vector<16xf32> to vector<16xi32>
      %parallel_loop3A_1269 = vector.shape_cast %parallel_loop3A_1268 : vector<16xi32> to vector<16x1xi32>
      %parallel_loop3A_1270 = vector.shape_cast %parallel_loop3A_1269 : vector<16x1xi32> to vector<16xi32>
      %parallel_loop3A_1271 = tpu.dynamic_gather %get3A_4[%parallel_loop3A_1270] in [0] : vector<16xf32>, vector<16xi32> -> vector<16xf32>
      %parallel_loop3A_1272 = arith.addf %parallel_loop3A_1244, %parallel_loop3A_1271 : vector<16xf32>
      %parallel_loop3A_1273 = vector.shape_cast %parallel_loop3A_1268 : vector<16xi32> to vector<16x1xi32>
      %parallel_loop3A_1274 = vector.shape_cast %parallel_loop3A_1273 : vector<16x1xi32> to vector<16xi32>
      %parallel_loop3A_1275 = tpu.dynamic_gather %get3A_7[%parallel_loop3A_1274] in [0] : vector<16xf32>, vector<16xi32> -> vector<16xf32>
      %parallel_loop3A_1276 = arith.mulf %parallel_loop3A_1252, %parallel_loop3A_1275 : vector<16xf32>
      %parallel_loop3A_1277 = arith.subf %parallel_loop3A_1272, %parallel_loop3A_1276 : vector<16xf32>
      %parallel_loop3A_1278 = arith.addf %parallel_loop3A_1173, %parallel_loop3A_1277 : vector<16xf32>
      %parallel_loop3A_1279 = arith.constant 12 : i32
      %parallel_loop3A_1280 = arith.index_cast %parallel_loop3A_1279 : i32 to index
      %parallel_loop3A_1281 = arith.index_cast %parallel_loop3A_16 : i32 to index
      %parallel_loop3A_1282 = tpu.vector_load %arg6[%parallel_loop3A_1280, %parallel_loop3A_1281] {strides = array<i32>} : memref<26x512xf32, #tpu.memory_space<vmem>>, vector<1x16xf32>,
      %parallel_loop3A_1283 = vector.shape_cast %parallel_loop3A_1282 : vector<1x16xf32> to vector<16xf32>
      %parallel_loop3A_1284 = arith.addf %parallel_loop3A_1283, %parallel_loop3A_1283 : vector<16xf32>
      %parallel_loop3A_1285 = math.exp %parallel_loop3A_1284 : vector<16xf32>
      %parallel_loop3A_1286 = arith.constant 1.000000e+00 : f32
      %parallel_loop3A_1287 = vector.broadcast %parallel_loop3A_1286 : f32 to vector<16xf32>
      %parallel_loop3A_1288 = arith.addf %parallel_loop3A_1287, %parallel_loop3A_1285 : vector<16xf32>
      %parallel_loop3A_1289 = arith.constant 2.000000e+00 : f32
      %parallel_loop3A_1290 = vector.broadcast %parallel_loop3A_1289 : f32 to vector<16xf32>
      %parallel_loop3A_1291 = arith.divf %parallel_loop3A_1290, %parallel_loop3A_1288 : vector<16xf32>
      %parallel_loop3A_1292 = arith.constant 8.000000e+00 : f32
      %parallel_loop3A_1293 = vector.broadcast %parallel_loop3A_1292 : f32 to vector<16xf32>
      %parallel_loop3A_1294 = arith.mulf %parallel_loop3A_1293, %parallel_loop3A_1291 : vector<16xf32>
      %parallel_loop3A_1295 = arith.constant 1.600000e+01 : f32
      %parallel_loop3A_1296 = vector.broadcast %parallel_loop3A_1295 : f32 to vector<16xf32>
      %parallel_loop3A_1297 = arith.subf %parallel_loop3A_1296, %parallel_loop3A_1294 : vector<16xf32>
      %parallel_loop3A_1298 = arith.constant 0x4B000000 : f32
      %parallel_loop3A_1299 = vector.broadcast %parallel_loop3A_1298 : f32 to vector<16xf32>
      %parallel_loop3A_1300 = arith.addf %parallel_loop3A_1297, %parallel_loop3A_1299 : vector<16xf32>
      %parallel_loop3A_1301 = arith.constant 0x4B000000 : f32
      %parallel_loop3A_1302 = vector.broadcast %parallel_loop3A_1301 : f32 to vector<16xf32>
      %parallel_loop3A_1303 = arith.subf %parallel_loop3A_1300, %parallel_loop3A_1302 : vector<16xf32>
      %parallel_loop3A_1304 = arith.constant 1.500000e+01 : f32
      %parallel_loop3A_1305 = vector.broadcast %parallel_loop3A_1304 : f32 to vector<16xf32>
      %parallel_loop3A_1306 = arith.minimumf %parallel_loop3A_1303, %parallel_loop3A_1305 : vector<16xf32>
      %parallel_loop3A_1307 = arith.fptosi %parallel_loop3A_1306 : vector<16xf32> to vector<16xi32>
      %parallel_loop3A_1308 = vector.shape_cast %parallel_loop3A_1307 : vector<16xi32> to vector<16x1xi32>
      %parallel_loop3A_1309 = vector.shape_cast %parallel_loop3A_1308 : vector<16x1xi32> to vector<16xi32>
      %parallel_loop3A_1310 = tpu.dynamic_gather %get3A_4[%parallel_loop3A_1309] in [0] : vector<16xf32>, vector<16xi32> -> vector<16xf32>
      %parallel_loop3A_1311 = arith.addf %parallel_loop3A_1283, %parallel_loop3A_1310 : vector<16xf32>
      %parallel_loop3A_1312 = vector.shape_cast %parallel_loop3A_1307 : vector<16xi32> to vector<16x1xi32>
      %parallel_loop3A_1313 = vector.shape_cast %parallel_loop3A_1312 : vector<16x1xi32> to vector<16xi32>
      %parallel_loop3A_1314 = tpu.dynamic_gather %get3A_7[%parallel_loop3A_1313] in [0] : vector<16xf32>, vector<16xi32> -> vector<16xf32>
      %parallel_loop3A_1315 = arith.mulf %parallel_loop3A_1291, %parallel_loop3A_1314 : vector<16xf32>
      %parallel_loop3A_1316 = arith.subf %parallel_loop3A_1311, %parallel_loop3A_1315 : vector<16xf32>
      %parallel_loop3A_1317 = arith.addf %parallel_loop3A_1316, %parallel_loop3A_1316 : vector<16xf32>
      %parallel_loop3A_1318 = math.exp %parallel_loop3A_1317 : vector<16xf32>
      %parallel_loop3A_1319 = arith.constant 1.000000e+00 : f32
      %parallel_loop3A_1320 = vector.broadcast %parallel_loop3A_1319 : f32 to vector<16xf32>
      %parallel_loop3A_1321 = arith.addf %parallel_loop3A_1320, %parallel_loop3A_1318 : vector<16xf32>
      %parallel_loop3A_1322 = arith.constant 2.000000e+00 : f32
      %parallel_loop3A_1323 = vector.broadcast %parallel_loop3A_1322 : f32 to vector<16xf32>
      %parallel_loop3A_1324 = arith.divf %parallel_loop3A_1323, %parallel_loop3A_1321 : vector<16xf32>
      %parallel_loop3A_1325 = arith.constant 8.000000e+00 : f32
      %parallel_loop3A_1326 = vector.broadcast %parallel_loop3A_1325 : f32 to vector<16xf32>
      %parallel_loop3A_1327 = arith.mulf %parallel_loop3A_1326, %parallel_loop3A_1324 : vector<16xf32>
      %parallel_loop3A_1328 = arith.constant 1.600000e+01 : f32
      %parallel_loop3A_1329 = vector.broadcast %parallel_loop3A_1328 : f32 to vector<16xf32>
      %parallel_loop3A_1330 = arith.subf %parallel_loop3A_1329, %parallel_loop3A_1327 : vector<16xf32>
      %parallel_loop3A_1331 = arith.constant 0x4B000000 : f32
      %parallel_loop3A_1332 = vector.broadcast %parallel_loop3A_1331 : f32 to vector<16xf32>
      %parallel_loop3A_1333 = arith.addf %parallel_loop3A_1330, %parallel_loop3A_1332 : vector<16xf32>
      %parallel_loop3A_1334 = arith.constant 0x4B000000 : f32
      %parallel_loop3A_1335 = vector.broadcast %parallel_loop3A_1334 : f32 to vector<16xf32>
      %parallel_loop3A_1336 = arith.subf %parallel_loop3A_1333, %parallel_loop3A_1335 : vector<16xf32>
      %parallel_loop3A_1337 = arith.constant 1.500000e+01 : f32
      %parallel_loop3A_1338 = vector.broadcast %parallel_loop3A_1337 : f32 to vector<16xf32>
      %parallel_loop3A_1339 = arith.minimumf %parallel_loop3A_1336, %parallel_loop3A_1338 : vector<16xf32>
      %parallel_loop3A_1340 = arith.fptosi %parallel_loop3A_1339 : vector<16xf32> to vector<16xi32>
      %parallel_loop3A_1341 = vector.shape_cast %parallel_loop3A_1340 : vector<16xi32> to vector<16x1xi32>
      %parallel_loop3A_1342 = vector.shape_cast %parallel_loop3A_1341 : vector<16x1xi32> to vector<16xi32>
      %parallel_loop3A_1343 = tpu.dynamic_gather %get3A_4[%parallel_loop3A_1342] in [0] : vector<16xf32>, vector<16xi32> -> vector<16xf32>
      %parallel_loop3A_1344 = arith.addf %parallel_loop3A_1316, %parallel_loop3A_1343 : vector<16xf32>
      %parallel_loop3A_1345 = vector.shape_cast %parallel_loop3A_1340 : vector<16xi32> to vector<16x1xi32>
      %parallel_loop3A_1346 = vector.shape_cast %parallel_loop3A_1345 : vector<16x1xi32> to vector<16xi32>
      %parallel_loop3A_1347 = tpu.dynamic_gather %get3A_7[%parallel_loop3A_1346] in [0] : vector<16xf32>, vector<16xi32> -> vector<16xf32>
      %parallel_loop3A_1348 = arith.mulf %parallel_loop3A_1324, %parallel_loop3A_1347 : vector<16xf32>
      %parallel_loop3A_1349 = arith.subf %parallel_loop3A_1344, %parallel_loop3A_1348 : vector<16xf32>
      %parallel_loop3A_1350 = arith.addf %parallel_loop3A_1349, %parallel_loop3A_1349 : vector<16xf32>
      %parallel_loop3A_1351 = math.exp %parallel_loop3A_1350 : vector<16xf32>
      %parallel_loop3A_1352 = arith.constant 1.000000e+00 : f32
      %parallel_loop3A_1353 = vector.broadcast %parallel_loop3A_1352 : f32 to vector<16xf32>
      %parallel_loop3A_1354 = arith.addf %parallel_loop3A_1353, %parallel_loop3A_1351 : vector<16xf32>
      %parallel_loop3A_1355 = arith.constant 2.000000e+00 : f32
      %parallel_loop3A_1356 = vector.broadcast %parallel_loop3A_1355 : f32 to vector<16xf32>
      %parallel_loop3A_1357 = arith.divf %parallel_loop3A_1356, %parallel_loop3A_1354 : vector<16xf32>
      %parallel_loop3A_1358 = arith.constant 8.000000e+00 : f32
      %parallel_loop3A_1359 = vector.broadcast %parallel_loop3A_1358 : f32 to vector<16xf32>
      %parallel_loop3A_1360 = arith.mulf %parallel_loop3A_1359, %parallel_loop3A_1357 : vector<16xf32>
      %parallel_loop3A_1361 = arith.constant 1.600000e+01 : f32
      %parallel_loop3A_1362 = vector.broadcast %parallel_loop3A_1361 : f32 to vector<16xf32>
      %parallel_loop3A_1363 = arith.subf %parallel_loop3A_1362, %parallel_loop3A_1360 : vector<16xf32>
      %parallel_loop3A_1364 = arith.constant 0x4B000000 : f32
      %parallel_loop3A_1365 = vector.broadcast %parallel_loop3A_1364 : f32 to vector<16xf32>
      %parallel_loop3A_1366 = arith.addf %parallel_loop3A_1363, %parallel_loop3A_1365 : vector<16xf32>
      %parallel_loop3A_1367 = arith.constant 0x4B000000 : f32
      %parallel_loop3A_1368 = vector.broadcast %parallel_loop3A_1367 : f32 to vector<16xf32>
      %parallel_loop3A_1369 = arith.subf %parallel_loop3A_1366, %parallel_loop3A_1368 : vector<16xf32>
      %parallel_loop3A_1370 = arith.constant 1.500000e+01 : f32
      %parallel_loop3A_1371 = vector.broadcast %parallel_loop3A_1370 : f32 to vector<16xf32>
      %parallel_loop3A_1372 = arith.minimumf %parallel_loop3A_1369, %parallel_loop3A_1371 : vector<16xf32>
      %parallel_loop3A_1373 = arith.fptosi %parallel_loop3A_1372 : vector<16xf32> to vector<16xi32>
      %parallel_loop3A_1374 = vector.shape_cast %parallel_loop3A_1373 : vector<16xi32> to vector<16x1xi32>
      %parallel_loop3A_1375 = vector.shape_cast %parallel_loop3A_1374 : vector<16x1xi32> to vector<16xi32>
      %parallel_loop3A_1376 = tpu.dynamic_gather %get3A_4[%parallel_loop3A_1375] in [0] : vector<16xf32>, vector<16xi32> -> vector<16xf32>
      %parallel_loop3A_1377 = arith.addf %parallel_loop3A_1349, %parallel_loop3A_1376 : vector<16xf32>
      %parallel_loop3A_1378 = vector.shape_cast %parallel_loop3A_1373 : vector<16xi32> to vector<16x1xi32>
      %parallel_loop3A_1379 = vector.shape_cast %parallel_loop3A_1378 : vector<16x1xi32> to vector<16xi32>
      %parallel_loop3A_1380 = tpu.dynamic_gather %get3A_7[%parallel_loop3A_1379] in [0] : vector<16xf32>, vector<16xi32> -> vector<16xf32>
      %parallel_loop3A_1381 = arith.mulf %parallel_loop3A_1357, %parallel_loop3A_1380 : vector<16xf32>
      %parallel_loop3A_1382 = arith.subf %parallel_loop3A_1377, %parallel_loop3A_1381 : vector<16xf32>
      %parallel_loop3A_1383 = arith.addf %parallel_loop3A_1278, %parallel_loop3A_1382 : vector<16xf32>
      %parallel_loop3A_1384 = arith.constant 13 : i32
      %parallel_loop3A_1385 = arith.index_cast %parallel_loop3A_1384 : i32 to index
      %parallel_loop3A_1386 = arith.index_cast %parallel_loop3A_16 : i32 to index
      %parallel_loop3A_1387 = tpu.vector_load %arg6[%parallel_loop3A_1385, %parallel_loop3A_1386] {strides = array<i32>} : memref<26x512xf32, #tpu.memory_space<vmem>>, vector<1x16xf32>,
      %parallel_loop3A_1388 = vector.shape_cast %parallel_loop3A_1387 : vector<1x16xf32> to vector<16xf32>
      %parallel_loop3A_1389 = arith.addf %parallel_loop3A_1388, %parallel_loop3A_1388 : vector<16xf32>
      %parallel_loop3A_1390 = math.exp %parallel_loop3A_1389 : vector<16xf32>
      %parallel_loop3A_1391 = arith.constant 1.000000e+00 : f32
      %parallel_loop3A_1392 = vector.broadcast %parallel_loop3A_1391 : f32 to vector<16xf32>
      %parallel_loop3A_1393 = arith.addf %parallel_loop3A_1392, %parallel_loop3A_1390 : vector<16xf32>
      %parallel_loop3A_1394 = arith.constant 2.000000e+00 : f32
      %parallel_loop3A_1395 = vector.broadcast %parallel_loop3A_1394 : f32 to vector<16xf32>
      %parallel_loop3A_1396 = arith.divf %parallel_loop3A_1395, %parallel_loop3A_1393 : vector<16xf32>
      %parallel_loop3A_1397 = arith.constant 8.000000e+00 : f32
      %parallel_loop3A_1398 = vector.broadcast %parallel_loop3A_1397 : f32 to vector<16xf32>
      %parallel_loop3A_1399 = arith.mulf %parallel_loop3A_1398, %parallel_loop3A_1396 : vector<16xf32>
      %parallel_loop3A_1400 = arith.constant 1.600000e+01 : f32
      %parallel_loop3A_1401 = vector.broadcast %parallel_loop3A_1400 : f32 to vector<16xf32>
      %parallel_loop3A_1402 = arith.subf %parallel_loop3A_1401, %parallel_loop3A_1399 : vector<16xf32>
      %parallel_loop3A_1403 = arith.constant 0x4B000000 : f32
      %parallel_loop3A_1404 = vector.broadcast %parallel_loop3A_1403 : f32 to vector<16xf32>
      %parallel_loop3A_1405 = arith.addf %parallel_loop3A_1402, %parallel_loop3A_1404 : vector<16xf32>
      %parallel_loop3A_1406 = arith.constant 0x4B000000 : f32
      %parallel_loop3A_1407 = vector.broadcast %parallel_loop3A_1406 : f32 to vector<16xf32>
      %parallel_loop3A_1408 = arith.subf %parallel_loop3A_1405, %parallel_loop3A_1407 : vector<16xf32>
      %parallel_loop3A_1409 = arith.constant 1.500000e+01 : f32
      %parallel_loop3A_1410 = vector.broadcast %parallel_loop3A_1409 : f32 to vector<16xf32>
      %parallel_loop3A_1411 = arith.minimumf %parallel_loop3A_1408, %parallel_loop3A_1410 : vector<16xf32>
      %parallel_loop3A_1412 = arith.fptosi %parallel_loop3A_1411 : vector<16xf32> to vector<16xi32>
      %parallel_loop3A_1413 = vector.shape_cast %parallel_loop3A_1412 : vector<16xi32> to vector<16x1xi32>
      %parallel_loop3A_1414 = vector.shape_cast %parallel_loop3A_1413 : vector<16x1xi32> to vector<16xi32>
      %parallel_loop3A_1415 = tpu.dynamic_gather %get3A_4[%parallel_loop3A_1414] in [0] : vector<16xf32>, vector<16xi32> -> vector<16xf32>
      %parallel_loop3A_1416 = arith.addf %parallel_loop3A_1388, %parallel_loop3A_1415 : vector<16xf32>
      %parallel_loop3A_1417 = vector.shape_cast %parallel_loop3A_1412 : vector<16xi32> to vector<16x1xi32>
      %parallel_loop3A_1418 = vector.shape_cast %parallel_loop3A_1417 : vector<16x1xi32> to vector<16xi32>
      %parallel_loop3A_1419 = tpu.dynamic_gather %get3A_7[%parallel_loop3A_1418] in [0] : vector<16xf32>, vector<16xi32> -> vector<16xf32>
      %parallel_loop3A_1420 = arith.mulf %parallel_loop3A_1396, %parallel_loop3A_1419 : vector<16xf32>
      %parallel_loop3A_1421 = arith.subf %parallel_loop3A_1416, %parallel_loop3A_1420 : vector<16xf32>
      %parallel_loop3A_1422 = arith.addf %parallel_loop3A_1421, %parallel_loop3A_1421 : vector<16xf32>
      %parallel_loop3A_1423 = math.exp %parallel_loop3A_1422 : vector<16xf32>
      %parallel_loop3A_1424 = arith.constant 1.000000e+00 : f32
      %parallel_loop3A_1425 = vector.broadcast %parallel_loop3A_1424 : f32 to vector<16xf32>
      %parallel_loop3A_1426 = arith.addf %parallel_loop3A_1425, %parallel_loop3A_1423 : vector<16xf32>
      %parallel_loop3A_1427 = arith.constant 2.000000e+00 : f32
      %parallel_loop3A_1428 = vector.broadcast %parallel_loop3A_1427 : f32 to vector<16xf32>
      %parallel_loop3A_1429 = arith.divf %parallel_loop3A_1428, %parallel_loop3A_1426 : vector<16xf32>
      %parallel_loop3A_1430 = arith.constant 8.000000e+00 : f32
      %parallel_loop3A_1431 = vector.broadcast %parallel_loop3A_1430 : f32 to vector<16xf32>
      %parallel_loop3A_1432 = arith.mulf %parallel_loop3A_1431, %parallel_loop3A_1429 : vector<16xf32>
      %parallel_loop3A_1433 = arith.constant 1.600000e+01 : f32
      %parallel_loop3A_1434 = vector.broadcast %parallel_loop3A_1433 : f32 to vector<16xf32>
      %parallel_loop3A_1435 = arith.subf %parallel_loop3A_1434, %parallel_loop3A_1432 : vector<16xf32>
      %parallel_loop3A_1436 = arith.constant 0x4B000000 : f32
      %parallel_loop3A_1437 = vector.broadcast %parallel_loop3A_1436 : f32 to vector<16xf32>
      %parallel_loop3A_1438 = arith.addf %parallel_loop3A_1435, %parallel_loop3A_1437 : vector<16xf32>
      %parallel_loop3A_1439 = arith.constant 0x4B000000 : f32
      %parallel_loop3A_1440 = vector.broadcast %parallel_loop3A_1439 : f32 to vector<16xf32>
      %parallel_loop3A_1441 = arith.subf %parallel_loop3A_1438, %parallel_loop3A_1440 : vector<16xf32>
      %parallel_loop3A_1442 = arith.constant 1.500000e+01 : f32
      %parallel_loop3A_1443 = vector.broadcast %parallel_loop3A_1442 : f32 to vector<16xf32>
      %parallel_loop3A_1444 = arith.minimumf %parallel_loop3A_1441, %parallel_loop3A_1443 : vector<16xf32>
      %parallel_loop3A_1445 = arith.fptosi %parallel_loop3A_1444 : vector<16xf32> to vector<16xi32>
      %parallel_loop3A_1446 = vector.shape_cast %parallel_loop3A_1445 : vector<16xi32> to vector<16x1xi32>
      %parallel_loop3A_1447 = vector.shape_cast %parallel_loop3A_1446 : vector<16x1xi32> to vector<16xi32>
      %parallel_loop3A_1448 = tpu.dynamic_gather %get3A_4[%parallel_loop3A_1447] in [0] : vector<16xf32>, vector<16xi32> -> vector<16xf32>
      %parallel_loop3A_1449 = arith.addf %parallel_loop3A_1421, %parallel_loop3A_1448 : vector<16xf32>
      %parallel_loop3A_1450 = vector.shape_cast %parallel_loop3A_1445 : vector<16xi32> to vector<16x1xi32>
      %parallel_loop3A_1451 = vector.shape_cast %parallel_loop3A_1450 : vector<16x1xi32> to vector<16xi32>
      %parallel_loop3A_1452 = tpu.dynamic_gather %get3A_7[%parallel_loop3A_1451] in [0] : vector<16xf32>, vector<16xi32> -> vector<16xf32>
      %parallel_loop3A_1453 = arith.mulf %parallel_loop3A_1429, %parallel_loop3A_1452 : vector<16xf32>
      %parallel_loop3A_1454 = arith.subf %parallel_loop3A_1449, %parallel_loop3A_1453 : vector<16xf32>
      %parallel_loop3A_1455 = arith.addf %parallel_loop3A_1454, %parallel_loop3A_1454 : vector<16xf32>
      %parallel_loop3A_1456 = math.exp %parallel_loop3A_1455 : vector<16xf32>
      %parallel_loop3A_1457 = arith.constant 1.000000e+00 : f32
      %parallel_loop3A_1458 = vector.broadcast %parallel_loop3A_1457 : f32 to vector<16xf32>
      %parallel_loop3A_1459 = arith.addf %parallel_loop3A_1458, %parallel_loop3A_1456 : vector<16xf32>
      %parallel_loop3A_1460 = arith.constant 2.000000e+00 : f32
      %parallel_loop3A_1461 = vector.broadcast %parallel_loop3A_1460 : f32 to vector<16xf32>
      %parallel_loop3A_1462 = arith.divf %parallel_loop3A_1461, %parallel_loop3A_1459 : vector<16xf32>
      %parallel_loop3A_1463 = arith.constant 8.000000e+00 : f32
      %parallel_loop3A_1464 = vector.broadcast %parallel_loop3A_1463 : f32 to vector<16xf32>
      %parallel_loop3A_1465 = arith.mulf %parallel_loop3A_1464, %parallel_loop3A_1462 : vector<16xf32>
      %parallel_loop3A_1466 = arith.constant 1.600000e+01 : f32
      %parallel_loop3A_1467 = vector.broadcast %parallel_loop3A_1466 : f32 to vector<16xf32>
      %parallel_loop3A_1468 = arith.subf %parallel_loop3A_1467, %parallel_loop3A_1465 : vector<16xf32>
      %parallel_loop3A_1469 = arith.constant 0x4B000000 : f32
      %parallel_loop3A_1470 = vector.broadcast %parallel_loop3A_1469 : f32 to vector<16xf32>
      %parallel_loop3A_1471 = arith.addf %parallel_loop3A_1468, %parallel_loop3A_1470 : vector<16xf32>
      %parallel_loop3A_1472 = arith.constant 0x4B000000 : f32
      %parallel_loop3A_1473 = vector.broadcast %parallel_loop3A_1472 : f32 to vector<16xf32>
      %parallel_loop3A_1474 = arith.subf %parallel_loop3A_1471, %parallel_loop3A_1473 : vector<16xf32>
      %parallel_loop3A_1475 = arith.constant 1.500000e+01 : f32
      %parallel_loop3A_1476 = vector.broadcast %parallel_loop3A_1475 : f32 to vector<16xf32>
      %parallel_loop3A_1477 = arith.minimumf %parallel_loop3A_1474, %parallel_loop3A_1476 : vector<16xf32>
      %parallel_loop3A_1478 = arith.fptosi %parallel_loop3A_1477 : vector<16xf32> to vector<16xi32>
      %parallel_loop3A_1479 = vector.shape_cast %parallel_loop3A_1478 : vector<16xi32> to vector<16x1xi32>
      %parallel_loop3A_1480 = vector.shape_cast %parallel_loop3A_1479 : vector<16x1xi32> to vector<16xi32>
      %parallel_loop3A_1481 = tpu.dynamic_gather %get3A_4[%parallel_loop3A_1480] in [0] : vector<16xf32>, vector<16xi32> -> vector<16xf32>
      %parallel_loop3A_1482 = arith.addf %parallel_loop3A_1454, %parallel_loop3A_1481 : vector<16xf32>
      %parallel_loop3A_1483 = vector.shape_cast %parallel_loop3A_1478 : vector<16xi32> to vector<16x1xi32>
      %parallel_loop3A_1484 = vector.shape_cast %parallel_loop3A_1483 : vector<16x1xi32> to vector<16xi32>
      %parallel_loop3A_1485 = tpu.dynamic_gather %get3A_7[%parallel_loop3A_1484] in [0] : vector<16xf32>, vector<16xi32> -> vector<16xf32>
      %parallel_loop3A_1486 = arith.mulf %parallel_loop3A_1462, %parallel_loop3A_1485 : vector<16xf32>
      %parallel_loop3A_1487 = arith.subf %parallel_loop3A_1482, %parallel_loop3A_1486 : vector<16xf32>
      %parallel_loop3A_1488 = arith.addf %parallel_loop3A_1383, %parallel_loop3A_1487 : vector<16xf32>
      %parallel_loop3A_1489 = arith.constant 14 : i32
      %parallel_loop3A_1490 = arith.index_cast %parallel_loop3A_1489 : i32 to index
      %parallel_loop3A_1491 = arith.index_cast %parallel_loop3A_16 : i32 to index
      %parallel_loop3A_1492 = tpu.vector_load %arg6[%parallel_loop3A_1490, %parallel_loop3A_1491] {strides = array<i32>} : memref<26x512xf32, #tpu.memory_space<vmem>>, vector<1x16xf32>,
      %parallel_loop3A_1493 = vector.shape_cast %parallel_loop3A_1492 : vector<1x16xf32> to vector<16xf32>
      %parallel_loop3A_1494 = arith.addf %parallel_loop3A_1493, %parallel_loop3A_1493 : vector<16xf32>
      %parallel_loop3A_1495 = math.exp %parallel_loop3A_1494 : vector<16xf32>
      %parallel_loop3A_1496 = arith.constant 1.000000e+00 : f32
      %parallel_loop3A_1497 = vector.broadcast %parallel_loop3A_1496 : f32 to vector<16xf32>
      %parallel_loop3A_1498 = arith.addf %parallel_loop3A_1497, %parallel_loop3A_1495 : vector<16xf32>
      %parallel_loop3A_1499 = arith.constant 2.000000e+00 : f32
      %parallel_loop3A_1500 = vector.broadcast %parallel_loop3A_1499 : f32 to vector<16xf32>
      %parallel_loop3A_1501 = arith.divf %parallel_loop3A_1500, %parallel_loop3A_1498 : vector<16xf32>
      %parallel_loop3A_1502 = arith.constant 8.000000e+00 : f32
      %parallel_loop3A_1503 = vector.broadcast %parallel_loop3A_1502 : f32 to vector<16xf32>
      %parallel_loop3A_1504 = arith.mulf %parallel_loop3A_1503, %parallel_loop3A_1501 : vector<16xf32>
      %parallel_loop3A_1505 = arith.constant 1.600000e+01 : f32
      %parallel_loop3A_1506 = vector.broadcast %parallel_loop3A_1505 : f32 to vector<16xf32>
      %parallel_loop3A_1507 = arith.subf %parallel_loop3A_1506, %parallel_loop3A_1504 : vector<16xf32>
      %parallel_loop3A_1508 = arith.constant 0x4B000000 : f32
      %parallel_loop3A_1509 = vector.broadcast %parallel_loop3A_1508 : f32 to vector<16xf32>
      %parallel_loop3A_1510 = arith.addf %parallel_loop3A_1507, %parallel_loop3A_1509 : vector<16xf32>
      %parallel_loop3A_1511 = arith.constant 0x4B000000 : f32
      %parallel_loop3A_1512 = vector.broadcast %parallel_loop3A_1511 : f32 to vector<16xf32>
      %parallel_loop3A_1513 = arith.subf %parallel_loop3A_1510, %parallel_loop3A_1512 : vector<16xf32>
      %parallel_loop3A_1514 = arith.constant 1.500000e+01 : f32
      %parallel_loop3A_1515 = vector.broadcast %parallel_loop3A_1514 : f32 to vector<16xf32>
      %parallel_loop3A_1516 = arith.minimumf %parallel_loop3A_1513, %parallel_loop3A_1515 : vector<16xf32>
      %parallel_loop3A_1517 = arith.fptosi %parallel_loop3A_1516 : vector<16xf32> to vector<16xi32>
      %parallel_loop3A_1518 = vector.shape_cast %parallel_loop3A_1517 : vector<16xi32> to vector<16x1xi32>
      %parallel_loop3A_1519 = vector.shape_cast %parallel_loop3A_1518 : vector<16x1xi32> to vector<16xi32>
      %parallel_loop3A_1520 = tpu.dynamic_gather %get3A_4[%parallel_loop3A_1519] in [0] : vector<16xf32>, vector<16xi32> -> vector<16xf32>
      %parallel_loop3A_1521 = arith.addf %parallel_loop3A_1493, %parallel_loop3A_1520 : vector<16xf32>
      %parallel_loop3A_1522 = vector.shape_cast %parallel_loop3A_1517 : vector<16xi32> to vector<16x1xi32>
      %parallel_loop3A_1523 = vector.shape_cast %parallel_loop3A_1522 : vector<16x1xi32> to vector<16xi32>
      %parallel_loop3A_1524 = tpu.dynamic_gather %get3A_7[%parallel_loop3A_1523] in [0] : vector<16xf32>, vector<16xi32> -> vector<16xf32>
      %parallel_loop3A_1525 = arith.mulf %parallel_loop3A_1501, %parallel_loop3A_1524 : vector<16xf32>
      %parallel_loop3A_1526 = arith.subf %parallel_loop3A_1521, %parallel_loop3A_1525 : vector<16xf32>
      %parallel_loop3A_1527 = arith.addf %parallel_loop3A_1526, %parallel_loop3A_1526 : vector<16xf32>
      %parallel_loop3A_1528 = math.exp %parallel_loop3A_1527 : vector<16xf32>
      %parallel_loop3A_1529 = arith.constant 1.000000e+00 : f32
      %parallel_loop3A_1530 = vector.broadcast %parallel_loop3A_1529 : f32 to vector<16xf32>
      %parallel_loop3A_1531 = arith.addf %parallel_loop3A_1530, %parallel_loop3A_1528 : vector<16xf32>
      %parallel_loop3A_1532 = arith.constant 2.000000e+00 : f32
      %parallel_loop3A_1533 = vector.broadcast %parallel_loop3A_1532 : f32 to vector<16xf32>
      %parallel_loop3A_1534 = arith.divf %parallel_loop3A_1533, %parallel_loop3A_1531 : vector<16xf32>
      %parallel_loop3A_1535 = arith.constant 8.000000e+00 : f32
      %parallel_loop3A_1536 = vector.broadcast %parallel_loop3A_1535 : f32 to vector<16xf32>
      %parallel_loop3A_1537 = arith.mulf %parallel_loop3A_1536, %parallel_loop3A_1534 : vector<16xf32>
      %parallel_loop3A_1538 = arith.constant 1.600000e+01 : f32
      %parallel_loop3A_1539 = vector.broadcast %parallel_loop3A_1538 : f32 to vector<16xf32>
      %parallel_loop3A_1540 = arith.subf %parallel_loop3A_1539, %parallel_loop3A_1537 : vector<16xf32>
      %parallel_loop3A_1541 = arith.constant 0x4B000000 : f32
      %parallel_loop3A_1542 = vector.broadcast %parallel_loop3A_1541 : f32 to vector<16xf32>
      %parallel_loop3A_1543 = arith.addf %parallel_loop3A_1540, %parallel_loop3A_1542 : vector<16xf32>
      %parallel_loop3A_1544 = arith.constant 0x4B000000 : f32
      %parallel_loop3A_1545 = vector.broadcast %parallel_loop3A_1544 : f32 to vector<16xf32>
      %parallel_loop3A_1546 = arith.subf %parallel_loop3A_1543, %parallel_loop3A_1545 : vector<16xf32>
      %parallel_loop3A_1547 = arith.constant 1.500000e+01 : f32
      %parallel_loop3A_1548 = vector.broadcast %parallel_loop3A_1547 : f32 to vector<16xf32>
      %parallel_loop3A_1549 = arith.minimumf %parallel_loop3A_1546, %parallel_loop3A_1548 : vector<16xf32>
      %parallel_loop3A_1550 = arith.fptosi %parallel_loop3A_1549 : vector<16xf32> to vector<16xi32>
      %parallel_loop3A_1551 = vector.shape_cast %parallel_loop3A_1550 : vector<16xi32> to vector<16x1xi32>
      %parallel_loop3A_1552 = vector.shape_cast %parallel_loop3A_1551 : vector<16x1xi32> to vector<16xi32>
      %parallel_loop3A_1553 = tpu.dynamic_gather %get3A_4[%parallel_loop3A_1552] in [0] : vector<16xf32>, vector<16xi32> -> vector<16xf32>
      %parallel_loop3A_1554 = arith.addf %parallel_loop3A_1526, %parallel_loop3A_1553 : vector<16xf32>
      %parallel_loop3A_1555 = vector.shape_cast %parallel_loop3A_1550 : vector<16xi32> to vector<16x1xi32>
      %parallel_loop3A_1556 = vector.shape_cast %parallel_loop3A_1555 : vector<16x1xi32> to vector<16xi32>
      %parallel_loop3A_1557 = tpu.dynamic_gather %get3A_7[%parallel_loop3A_1556] in [0] : vector<16xf32>, vector<16xi32> -> vector<16xf32>
      %parallel_loop3A_1558 = arith.mulf %parallel_loop3A_1534, %parallel_loop3A_1557 : vector<16xf32>
      %parallel_loop3A_1559 = arith.subf %parallel_loop3A_1554, %parallel_loop3A_1558 : vector<16xf32>
      %parallel_loop3A_1560 = arith.addf %parallel_loop3A_1559, %parallel_loop3A_1559 : vector<16xf32>
      %parallel_loop3A_1561 = math.exp %parallel_loop3A_1560 : vector<16xf32>
      %parallel_loop3A_1562 = arith.constant 1.000000e+00 : f32
      %parallel_loop3A_1563 = vector.broadcast %parallel_loop3A_1562 : f32 to vector<16xf32>
      %parallel_loop3A_1564 = arith.addf %parallel_loop3A_1563, %parallel_loop3A_1561 : vector<16xf32>
      %parallel_loop3A_1565 = arith.constant 2.000000e+00 : f32
      %parallel_loop3A_1566 = vector.broadcast %parallel_loop3A_1565 : f32 to vector<16xf32>
      %parallel_loop3A_1567 = arith.divf %parallel_loop3A_1566, %parallel_loop3A_1564 : vector<16xf32>
      %parallel_loop3A_1568 = arith.constant 8.000000e+00 : f32
      %parallel_loop3A_1569 = vector.broadcast %parallel_loop3A_1568 : f32 to vector<16xf32>
      %parallel_loop3A_1570 = arith.mulf %parallel_loop3A_1569, %parallel_loop3A_1567 : vector<16xf32>
      %parallel_loop3A_1571 = arith.constant 1.600000e+01 : f32
      %parallel_loop3A_1572 = vector.broadcast %parallel_loop3A_1571 : f32 to vector<16xf32>
      %parallel_loop3A_1573 = arith.subf %parallel_loop3A_1572, %parallel_loop3A_1570 : vector<16xf32>
      %parallel_loop3A_1574 = arith.constant 0x4B000000 : f32
      %parallel_loop3A_1575 = vector.broadcast %parallel_loop3A_1574 : f32 to vector<16xf32>
      %parallel_loop3A_1576 = arith.addf %parallel_loop3A_1573, %parallel_loop3A_1575 : vector<16xf32>
      %parallel_loop3A_1577 = arith.constant 0x4B000000 : f32
      %parallel_loop3A_1578 = vector.broadcast %parallel_loop3A_1577 : f32 to vector<16xf32>
      %parallel_loop3A_1579 = arith.subf %parallel_loop3A_1576, %parallel_loop3A_1578 : vector<16xf32>
      %parallel_loop3A_1580 = arith.constant 1.500000e+01 : f32
      %parallel_loop3A_1581 = vector.broadcast %parallel_loop3A_1580 : f32 to vector<16xf32>
      %parallel_loop3A_1582 = arith.minimumf %parallel_loop3A_1579, %parallel_loop3A_1581 : vector<16xf32>
      %parallel_loop3A_1583 = arith.fptosi %parallel_loop3A_1582 : vector<16xf32> to vector<16xi32>
      %parallel_loop3A_1584 = vector.shape_cast %parallel_loop3A_1583 : vector<16xi32> to vector<16x1xi32>
      %parallel_loop3A_1585 = vector.shape_cast %parallel_loop3A_1584 : vector<16x1xi32> to vector<16xi32>
      %parallel_loop3A_1586 = tpu.dynamic_gather %get3A_4[%parallel_loop3A_1585] in [0] : vector<16xf32>, vector<16xi32> -> vector<16xf32>
      %parallel_loop3A_1587 = arith.addf %parallel_loop3A_1559, %parallel_loop3A_1586 : vector<16xf32>
      %parallel_loop3A_1588 = vector.shape_cast %parallel_loop3A_1583 : vector<16xi32> to vector<16x1xi32>
      %parallel_loop3A_1589 = vector.shape_cast %parallel_loop3A_1588 : vector<16x1xi32> to vector<16xi32>
      %parallel_loop3A_1590 = tpu.dynamic_gather %get3A_7[%parallel_loop3A_1589] in [0] : vector<16xf32>, vector<16xi32> -> vector<16xf32>
      %parallel_loop3A_1591 = arith.mulf %parallel_loop3A_1567, %parallel_loop3A_1590 : vector<16xf32>
      %parallel_loop3A_1592 = arith.subf %parallel_loop3A_1587, %parallel_loop3A_1591 : vector<16xf32>
      %parallel_loop3A_1593 = arith.addf %parallel_loop3A_1488, %parallel_loop3A_1592 : vector<16xf32>
      %parallel_loop3A_1594 = arith.constant 15 : i32
      %parallel_loop3A_1595 = arith.index_cast %parallel_loop3A_1594 : i32 to index
      %parallel_loop3A_1596 = arith.index_cast %parallel_loop3A_16 : i32 to index
      %parallel_loop3A_1597 = tpu.vector_load %arg6[%parallel_loop3A_1595, %parallel_loop3A_1596] {strides = array<i32>} : memref<26x512xf32, #tpu.memory_space<vmem>>, vector<1x16xf32>,
      %parallel_loop3A_1598 = vector.shape_cast %parallel_loop3A_1597 : vector<1x16xf32> to vector<16xf32>
      %parallel_loop3A_1599 = arith.addf %parallel_loop3A_1598, %parallel_loop3A_1598 : vector<16xf32>
      %parallel_loop3A_1600 = math.exp %parallel_loop3A_1599 : vector<16xf32>
      %parallel_loop3A_1601 = arith.constant 1.000000e+00 : f32
      %parallel_loop3A_1602 = vector.broadcast %parallel_loop3A_1601 : f32 to vector<16xf32>
      %parallel_loop3A_1603 = arith.addf %parallel_loop3A_1602, %parallel_loop3A_1600 : vector<16xf32>
      %parallel_loop3A_1604 = arith.constant 2.000000e+00 : f32
      %parallel_loop3A_1605 = vector.broadcast %parallel_loop3A_1604 : f32 to vector<16xf32>
      %parallel_loop3A_1606 = arith.divf %parallel_loop3A_1605, %parallel_loop3A_1603 : vector<16xf32>
      %parallel_loop3A_1607 = arith.constant 8.000000e+00 : f32
      %parallel_loop3A_1608 = vector.broadcast %parallel_loop3A_1607 : f32 to vector<16xf32>
      %parallel_loop3A_1609 = arith.mulf %parallel_loop3A_1608, %parallel_loop3A_1606 : vector<16xf32>
      %parallel_loop3A_1610 = arith.constant 1.600000e+01 : f32
      %parallel_loop3A_1611 = vector.broadcast %parallel_loop3A_1610 : f32 to vector<16xf32>
      %parallel_loop3A_1612 = arith.subf %parallel_loop3A_1611, %parallel_loop3A_1609 : vector<16xf32>
      %parallel_loop3A_1613 = arith.constant 0x4B000000 : f32
      %parallel_loop3A_1614 = vector.broadcast %parallel_loop3A_1613 : f32 to vector<16xf32>
      %parallel_loop3A_1615 = arith.addf %parallel_loop3A_1612, %parallel_loop3A_1614 : vector<16xf32>
      %parallel_loop3A_1616 = arith.constant 0x4B000000 : f32
      %parallel_loop3A_1617 = vector.broadcast %parallel_loop3A_1616 : f32 to vector<16xf32>
      %parallel_loop3A_1618 = arith.subf %parallel_loop3A_1615, %parallel_loop3A_1617 : vector<16xf32>
      %parallel_loop3A_1619 = arith.constant 1.500000e+01 : f32
      %parallel_loop3A_1620 = vector.broadcast %parallel_loop3A_1619 : f32 to vector<16xf32>
      %parallel_loop3A_1621 = arith.minimumf %parallel_loop3A_1618, %parallel_loop3A_1620 : vector<16xf32>
      %parallel_loop3A_1622 = arith.fptosi %parallel_loop3A_1621 : vector<16xf32> to vector<16xi32>
      %parallel_loop3A_1623 = vector.shape_cast %parallel_loop3A_1622 : vector<16xi32> to vector<16x1xi32>
      %parallel_loop3A_1624 = vector.shape_cast %parallel_loop3A_1623 : vector<16x1xi32> to vector<16xi32>
      %parallel_loop3A_1625 = tpu.dynamic_gather %get3A_4[%parallel_loop3A_1624] in [0] : vector<16xf32>, vector<16xi32> -> vector<16xf32>
      %parallel_loop3A_1626 = arith.addf %parallel_loop3A_1598, %parallel_loop3A_1625 : vector<16xf32>
      %parallel_loop3A_1627 = vector.shape_cast %parallel_loop3A_1622 : vector<16xi32> to vector<16x1xi32>
      %parallel_loop3A_1628 = vector.shape_cast %parallel_loop3A_1627 : vector<16x1xi32> to vector<16xi32>
      %parallel_loop3A_1629 = tpu.dynamic_gather %get3A_7[%parallel_loop3A_1628] in [0] : vector<16xf32>, vector<16xi32> -> vector<16xf32>
      %parallel_loop3A_1630 = arith.mulf %parallel_loop3A_1606, %parallel_loop3A_1629 : vector<16xf32>
      %parallel_loop3A_1631 = arith.subf %parallel_loop3A_1626, %parallel_loop3A_1630 : vector<16xf32>
      %parallel_loop3A_1632 = arith.addf %parallel_loop3A_1631, %parallel_loop3A_1631 : vector<16xf32>
      %parallel_loop3A_1633 = math.exp %parallel_loop3A_1632 : vector<16xf32>
      %parallel_loop3A_1634 = arith.constant 1.000000e+00 : f32
      %parallel_loop3A_1635 = vector.broadcast %parallel_loop3A_1634 : f32 to vector<16xf32>
      %parallel_loop3A_1636 = arith.addf %parallel_loop3A_1635, %parallel_loop3A_1633 : vector<16xf32>
      %parallel_loop3A_1637 = arith.constant 2.000000e+00 : f32
      %parallel_loop3A_1638 = vector.broadcast %parallel_loop3A_1637 : f32 to vector<16xf32>
      %parallel_loop3A_1639 = arith.divf %parallel_loop3A_1638, %parallel_loop3A_1636 : vector<16xf32>
      %parallel_loop3A_1640 = arith.constant 8.000000e+00 : f32
      %parallel_loop3A_1641 = vector.broadcast %parallel_loop3A_1640 : f32 to vector<16xf32>
      %parallel_loop3A_1642 = arith.mulf %parallel_loop3A_1641, %parallel_loop3A_1639 : vector<16xf32>
      %parallel_loop3A_1643 = arith.constant 1.600000e+01 : f32
      %parallel_loop3A_1644 = vector.broadcast %parallel_loop3A_1643 : f32 to vector<16xf32>
      %parallel_loop3A_1645 = arith.subf %parallel_loop3A_1644, %parallel_loop3A_1642 : vector<16xf32>
      %parallel_loop3A_1646 = arith.constant 0x4B000000 : f32
      %parallel_loop3A_1647 = vector.broadcast %parallel_loop3A_1646 : f32 to vector<16xf32>
      %parallel_loop3A_1648 = arith.addf %parallel_loop3A_1645, %parallel_loop3A_1647 : vector<16xf32>
      %parallel_loop3A_1649 = arith.constant 0x4B000000 : f32
      %parallel_loop3A_1650 = vector.broadcast %parallel_loop3A_1649 : f32 to vector<16xf32>
      %parallel_loop3A_1651 = arith.subf %parallel_loop3A_1648, %parallel_loop3A_1650 : vector<16xf32>
      %parallel_loop3A_1652 = arith.constant 1.500000e+01 : f32
      %parallel_loop3A_1653 = vector.broadcast %parallel_loop3A_1652 : f32 to vector<16xf32>
      %parallel_loop3A_1654 = arith.minimumf %parallel_loop3A_1651, %parallel_loop3A_1653 : vector<16xf32>
      %parallel_loop3A_1655 = arith.fptosi %parallel_loop3A_1654 : vector<16xf32> to vector<16xi32>
      %parallel_loop3A_1656 = vector.shape_cast %parallel_loop3A_1655 : vector<16xi32> to vector<16x1xi32>
      %parallel_loop3A_1657 = vector.shape_cast %parallel_loop3A_1656 : vector<16x1xi32> to vector<16xi32>
      %parallel_loop3A_1658 = tpu.dynamic_gather %get3A_4[%parallel_loop3A_1657] in [0] : vector<16xf32>, vector<16xi32> -> vector<16xf32>
      %parallel_loop3A_1659 = arith.addf %parallel_loop3A_1631, %parallel_loop3A_1658 : vector<16xf32>
      %parallel_loop3A_1660 = vector.shape_cast %parallel_loop3A_1655 : vector<16xi32> to vector<16x1xi32>
      %parallel_loop3A_1661 = vector.shape_cast %parallel_loop3A_1660 : vector<16x1xi32> to vector<16xi32>
      %parallel_loop3A_1662 = tpu.dynamic_gather %get3A_7[%parallel_loop3A_1661] in [0] : vector<16xf32>, vector<16xi32> -> vector<16xf32>
      %parallel_loop3A_1663 = arith.mulf %parallel_loop3A_1639, %parallel_loop3A_1662 : vector<16xf32>
      %parallel_loop3A_1664 = arith.subf %parallel_loop3A_1659, %parallel_loop3A_1663 : vector<16xf32>
      %parallel_loop3A_1665 = arith.addf %parallel_loop3A_1664, %parallel_loop3A_1664 : vector<16xf32>
      %parallel_loop3A_1666 = math.exp %parallel_loop3A_1665 : vector<16xf32>
      %parallel_loop3A_1667 = arith.constant 1.000000e+00 : f32
      %parallel_loop3A_1668 = vector.broadcast %parallel_loop3A_1667 : f32 to vector<16xf32>
      %parallel_loop3A_1669 = arith.addf %parallel_loop3A_1668, %parallel_loop3A_1666 : vector<16xf32>
      %parallel_loop3A_1670 = arith.constant 2.000000e+00 : f32
      %parallel_loop3A_1671 = vector.broadcast %parallel_loop3A_1670 : f32 to vector<16xf32>
      %parallel_loop3A_1672 = arith.divf %parallel_loop3A_1671, %parallel_loop3A_1669 : vector<16xf32>
      %parallel_loop3A_1673 = arith.constant 8.000000e+00 : f32
      %parallel_loop3A_1674 = vector.broadcast %parallel_loop3A_1673 : f32 to vector<16xf32>
      %parallel_loop3A_1675 = arith.mulf %parallel_loop3A_1674, %parallel_loop3A_1672 : vector<16xf32>
      %parallel_loop3A_1676 = arith.constant 1.600000e+01 : f32
      %parallel_loop3A_1677 = vector.broadcast %parallel_loop3A_1676 : f32 to vector<16xf32>
      %parallel_loop3A_1678 = arith.subf %parallel_loop3A_1677, %parallel_loop3A_1675 : vector<16xf32>
      %parallel_loop3A_1679 = arith.constant 0x4B000000 : f32
      %parallel_loop3A_1680 = vector.broadcast %parallel_loop3A_1679 : f32 to vector<16xf32>
      %parallel_loop3A_1681 = arith.addf %parallel_loop3A_1678, %parallel_loop3A_1680 : vector<16xf32>
      %parallel_loop3A_1682 = arith.constant 0x4B000000 : f32
      %parallel_loop3A_1683 = vector.broadcast %parallel_loop3A_1682 : f32 to vector<16xf32>
      %parallel_loop3A_1684 = arith.subf %parallel_loop3A_1681, %parallel_loop3A_1683 : vector<16xf32>
      %parallel_loop3A_1685 = arith.constant 1.500000e+01 : f32
      %parallel_loop3A_1686 = vector.broadcast %parallel_loop3A_1685 : f32 to vector<16xf32>
      %parallel_loop3A_1687 = arith.minimumf %parallel_loop3A_1684, %parallel_loop3A_1686 : vector<16xf32>
      %parallel_loop3A_1688 = arith.fptosi %parallel_loop3A_1687 : vector<16xf32> to vector<16xi32>
      %parallel_loop3A_1689 = vector.shape_cast %parallel_loop3A_1688 : vector<16xi32> to vector<16x1xi32>
      %parallel_loop3A_1690 = vector.shape_cast %parallel_loop3A_1689 : vector<16x1xi32> to vector<16xi32>
      %parallel_loop3A_1691 = tpu.dynamic_gather %get3A_4[%parallel_loop3A_1690] in [0] : vector<16xf32>, vector<16xi32> -> vector<16xf32>
      %parallel_loop3A_1692 = arith.addf %parallel_loop3A_1664, %parallel_loop3A_1691 : vector<16xf32>
      %parallel_loop3A_1693 = vector.shape_cast %parallel_loop3A_1688 : vector<16xi32> to vector<16x1xi32>
      %parallel_loop3A_1694 = vector.shape_cast %parallel_loop3A_1693 : vector<16x1xi32> to vector<16xi32>
      %parallel_loop3A_1695 = tpu.dynamic_gather %get3A_7[%parallel_loop3A_1694] in [0] : vector<16xf32>, vector<16xi32> -> vector<16xf32>
      %parallel_loop3A_1696 = arith.mulf %parallel_loop3A_1672, %parallel_loop3A_1695 : vector<16xf32>
      %parallel_loop3A_1697 = arith.subf %parallel_loop3A_1692, %parallel_loop3A_1696 : vector<16xf32>
      %parallel_loop3A_1698 = arith.addf %parallel_loop3A_1593, %parallel_loop3A_1697 : vector<16xf32>
      %parallel_loop3A_1699 = arith.constant 16 : i32
      %parallel_loop3A_1700 = arith.index_cast %parallel_loop3A_1699 : i32 to index
      %parallel_loop3A_1701 = arith.index_cast %parallel_loop3A_16 : i32 to index
      %parallel_loop3A_1702 = tpu.vector_load %arg6[%parallel_loop3A_1700, %parallel_loop3A_1701] {strides = array<i32>} : memref<26x512xf32, #tpu.memory_space<vmem>>, vector<1x16xf32>,
      %parallel_loop3A_1703 = vector.shape_cast %parallel_loop3A_1702 : vector<1x16xf32> to vector<16xf32>
      %parallel_loop3A_1704 = arith.addf %parallel_loop3A_1703, %parallel_loop3A_1703 : vector<16xf32>
      %parallel_loop3A_1705 = math.exp %parallel_loop3A_1704 : vector<16xf32>
      %parallel_loop3A_1706 = arith.constant 1.000000e+00 : f32
      %parallel_loop3A_1707 = vector.broadcast %parallel_loop3A_1706 : f32 to vector<16xf32>
      %parallel_loop3A_1708 = arith.addf %parallel_loop3A_1707, %parallel_loop3A_1705 : vector<16xf32>
      %parallel_loop3A_1709 = arith.constant 2.000000e+00 : f32
      %parallel_loop3A_1710 = vector.broadcast %parallel_loop3A_1709 : f32 to vector<16xf32>
      %parallel_loop3A_1711 = arith.divf %parallel_loop3A_1710, %parallel_loop3A_1708 : vector<16xf32>
      %parallel_loop3A_1712 = arith.constant 8.000000e+00 : f32
      %parallel_loop3A_1713 = vector.broadcast %parallel_loop3A_1712 : f32 to vector<16xf32>
      %parallel_loop3A_1714 = arith.mulf %parallel_loop3A_1713, %parallel_loop3A_1711 : vector<16xf32>
      %parallel_loop3A_1715 = arith.constant 1.600000e+01 : f32
      %parallel_loop3A_1716 = vector.broadcast %parallel_loop3A_1715 : f32 to vector<16xf32>
      %parallel_loop3A_1717 = arith.subf %parallel_loop3A_1716, %parallel_loop3A_1714 : vector<16xf32>
      %parallel_loop3A_1718 = arith.constant 0x4B000000 : f32
      %parallel_loop3A_1719 = vector.broadcast %parallel_loop3A_1718 : f32 to vector<16xf32>
      %parallel_loop3A_1720 = arith.addf %parallel_loop3A_1717, %parallel_loop3A_1719 : vector<16xf32>
      %parallel_loop3A_1721 = arith.constant 0x4B000000 : f32
      %parallel_loop3A_1722 = vector.broadcast %parallel_loop3A_1721 : f32 to vector<16xf32>
      %parallel_loop3A_1723 = arith.subf %parallel_loop3A_1720, %parallel_loop3A_1722 : vector<16xf32>
      %parallel_loop3A_1724 = arith.constant 1.500000e+01 : f32
      %parallel_loop3A_1725 = vector.broadcast %parallel_loop3A_1724 : f32 to vector<16xf32>
      %parallel_loop3A_1726 = arith.minimumf %parallel_loop3A_1723, %parallel_loop3A_1725 : vector<16xf32>
      %parallel_loop3A_1727 = arith.fptosi %parallel_loop3A_1726 : vector<16xf32> to vector<16xi32>
      %parallel_loop3A_1728 = vector.shape_cast %parallel_loop3A_1727 : vector<16xi32> to vector<16x1xi32>
      %parallel_loop3A_1729 = vector.shape_cast %parallel_loop3A_1728 : vector<16x1xi32> to vector<16xi32>
      %parallel_loop3A_1730 = tpu.dynamic_gather %get3A_4[%parallel_loop3A_1729] in [0] : vector<16xf32>, vector<16xi32> -> vector<16xf32>
      %parallel_loop3A_1731 = arith.addf %parallel_loop3A_1703, %parallel_loop3A_1730 : vector<16xf32>
      %parallel_loop3A_1732 = vector.shape_cast %parallel_loop3A_1727 : vector<16xi32> to vector<16x1xi32>
      %parallel_loop3A_1733 = vector.shape_cast %parallel_loop3A_1732 : vector<16x1xi32> to vector<16xi32>
      %parallel_loop3A_1734 = tpu.dynamic_gather %get3A_7[%parallel_loop3A_1733] in [0] : vector<16xf32>, vector<16xi32> -> vector<16xf32>
      %parallel_loop3A_1735 = arith.mulf %parallel_loop3A_1711, %parallel_loop3A_1734 : vector<16xf32>
      %parallel_loop3A_1736 = arith.subf %parallel_loop3A_1731, %parallel_loop3A_1735 : vector<16xf32>
      %parallel_loop3A_1737 = arith.addf %parallel_loop3A_1736, %parallel_loop3A_1736 : vector<16xf32>
      %parallel_loop3A_1738 = math.exp %parallel_loop3A_1737 : vector<16xf32>
      %parallel_loop3A_1739 = arith.constant 1.000000e+00 : f32
      %parallel_loop3A_1740 = vector.broadcast %parallel_loop3A_1739 : f32 to vector<16xf32>
      %parallel_loop3A_1741 = arith.addf %parallel_loop3A_1740, %parallel_loop3A_1738 : vector<16xf32>
      %parallel_loop3A_1742 = arith.constant 2.000000e+00 : f32
      %parallel_loop3A_1743 = vector.broadcast %parallel_loop3A_1742 : f32 to vector<16xf32>
      %parallel_loop3A_1744 = arith.divf %parallel_loop3A_1743, %parallel_loop3A_1741 : vector<16xf32>
      %parallel_loop3A_1745 = arith.constant 8.000000e+00 : f32
      %parallel_loop3A_1746 = vector.broadcast %parallel_loop3A_1745 : f32 to vector<16xf32>
      %parallel_loop3A_1747 = arith.mulf %parallel_loop3A_1746, %parallel_loop3A_1744 : vector<16xf32>
      %parallel_loop3A_1748 = arith.constant 1.600000e+01 : f32
      %parallel_loop3A_1749 = vector.broadcast %parallel_loop3A_1748 : f32 to vector<16xf32>
      %parallel_loop3A_1750 = arith.subf %parallel_loop3A_1749, %parallel_loop3A_1747 : vector<16xf32>
      %parallel_loop3A_1751 = arith.constant 0x4B000000 : f32
      %parallel_loop3A_1752 = vector.broadcast %parallel_loop3A_1751 : f32 to vector<16xf32>
      %parallel_loop3A_1753 = arith.addf %parallel_loop3A_1750, %parallel_loop3A_1752 : vector<16xf32>
      %parallel_loop3A_1754 = arith.constant 0x4B000000 : f32
      %parallel_loop3A_1755 = vector.broadcast %parallel_loop3A_1754 : f32 to vector<16xf32>
      %parallel_loop3A_1756 = arith.subf %parallel_loop3A_1753, %parallel_loop3A_1755 : vector<16xf32>
      %parallel_loop3A_1757 = arith.constant 1.500000e+01 : f32
      %parallel_loop3A_1758 = vector.broadcast %parallel_loop3A_1757 : f32 to vector<16xf32>
      %parallel_loop3A_1759 = arith.minimumf %parallel_loop3A_1756, %parallel_loop3A_1758 : vector<16xf32>
      %parallel_loop3A_1760 = arith.fptosi %parallel_loop3A_1759 : vector<16xf32> to vector<16xi32>
      %parallel_loop3A_1761 = vector.shape_cast %parallel_loop3A_1760 : vector<16xi32> to vector<16x1xi32>
      %parallel_loop3A_1762 = vector.shape_cast %parallel_loop3A_1761 : vector<16x1xi32> to vector<16xi32>
      %parallel_loop3A_1763 = tpu.dynamic_gather %get3A_4[%parallel_loop3A_1762] in [0] : vector<16xf32>, vector<16xi32> -> vector<16xf32>
      %parallel_loop3A_1764 = arith.addf %parallel_loop3A_1736, %parallel_loop3A_1763 : vector<16xf32>
      %parallel_loop3A_1765 = vector.shape_cast %parallel_loop3A_1760 : vector<16xi32> to vector<16x1xi32>
      %parallel_loop3A_1766 = vector.shape_cast %parallel_loop3A_1765 : vector<16x1xi32> to vector<16xi32>
      %parallel_loop3A_1767 = tpu.dynamic_gather %get3A_7[%parallel_loop3A_1766] in [0] : vector<16xf32>, vector<16xi32> -> vector<16xf32>
      %parallel_loop3A_1768 = arith.mulf %parallel_loop3A_1744, %parallel_loop3A_1767 : vector<16xf32>
      %parallel_loop3A_1769 = arith.subf %parallel_loop3A_1764, %parallel_loop3A_1768 : vector<16xf32>
      %parallel_loop3A_1770 = arith.addf %parallel_loop3A_1769, %parallel_loop3A_1769 : vector<16xf32>
      %parallel_loop3A_1771 = math.exp %parallel_loop3A_1770 : vector<16xf32>
      %parallel_loop3A_1772 = arith.constant 1.000000e+00 : f32
      %parallel_loop3A_1773 = vector.broadcast %parallel_loop3A_1772 : f32 to vector<16xf32>
      %parallel_loop3A_1774 = arith.addf %parallel_loop3A_1773, %parallel_loop3A_1771 : vector<16xf32>
      %parallel_loop3A_1775 = arith.constant 2.000000e+00 : f32
      %parallel_loop3A_1776 = vector.broadcast %parallel_loop3A_1775 : f32 to vector<16xf32>
      %parallel_loop3A_1777 = arith.divf %parallel_loop3A_1776, %parallel_loop3A_1774 : vector<16xf32>
      %parallel_loop3A_1778 = arith.constant 8.000000e+00 : f32
      %parallel_loop3A_1779 = vector.broadcast %parallel_loop3A_1778 : f32 to vector<16xf32>
      %parallel_loop3A_1780 = arith.mulf %parallel_loop3A_1779, %parallel_loop3A_1777 : vector<16xf32>
      %parallel_loop3A_1781 = arith.constant 1.600000e+01 : f32
      %parallel_loop3A_1782 = vector.broadcast %parallel_loop3A_1781 : f32 to vector<16xf32>
      %parallel_loop3A_1783 = arith.subf %parallel_loop3A_1782, %parallel_loop3A_1780 : vector<16xf32>
      %parallel_loop3A_1784 = arith.constant 0x4B000000 : f32
      %parallel_loop3A_1785 = vector.broadcast %parallel_loop3A_1784 : f32 to vector<16xf32>
      %parallel_loop3A_1786 = arith.addf %parallel_loop3A_1783, %parallel_loop3A_1785 : vector<16xf32>
      %parallel_loop3A_1787 = arith.constant 0x4B000000 : f32
      %parallel_loop3A_1788 = vector.broadcast %parallel_loop3A_1787 : f32 to vector<16xf32>
      %parallel_loop3A_1789 = arith.subf %parallel_loop3A_1786, %parallel_loop3A_1788 : vector<16xf32>
      %parallel_loop3A_1790 = arith.constant 1.500000e+01 : f32
      %parallel_loop3A_1791 = vector.broadcast %parallel_loop3A_1790 : f32 to vector<16xf32>
      %parallel_loop3A_1792 = arith.minimumf %parallel_loop3A_1789, %parallel_loop3A_1791 : vector<16xf32>
      %parallel_loop3A_1793 = arith.fptosi %parallel_loop3A_1792 : vector<16xf32> to vector<16xi32>
      %parallel_loop3A_1794 = vector.shape_cast %parallel_loop3A_1793 : vector<16xi32> to vector<16x1xi32>
      %parallel_loop3A_1795 = vector.shape_cast %parallel_loop3A_1794 : vector<16x1xi32> to vector<16xi32>
      %parallel_loop3A_1796 = tpu.dynamic_gather %get3A_4[%parallel_loop3A_1795] in [0] : vector<16xf32>, vector<16xi32> -> vector<16xf32>
      %parallel_loop3A_1797 = arith.addf %parallel_loop3A_1769, %parallel_loop3A_1796 : vector<16xf32>
      %parallel_loop3A_1798 = vector.shape_cast %parallel_loop3A_1793 : vector<16xi32> to vector<16x1xi32>
      %parallel_loop3A_1799 = vector.shape_cast %parallel_loop3A_1798 : vector<16x1xi32> to vector<16xi32>
      %parallel_loop3A_1800 = tpu.dynamic_gather %get3A_7[%parallel_loop3A_1799] in [0] : vector<16xf32>, vector<16xi32> -> vector<16xf32>
      %parallel_loop3A_1801 = arith.mulf %parallel_loop3A_1777, %parallel_loop3A_1800 : vector<16xf32>
      %parallel_loop3A_1802 = arith.subf %parallel_loop3A_1797, %parallel_loop3A_1801 : vector<16xf32>
      %parallel_loop3A_1803 = arith.addf %parallel_loop3A_1698, %parallel_loop3A_1802 : vector<16xf32>
      %parallel_loop3A_1804 = arith.constant 17 : i32
      %parallel_loop3A_1805 = arith.index_cast %parallel_loop3A_1804 : i32 to index
      %parallel_loop3A_1806 = arith.index_cast %parallel_loop3A_16 : i32 to index
      %parallel_loop3A_1807 = tpu.vector_load %arg6[%parallel_loop3A_1805, %parallel_loop3A_1806] {strides = array<i32>} : memref<26x512xf32, #tpu.memory_space<vmem>>, vector<1x16xf32>,
      %parallel_loop3A_1808 = vector.shape_cast %parallel_loop3A_1807 : vector<1x16xf32> to vector<16xf32>
      %parallel_loop3A_1809 = arith.addf %parallel_loop3A_1808, %parallel_loop3A_1808 : vector<16xf32>
      %parallel_loop3A_1810 = math.exp %parallel_loop3A_1809 : vector<16xf32>
      %parallel_loop3A_1811 = arith.constant 1.000000e+00 : f32
      %parallel_loop3A_1812 = vector.broadcast %parallel_loop3A_1811 : f32 to vector<16xf32>
      %parallel_loop3A_1813 = arith.addf %parallel_loop3A_1812, %parallel_loop3A_1810 : vector<16xf32>
      %parallel_loop3A_1814 = arith.constant 2.000000e+00 : f32
      %parallel_loop3A_1815 = vector.broadcast %parallel_loop3A_1814 : f32 to vector<16xf32>
      %parallel_loop3A_1816 = arith.divf %parallel_loop3A_1815, %parallel_loop3A_1813 : vector<16xf32>
      %parallel_loop3A_1817 = arith.constant 8.000000e+00 : f32
      %parallel_loop3A_1818 = vector.broadcast %parallel_loop3A_1817 : f32 to vector<16xf32>
      %parallel_loop3A_1819 = arith.mulf %parallel_loop3A_1818, %parallel_loop3A_1816 : vector<16xf32>
      %parallel_loop3A_1820 = arith.constant 1.600000e+01 : f32
      %parallel_loop3A_1821 = vector.broadcast %parallel_loop3A_1820 : f32 to vector<16xf32>
      %parallel_loop3A_1822 = arith.subf %parallel_loop3A_1821, %parallel_loop3A_1819 : vector<16xf32>
      %parallel_loop3A_1823 = arith.constant 0x4B000000 : f32
      %parallel_loop3A_1824 = vector.broadcast %parallel_loop3A_1823 : f32 to vector<16xf32>
      %parallel_loop3A_1825 = arith.addf %parallel_loop3A_1822, %parallel_loop3A_1824 : vector<16xf32>
      %parallel_loop3A_1826 = arith.constant 0x4B000000 : f32
      %parallel_loop3A_1827 = vector.broadcast %parallel_loop3A_1826 : f32 to vector<16xf32>
      %parallel_loop3A_1828 = arith.subf %parallel_loop3A_1825, %parallel_loop3A_1827 : vector<16xf32>
      %parallel_loop3A_1829 = arith.constant 1.500000e+01 : f32
      %parallel_loop3A_1830 = vector.broadcast %parallel_loop3A_1829 : f32 to vector<16xf32>
      %parallel_loop3A_1831 = arith.minimumf %parallel_loop3A_1828, %parallel_loop3A_1830 : vector<16xf32>
      %parallel_loop3A_1832 = arith.fptosi %parallel_loop3A_1831 : vector<16xf32> to vector<16xi32>
      %parallel_loop3A_1833 = vector.shape_cast %parallel_loop3A_1832 : vector<16xi32> to vector<16x1xi32>
      %parallel_loop3A_1834 = vector.shape_cast %parallel_loop3A_1833 : vector<16x1xi32> to vector<16xi32>
      %parallel_loop3A_1835 = tpu.dynamic_gather %get3A_4[%parallel_loop3A_1834] in [0] : vector<16xf32>, vector<16xi32> -> vector<16xf32>
      %parallel_loop3A_1836 = arith.addf %parallel_loop3A_1808, %parallel_loop3A_1835 : vector<16xf32>
      %parallel_loop3A_1837 = vector.shape_cast %parallel_loop3A_1832 : vector<16xi32> to vector<16x1xi32>
      %parallel_loop3A_1838 = vector.shape_cast %parallel_loop3A_1837 : vector<16x1xi32> to vector<16xi32>
      %parallel_loop3A_1839 = tpu.dynamic_gather %get3A_7[%parallel_loop3A_1838] in [0] : vector<16xf32>, vector<16xi32> -> vector<16xf32>
      %parallel_loop3A_1840 = arith.mulf %parallel_loop3A_1816, %parallel_loop3A_1839 : vector<16xf32>
      %parallel_loop3A_1841 = arith.subf %parallel_loop3A_1836, %parallel_loop3A_1840 : vector<16xf32>
      %parallel_loop3A_1842 = arith.addf %parallel_loop3A_1841, %parallel_loop3A_1841 : vector<16xf32>
      %parallel_loop3A_1843 = math.exp %parallel_loop3A_1842 : vector<16xf32>
      %parallel_loop3A_1844 = arith.constant 1.000000e+00 : f32
      %parallel_loop3A_1845 = vector.broadcast %parallel_loop3A_1844 : f32 to vector<16xf32>
      %parallel_loop3A_1846 = arith.addf %parallel_loop3A_1845, %parallel_loop3A_1843 : vector<16xf32>
      %parallel_loop3A_1847 = arith.constant 2.000000e+00 : f32
      %parallel_loop3A_1848 = vector.broadcast %parallel_loop3A_1847 : f32 to vector<16xf32>
      %parallel_loop3A_1849 = arith.divf %parallel_loop3A_1848, %parallel_loop3A_1846 : vector<16xf32>
      %parallel_loop3A_1850 = arith.constant 8.000000e+00 : f32
      %parallel_loop3A_1851 = vector.broadcast %parallel_loop3A_1850 : f32 to vector<16xf32>
      %parallel_loop3A_1852 = arith.mulf %parallel_loop3A_1851, %parallel_loop3A_1849 : vector<16xf32>
      %parallel_loop3A_1853 = arith.constant 1.600000e+01 : f32
      %parallel_loop3A_1854 = vector.broadcast %parallel_loop3A_1853 : f32 to vector<16xf32>
      %parallel_loop3A_1855 = arith.subf %parallel_loop3A_1854, %parallel_loop3A_1852 : vector<16xf32>
      %parallel_loop3A_1856 = arith.constant 0x4B000000 : f32
      %parallel_loop3A_1857 = vector.broadcast %parallel_loop3A_1856 : f32 to vector<16xf32>
      %parallel_loop3A_1858 = arith.addf %parallel_loop3A_1855, %parallel_loop3A_1857 : vector<16xf32>
      %parallel_loop3A_1859 = arith.constant 0x4B000000 : f32
      %parallel_loop3A_1860 = vector.broadcast %parallel_loop3A_1859 : f32 to vector<16xf32>
      %parallel_loop3A_1861 = arith.subf %parallel_loop3A_1858, %parallel_loop3A_1860 : vector<16xf32>
      %parallel_loop3A_1862 = arith.constant 1.500000e+01 : f32
      %parallel_loop3A_1863 = vector.broadcast %parallel_loop3A_1862 : f32 to vector<16xf32>
      %parallel_loop3A_1864 = arith.minimumf %parallel_loop3A_1861, %parallel_loop3A_1863 : vector<16xf32>
      %parallel_loop3A_1865 = arith.fptosi %parallel_loop3A_1864 : vector<16xf32> to vector<16xi32>
      %parallel_loop3A_1866 = vector.shape_cast %parallel_loop3A_1865 : vector<16xi32> to vector<16x1xi32>
      %parallel_loop3A_1867 = vector.shape_cast %parallel_loop3A_1866 : vector<16x1xi32> to vector<16xi32>
      %parallel_loop3A_1868 = tpu.dynamic_gather %get3A_4[%parallel_loop3A_1867] in [0] : vector<16xf32>, vector<16xi32> -> vector<16xf32>
      %parallel_loop3A_1869 = arith.addf %parallel_loop3A_1841, %parallel_loop3A_1868 : vector<16xf32>
      %parallel_loop3A_1870 = vector.shape_cast %parallel_loop3A_1865 : vector<16xi32> to vector<16x1xi32>
      %parallel_loop3A_1871 = vector.shape_cast %parallel_loop3A_1870 : vector<16x1xi32> to vector<16xi32>
      %parallel_loop3A_1872 = tpu.dynamic_gather %get3A_7[%parallel_loop3A_1871] in [0] : vector<16xf32>, vector<16xi32> -> vector<16xf32>
      %parallel_loop3A_1873 = arith.mulf %parallel_loop3A_1849, %parallel_loop3A_1872 : vector<16xf32>
      %parallel_loop3A_1874 = arith.subf %parallel_loop3A_1869, %parallel_loop3A_1873 : vector<16xf32>
      %parallel_loop3A_1875 = arith.addf %parallel_loop3A_1874, %parallel_loop3A_1874 : vector<16xf32>
      %parallel_loop3A_1876 = math.exp %parallel_loop3A_1875 : vector<16xf32>
      %parallel_loop3A_1877 = arith.constant 1.000000e+00 : f32
      %parallel_loop3A_1878 = vector.broadcast %parallel_loop3A_1877 : f32 to vector<16xf32>
      %parallel_loop3A_1879 = arith.addf %parallel_loop3A_1878, %parallel_loop3A_1876 : vector<16xf32>
      %parallel_loop3A_1880 = arith.constant 2.000000e+00 : f32
      %parallel_loop3A_1881 = vector.broadcast %parallel_loop3A_1880 : f32 to vector<16xf32>
      %parallel_loop3A_1882 = arith.divf %parallel_loop3A_1881, %parallel_loop3A_1879 : vector<16xf32>
      %parallel_loop3A_1883 = arith.constant 8.000000e+00 : f32
      %parallel_loop3A_1884 = vector.broadcast %parallel_loop3A_1883 : f32 to vector<16xf32>
      %parallel_loop3A_1885 = arith.mulf %parallel_loop3A_1884, %parallel_loop3A_1882 : vector<16xf32>
      %parallel_loop3A_1886 = arith.constant 1.600000e+01 : f32
      %parallel_loop3A_1887 = vector.broadcast %parallel_loop3A_1886 : f32 to vector<16xf32>
      %parallel_loop3A_1888 = arith.subf %parallel_loop3A_1887, %parallel_loop3A_1885 : vector<16xf32>
      %parallel_loop3A_1889 = arith.constant 0x4B000000 : f32
      %parallel_loop3A_1890 = vector.broadcast %parallel_loop3A_1889 : f32 to vector<16xf32>
      %parallel_loop3A_1891 = arith.addf %parallel_loop3A_1888, %parallel_loop3A_1890 : vector<16xf32>
      %parallel_loop3A_1892 = arith.constant 0x4B000000 : f32
      %parallel_loop3A_1893 = vector.broadcast %parallel_loop3A_1892 : f32 to vector<16xf32>
      %parallel_loop3A_1894 = arith.subf %parallel_loop3A_1891, %parallel_loop3A_1893 : vector<16xf32>
      %parallel_loop3A_1895 = arith.constant 1.500000e+01 : f32
      %parallel_loop3A_1896 = vector.broadcast %parallel_loop3A_1895 : f32 to vector<16xf32>
      %parallel_loop3A_1897 = arith.minimumf %parallel_loop3A_1894, %parallel_loop3A_1896 : vector<16xf32>
      %parallel_loop3A_1898 = arith.fptosi %parallel_loop3A_1897 : vector<16xf32> to vector<16xi32>
      %parallel_loop3A_1899 = vector.shape_cast %parallel_loop3A_1898 : vector<16xi32> to vector<16x1xi32>
      %parallel_loop3A_1900 = vector.shape_cast %parallel_loop3A_1899 : vector<16x1xi32> to vector<16xi32>
      %parallel_loop3A_1901 = tpu.dynamic_gather %get3A_4[%parallel_loop3A_1900] in [0] : vector<16xf32>, vector<16xi32> -> vector<16xf32>
      %parallel_loop3A_1902 = arith.addf %parallel_loop3A_1874, %parallel_loop3A_1901 : vector<16xf32>
      %parallel_loop3A_1903 = vector.shape_cast %parallel_loop3A_1898 : vector<16xi32> to vector<16x1xi32>
      %parallel_loop3A_1904 = vector.shape_cast %parallel_loop3A_1903 : vector<16x1xi32> to vector<16xi32>
      %parallel_loop3A_1905 = tpu.dynamic_gather %get3A_7[%parallel_loop3A_1904] in [0] : vector<16xf32>, vector<16xi32> -> vector<16xf32>
      %parallel_loop3A_1906 = arith.mulf %parallel_loop3A_1882, %parallel_loop3A_1905 : vector<16xf32>
      %parallel_loop3A_1907 = arith.subf %parallel_loop3A_1902, %parallel_loop3A_1906 : vector<16xf32>
      %parallel_loop3A_1908 = arith.addf %parallel_loop3A_1803, %parallel_loop3A_1907 : vector<16xf32>
      %parallel_loop3A_1909 = arith.constant 18 : i32
      %parallel_loop3A_1910 = arith.index_cast %parallel_loop3A_1909 : i32 to index
      %parallel_loop3A_1911 = arith.index_cast %parallel_loop3A_16 : i32 to index
      %parallel_loop3A_1912 = tpu.vector_load %arg6[%parallel_loop3A_1910, %parallel_loop3A_1911] {strides = array<i32>} : memref<26x512xf32, #tpu.memory_space<vmem>>, vector<1x16xf32>,
      %parallel_loop3A_1913 = vector.shape_cast %parallel_loop3A_1912 : vector<1x16xf32> to vector<16xf32>
      %parallel_loop3A_1914 = arith.addf %parallel_loop3A_1913, %parallel_loop3A_1913 : vector<16xf32>
      %parallel_loop3A_1915 = math.exp %parallel_loop3A_1914 : vector<16xf32>
      %parallel_loop3A_1916 = arith.constant 1.000000e+00 : f32
      %parallel_loop3A_1917 = vector.broadcast %parallel_loop3A_1916 : f32 to vector<16xf32>
      %parallel_loop3A_1918 = arith.addf %parallel_loop3A_1917, %parallel_loop3A_1915 : vector<16xf32>
      %parallel_loop3A_1919 = arith.constant 2.000000e+00 : f32
      %parallel_loop3A_1920 = vector.broadcast %parallel_loop3A_1919 : f32 to vector<16xf32>
      %parallel_loop3A_1921 = arith.divf %parallel_loop3A_1920, %parallel_loop3A_1918 : vector<16xf32>
      %parallel_loop3A_1922 = arith.constant 8.000000e+00 : f32
      %parallel_loop3A_1923 = vector.broadcast %parallel_loop3A_1922 : f32 to vector<16xf32>
      %parallel_loop3A_1924 = arith.mulf %parallel_loop3A_1923, %parallel_loop3A_1921 : vector<16xf32>
      %parallel_loop3A_1925 = arith.constant 1.600000e+01 : f32
      %parallel_loop3A_1926 = vector.broadcast %parallel_loop3A_1925 : f32 to vector<16xf32>
      %parallel_loop3A_1927 = arith.subf %parallel_loop3A_1926, %parallel_loop3A_1924 : vector<16xf32>
      %parallel_loop3A_1928 = arith.constant 0x4B000000 : f32
      %parallel_loop3A_1929 = vector.broadcast %parallel_loop3A_1928 : f32 to vector<16xf32>
      %parallel_loop3A_1930 = arith.addf %parallel_loop3A_1927, %parallel_loop3A_1929 : vector<16xf32>
      %parallel_loop3A_1931 = arith.constant 0x4B000000 : f32
      %parallel_loop3A_1932 = vector.broadcast %parallel_loop3A_1931 : f32 to vector<16xf32>
      %parallel_loop3A_1933 = arith.subf %parallel_loop3A_1930, %parallel_loop3A_1932 : vector<16xf32>
      %parallel_loop3A_1934 = arith.constant 1.500000e+01 : f32
      %parallel_loop3A_1935 = vector.broadcast %parallel_loop3A_1934 : f32 to vector<16xf32>
      %parallel_loop3A_1936 = arith.minimumf %parallel_loop3A_1933, %parallel_loop3A_1935 : vector<16xf32>
      %parallel_loop3A_1937 = arith.fptosi %parallel_loop3A_1936 : vector<16xf32> to vector<16xi32>
      %parallel_loop3A_1938 = vector.shape_cast %parallel_loop3A_1937 : vector<16xi32> to vector<16x1xi32>
      %parallel_loop3A_1939 = vector.shape_cast %parallel_loop3A_1938 : vector<16x1xi32> to vector<16xi32>
      %parallel_loop3A_1940 = tpu.dynamic_gather %get3A_4[%parallel_loop3A_1939] in [0] : vector<16xf32>, vector<16xi32> -> vector<16xf32>
      %parallel_loop3A_1941 = arith.addf %parallel_loop3A_1913, %parallel_loop3A_1940 : vector<16xf32>
      %parallel_loop3A_1942 = vector.shape_cast %parallel_loop3A_1937 : vector<16xi32> to vector<16x1xi32>
      %parallel_loop3A_1943 = vector.shape_cast %parallel_loop3A_1942 : vector<16x1xi32> to vector<16xi32>
      %parallel_loop3A_1944 = tpu.dynamic_gather %get3A_7[%parallel_loop3A_1943] in [0] : vector<16xf32>, vector<16xi32> -> vector<16xf32>
      %parallel_loop3A_1945 = arith.mulf %parallel_loop3A_1921, %parallel_loop3A_1944 : vector<16xf32>
      %parallel_loop3A_1946 = arith.subf %parallel_loop3A_1941, %parallel_loop3A_1945 : vector<16xf32>
      %parallel_loop3A_1947 = arith.addf %parallel_loop3A_1946, %parallel_loop3A_1946 : vector<16xf32>
      %parallel_loop3A_1948 = math.exp %parallel_loop3A_1947 : vector<16xf32>
      %parallel_loop3A_1949 = arith.constant 1.000000e+00 : f32
      %parallel_loop3A_1950 = vector.broadcast %parallel_loop3A_1949 : f32 to vector<16xf32>
      %parallel_loop3A_1951 = arith.addf %parallel_loop3A_1950, %parallel_loop3A_1948 : vector<16xf32>
      %parallel_loop3A_1952 = arith.constant 2.000000e+00 : f32
      %parallel_loop3A_1953 = vector.broadcast %parallel_loop3A_1952 : f32 to vector<16xf32>
      %parallel_loop3A_1954 = arith.divf %parallel_loop3A_1953, %parallel_loop3A_1951 : vector<16xf32>
      %parallel_loop3A_1955 = arith.constant 8.000000e+00 : f32
      %parallel_loop3A_1956 = vector.broadcast %parallel_loop3A_1955 : f32 to vector<16xf32>
      %parallel_loop3A_1957 = arith.mulf %parallel_loop3A_1956, %parallel_loop3A_1954 : vector<16xf32>
      %parallel_loop3A_1958 = arith.constant 1.600000e+01 : f32
      %parallel_loop3A_1959 = vector.broadcast %parallel_loop3A_1958 : f32 to vector<16xf32>
      %parallel_loop3A_1960 = arith.subf %parallel_loop3A_1959, %parallel_loop3A_1957 : vector<16xf32>
      %parallel_loop3A_1961 = arith.constant 0x4B000000 : f32
      %parallel_loop3A_1962 = vector.broadcast %parallel_loop3A_1961 : f32 to vector<16xf32>
      %parallel_loop3A_1963 = arith.addf %parallel_loop3A_1960, %parallel_loop3A_1962 : vector<16xf32>
      %parallel_loop3A_1964 = arith.constant 0x4B000000 : f32
      %parallel_loop3A_1965 = vector.broadcast %parallel_loop3A_1964 : f32 to vector<16xf32>
      %parallel_loop3A_1966 = arith.subf %parallel_loop3A_1963, %parallel_loop3A_1965 : vector<16xf32>
      %parallel_loop3A_1967 = arith.constant 1.500000e+01 : f32
      %parallel_loop3A_1968 = vector.broadcast %parallel_loop3A_1967 : f32 to vector<16xf32>
      %parallel_loop3A_1969 = arith.minimumf %parallel_loop3A_1966, %parallel_loop3A_1968 : vector<16xf32>
      %parallel_loop3A_1970 = arith.fptosi %parallel_loop3A_1969 : vector<16xf32> to vector<16xi32>
      %parallel_loop3A_1971 = vector.shape_cast %parallel_loop3A_1970 : vector<16xi32> to vector<16x1xi32>
      %parallel_loop3A_1972 = vector.shape_cast %parallel_loop3A_1971 : vector<16x1xi32> to vector<16xi32>
      %parallel_loop3A_1973 = tpu.dynamic_gather %get3A_4[%parallel_loop3A_1972] in [0] : vector<16xf32>, vector<16xi32> -> vector<16xf32>
      %parallel_loop3A_1974 = arith.addf %parallel_loop3A_1946, %parallel_loop3A_1973 : vector<16xf32>
      %parallel_loop3A_1975 = vector.shape_cast %parallel_loop3A_1970 : vector<16xi32> to vector<16x1xi32>
      %parallel_loop3A_1976 = vector.shape_cast %parallel_loop3A_1975 : vector<16x1xi32> to vector<16xi32>
      %parallel_loop3A_1977 = tpu.dynamic_gather %get3A_7[%parallel_loop3A_1976] in [0] : vector<16xf32>, vector<16xi32> -> vector<16xf32>
      %parallel_loop3A_1978 = arith.mulf %parallel_loop3A_1954, %parallel_loop3A_1977 : vector<16xf32>
      %parallel_loop3A_1979 = arith.subf %parallel_loop3A_1974, %parallel_loop3A_1978 : vector<16xf32>
      %parallel_loop3A_1980 = arith.addf %parallel_loop3A_1979, %parallel_loop3A_1979 : vector<16xf32>
      %parallel_loop3A_1981 = math.exp %parallel_loop3A_1980 : vector<16xf32>
      %parallel_loop3A_1982 = arith.constant 1.000000e+00 : f32
      %parallel_loop3A_1983 = vector.broadcast %parallel_loop3A_1982 : f32 to vector<16xf32>
      %parallel_loop3A_1984 = arith.addf %parallel_loop3A_1983, %parallel_loop3A_1981 : vector<16xf32>
      %parallel_loop3A_1985 = arith.constant 2.000000e+00 : f32
      %parallel_loop3A_1986 = vector.broadcast %parallel_loop3A_1985 : f32 to vector<16xf32>
      %parallel_loop3A_1987 = arith.divf %parallel_loop3A_1986, %parallel_loop3A_1984 : vector<16xf32>
      %parallel_loop3A_1988 = arith.constant 8.000000e+00 : f32
      %parallel_loop3A_1989 = vector.broadcast %parallel_loop3A_1988 : f32 to vector<16xf32>
      %parallel_loop3A_1990 = arith.mulf %parallel_loop3A_1989, %parallel_loop3A_1987 : vector<16xf32>
      %parallel_loop3A_1991 = arith.constant 1.600000e+01 : f32
      %parallel_loop3A_1992 = vector.broadcast %parallel_loop3A_1991 : f32 to vector<16xf32>
      %parallel_loop3A_1993 = arith.subf %parallel_loop3A_1992, %parallel_loop3A_1990 : vector<16xf32>
      %parallel_loop3A_1994 = arith.constant 0x4B000000 : f32
      %parallel_loop3A_1995 = vector.broadcast %parallel_loop3A_1994 : f32 to vector<16xf32>
      %parallel_loop3A_1996 = arith.addf %parallel_loop3A_1993, %parallel_loop3A_1995 : vector<16xf32>
      %parallel_loop3A_1997 = arith.constant 0x4B000000 : f32
      %parallel_loop3A_1998 = vector.broadcast %parallel_loop3A_1997 : f32 to vector<16xf32>
      %parallel_loop3A_1999 = arith.subf %parallel_loop3A_1996, %parallel_loop3A_1998 : vector<16xf32>
      %parallel_loop3A_2000 = arith.constant 1.500000e+01 : f32
      %parallel_loop3A_2001 = vector.broadcast %parallel_loop3A_2000 : f32 to vector<16xf32>
      %parallel_loop3A_2002 = arith.minimumf %parallel_loop3A_1999, %parallel_loop3A_2001 : vector<16xf32>
      %parallel_loop3A_2003 = arith.fptosi %parallel_loop3A_2002 : vector<16xf32> to vector<16xi32>
      %parallel_loop3A_2004 = vector.shape_cast %parallel_loop3A_2003 : vector<16xi32> to vector<16x1xi32>
      %parallel_loop3A_2005 = vector.shape_cast %parallel_loop3A_2004 : vector<16x1xi32> to vector<16xi32>
      %parallel_loop3A_2006 = tpu.dynamic_gather %get3A_4[%parallel_loop3A_2005] in [0] : vector<16xf32>, vector<16xi32> -> vector<16xf32>
      %parallel_loop3A_2007 = arith.addf %parallel_loop3A_1979, %parallel_loop3A_2006 : vector<16xf32>
      %parallel_loop3A_2008 = vector.shape_cast %parallel_loop3A_2003 : vector<16xi32> to vector<16x1xi32>
      %parallel_loop3A_2009 = vector.shape_cast %parallel_loop3A_2008 : vector<16x1xi32> to vector<16xi32>
      %parallel_loop3A_2010 = tpu.dynamic_gather %get3A_7[%parallel_loop3A_2009] in [0] : vector<16xf32>, vector<16xi32> -> vector<16xf32>
      %parallel_loop3A_2011 = arith.mulf %parallel_loop3A_1987, %parallel_loop3A_2010 : vector<16xf32>
      %parallel_loop3A_2012 = arith.subf %parallel_loop3A_2007, %parallel_loop3A_2011 : vector<16xf32>
      %parallel_loop3A_2013 = arith.addf %parallel_loop3A_1908, %parallel_loop3A_2012 : vector<16xf32>
      %parallel_loop3A_2014 = arith.constant 19 : i32
      %parallel_loop3A_2015 = arith.index_cast %parallel_loop3A_2014 : i32 to index
      %parallel_loop3A_2016 = arith.index_cast %parallel_loop3A_16 : i32 to index
      %parallel_loop3A_2017 = tpu.vector_load %arg6[%parallel_loop3A_2015, %parallel_loop3A_2016] {strides = array<i32>} : memref<26x512xf32, #tpu.memory_space<vmem>>, vector<1x16xf32>,
      %parallel_loop3A_2018 = vector.shape_cast %parallel_loop3A_2017 : vector<1x16xf32> to vector<16xf32>
      %parallel_loop3A_2019 = arith.addf %parallel_loop3A_2018, %parallel_loop3A_2018 : vector<16xf32>
      %parallel_loop3A_2020 = math.exp %parallel_loop3A_2019 : vector<16xf32>
      %parallel_loop3A_2021 = arith.constant 1.000000e+00 : f32
      %parallel_loop3A_2022 = vector.broadcast %parallel_loop3A_2021 : f32 to vector<16xf32>
      %parallel_loop3A_2023 = arith.addf %parallel_loop3A_2022, %parallel_loop3A_2020 : vector<16xf32>
      %parallel_loop3A_2024 = arith.constant 2.000000e+00 : f32
      %parallel_loop3A_2025 = vector.broadcast %parallel_loop3A_2024 : f32 to vector<16xf32>
      %parallel_loop3A_2026 = arith.divf %parallel_loop3A_2025, %parallel_loop3A_2023 : vector<16xf32>
      %parallel_loop3A_2027 = arith.constant 8.000000e+00 : f32
      %parallel_loop3A_2028 = vector.broadcast %parallel_loop3A_2027 : f32 to vector<16xf32>
      %parallel_loop3A_2029 = arith.mulf %parallel_loop3A_2028, %parallel_loop3A_2026 : vector<16xf32>
      %parallel_loop3A_2030 = arith.constant 1.600000e+01 : f32
      %parallel_loop3A_2031 = vector.broadcast %parallel_loop3A_2030 : f32 to vector<16xf32>
      %parallel_loop3A_2032 = arith.subf %parallel_loop3A_2031, %parallel_loop3A_2029 : vector<16xf32>
      %parallel_loop3A_2033 = arith.constant 0x4B000000 : f32
      %parallel_loop3A_2034 = vector.broadcast %parallel_loop3A_2033 : f32 to vector<16xf32>
      %parallel_loop3A_2035 = arith.addf %parallel_loop3A_2032, %parallel_loop3A_2034 : vector<16xf32>
      %parallel_loop3A_2036 = arith.constant 0x4B000000 : f32
      %parallel_loop3A_2037 = vector.broadcast %parallel_loop3A_2036 : f32 to vector<16xf32>
      %parallel_loop3A_2038 = arith.subf %parallel_loop3A_2035, %parallel_loop3A_2037 : vector<16xf32>
      %parallel_loop3A_2039 = arith.constant 1.500000e+01 : f32
      %parallel_loop3A_2040 = vector.broadcast %parallel_loop3A_2039 : f32 to vector<16xf32>
      %parallel_loop3A_2041 = arith.minimumf %parallel_loop3A_2038, %parallel_loop3A_2040 : vector<16xf32>
      %parallel_loop3A_2042 = arith.fptosi %parallel_loop3A_2041 : vector<16xf32> to vector<16xi32>
      %parallel_loop3A_2043 = vector.shape_cast %parallel_loop3A_2042 : vector<16xi32> to vector<16x1xi32>
      %parallel_loop3A_2044 = vector.shape_cast %parallel_loop3A_2043 : vector<16x1xi32> to vector<16xi32>
      %parallel_loop3A_2045 = tpu.dynamic_gather %get3A_4[%parallel_loop3A_2044] in [0] : vector<16xf32>, vector<16xi32> -> vector<16xf32>
      %parallel_loop3A_2046 = arith.addf %parallel_loop3A_2018, %parallel_loop3A_2045 : vector<16xf32>
      %parallel_loop3A_2047 = vector.shape_cast %parallel_loop3A_2042 : vector<16xi32> to vector<16x1xi32>
      %parallel_loop3A_2048 = vector.shape_cast %parallel_loop3A_2047 : vector<16x1xi32> to vector<16xi32>
      %parallel_loop3A_2049 = tpu.dynamic_gather %get3A_7[%parallel_loop3A_2048] in [0] : vector<16xf32>, vector<16xi32> -> vector<16xf32>
      %parallel_loop3A_2050 = arith.mulf %parallel_loop3A_2026, %parallel_loop3A_2049 : vector<16xf32>
      %parallel_loop3A_2051 = arith.subf %parallel_loop3A_2046, %parallel_loop3A_2050 : vector<16xf32>
      %parallel_loop3A_2052 = arith.addf %parallel_loop3A_2051, %parallel_loop3A_2051 : vector<16xf32>
      %parallel_loop3A_2053 = math.exp %parallel_loop3A_2052 : vector<16xf32>
      %parallel_loop3A_2054 = arith.constant 1.000000e+00 : f32
      %parallel_loop3A_2055 = vector.broadcast %parallel_loop3A_2054 : f32 to vector<16xf32>
      %parallel_loop3A_2056 = arith.addf %parallel_loop3A_2055, %parallel_loop3A_2053 : vector<16xf32>
      %parallel_loop3A_2057 = arith.constant 2.000000e+00 : f32
      %parallel_loop3A_2058 = vector.broadcast %parallel_loop3A_2057 : f32 to vector<16xf32>
      %parallel_loop3A_2059 = arith.divf %parallel_loop3A_2058, %parallel_loop3A_2056 : vector<16xf32>
      %parallel_loop3A_2060 = arith.constant 8.000000e+00 : f32
      %parallel_loop3A_2061 = vector.broadcast %parallel_loop3A_2060 : f32 to vector<16xf32>
      %parallel_loop3A_2062 = arith.mulf %parallel_loop3A_2061, %parallel_loop3A_2059 : vector<16xf32>
      %parallel_loop3A_2063 = arith.constant 1.600000e+01 : f32
      %parallel_loop3A_2064 = vector.broadcast %parallel_loop3A_2063 : f32 to vector<16xf32>
      %parallel_loop3A_2065 = arith.subf %parallel_loop3A_2064, %parallel_loop3A_2062 : vector<16xf32>
      %parallel_loop3A_2066 = arith.constant 0x4B000000 : f32
      %parallel_loop3A_2067 = vector.broadcast %parallel_loop3A_2066 : f32 to vector<16xf32>
      %parallel_loop3A_2068 = arith.addf %parallel_loop3A_2065, %parallel_loop3A_2067 : vector<16xf32>
      %parallel_loop3A_2069 = arith.constant 0x4B000000 : f32
      %parallel_loop3A_2070 = vector.broadcast %parallel_loop3A_2069 : f32 to vector<16xf32>
      %parallel_loop3A_2071 = arith.subf %parallel_loop3A_2068, %parallel_loop3A_2070 : vector<16xf32>
      %parallel_loop3A_2072 = arith.constant 1.500000e+01 : f32
      %parallel_loop3A_2073 = vector.broadcast %parallel_loop3A_2072 : f32 to vector<16xf32>
      %parallel_loop3A_2074 = arith.minimumf %parallel_loop3A_2071, %parallel_loop3A_2073 : vector<16xf32>
      %parallel_loop3A_2075 = arith.fptosi %parallel_loop3A_2074 : vector<16xf32> to vector<16xi32>
      %parallel_loop3A_2076 = vector.shape_cast %parallel_loop3A_2075 : vector<16xi32> to vector<16x1xi32>
      %parallel_loop3A_2077 = vector.shape_cast %parallel_loop3A_2076 : vector<16x1xi32> to vector<16xi32>
      %parallel_loop3A_2078 = tpu.dynamic_gather %get3A_4[%parallel_loop3A_2077] in [0] : vector<16xf32>, vector<16xi32> -> vector<16xf32>
      %parallel_loop3A_2079 = arith.addf %parallel_loop3A_2051, %parallel_loop3A_2078 : vector<16xf32>
      %parallel_loop3A_2080 = vector.shape_cast %parallel_loop3A_2075 : vector<16xi32> to vector<16x1xi32>
      %parallel_loop3A_2081 = vector.shape_cast %parallel_loop3A_2080 : vector<16x1xi32> to vector<16xi32>
      %parallel_loop3A_2082 = tpu.dynamic_gather %get3A_7[%parallel_loop3A_2081] in [0] : vector<16xf32>, vector<16xi32> -> vector<16xf32>
      %parallel_loop3A_2083 = arith.mulf %parallel_loop3A_2059, %parallel_loop3A_2082 : vector<16xf32>
      %parallel_loop3A_2084 = arith.subf %parallel_loop3A_2079, %parallel_loop3A_2083 : vector<16xf32>
      %parallel_loop3A_2085 = arith.addf %parallel_loop3A_2084, %parallel_loop3A_2084 : vector<16xf32>
      %parallel_loop3A_2086 = math.exp %parallel_loop3A_2085 : vector<16xf32>
      %parallel_loop3A_2087 = arith.constant 1.000000e+00 : f32
      %parallel_loop3A_2088 = vector.broadcast %parallel_loop3A_2087 : f32 to vector<16xf32>
      %parallel_loop3A_2089 = arith.addf %parallel_loop3A_2088, %parallel_loop3A_2086 : vector<16xf32>
      %parallel_loop3A_2090 = arith.constant 2.000000e+00 : f32
      %parallel_loop3A_2091 = vector.broadcast %parallel_loop3A_2090 : f32 to vector<16xf32>
      %parallel_loop3A_2092 = arith.divf %parallel_loop3A_2091, %parallel_loop3A_2089 : vector<16xf32>
      %parallel_loop3A_2093 = arith.constant 8.000000e+00 : f32
      %parallel_loop3A_2094 = vector.broadcast %parallel_loop3A_2093 : f32 to vector<16xf32>
      %parallel_loop3A_2095 = arith.mulf %parallel_loop3A_2094, %parallel_loop3A_2092 : vector<16xf32>
      %parallel_loop3A_2096 = arith.constant 1.600000e+01 : f32
      %parallel_loop3A_2097 = vector.broadcast %parallel_loop3A_2096 : f32 to vector<16xf32>
      %parallel_loop3A_2098 = arith.subf %parallel_loop3A_2097, %parallel_loop3A_2095 : vector<16xf32>
      %parallel_loop3A_2099 = arith.constant 0x4B000000 : f32
      %parallel_loop3A_2100 = vector.broadcast %parallel_loop3A_2099 : f32 to vector<16xf32>
      %parallel_loop3A_2101 = arith.addf %parallel_loop3A_2098, %parallel_loop3A_2100 : vector<16xf32>
      %parallel_loop3A_2102 = arith.constant 0x4B000000 : f32
      %parallel_loop3A_2103 = vector.broadcast %parallel_loop3A_2102 : f32 to vector<16xf32>
      %parallel_loop3A_2104 = arith.subf %parallel_loop3A_2101, %parallel_loop3A_2103 : vector<16xf32>
      %parallel_loop3A_2105 = arith.constant 1.500000e+01 : f32
      %parallel_loop3A_2106 = vector.broadcast %parallel_loop3A_2105 : f32 to vector<16xf32>
      %parallel_loop3A_2107 = arith.minimumf %parallel_loop3A_2104, %parallel_loop3A_2106 : vector<16xf32>
      %parallel_loop3A_2108 = arith.fptosi %parallel_loop3A_2107 : vector<16xf32> to vector<16xi32>
      %parallel_loop3A_2109 = vector.shape_cast %parallel_loop3A_2108 : vector<16xi32> to vector<16x1xi32>
      %parallel_loop3A_2110 = vector.shape_cast %parallel_loop3A_2109 : vector<16x1xi32> to vector<16xi32>
      %parallel_loop3A_2111 = tpu.dynamic_gather %get3A_4[%parallel_loop3A_2110] in [0] : vector<16xf32>, vector<16xi32> -> vector<16xf32>
      %parallel_loop3A_2112 = arith.addf %parallel_loop3A_2084, %parallel_loop3A_2111 : vector<16xf32>
      %parallel_loop3A_2113 = vector.shape_cast %parallel_loop3A_2108 : vector<16xi32> to vector<16x1xi32>
      %parallel_loop3A_2114 = vector.shape_cast %parallel_loop3A_2113 : vector<16x1xi32> to vector<16xi32>
      %parallel_loop3A_2115 = tpu.dynamic_gather %get3A_7[%parallel_loop3A_2114] in [0] : vector<16xf32>, vector<16xi32> -> vector<16xf32>
      %parallel_loop3A_2116 = arith.mulf %parallel_loop3A_2092, %parallel_loop3A_2115 : vector<16xf32>
      %parallel_loop3A_2117 = arith.subf %parallel_loop3A_2112, %parallel_loop3A_2116 : vector<16xf32>
      %parallel_loop3A_2118 = arith.addf %parallel_loop3A_2013, %parallel_loop3A_2117 : vector<16xf32>
      %parallel_loop3A_2119 = arith.constant 20 : i32
      %parallel_loop3A_2120 = arith.index_cast %parallel_loop3A_2119 : i32 to index
      %parallel_loop3A_2121 = arith.index_cast %parallel_loop3A_16 : i32 to index
      %parallel_loop3A_2122 = tpu.vector_load %arg6[%parallel_loop3A_2120, %parallel_loop3A_2121] {strides = array<i32>} : memref<26x512xf32, #tpu.memory_space<vmem>>, vector<1x16xf32>,
      %parallel_loop3A_2123 = vector.shape_cast %parallel_loop3A_2122 : vector<1x16xf32> to vector<16xf32>
      %parallel_loop3A_2124 = arith.addf %parallel_loop3A_2123, %parallel_loop3A_2123 : vector<16xf32>
      %parallel_loop3A_2125 = math.exp %parallel_loop3A_2124 : vector<16xf32>
      %parallel_loop3A_2126 = arith.constant 1.000000e+00 : f32
      %parallel_loop3A_2127 = vector.broadcast %parallel_loop3A_2126 : f32 to vector<16xf32>
      %parallel_loop3A_2128 = arith.addf %parallel_loop3A_2127, %parallel_loop3A_2125 : vector<16xf32>
      %parallel_loop3A_2129 = arith.constant 2.000000e+00 : f32
      %parallel_loop3A_2130 = vector.broadcast %parallel_loop3A_2129 : f32 to vector<16xf32>
      %parallel_loop3A_2131 = arith.divf %parallel_loop3A_2130, %parallel_loop3A_2128 : vector<16xf32>
      %parallel_loop3A_2132 = arith.constant 8.000000e+00 : f32
      %parallel_loop3A_2133 = vector.broadcast %parallel_loop3A_2132 : f32 to vector<16xf32>
      %parallel_loop3A_2134 = arith.mulf %parallel_loop3A_2133, %parallel_loop3A_2131 : vector<16xf32>
      %parallel_loop3A_2135 = arith.constant 1.600000e+01 : f32
      %parallel_loop3A_2136 = vector.broadcast %parallel_loop3A_2135 : f32 to vector<16xf32>
      %parallel_loop3A_2137 = arith.subf %parallel_loop3A_2136, %parallel_loop3A_2134 : vector<16xf32>
      %parallel_loop3A_2138 = arith.constant 0x4B000000 : f32
      %parallel_loop3A_2139 = vector.broadcast %parallel_loop3A_2138 : f32 to vector<16xf32>
      %parallel_loop3A_2140 = arith.addf %parallel_loop3A_2137, %parallel_loop3A_2139 : vector<16xf32>
      %parallel_loop3A_2141 = arith.constant 0x4B000000 : f32
      %parallel_loop3A_2142 = vector.broadcast %parallel_loop3A_2141 : f32 to vector<16xf32>
      %parallel_loop3A_2143 = arith.subf %parallel_loop3A_2140, %parallel_loop3A_2142 : vector<16xf32>
      %parallel_loop3A_2144 = arith.constant 1.500000e+01 : f32
      %parallel_loop3A_2145 = vector.broadcast %parallel_loop3A_2144 : f32 to vector<16xf32>
      %parallel_loop3A_2146 = arith.minimumf %parallel_loop3A_2143, %parallel_loop3A_2145 : vector<16xf32>
      %parallel_loop3A_2147 = arith.fptosi %parallel_loop3A_2146 : vector<16xf32> to vector<16xi32>
      %parallel_loop3A_2148 = vector.shape_cast %parallel_loop3A_2147 : vector<16xi32> to vector<16x1xi32>
      %parallel_loop3A_2149 = vector.shape_cast %parallel_loop3A_2148 : vector<16x1xi32> to vector<16xi32>
      %parallel_loop3A_2150 = tpu.dynamic_gather %get3A_4[%parallel_loop3A_2149] in [0] : vector<16xf32>, vector<16xi32> -> vector<16xf32>
      %parallel_loop3A_2151 = arith.addf %parallel_loop3A_2123, %parallel_loop3A_2150 : vector<16xf32>
      %parallel_loop3A_2152 = vector.shape_cast %parallel_loop3A_2147 : vector<16xi32> to vector<16x1xi32>
      %parallel_loop3A_2153 = vector.shape_cast %parallel_loop3A_2152 : vector<16x1xi32> to vector<16xi32>
      %parallel_loop3A_2154 = tpu.dynamic_gather %get3A_7[%parallel_loop3A_2153] in [0] : vector<16xf32>, vector<16xi32> -> vector<16xf32>
      %parallel_loop3A_2155 = arith.mulf %parallel_loop3A_2131, %parallel_loop3A_2154 : vector<16xf32>
      %parallel_loop3A_2156 = arith.subf %parallel_loop3A_2151, %parallel_loop3A_2155 : vector<16xf32>
      %parallel_loop3A_2157 = arith.addf %parallel_loop3A_2156, %parallel_loop3A_2156 : vector<16xf32>
      %parallel_loop3A_2158 = math.exp %parallel_loop3A_2157 : vector<16xf32>
      %parallel_loop3A_2159 = arith.constant 1.000000e+00 : f32
      %parallel_loop3A_2160 = vector.broadcast %parallel_loop3A_2159 : f32 to vector<16xf32>
      %parallel_loop3A_2161 = arith.addf %parallel_loop3A_2160, %parallel_loop3A_2158 : vector<16xf32>
      %parallel_loop3A_2162 = arith.constant 2.000000e+00 : f32
      %parallel_loop3A_2163 = vector.broadcast %parallel_loop3A_2162 : f32 to vector<16xf32>
      %parallel_loop3A_2164 = arith.divf %parallel_loop3A_2163, %parallel_loop3A_2161 : vector<16xf32>
      %parallel_loop3A_2165 = arith.constant 8.000000e+00 : f32
      %parallel_loop3A_2166 = vector.broadcast %parallel_loop3A_2165 : f32 to vector<16xf32>
      %parallel_loop3A_2167 = arith.mulf %parallel_loop3A_2166, %parallel_loop3A_2164 : vector<16xf32>
      %parallel_loop3A_2168 = arith.constant 1.600000e+01 : f32
      %parallel_loop3A_2169 = vector.broadcast %parallel_loop3A_2168 : f32 to vector<16xf32>
      %parallel_loop3A_2170 = arith.subf %parallel_loop3A_2169, %parallel_loop3A_2167 : vector<16xf32>
      %parallel_loop3A_2171 = arith.constant 0x4B000000 : f32
      %parallel_loop3A_2172 = vector.broadcast %parallel_loop3A_2171 : f32 to vector<16xf32>
      %parallel_loop3A_2173 = arith.addf %parallel_loop3A_2170, %parallel_loop3A_2172 : vector<16xf32>
      %parallel_loop3A_2174 = arith.constant 0x4B000000 : f32
      %parallel_loop3A_2175 = vector.broadcast %parallel_loop3A_2174 : f32 to vector<16xf32>
      %parallel_loop3A_2176 = arith.subf %parallel_loop3A_2173, %parallel_loop3A_2175 : vector<16xf32>
      %parallel_loop3A_2177 = arith.constant 1.500000e+01 : f32
      %parallel_loop3A_2178 = vector.broadcast %parallel_loop3A_2177 : f32 to vector<16xf32>
      %parallel_loop3A_2179 = arith.minimumf %parallel_loop3A_2176, %parallel_loop3A_2178 : vector<16xf32>
      %parallel_loop3A_2180 = arith.fptosi %parallel_loop3A_2179 : vector<16xf32> to vector<16xi32>
      %parallel_loop3A_2181 = vector.shape_cast %parallel_loop3A_2180 : vector<16xi32> to vector<16x1xi32>
      %parallel_loop3A_2182 = vector.shape_cast %parallel_loop3A_2181 : vector<16x1xi32> to vector<16xi32>
      %parallel_loop3A_2183 = tpu.dynamic_gather %get3A_4[%parallel_loop3A_2182] in [0] : vector<16xf32>, vector<16xi32> -> vector<16xf32>
      %parallel_loop3A_2184 = arith.addf %parallel_loop3A_2156, %parallel_loop3A_2183 : vector<16xf32>
      %parallel_loop3A_2185 = vector.shape_cast %parallel_loop3A_2180 : vector<16xi32> to vector<16x1xi32>
      %parallel_loop3A_2186 = vector.shape_cast %parallel_loop3A_2185 : vector<16x1xi32> to vector<16xi32>
      %parallel_loop3A_2187 = tpu.dynamic_gather %get3A_7[%parallel_loop3A_2186] in [0] : vector<16xf32>, vector<16xi32> -> vector<16xf32>
      %parallel_loop3A_2188 = arith.mulf %parallel_loop3A_2164, %parallel_loop3A_2187 : vector<16xf32>
      %parallel_loop3A_2189 = arith.subf %parallel_loop3A_2184, %parallel_loop3A_2188 : vector<16xf32>
      %parallel_loop3A_2190 = arith.addf %parallel_loop3A_2189, %parallel_loop3A_2189 : vector<16xf32>
      %parallel_loop3A_2191 = math.exp %parallel_loop3A_2190 : vector<16xf32>
      %parallel_loop3A_2192 = arith.constant 1.000000e+00 : f32
      %parallel_loop3A_2193 = vector.broadcast %parallel_loop3A_2192 : f32 to vector<16xf32>
      %parallel_loop3A_2194 = arith.addf %parallel_loop3A_2193, %parallel_loop3A_2191 : vector<16xf32>
      %parallel_loop3A_2195 = arith.constant 2.000000e+00 : f32
      %parallel_loop3A_2196 = vector.broadcast %parallel_loop3A_2195 : f32 to vector<16xf32>
      %parallel_loop3A_2197 = arith.divf %parallel_loop3A_2196, %parallel_loop3A_2194 : vector<16xf32>
      %parallel_loop3A_2198 = arith.constant 8.000000e+00 : f32
      %parallel_loop3A_2199 = vector.broadcast %parallel_loop3A_2198 : f32 to vector<16xf32>
      %parallel_loop3A_2200 = arith.mulf %parallel_loop3A_2199, %parallel_loop3A_2197 : vector<16xf32>
      %parallel_loop3A_2201 = arith.constant 1.600000e+01 : f32
      %parallel_loop3A_2202 = vector.broadcast %parallel_loop3A_2201 : f32 to vector<16xf32>
      %parallel_loop3A_2203 = arith.subf %parallel_loop3A_2202, %parallel_loop3A_2200 : vector<16xf32>
      %parallel_loop3A_2204 = arith.constant 0x4B000000 : f32
      %parallel_loop3A_2205 = vector.broadcast %parallel_loop3A_2204 : f32 to vector<16xf32>
      %parallel_loop3A_2206 = arith.addf %parallel_loop3A_2203, %parallel_loop3A_2205 : vector<16xf32>
      %parallel_loop3A_2207 = arith.constant 0x4B000000 : f32
      %parallel_loop3A_2208 = vector.broadcast %parallel_loop3A_2207 : f32 to vector<16xf32>
      %parallel_loop3A_2209 = arith.subf %parallel_loop3A_2206, %parallel_loop3A_2208 : vector<16xf32>
      %parallel_loop3A_2210 = arith.constant 1.500000e+01 : f32
      %parallel_loop3A_2211 = vector.broadcast %parallel_loop3A_2210 : f32 to vector<16xf32>
      %parallel_loop3A_2212 = arith.minimumf %parallel_loop3A_2209, %parallel_loop3A_2211 : vector<16xf32>
      %parallel_loop3A_2213 = arith.fptosi %parallel_loop3A_2212 : vector<16xf32> to vector<16xi32>
      %parallel_loop3A_2214 = vector.shape_cast %parallel_loop3A_2213 : vector<16xi32> to vector<16x1xi32>
      %parallel_loop3A_2215 = vector.shape_cast %parallel_loop3A_2214 : vector<16x1xi32> to vector<16xi32>
      %parallel_loop3A_2216 = tpu.dynamic_gather %get3A_4[%parallel_loop3A_2215] in [0] : vector<16xf32>, vector<16xi32> -> vector<16xf32>
      %parallel_loop3A_2217 = arith.addf %parallel_loop3A_2189, %parallel_loop3A_2216 : vector<16xf32>
      %parallel_loop3A_2218 = vector.shape_cast %parallel_loop3A_2213 : vector<16xi32> to vector<16x1xi32>
      %parallel_loop3A_2219 = vector.shape_cast %parallel_loop3A_2218 : vector<16x1xi32> to vector<16xi32>
      %parallel_loop3A_2220 = tpu.dynamic_gather %get3A_7[%parallel_loop3A_2219] in [0] : vector<16xf32>, vector<16xi32> -> vector<16xf32>
      %parallel_loop3A_2221 = arith.mulf %parallel_loop3A_2197, %parallel_loop3A_2220 : vector<16xf32>
      %parallel_loop3A_2222 = arith.subf %parallel_loop3A_2217, %parallel_loop3A_2221 : vector<16xf32>
      %parallel_loop3A_2223 = arith.addf %parallel_loop3A_2118, %parallel_loop3A_2222 : vector<16xf32>
      %parallel_loop3A_2224 = arith.constant 21 : i32
      %parallel_loop3A_2225 = arith.index_cast %parallel_loop3A_2224 : i32 to index
      %parallel_loop3A_2226 = arith.index_cast %parallel_loop3A_16 : i32 to index
      %parallel_loop3A_2227 = tpu.vector_load %arg6[%parallel_loop3A_2225, %parallel_loop3A_2226] {strides = array<i32>} : memref<26x512xf32, #tpu.memory_space<vmem>>, vector<1x16xf32>,
      %parallel_loop3A_2228 = vector.shape_cast %parallel_loop3A_2227 : vector<1x16xf32> to vector<16xf32>
      %parallel_loop3A_2229 = arith.addf %parallel_loop3A_2228, %parallel_loop3A_2228 : vector<16xf32>
      %parallel_loop3A_2230 = math.exp %parallel_loop3A_2229 : vector<16xf32>
      %parallel_loop3A_2231 = arith.constant 1.000000e+00 : f32
      %parallel_loop3A_2232 = vector.broadcast %parallel_loop3A_2231 : f32 to vector<16xf32>
      %parallel_loop3A_2233 = arith.addf %parallel_loop3A_2232, %parallel_loop3A_2230 : vector<16xf32>
      %parallel_loop3A_2234 = arith.constant 2.000000e+00 : f32
      %parallel_loop3A_2235 = vector.broadcast %parallel_loop3A_2234 : f32 to vector<16xf32>
      %parallel_loop3A_2236 = arith.divf %parallel_loop3A_2235, %parallel_loop3A_2233 : vector<16xf32>
      %parallel_loop3A_2237 = arith.constant 8.000000e+00 : f32
      %parallel_loop3A_2238 = vector.broadcast %parallel_loop3A_2237 : f32 to vector<16xf32>
      %parallel_loop3A_2239 = arith.mulf %parallel_loop3A_2238, %parallel_loop3A_2236 : vector<16xf32>
      %parallel_loop3A_2240 = arith.constant 1.600000e+01 : f32
      %parallel_loop3A_2241 = vector.broadcast %parallel_loop3A_2240 : f32 to vector<16xf32>
      %parallel_loop3A_2242 = arith.subf %parallel_loop3A_2241, %parallel_loop3A_2239 : vector<16xf32>
      %parallel_loop3A_2243 = arith.constant 0x4B000000 : f32
      %parallel_loop3A_2244 = vector.broadcast %parallel_loop3A_2243 : f32 to vector<16xf32>
      %parallel_loop3A_2245 = arith.addf %parallel_loop3A_2242, %parallel_loop3A_2244 : vector<16xf32>
      %parallel_loop3A_2246 = arith.constant 0x4B000000 : f32
      %parallel_loop3A_2247 = vector.broadcast %parallel_loop3A_2246 : f32 to vector<16xf32>
      %parallel_loop3A_2248 = arith.subf %parallel_loop3A_2245, %parallel_loop3A_2247 : vector<16xf32>
      %parallel_loop3A_2249 = arith.constant 1.500000e+01 : f32
      %parallel_loop3A_2250 = vector.broadcast %parallel_loop3A_2249 : f32 to vector<16xf32>
      %parallel_loop3A_2251 = arith.minimumf %parallel_loop3A_2248, %parallel_loop3A_2250 : vector<16xf32>
      %parallel_loop3A_2252 = arith.fptosi %parallel_loop3A_2251 : vector<16xf32> to vector<16xi32>
      %parallel_loop3A_2253 = vector.shape_cast %parallel_loop3A_2252 : vector<16xi32> to vector<16x1xi32>
      %parallel_loop3A_2254 = vector.shape_cast %parallel_loop3A_2253 : vector<16x1xi32> to vector<16xi32>
      %parallel_loop3A_2255 = tpu.dynamic_gather %get3A_4[%parallel_loop3A_2254] in [0] : vector<16xf32>, vector<16xi32> -> vector<16xf32>
      %parallel_loop3A_2256 = arith.addf %parallel_loop3A_2228, %parallel_loop3A_2255 : vector<16xf32>
      %parallel_loop3A_2257 = vector.shape_cast %parallel_loop3A_2252 : vector<16xi32> to vector<16x1xi32>
      %parallel_loop3A_2258 = vector.shape_cast %parallel_loop3A_2257 : vector<16x1xi32> to vector<16xi32>
      %parallel_loop3A_2259 = tpu.dynamic_gather %get3A_7[%parallel_loop3A_2258] in [0] : vector<16xf32>, vector<16xi32> -> vector<16xf32>
      %parallel_loop3A_2260 = arith.mulf %parallel_loop3A_2236, %parallel_loop3A_2259 : vector<16xf32>
      %parallel_loop3A_2261 = arith.subf %parallel_loop3A_2256, %parallel_loop3A_2260 : vector<16xf32>
      %parallel_loop3A_2262 = arith.addf %parallel_loop3A_2261, %parallel_loop3A_2261 : vector<16xf32>
      %parallel_loop3A_2263 = math.exp %parallel_loop3A_2262 : vector<16xf32>
      %parallel_loop3A_2264 = arith.constant 1.000000e+00 : f32
      %parallel_loop3A_2265 = vector.broadcast %parallel_loop3A_2264 : f32 to vector<16xf32>
      %parallel_loop3A_2266 = arith.addf %parallel_loop3A_2265, %parallel_loop3A_2263 : vector<16xf32>
      %parallel_loop3A_2267 = arith.constant 2.000000e+00 : f32
      %parallel_loop3A_2268 = vector.broadcast %parallel_loop3A_2267 : f32 to vector<16xf32>
      %parallel_loop3A_2269 = arith.divf %parallel_loop3A_2268, %parallel_loop3A_2266 : vector<16xf32>
      %parallel_loop3A_2270 = arith.constant 8.000000e+00 : f32
      %parallel_loop3A_2271 = vector.broadcast %parallel_loop3A_2270 : f32 to vector<16xf32>
      %parallel_loop3A_2272 = arith.mulf %parallel_loop3A_2271, %parallel_loop3A_2269 : vector<16xf32>
      %parallel_loop3A_2273 = arith.constant 1.600000e+01 : f32
      %parallel_loop3A_2274 = vector.broadcast %parallel_loop3A_2273 : f32 to vector<16xf32>
      %parallel_loop3A_2275 = arith.subf %parallel_loop3A_2274, %parallel_loop3A_2272 : vector<16xf32>
      %parallel_loop3A_2276 = arith.constant 0x4B000000 : f32
      %parallel_loop3A_2277 = vector.broadcast %parallel_loop3A_2276 : f32 to vector<16xf32>
      %parallel_loop3A_2278 = arith.addf %parallel_loop3A_2275, %parallel_loop3A_2277 : vector<16xf32>
      %parallel_loop3A_2279 = arith.constant 0x4B000000 : f32
      %parallel_loop3A_2280 = vector.broadcast %parallel_loop3A_2279 : f32 to vector<16xf32>
      %parallel_loop3A_2281 = arith.subf %parallel_loop3A_2278, %parallel_loop3A_2280 : vector<16xf32>
      %parallel_loop3A_2282 = arith.constant 1.500000e+01 : f32
      %parallel_loop3A_2283 = vector.broadcast %parallel_loop3A_2282 : f32 to vector<16xf32>
      %parallel_loop3A_2284 = arith.minimumf %parallel_loop3A_2281, %parallel_loop3A_2283 : vector<16xf32>
      %parallel_loop3A_2285 = arith.fptosi %parallel_loop3A_2284 : vector<16xf32> to vector<16xi32>
      %parallel_loop3A_2286 = vector.shape_cast %parallel_loop3A_2285 : vector<16xi32> to vector<16x1xi32>
      %parallel_loop3A_2287 = vector.shape_cast %parallel_loop3A_2286 : vector<16x1xi32> to vector<16xi32>
      %parallel_loop3A_2288 = tpu.dynamic_gather %get3A_4[%parallel_loop3A_2287] in [0] : vector<16xf32>, vector<16xi32> -> vector<16xf32>
      %parallel_loop3A_2289 = arith.addf %parallel_loop3A_2261, %parallel_loop3A_2288 : vector<16xf32>
      %parallel_loop3A_2290 = vector.shape_cast %parallel_loop3A_2285 : vector<16xi32> to vector<16x1xi32>
      %parallel_loop3A_2291 = vector.shape_cast %parallel_loop3A_2290 : vector<16x1xi32> to vector<16xi32>
      %parallel_loop3A_2292 = tpu.dynamic_gather %get3A_7[%parallel_loop3A_2291] in [0] : vector<16xf32>, vector<16xi32> -> vector<16xf32>
      %parallel_loop3A_2293 = arith.mulf %parallel_loop3A_2269, %parallel_loop3A_2292 : vector<16xf32>
      %parallel_loop3A_2294 = arith.subf %parallel_loop3A_2289, %parallel_loop3A_2293 : vector<16xf32>
      %parallel_loop3A_2295 = arith.addf %parallel_loop3A_2294, %parallel_loop3A_2294 : vector<16xf32>
      %parallel_loop3A_2296 = math.exp %parallel_loop3A_2295 : vector<16xf32>
      %parallel_loop3A_2297 = arith.constant 1.000000e+00 : f32
      %parallel_loop3A_2298 = vector.broadcast %parallel_loop3A_2297 : f32 to vector<16xf32>
      %parallel_loop3A_2299 = arith.addf %parallel_loop3A_2298, %parallel_loop3A_2296 : vector<16xf32>
      %parallel_loop3A_2300 = arith.constant 2.000000e+00 : f32
      %parallel_loop3A_2301 = vector.broadcast %parallel_loop3A_2300 : f32 to vector<16xf32>
      %parallel_loop3A_2302 = arith.divf %parallel_loop3A_2301, %parallel_loop3A_2299 : vector<16xf32>
      %parallel_loop3A_2303 = arith.constant 8.000000e+00 : f32
      %parallel_loop3A_2304 = vector.broadcast %parallel_loop3A_2303 : f32 to vector<16xf32>
      %parallel_loop3A_2305 = arith.mulf %parallel_loop3A_2304, %parallel_loop3A_2302 : vector<16xf32>
      %parallel_loop3A_2306 = arith.constant 1.600000e+01 : f32
      %parallel_loop3A_2307 = vector.broadcast %parallel_loop3A_2306 : f32 to vector<16xf32>
      %parallel_loop3A_2308 = arith.subf %parallel_loop3A_2307, %parallel_loop3A_2305 : vector<16xf32>
      %parallel_loop3A_2309 = arith.constant 0x4B000000 : f32
      %parallel_loop3A_2310 = vector.broadcast %parallel_loop3A_2309 : f32 to vector<16xf32>
      %parallel_loop3A_2311 = arith.addf %parallel_loop3A_2308, %parallel_loop3A_2310 : vector<16xf32>
      %parallel_loop3A_2312 = arith.constant 0x4B000000 : f32
      %parallel_loop3A_2313 = vector.broadcast %parallel_loop3A_2312 : f32 to vector<16xf32>
      %parallel_loop3A_2314 = arith.subf %parallel_loop3A_2311, %parallel_loop3A_2313 : vector<16xf32>
      %parallel_loop3A_2315 = arith.constant 1.500000e+01 : f32
      %parallel_loop3A_2316 = vector.broadcast %parallel_loop3A_2315 : f32 to vector<16xf32>
      %parallel_loop3A_2317 = arith.minimumf %parallel_loop3A_2314, %parallel_loop3A_2316 : vector<16xf32>
      %parallel_loop3A_2318 = arith.fptosi %parallel_loop3A_2317 : vector<16xf32> to vector<16xi32>
      %parallel_loop3A_2319 = vector.shape_cast %parallel_loop3A_2318 : vector<16xi32> to vector<16x1xi32>
      %parallel_loop3A_2320 = vector.shape_cast %parallel_loop3A_2319 : vector<16x1xi32> to vector<16xi32>
      %parallel_loop3A_2321 = tpu.dynamic_gather %get3A_4[%parallel_loop3A_2320] in [0] : vector<16xf32>, vector<16xi32> -> vector<16xf32>
      %parallel_loop3A_2322 = arith.addf %parallel_loop3A_2294, %parallel_loop3A_2321 : vector<16xf32>
      %parallel_loop3A_2323 = vector.shape_cast %parallel_loop3A_2318 : vector<16xi32> to vector<16x1xi32>
      %parallel_loop3A_2324 = vector.shape_cast %parallel_loop3A_2323 : vector<16x1xi32> to vector<16xi32>
      %parallel_loop3A_2325 = tpu.dynamic_gather %get3A_7[%parallel_loop3A_2324] in [0] : vector<16xf32>, vector<16xi32> -> vector<16xf32>
      %parallel_loop3A_2326 = arith.mulf %parallel_loop3A_2302, %parallel_loop3A_2325 : vector<16xf32>
      %parallel_loop3A_2327 = arith.subf %parallel_loop3A_2322, %parallel_loop3A_2326 : vector<16xf32>
      %parallel_loop3A_2328 = arith.addf %parallel_loop3A_2223, %parallel_loop3A_2327 : vector<16xf32>
      %parallel_loop3A_2329 = arith.constant 22 : i32
      %parallel_loop3A_2330 = arith.index_cast %parallel_loop3A_2329 : i32 to index
      %parallel_loop3A_2331 = arith.index_cast %parallel_loop3A_16 : i32 to index
      %parallel_loop3A_2332 = tpu.vector_load %arg6[%parallel_loop3A_2330, %parallel_loop3A_2331] {strides = array<i32>} : memref<26x512xf32, #tpu.memory_space<vmem>>, vector<1x16xf32>,
      %parallel_loop3A_2333 = vector.shape_cast %parallel_loop3A_2332 : vector<1x16xf32> to vector<16xf32>
      %parallel_loop3A_2334 = arith.addf %parallel_loop3A_2333, %parallel_loop3A_2333 : vector<16xf32>
      %parallel_loop3A_2335 = math.exp %parallel_loop3A_2334 : vector<16xf32>
      %parallel_loop3A_2336 = arith.constant 1.000000e+00 : f32
      %parallel_loop3A_2337 = vector.broadcast %parallel_loop3A_2336 : f32 to vector<16xf32>
      %parallel_loop3A_2338 = arith.addf %parallel_loop3A_2337, %parallel_loop3A_2335 : vector<16xf32>
      %parallel_loop3A_2339 = arith.constant 2.000000e+00 : f32
      %parallel_loop3A_2340 = vector.broadcast %parallel_loop3A_2339 : f32 to vector<16xf32>
      %parallel_loop3A_2341 = arith.divf %parallel_loop3A_2340, %parallel_loop3A_2338 : vector<16xf32>
      %parallel_loop3A_2342 = arith.constant 8.000000e+00 : f32
      %parallel_loop3A_2343 = vector.broadcast %parallel_loop3A_2342 : f32 to vector<16xf32>
      %parallel_loop3A_2344 = arith.mulf %parallel_loop3A_2343, %parallel_loop3A_2341 : vector<16xf32>
      %parallel_loop3A_2345 = arith.constant 1.600000e+01 : f32
      %parallel_loop3A_2346 = vector.broadcast %parallel_loop3A_2345 : f32 to vector<16xf32>
      %parallel_loop3A_2347 = arith.subf %parallel_loop3A_2346, %parallel_loop3A_2344 : vector<16xf32>
      %parallel_loop3A_2348 = arith.constant 0x4B000000 : f32
      %parallel_loop3A_2349 = vector.broadcast %parallel_loop3A_2348 : f32 to vector<16xf32>
      %parallel_loop3A_2350 = arith.addf %parallel_loop3A_2347, %parallel_loop3A_2349 : vector<16xf32>
      %parallel_loop3A_2351 = arith.constant 0x4B000000 : f32
      %parallel_loop3A_2352 = vector.broadcast %parallel_loop3A_2351 : f32 to vector<16xf32>
      %parallel_loop3A_2353 = arith.subf %parallel_loop3A_2350, %parallel_loop3A_2352 : vector<16xf32>
      %parallel_loop3A_2354 = arith.constant 1.500000e+01 : f32
      %parallel_loop3A_2355 = vector.broadcast %parallel_loop3A_2354 : f32 to vector<16xf32>
      %parallel_loop3A_2356 = arith.minimumf %parallel_loop3A_2353, %parallel_loop3A_2355 : vector<16xf32>
      %parallel_loop3A_2357 = arith.fptosi %parallel_loop3A_2356 : vector<16xf32> to vector<16xi32>
      %parallel_loop3A_2358 = vector.shape_cast %parallel_loop3A_2357 : vector<16xi32> to vector<16x1xi32>
      %parallel_loop3A_2359 = vector.shape_cast %parallel_loop3A_2358 : vector<16x1xi32> to vector<16xi32>
      %parallel_loop3A_2360 = tpu.dynamic_gather %get3A_4[%parallel_loop3A_2359] in [0] : vector<16xf32>, vector<16xi32> -> vector<16xf32>
      %parallel_loop3A_2361 = arith.addf %parallel_loop3A_2333, %parallel_loop3A_2360 : vector<16xf32>
      %parallel_loop3A_2362 = vector.shape_cast %parallel_loop3A_2357 : vector<16xi32> to vector<16x1xi32>
      %parallel_loop3A_2363 = vector.shape_cast %parallel_loop3A_2362 : vector<16x1xi32> to vector<16xi32>
      %parallel_loop3A_2364 = tpu.dynamic_gather %get3A_7[%parallel_loop3A_2363] in [0] : vector<16xf32>, vector<16xi32> -> vector<16xf32>
      %parallel_loop3A_2365 = arith.mulf %parallel_loop3A_2341, %parallel_loop3A_2364 : vector<16xf32>
      %parallel_loop3A_2366 = arith.subf %parallel_loop3A_2361, %parallel_loop3A_2365 : vector<16xf32>
      %parallel_loop3A_2367 = arith.addf %parallel_loop3A_2366, %parallel_loop3A_2366 : vector<16xf32>
      %parallel_loop3A_2368 = math.exp %parallel_loop3A_2367 : vector<16xf32>
      %parallel_loop3A_2369 = arith.constant 1.000000e+00 : f32
      %parallel_loop3A_2370 = vector.broadcast %parallel_loop3A_2369 : f32 to vector<16xf32>
      %parallel_loop3A_2371 = arith.addf %parallel_loop3A_2370, %parallel_loop3A_2368 : vector<16xf32>
      %parallel_loop3A_2372 = arith.constant 2.000000e+00 : f32
      %parallel_loop3A_2373 = vector.broadcast %parallel_loop3A_2372 : f32 to vector<16xf32>
      %parallel_loop3A_2374 = arith.divf %parallel_loop3A_2373, %parallel_loop3A_2371 : vector<16xf32>
      %parallel_loop3A_2375 = arith.constant 8.000000e+00 : f32
      %parallel_loop3A_2376 = vector.broadcast %parallel_loop3A_2375 : f32 to vector<16xf32>
      %parallel_loop3A_2377 = arith.mulf %parallel_loop3A_2376, %parallel_loop3A_2374 : vector<16xf32>
      %parallel_loop3A_2378 = arith.constant 1.600000e+01 : f32
      %parallel_loop3A_2379 = vector.broadcast %parallel_loop3A_2378 : f32 to vector<16xf32>
      %parallel_loop3A_2380 = arith.subf %parallel_loop3A_2379, %parallel_loop3A_2377 : vector<16xf32>
      %parallel_loop3A_2381 = arith.constant 0x4B000000 : f32
      %parallel_loop3A_2382 = vector.broadcast %parallel_loop3A_2381 : f32 to vector<16xf32>
      %parallel_loop3A_2383 = arith.addf %parallel_loop3A_2380, %parallel_loop3A_2382 : vector<16xf32>
      %parallel_loop3A_2384 = arith.constant 0x4B000000 : f32
      %parallel_loop3A_2385 = vector.broadcast %parallel_loop3A_2384 : f32 to vector<16xf32>
      %parallel_loop3A_2386 = arith.subf %parallel_loop3A_2383, %parallel_loop3A_2385 : vector<16xf32>
      %parallel_loop3A_2387 = arith.constant 1.500000e+01 : f32
      %parallel_loop3A_2388 = vector.broadcast %parallel_loop3A_2387 : f32 to vector<16xf32>
      %parallel_loop3A_2389 = arith.minimumf %parallel_loop3A_2386, %parallel_loop3A_2388 : vector<16xf32>
      %parallel_loop3A_2390 = arith.fptosi %parallel_loop3A_2389 : vector<16xf32> to vector<16xi32>
      %parallel_loop3A_2391 = vector.shape_cast %parallel_loop3A_2390 : vector<16xi32> to vector<16x1xi32>
      %parallel_loop3A_2392 = vector.shape_cast %parallel_loop3A_2391 : vector<16x1xi32> to vector<16xi32>
      %parallel_loop3A_2393 = tpu.dynamic_gather %get3A_4[%parallel_loop3A_2392] in [0] : vector<16xf32>, vector<16xi32> -> vector<16xf32>
      %parallel_loop3A_2394 = arith.addf %parallel_loop3A_2366, %parallel_loop3A_2393 : vector<16xf32>
      %parallel_loop3A_2395 = vector.shape_cast %parallel_loop3A_2390 : vector<16xi32> to vector<16x1xi32>
      %parallel_loop3A_2396 = vector.shape_cast %parallel_loop3A_2395 : vector<16x1xi32> to vector<16xi32>
      %parallel_loop3A_2397 = tpu.dynamic_gather %get3A_7[%parallel_loop3A_2396] in [0] : vector<16xf32>, vector<16xi32> -> vector<16xf32>
      %parallel_loop3A_2398 = arith.mulf %parallel_loop3A_2374, %parallel_loop3A_2397 : vector<16xf32>
      %parallel_loop3A_2399 = arith.subf %parallel_loop3A_2394, %parallel_loop3A_2398 : vector<16xf32>
      %parallel_loop3A_2400 = arith.addf %parallel_loop3A_2399, %parallel_loop3A_2399 : vector<16xf32>
      %parallel_loop3A_2401 = math.exp %parallel_loop3A_2400 : vector<16xf32>
      %parallel_loop3A_2402 = arith.constant 1.000000e+00 : f32
      %parallel_loop3A_2403 = vector.broadcast %parallel_loop3A_2402 : f32 to vector<16xf32>
      %parallel_loop3A_2404 = arith.addf %parallel_loop3A_2403, %parallel_loop3A_2401 : vector<16xf32>
      %parallel_loop3A_2405 = arith.constant 2.000000e+00 : f32
      %parallel_loop3A_2406 = vector.broadcast %parallel_loop3A_2405 : f32 to vector<16xf32>
      %parallel_loop3A_2407 = arith.divf %parallel_loop3A_2406, %parallel_loop3A_2404 : vector<16xf32>
      %parallel_loop3A_2408 = arith.constant 8.000000e+00 : f32
      %parallel_loop3A_2409 = vector.broadcast %parallel_loop3A_2408 : f32 to vector<16xf32>
      %parallel_loop3A_2410 = arith.mulf %parallel_loop3A_2409, %parallel_loop3A_2407 : vector<16xf32>
      %parallel_loop3A_2411 = arith.constant 1.600000e+01 : f32
      %parallel_loop3A_2412 = vector.broadcast %parallel_loop3A_2411 : f32 to vector<16xf32>
      %parallel_loop3A_2413 = arith.subf %parallel_loop3A_2412, %parallel_loop3A_2410 : vector<16xf32>
      %parallel_loop3A_2414 = arith.constant 0x4B000000 : f32
      %parallel_loop3A_2415 = vector.broadcast %parallel_loop3A_2414 : f32 to vector<16xf32>
      %parallel_loop3A_2416 = arith.addf %parallel_loop3A_2413, %parallel_loop3A_2415 : vector<16xf32>
      %parallel_loop3A_2417 = arith.constant 0x4B000000 : f32
      %parallel_loop3A_2418 = vector.broadcast %parallel_loop3A_2417 : f32 to vector<16xf32>
      %parallel_loop3A_2419 = arith.subf %parallel_loop3A_2416, %parallel_loop3A_2418 : vector<16xf32>
      %parallel_loop3A_2420 = arith.constant 1.500000e+01 : f32
      %parallel_loop3A_2421 = vector.broadcast %parallel_loop3A_2420 : f32 to vector<16xf32>
      %parallel_loop3A_2422 = arith.minimumf %parallel_loop3A_2419, %parallel_loop3A_2421 : vector<16xf32>
      %parallel_loop3A_2423 = arith.fptosi %parallel_loop3A_2422 : vector<16xf32> to vector<16xi32>
      %parallel_loop3A_2424 = vector.shape_cast %parallel_loop3A_2423 : vector<16xi32> to vector<16x1xi32>
      %parallel_loop3A_2425 = vector.shape_cast %parallel_loop3A_2424 : vector<16x1xi32> to vector<16xi32>
      %parallel_loop3A_2426 = tpu.dynamic_gather %get3A_4[%parallel_loop3A_2425] in [0] : vector<16xf32>, vector<16xi32> -> vector<16xf32>
      %parallel_loop3A_2427 = arith.addf %parallel_loop3A_2399, %parallel_loop3A_2426 : vector<16xf32>
      %parallel_loop3A_2428 = vector.shape_cast %parallel_loop3A_2423 : vector<16xi32> to vector<16x1xi32>
      %parallel_loop3A_2429 = vector.shape_cast %parallel_loop3A_2428 : vector<16x1xi32> to vector<16xi32>
      %parallel_loop3A_2430 = tpu.dynamic_gather %get3A_7[%parallel_loop3A_2429] in [0] : vector<16xf32>, vector<16xi32> -> vector<16xf32>
      %parallel_loop3A_2431 = arith.mulf %parallel_loop3A_2407, %parallel_loop3A_2430 : vector<16xf32>
      %parallel_loop3A_2432 = arith.subf %parallel_loop3A_2427, %parallel_loop3A_2431 : vector<16xf32>
      %parallel_loop3A_2433 = arith.addf %parallel_loop3A_2328, %parallel_loop3A_2432 : vector<16xf32>
      %parallel_loop3A_2434 = arith.constant 23 : i32
      %parallel_loop3A_2435 = arith.index_cast %parallel_loop3A_2434 : i32 to index
      %parallel_loop3A_2436 = arith.index_cast %parallel_loop3A_16 : i32 to index
      %parallel_loop3A_2437 = tpu.vector_load %arg6[%parallel_loop3A_2435, %parallel_loop3A_2436] {strides = array<i32>} : memref<26x512xf32, #tpu.memory_space<vmem>>, vector<1x16xf32>,
      %parallel_loop3A_2438 = vector.shape_cast %parallel_loop3A_2437 : vector<1x16xf32> to vector<16xf32>
      %parallel_loop3A_2439 = arith.addf %parallel_loop3A_2438, %parallel_loop3A_2438 : vector<16xf32>
      %parallel_loop3A_2440 = math.exp %parallel_loop3A_2439 : vector<16xf32>
      %parallel_loop3A_2441 = arith.constant 1.000000e+00 : f32
      %parallel_loop3A_2442 = vector.broadcast %parallel_loop3A_2441 : f32 to vector<16xf32>
      %parallel_loop3A_2443 = arith.addf %parallel_loop3A_2442, %parallel_loop3A_2440 : vector<16xf32>
      %parallel_loop3A_2444 = arith.constant 2.000000e+00 : f32
      %parallel_loop3A_2445 = vector.broadcast %parallel_loop3A_2444 : f32 to vector<16xf32>
      %parallel_loop3A_2446 = arith.divf %parallel_loop3A_2445, %parallel_loop3A_2443 : vector<16xf32>
      %parallel_loop3A_2447 = arith.constant 8.000000e+00 : f32
      %parallel_loop3A_2448 = vector.broadcast %parallel_loop3A_2447 : f32 to vector<16xf32>
      %parallel_loop3A_2449 = arith.mulf %parallel_loop3A_2448, %parallel_loop3A_2446 : vector<16xf32>
      %parallel_loop3A_2450 = arith.constant 1.600000e+01 : f32
      %parallel_loop3A_2451 = vector.broadcast %parallel_loop3A_2450 : f32 to vector<16xf32>
      %parallel_loop3A_2452 = arith.subf %parallel_loop3A_2451, %parallel_loop3A_2449 : vector<16xf32>
      %parallel_loop3A_2453 = arith.constant 0x4B000000 : f32
      %parallel_loop3A_2454 = vector.broadcast %parallel_loop3A_2453 : f32 to vector<16xf32>
      %parallel_loop3A_2455 = arith.addf %parallel_loop3A_2452, %parallel_loop3A_2454 : vector<16xf32>
      %parallel_loop3A_2456 = arith.constant 0x4B000000 : f32
      %parallel_loop3A_2457 = vector.broadcast %parallel_loop3A_2456 : f32 to vector<16xf32>
      %parallel_loop3A_2458 = arith.subf %parallel_loop3A_2455, %parallel_loop3A_2457 : vector<16xf32>
      %parallel_loop3A_2459 = arith.constant 1.500000e+01 : f32
      %parallel_loop3A_2460 = vector.broadcast %parallel_loop3A_2459 : f32 to vector<16xf32>
      %parallel_loop3A_2461 = arith.minimumf %parallel_loop3A_2458, %parallel_loop3A_2460 : vector<16xf32>
      %parallel_loop3A_2462 = arith.fptosi %parallel_loop3A_2461 : vector<16xf32> to vector<16xi32>
      %parallel_loop3A_2463 = vector.shape_cast %parallel_loop3A_2462 : vector<16xi32> to vector<16x1xi32>
      %parallel_loop3A_2464 = vector.shape_cast %parallel_loop3A_2463 : vector<16x1xi32> to vector<16xi32>
      %parallel_loop3A_2465 = tpu.dynamic_gather %get3A_4[%parallel_loop3A_2464] in [0] : vector<16xf32>, vector<16xi32> -> vector<16xf32>
      %parallel_loop3A_2466 = arith.addf %parallel_loop3A_2438, %parallel_loop3A_2465 : vector<16xf32>
      %parallel_loop3A_2467 = vector.shape_cast %parallel_loop3A_2462 : vector<16xi32> to vector<16x1xi32>
      %parallel_loop3A_2468 = vector.shape_cast %parallel_loop3A_2467 : vector<16x1xi32> to vector<16xi32>
      %parallel_loop3A_2469 = tpu.dynamic_gather %get3A_7[%parallel_loop3A_2468] in [0] : vector<16xf32>, vector<16xi32> -> vector<16xf32>
      %parallel_loop3A_2470 = arith.mulf %parallel_loop3A_2446, %parallel_loop3A_2469 : vector<16xf32>
      %parallel_loop3A_2471 = arith.subf %parallel_loop3A_2466, %parallel_loop3A_2470 : vector<16xf32>
      %parallel_loop3A_2472 = arith.addf %parallel_loop3A_2471, %parallel_loop3A_2471 : vector<16xf32>
      %parallel_loop3A_2473 = math.exp %parallel_loop3A_2472 : vector<16xf32>
      %parallel_loop3A_2474 = arith.constant 1.000000e+00 : f32
      %parallel_loop3A_2475 = vector.broadcast %parallel_loop3A_2474 : f32 to vector<16xf32>
      %parallel_loop3A_2476 = arith.addf %parallel_loop3A_2475, %parallel_loop3A_2473 : vector<16xf32>
      %parallel_loop3A_2477 = arith.constant 2.000000e+00 : f32
      %parallel_loop3A_2478 = vector.broadcast %parallel_loop3A_2477 : f32 to vector<16xf32>
      %parallel_loop3A_2479 = arith.divf %parallel_loop3A_2478, %parallel_loop3A_2476 : vector<16xf32>
      %parallel_loop3A_2480 = arith.constant 8.000000e+00 : f32
      %parallel_loop3A_2481 = vector.broadcast %parallel_loop3A_2480 : f32 to vector<16xf32>
      %parallel_loop3A_2482 = arith.mulf %parallel_loop3A_2481, %parallel_loop3A_2479 : vector<16xf32>
      %parallel_loop3A_2483 = arith.constant 1.600000e+01 : f32
      %parallel_loop3A_2484 = vector.broadcast %parallel_loop3A_2483 : f32 to vector<16xf32>
      %parallel_loop3A_2485 = arith.subf %parallel_loop3A_2484, %parallel_loop3A_2482 : vector<16xf32>
      %parallel_loop3A_2486 = arith.constant 0x4B000000 : f32
      %parallel_loop3A_2487 = vector.broadcast %parallel_loop3A_2486 : f32 to vector<16xf32>
      %parallel_loop3A_2488 = arith.addf %parallel_loop3A_2485, %parallel_loop3A_2487 : vector<16xf32>
      %parallel_loop3A_2489 = arith.constant 0x4B000000 : f32
      %parallel_loop3A_2490 = vector.broadcast %parallel_loop3A_2489 : f32 to vector<16xf32>
      %parallel_loop3A_2491 = arith.subf %parallel_loop3A_2488, %parallel_loop3A_2490 : vector<16xf32>
      %parallel_loop3A_2492 = arith.constant 1.500000e+01 : f32
      %parallel_loop3A_2493 = vector.broadcast %parallel_loop3A_2492 : f32 to vector<16xf32>
      %parallel_loop3A_2494 = arith.minimumf %parallel_loop3A_2491, %parallel_loop3A_2493 : vector<16xf32>
      %parallel_loop3A_2495 = arith.fptosi %parallel_loop3A_2494 : vector<16xf32> to vector<16xi32>
      %parallel_loop3A_2496 = vector.shape_cast %parallel_loop3A_2495 : vector<16xi32> to vector<16x1xi32>
      %parallel_loop3A_2497 = vector.shape_cast %parallel_loop3A_2496 : vector<16x1xi32> to vector<16xi32>
      %parallel_loop3A_2498 = tpu.dynamic_gather %get3A_4[%parallel_loop3A_2497] in [0] : vector<16xf32>, vector<16xi32> -> vector<16xf32>
      %parallel_loop3A_2499 = arith.addf %parallel_loop3A_2471, %parallel_loop3A_2498 : vector<16xf32>
      %parallel_loop3A_2500 = vector.shape_cast %parallel_loop3A_2495 : vector<16xi32> to vector<16x1xi32>
      %parallel_loop3A_2501 = vector.shape_cast %parallel_loop3A_2500 : vector<16x1xi32> to vector<16xi32>
      %parallel_loop3A_2502 = tpu.dynamic_gather %get3A_7[%parallel_loop3A_2501] in [0] : vector<16xf32>, vector<16xi32> -> vector<16xf32>
      %parallel_loop3A_2503 = arith.mulf %parallel_loop3A_2479, %parallel_loop3A_2502 : vector<16xf32>
      %parallel_loop3A_2504 = arith.subf %parallel_loop3A_2499, %parallel_loop3A_2503 : vector<16xf32>
      %parallel_loop3A_2505 = arith.addf %parallel_loop3A_2504, %parallel_loop3A_2504 : vector<16xf32>
      %parallel_loop3A_2506 = math.exp %parallel_loop3A_2505 : vector<16xf32>
      %parallel_loop3A_2507 = arith.constant 1.000000e+00 : f32
      %parallel_loop3A_2508 = vector.broadcast %parallel_loop3A_2507 : f32 to vector<16xf32>
      %parallel_loop3A_2509 = arith.addf %parallel_loop3A_2508, %parallel_loop3A_2506 : vector<16xf32>
      %parallel_loop3A_2510 = arith.constant 2.000000e+00 : f32
      %parallel_loop3A_2511 = vector.broadcast %parallel_loop3A_2510 : f32 to vector<16xf32>
      %parallel_loop3A_2512 = arith.divf %parallel_loop3A_2511, %parallel_loop3A_2509 : vector<16xf32>
      %parallel_loop3A_2513 = arith.constant 8.000000e+00 : f32
      %parallel_loop3A_2514 = vector.broadcast %parallel_loop3A_2513 : f32 to vector<16xf32>
      %parallel_loop3A_2515 = arith.mulf %parallel_loop3A_2514, %parallel_loop3A_2512 : vector<16xf32>
      %parallel_loop3A_2516 = arith.constant 1.600000e+01 : f32
      %parallel_loop3A_2517 = vector.broadcast %parallel_loop3A_2516 : f32 to vector<16xf32>
      %parallel_loop3A_2518 = arith.subf %parallel_loop3A_2517, %parallel_loop3A_2515 : vector<16xf32>
      %parallel_loop3A_2519 = arith.constant 0x4B000000 : f32
      %parallel_loop3A_2520 = vector.broadcast %parallel_loop3A_2519 : f32 to vector<16xf32>
      %parallel_loop3A_2521 = arith.addf %parallel_loop3A_2518, %parallel_loop3A_2520 : vector<16xf32>
      %parallel_loop3A_2522 = arith.constant 0x4B000000 : f32
      %parallel_loop3A_2523 = vector.broadcast %parallel_loop3A_2522 : f32 to vector<16xf32>
      %parallel_loop3A_2524 = arith.subf %parallel_loop3A_2521, %parallel_loop3A_2523 : vector<16xf32>
      %parallel_loop3A_2525 = arith.constant 1.500000e+01 : f32
      %parallel_loop3A_2526 = vector.broadcast %parallel_loop3A_2525 : f32 to vector<16xf32>
      %parallel_loop3A_2527 = arith.minimumf %parallel_loop3A_2524, %parallel_loop3A_2526 : vector<16xf32>
      %parallel_loop3A_2528 = arith.fptosi %parallel_loop3A_2527 : vector<16xf32> to vector<16xi32>
      %parallel_loop3A_2529 = vector.shape_cast %parallel_loop3A_2528 : vector<16xi32> to vector<16x1xi32>
      %parallel_loop3A_2530 = vector.shape_cast %parallel_loop3A_2529 : vector<16x1xi32> to vector<16xi32>
      %parallel_loop3A_2531 = tpu.dynamic_gather %get3A_4[%parallel_loop3A_2530] in [0] : vector<16xf32>, vector<16xi32> -> vector<16xf32>
      %parallel_loop3A_2532 = arith.addf %parallel_loop3A_2504, %parallel_loop3A_2531 : vector<16xf32>
      %parallel_loop3A_2533 = vector.shape_cast %parallel_loop3A_2528 : vector<16xi32> to vector<16x1xi32>
      %parallel_loop3A_2534 = vector.shape_cast %parallel_loop3A_2533 : vector<16x1xi32> to vector<16xi32>
      %parallel_loop3A_2535 = tpu.dynamic_gather %get3A_7[%parallel_loop3A_2534] in [0] : vector<16xf32>, vector<16xi32> -> vector<16xf32>
      %parallel_loop3A_2536 = arith.mulf %parallel_loop3A_2512, %parallel_loop3A_2535 : vector<16xf32>
      %parallel_loop3A_2537 = arith.subf %parallel_loop3A_2532, %parallel_loop3A_2536 : vector<16xf32>
      %parallel_loop3A_2538 = arith.addf %parallel_loop3A_2433, %parallel_loop3A_2537 : vector<16xf32>
      %parallel_loop3A_2539 = arith.constant 24 : i32
      %parallel_loop3A_2540 = arith.index_cast %parallel_loop3A_2539 : i32 to index
      %parallel_loop3A_2541 = arith.index_cast %parallel_loop3A_16 : i32 to index
      %parallel_loop3A_2542 = tpu.vector_load %arg6[%parallel_loop3A_2540, %parallel_loop3A_2541] {strides = array<i32>} : memref<26x512xf32, #tpu.memory_space<vmem>>, vector<1x16xf32>,
      %parallel_loop3A_2543 = vector.shape_cast %parallel_loop3A_2542 : vector<1x16xf32> to vector<16xf32>
      %parallel_loop3A_2544 = arith.addf %parallel_loop3A_2543, %parallel_loop3A_2543 : vector<16xf32>
      %parallel_loop3A_2545 = math.exp %parallel_loop3A_2544 : vector<16xf32>
      %parallel_loop3A_2546 = arith.constant 1.000000e+00 : f32
      %parallel_loop3A_2547 = vector.broadcast %parallel_loop3A_2546 : f32 to vector<16xf32>
      %parallel_loop3A_2548 = arith.addf %parallel_loop3A_2547, %parallel_loop3A_2545 : vector<16xf32>
      %parallel_loop3A_2549 = arith.constant 2.000000e+00 : f32
      %parallel_loop3A_2550 = vector.broadcast %parallel_loop3A_2549 : f32 to vector<16xf32>
      %parallel_loop3A_2551 = arith.divf %parallel_loop3A_2550, %parallel_loop3A_2548 : vector<16xf32>
      %parallel_loop3A_2552 = arith.constant 8.000000e+00 : f32
      %parallel_loop3A_2553 = vector.broadcast %parallel_loop3A_2552 : f32 to vector<16xf32>
      %parallel_loop3A_2554 = arith.mulf %parallel_loop3A_2553, %parallel_loop3A_2551 : vector<16xf32>
      %parallel_loop3A_2555 = arith.constant 1.600000e+01 : f32
      %parallel_loop3A_2556 = vector.broadcast %parallel_loop3A_2555 : f32 to vector<16xf32>
      %parallel_loop3A_2557 = arith.subf %parallel_loop3A_2556, %parallel_loop3A_2554 : vector<16xf32>
      %parallel_loop3A_2558 = arith.constant 0x4B000000 : f32
      %parallel_loop3A_2559 = vector.broadcast %parallel_loop3A_2558 : f32 to vector<16xf32>
      %parallel_loop3A_2560 = arith.addf %parallel_loop3A_2557, %parallel_loop3A_2559 : vector<16xf32>
      %parallel_loop3A_2561 = arith.constant 0x4B000000 : f32
      %parallel_loop3A_2562 = vector.broadcast %parallel_loop3A_2561 : f32 to vector<16xf32>
      %parallel_loop3A_2563 = arith.subf %parallel_loop3A_2560, %parallel_loop3A_2562 : vector<16xf32>
      %parallel_loop3A_2564 = arith.constant 1.500000e+01 : f32
      %parallel_loop3A_2565 = vector.broadcast %parallel_loop3A_2564 : f32 to vector<16xf32>
      %parallel_loop3A_2566 = arith.minimumf %parallel_loop3A_2563, %parallel_loop3A_2565 : vector<16xf32>
      %parallel_loop3A_2567 = arith.fptosi %parallel_loop3A_2566 : vector<16xf32> to vector<16xi32>
      %parallel_loop3A_2568 = vector.shape_cast %parallel_loop3A_2567 : vector<16xi32> to vector<16x1xi32>
      %parallel_loop3A_2569 = vector.shape_cast %parallel_loop3A_2568 : vector<16x1xi32> to vector<16xi32>
      %parallel_loop3A_2570 = tpu.dynamic_gather %get3A_4[%parallel_loop3A_2569] in [0] : vector<16xf32>, vector<16xi32> -> vector<16xf32>
      %parallel_loop3A_2571 = arith.addf %parallel_loop3A_2543, %parallel_loop3A_2570 : vector<16xf32>
      %parallel_loop3A_2572 = vector.shape_cast %parallel_loop3A_2567 : vector<16xi32> to vector<16x1xi32>
      %parallel_loop3A_2573 = vector.shape_cast %parallel_loop3A_2572 : vector<16x1xi32> to vector<16xi32>
      %parallel_loop3A_2574 = tpu.dynamic_gather %get3A_7[%parallel_loop3A_2573] in [0] : vector<16xf32>, vector<16xi32> -> vector<16xf32>
      %parallel_loop3A_2575 = arith.mulf %parallel_loop3A_2551, %parallel_loop3A_2574 : vector<16xf32>
      %parallel_loop3A_2576 = arith.subf %parallel_loop3A_2571, %parallel_loop3A_2575 : vector<16xf32>
      %parallel_loop3A_2577 = arith.addf %parallel_loop3A_2576, %parallel_loop3A_2576 : vector<16xf32>
      %parallel_loop3A_2578 = math.exp %parallel_loop3A_2577 : vector<16xf32>
      %parallel_loop3A_2579 = arith.constant 1.000000e+00 : f32
      %parallel_loop3A_2580 = vector.broadcast %parallel_loop3A_2579 : f32 to vector<16xf32>
      %parallel_loop3A_2581 = arith.addf %parallel_loop3A_2580, %parallel_loop3A_2578 : vector<16xf32>
      %parallel_loop3A_2582 = arith.constant 2.000000e+00 : f32
      %parallel_loop3A_2583 = vector.broadcast %parallel_loop3A_2582 : f32 to vector<16xf32>
      %parallel_loop3A_2584 = arith.divf %parallel_loop3A_2583, %parallel_loop3A_2581 : vector<16xf32>
      %parallel_loop3A_2585 = arith.constant 8.000000e+00 : f32
      %parallel_loop3A_2586 = vector.broadcast %parallel_loop3A_2585 : f32 to vector<16xf32>
      %parallel_loop3A_2587 = arith.mulf %parallel_loop3A_2586, %parallel_loop3A_2584 : vector<16xf32>
      %parallel_loop3A_2588 = arith.constant 1.600000e+01 : f32
      %parallel_loop3A_2589 = vector.broadcast %parallel_loop3A_2588 : f32 to vector<16xf32>
      %parallel_loop3A_2590 = arith.subf %parallel_loop3A_2589, %parallel_loop3A_2587 : vector<16xf32>
      %parallel_loop3A_2591 = arith.constant 0x4B000000 : f32
      %parallel_loop3A_2592 = vector.broadcast %parallel_loop3A_2591 : f32 to vector<16xf32>
      %parallel_loop3A_2593 = arith.addf %parallel_loop3A_2590, %parallel_loop3A_2592 : vector<16xf32>
      %parallel_loop3A_2594 = arith.constant 0x4B000000 : f32
      %parallel_loop3A_2595 = vector.broadcast %parallel_loop3A_2594 : f32 to vector<16xf32>
      %parallel_loop3A_2596 = arith.subf %parallel_loop3A_2593, %parallel_loop3A_2595 : vector<16xf32>
      %parallel_loop3A_2597 = arith.constant 1.500000e+01 : f32
      %parallel_loop3A_2598 = vector.broadcast %parallel_loop3A_2597 : f32 to vector<16xf32>
      %parallel_loop3A_2599 = arith.minimumf %parallel_loop3A_2596, %parallel_loop3A_2598 : vector<16xf32>
      %parallel_loop3A_2600 = arith.fptosi %parallel_loop3A_2599 : vector<16xf32> to vector<16xi32>
      %parallel_loop3A_2601 = vector.shape_cast %parallel_loop3A_2600 : vector<16xi32> to vector<16x1xi32>
      %parallel_loop3A_2602 = vector.shape_cast %parallel_loop3A_2601 : vector<16x1xi32> to vector<16xi32>
      %parallel_loop3A_2603 = tpu.dynamic_gather %get3A_4[%parallel_loop3A_2602] in [0] : vector<16xf32>, vector<16xi32> -> vector<16xf32>
      %parallel_loop3A_2604 = arith.addf %parallel_loop3A_2576, %parallel_loop3A_2603 : vector<16xf32>
      %parallel_loop3A_2605 = vector.shape_cast %parallel_loop3A_2600 : vector<16xi32> to vector<16x1xi32>
      %parallel_loop3A_2606 = vector.shape_cast %parallel_loop3A_2605 : vector<16x1xi32> to vector<16xi32>
      %parallel_loop3A_2607 = tpu.dynamic_gather %get3A_7[%parallel_loop3A_2606] in [0] : vector<16xf32>, vector<16xi32> -> vector<16xf32>
      %parallel_loop3A_2608 = arith.mulf %parallel_loop3A_2584, %parallel_loop3A_2607 : vector<16xf32>
      %parallel_loop3A_2609 = arith.subf %parallel_loop3A_2604, %parallel_loop3A_2608 : vector<16xf32>
      %parallel_loop3A_2610 = arith.addf %parallel_loop3A_2609, %parallel_loop3A_2609 : vector<16xf32>
      %parallel_loop3A_2611 = math.exp %parallel_loop3A_2610 : vector<16xf32>
      %parallel_loop3A_2612 = arith.constant 1.000000e+00 : f32
      %parallel_loop3A_2613 = vector.broadcast %parallel_loop3A_2612 : f32 to vector<16xf32>
      %parallel_loop3A_2614 = arith.addf %parallel_loop3A_2613, %parallel_loop3A_2611 : vector<16xf32>
      %parallel_loop3A_2615 = arith.constant 2.000000e+00 : f32
      %parallel_loop3A_2616 = vector.broadcast %parallel_loop3A_2615 : f32 to vector<16xf32>
      %parallel_loop3A_2617 = arith.divf %parallel_loop3A_2616, %parallel_loop3A_2614 : vector<16xf32>
      %parallel_loop3A_2618 = arith.constant 8.000000e+00 : f32
      %parallel_loop3A_2619 = vector.broadcast %parallel_loop3A_2618 : f32 to vector<16xf32>
      %parallel_loop3A_2620 = arith.mulf %parallel_loop3A_2619, %parallel_loop3A_2617 : vector<16xf32>
      %parallel_loop3A_2621 = arith.constant 1.600000e+01 : f32
      %parallel_loop3A_2622 = vector.broadcast %parallel_loop3A_2621 : f32 to vector<16xf32>
      %parallel_loop3A_2623 = arith.subf %parallel_loop3A_2622, %parallel_loop3A_2620 : vector<16xf32>
      %parallel_loop3A_2624 = arith.constant 0x4B000000 : f32
      %parallel_loop3A_2625 = vector.broadcast %parallel_loop3A_2624 : f32 to vector<16xf32>
      %parallel_loop3A_2626 = arith.addf %parallel_loop3A_2623, %parallel_loop3A_2625 : vector<16xf32>
      %parallel_loop3A_2627 = arith.constant 0x4B000000 : f32
      %parallel_loop3A_2628 = vector.broadcast %parallel_loop3A_2627 : f32 to vector<16xf32>
      %parallel_loop3A_2629 = arith.subf %parallel_loop3A_2626, %parallel_loop3A_2628 : vector<16xf32>
      %parallel_loop3A_2630 = arith.constant 1.500000e+01 : f32
      %parallel_loop3A_2631 = vector.broadcast %parallel_loop3A_2630 : f32 to vector<16xf32>
      %parallel_loop3A_2632 = arith.minimumf %parallel_loop3A_2629, %parallel_loop3A_2631 : vector<16xf32>
      %parallel_loop3A_2633 = arith.fptosi %parallel_loop3A_2632 : vector<16xf32> to vector<16xi32>
      %parallel_loop3A_2634 = vector.shape_cast %parallel_loop3A_2633 : vector<16xi32> to vector<16x1xi32>
      %parallel_loop3A_2635 = vector.shape_cast %parallel_loop3A_2634 : vector<16x1xi32> to vector<16xi32>
      %parallel_loop3A_2636 = tpu.dynamic_gather %get3A_4[%parallel_loop3A_2635] in [0] : vector<16xf32>, vector<16xi32> -> vector<16xf32>
      %parallel_loop3A_2637 = arith.addf %parallel_loop3A_2609, %parallel_loop3A_2636 : vector<16xf32>
      %parallel_loop3A_2638 = vector.shape_cast %parallel_loop3A_2633 : vector<16xi32> to vector<16x1xi32>
      %parallel_loop3A_2639 = vector.shape_cast %parallel_loop3A_2638 : vector<16x1xi32> to vector<16xi32>
      %parallel_loop3A_2640 = tpu.dynamic_gather %get3A_7[%parallel_loop3A_2639] in [0] : vector<16xf32>, vector<16xi32> -> vector<16xf32>
      %parallel_loop3A_2641 = arith.mulf %parallel_loop3A_2617, %parallel_loop3A_2640 : vector<16xf32>
      %parallel_loop3A_2642 = arith.subf %parallel_loop3A_2637, %parallel_loop3A_2641 : vector<16xf32>
      %parallel_loop3A_2643 = arith.addf %parallel_loop3A_2538, %parallel_loop3A_2642 : vector<16xf32>
      %parallel_loop3A_2644 = arith.constant 25 : i32
      %parallel_loop3A_2645 = arith.index_cast %parallel_loop3A_2644 : i32 to index
      %parallel_loop3A_2646 = arith.index_cast %parallel_loop3A_16 : i32 to index
      %parallel_loop3A_2647 = tpu.vector_load %arg6[%parallel_loop3A_2645, %parallel_loop3A_2646] {strides = array<i32>} : memref<26x512xf32, #tpu.memory_space<vmem>>, vector<1x16xf32>,
      %parallel_loop3A_2648 = vector.shape_cast %parallel_loop3A_2647 : vector<1x16xf32> to vector<16xf32>
      %parallel_loop3A_2649 = arith.addf %parallel_loop3A_2648, %parallel_loop3A_2648 : vector<16xf32>
      %parallel_loop3A_2650 = math.exp %parallel_loop3A_2649 : vector<16xf32>
      %parallel_loop3A_2651 = arith.constant 1.000000e+00 : f32
      %parallel_loop3A_2652 = vector.broadcast %parallel_loop3A_2651 : f32 to vector<16xf32>
      %parallel_loop3A_2653 = arith.addf %parallel_loop3A_2652, %parallel_loop3A_2650 : vector<16xf32>
      %parallel_loop3A_2654 = arith.constant 2.000000e+00 : f32
      %parallel_loop3A_2655 = vector.broadcast %parallel_loop3A_2654 : f32 to vector<16xf32>
      %parallel_loop3A_2656 = arith.divf %parallel_loop3A_2655, %parallel_loop3A_2653 : vector<16xf32>
      %parallel_loop3A_2657 = arith.constant 8.000000e+00 : f32
      %parallel_loop3A_2658 = vector.broadcast %parallel_loop3A_2657 : f32 to vector<16xf32>
      %parallel_loop3A_2659 = arith.mulf %parallel_loop3A_2658, %parallel_loop3A_2656 : vector<16xf32>
      %parallel_loop3A_2660 = arith.constant 1.600000e+01 : f32
      %parallel_loop3A_2661 = vector.broadcast %parallel_loop3A_2660 : f32 to vector<16xf32>
      %parallel_loop3A_2662 = arith.subf %parallel_loop3A_2661, %parallel_loop3A_2659 : vector<16xf32>
      %parallel_loop3A_2663 = arith.constant 0x4B000000 : f32
      %parallel_loop3A_2664 = vector.broadcast %parallel_loop3A_2663 : f32 to vector<16xf32>
      %parallel_loop3A_2665 = arith.addf %parallel_loop3A_2662, %parallel_loop3A_2664 : vector<16xf32>
      %parallel_loop3A_2666 = arith.constant 0x4B000000 : f32
      %parallel_loop3A_2667 = vector.broadcast %parallel_loop3A_2666 : f32 to vector<16xf32>
      %parallel_loop3A_2668 = arith.subf %parallel_loop3A_2665, %parallel_loop3A_2667 : vector<16xf32>
      %parallel_loop3A_2669 = arith.constant 1.500000e+01 : f32
      %parallel_loop3A_2670 = vector.broadcast %parallel_loop3A_2669 : f32 to vector<16xf32>
      %parallel_loop3A_2671 = arith.minimumf %parallel_loop3A_2668, %parallel_loop3A_2670 : vector<16xf32>
      %parallel_loop3A_2672 = arith.fptosi %parallel_loop3A_2671 : vector<16xf32> to vector<16xi32>
      %parallel_loop3A_2673 = vector.shape_cast %parallel_loop3A_2672 : vector<16xi32> to vector<16x1xi32>
      %parallel_loop3A_2674 = vector.shape_cast %parallel_loop3A_2673 : vector<16x1xi32> to vector<16xi32>
      %parallel_loop3A_2675 = tpu.dynamic_gather %get3A_4[%parallel_loop3A_2674] in [0] : vector<16xf32>, vector<16xi32> -> vector<16xf32>
      %parallel_loop3A_2676 = arith.addf %parallel_loop3A_2648, %parallel_loop3A_2675 : vector<16xf32>
      %parallel_loop3A_2677 = vector.shape_cast %parallel_loop3A_2672 : vector<16xi32> to vector<16x1xi32>
      %parallel_loop3A_2678 = vector.shape_cast %parallel_loop3A_2677 : vector<16x1xi32> to vector<16xi32>
      %parallel_loop3A_2679 = tpu.dynamic_gather %get3A_7[%parallel_loop3A_2678] in [0] : vector<16xf32>, vector<16xi32> -> vector<16xf32>
      %parallel_loop3A_2680 = arith.mulf %parallel_loop3A_2656, %parallel_loop3A_2679 : vector<16xf32>
      %parallel_loop3A_2681 = arith.subf %parallel_loop3A_2676, %parallel_loop3A_2680 : vector<16xf32>
      %parallel_loop3A_2682 = arith.addf %parallel_loop3A_2681, %parallel_loop3A_2681 : vector<16xf32>
      %parallel_loop3A_2683 = math.exp %parallel_loop3A_2682 : vector<16xf32>
      %parallel_loop3A_2684 = arith.constant 1.000000e+00 : f32
      %parallel_loop3A_2685 = vector.broadcast %parallel_loop3A_2684 : f32 to vector<16xf32>
      %parallel_loop3A_2686 = arith.addf %parallel_loop3A_2685, %parallel_loop3A_2683 : vector<16xf32>
      %parallel_loop3A_2687 = arith.constant 2.000000e+00 : f32
      %parallel_loop3A_2688 = vector.broadcast %parallel_loop3A_2687 : f32 to vector<16xf32>
      %parallel_loop3A_2689 = arith.divf %parallel_loop3A_2688, %parallel_loop3A_2686 : vector<16xf32>
      %parallel_loop3A_2690 = arith.constant 8.000000e+00 : f32
      %parallel_loop3A_2691 = vector.broadcast %parallel_loop3A_2690 : f32 to vector<16xf32>
      %parallel_loop3A_2692 = arith.mulf %parallel_loop3A_2691, %parallel_loop3A_2689 : vector<16xf32>
      %parallel_loop3A_2693 = arith.constant 1.600000e+01 : f32
      %parallel_loop3A_2694 = vector.broadcast %parallel_loop3A_2693 : f32 to vector<16xf32>
      %parallel_loop3A_2695 = arith.subf %parallel_loop3A_2694, %parallel_loop3A_2692 : vector<16xf32>
      %parallel_loop3A_2696 = arith.constant 0x4B000000 : f32
      %parallel_loop3A_2697 = vector.broadcast %parallel_loop3A_2696 : f32 to vector<16xf32>
      %parallel_loop3A_2698 = arith.addf %parallel_loop3A_2695, %parallel_loop3A_2697 : vector<16xf32>
      %parallel_loop3A_2699 = arith.constant 0x4B000000 : f32
      %parallel_loop3A_2700 = vector.broadcast %parallel_loop3A_2699 : f32 to vector<16xf32>
      %parallel_loop3A_2701 = arith.subf %parallel_loop3A_2698, %parallel_loop3A_2700 : vector<16xf32>
      %parallel_loop3A_2702 = arith.constant 1.500000e+01 : f32
      %parallel_loop3A_2703 = vector.broadcast %parallel_loop3A_2702 : f32 to vector<16xf32>
      %parallel_loop3A_2704 = arith.minimumf %parallel_loop3A_2701, %parallel_loop3A_2703 : vector<16xf32>
      %parallel_loop3A_2705 = arith.fptosi %parallel_loop3A_2704 : vector<16xf32> to vector<16xi32>
      %parallel_loop3A_2706 = vector.shape_cast %parallel_loop3A_2705 : vector<16xi32> to vector<16x1xi32>
      %parallel_loop3A_2707 = vector.shape_cast %parallel_loop3A_2706 : vector<16x1xi32> to vector<16xi32>
      %parallel_loop3A_2708 = tpu.dynamic_gather %get3A_4[%parallel_loop3A_2707] in [0] : vector<16xf32>, vector<16xi32> -> vector<16xf32>
      %parallel_loop3A_2709 = arith.addf %parallel_loop3A_2681, %parallel_loop3A_2708 : vector<16xf32>
      %parallel_loop3A_2710 = vector.shape_cast %parallel_loop3A_2705 : vector<16xi32> to vector<16x1xi32>
      %parallel_loop3A_2711 = vector.shape_cast %parallel_loop3A_2710 : vector<16x1xi32> to vector<16xi32>
      %parallel_loop3A_2712 = tpu.dynamic_gather %get3A_7[%parallel_loop3A_2711] in [0] : vector<16xf32>, vector<16xi32> -> vector<16xf32>
      %parallel_loop3A_2713 = arith.mulf %parallel_loop3A_2689, %parallel_loop3A_2712 : vector<16xf32>
      %parallel_loop3A_2714 = arith.subf %parallel_loop3A_2709, %parallel_loop3A_2713 : vector<16xf32>
      %parallel_loop3A_2715 = arith.addf %parallel_loop3A_2714, %parallel_loop3A_2714 : vector<16xf32>
      %parallel_loop3A_2716 = math.exp %parallel_loop3A_2715 : vector<16xf32>
      %parallel_loop3A_2717 = arith.constant 1.000000e+00 : f32
      %parallel_loop3A_2718 = vector.broadcast %parallel_loop3A_2717 : f32 to vector<16xf32>
      %parallel_loop3A_2719 = arith.addf %parallel_loop3A_2718, %parallel_loop3A_2716 : vector<16xf32>
      %parallel_loop3A_2720 = arith.constant 2.000000e+00 : f32
      %parallel_loop3A_2721 = vector.broadcast %parallel_loop3A_2720 : f32 to vector<16xf32>
      %parallel_loop3A_2722 = arith.divf %parallel_loop3A_2721, %parallel_loop3A_2719 : vector<16xf32>
      %parallel_loop3A_2723 = arith.constant 8.000000e+00 : f32
      %parallel_loop3A_2724 = vector.broadcast %parallel_loop3A_2723 : f32 to vector<16xf32>
      %parallel_loop3A_2725 = arith.mulf %parallel_loop3A_2724, %parallel_loop3A_2722 : vector<16xf32>
      %parallel_loop3A_2726 = arith.constant 1.600000e+01 : f32
      %parallel_loop3A_2727 = vector.broadcast %parallel_loop3A_2726 : f32 to vector<16xf32>
      %parallel_loop3A_2728 = arith.subf %parallel_loop3A_2727, %parallel_loop3A_2725 : vector<16xf32>
      %parallel_loop3A_2729 = arith.constant 0x4B000000 : f32
      %parallel_loop3A_2730 = vector.broadcast %parallel_loop3A_2729 : f32 to vector<16xf32>
      %parallel_loop3A_2731 = arith.addf %parallel_loop3A_2728, %parallel_loop3A_2730 : vector<16xf32>
      %parallel_loop3A_2732 = arith.constant 0x4B000000 : f32
      %parallel_loop3A_2733 = vector.broadcast %parallel_loop3A_2732 : f32 to vector<16xf32>
      %parallel_loop3A_2734 = arith.subf %parallel_loop3A_2731, %parallel_loop3A_2733 : vector<16xf32>
      %parallel_loop3A_2735 = arith.constant 1.500000e+01 : f32
      %parallel_loop3A_2736 = vector.broadcast %parallel_loop3A_2735 : f32 to vector<16xf32>
      %parallel_loop3A_2737 = arith.minimumf %parallel_loop3A_2734, %parallel_loop3A_2736 : vector<16xf32>
      %parallel_loop3A_2738 = arith.fptosi %parallel_loop3A_2737 : vector<16xf32> to vector<16xi32>
      %parallel_loop3A_2739 = vector.shape_cast %parallel_loop3A_2738 : vector<16xi32> to vector<16x1xi32>
      %parallel_loop3A_2740 = vector.shape_cast %parallel_loop3A_2739 : vector<16x1xi32> to vector<16xi32>
      %parallel_loop3A_2741 = tpu.dynamic_gather %get3A_4[%parallel_loop3A_2740] in [0] : vector<16xf32>, vector<16xi32> -> vector<16xf32>
      %parallel_loop3A_2742 = arith.addf %parallel_loop3A_2714, %parallel_loop3A_2741 : vector<16xf32>
      %parallel_loop3A_2743 = vector.shape_cast %parallel_loop3A_2738 : vector<16xi32> to vector<16x1xi32>
      %parallel_loop3A_2744 = vector.shape_cast %parallel_loop3A_2743 : vector<16x1xi32> to vector<16xi32>
      %parallel_loop3A_2745 = tpu.dynamic_gather %get3A_7[%parallel_loop3A_2744] in [0] : vector<16xf32>, vector<16xi32> -> vector<16xf32>
      %parallel_loop3A_2746 = arith.mulf %parallel_loop3A_2722, %parallel_loop3A_2745 : vector<16xf32>
      %parallel_loop3A_2747 = arith.subf %parallel_loop3A_2742, %parallel_loop3A_2746 : vector<16xf32>
      %parallel_loop3A_2748 = arith.addf %parallel_loop3A_2643, %parallel_loop3A_2747 : vector<16xf32>
      %parallel_loop3A_2749 = arith.constant 0 : i32
      %parallel_loop3A_2750 = vector.broadcast %parallel_loop3A_2749 : i32 to vector<16xi32>
      %parallel_loop3A_2751 = vector.shape_cast %parallel_loop3A_2750 : vector<16xi32> to vector<16x1xi32>
      %parallel_loop3A_2752 = vector.shape_cast %parallel_loop3A_2751 : vector<16x1xi32> to vector<16xi32>
      %parallel_loop3A_2753 = tpu.dynamic_gather %parallel_loop3A_2748[%parallel_loop3A_2752] in [0] : vector<16xf32>, vector<16xi32> -> vector<16xf32>
      %parallel_loop3A_2754 = arith.constant 0 : i32
      %parallel_loop3A_2755 = arith.addi %parallel_loop3A_16, %parallel_loop3A_2754 : i32
      %parallel_loop3A_2756 = arith.constant 64 : i32
      %parallel_loop3A_2757 = arith.muli %parallel_loop3A_2755, %parallel_loop3A_2756 : i32
      %parallel_loop3A_2758 = arith.constant 0 : i32
      %parallel_loop3A_2759 = arith.addi %parallel_loop3A_2757, %parallel_loop3A_2758 : i32
      %parallel_loop3A_2760 = arith.index_cast %parallel_loop3A_2759 : i32 to index
      %parallel_loop3A_2761 = tpu.vector_load %arg7[%parallel_loop3A_2760] {strides = array<i32>} : memref<32768xf32, #tpu.memory_space<vmem>>, vector<16xf32>,
      %parallel_loop3A_2762 = vector.shape_cast %parallel_loop3A_2761 : vector<16xf32> to vector<16xf32>
      %parallel_loop3A_2763 = vector.shape_cast %parallel_loop3A_2753 : vector<16xf32> to vector<16xf32>
      tpu.vector_store %arg7[%parallel_loop3A_2760], %parallel_loop3A_2763 {strides = array<i32>} : memref<32768xf32, #tpu.memory_space<vmem>>, vector<16xf32>,
      %parallel_loop3A_2764 = arith.constant 16 : i32
      %parallel_loop3A_2765 = arith.addi %parallel_loop3A_2757, %parallel_loop3A_2764 : i32
      %parallel_loop3A_2766 = arith.index_cast %parallel_loop3A_2765 : i32 to index
      %parallel_loop3A_2767 = tpu.vector_load %arg7[%parallel_loop3A_2766] {strides = array<i32>} : memref<32768xf32, #tpu.memory_space<vmem>>, vector<16xf32>,
      %parallel_loop3A_2768 = vector.shape_cast %parallel_loop3A_2767 : vector<16xf32> to vector<16xf32>
      %parallel_loop3A_2769 = vector.shape_cast %parallel_loop3A_2753 : vector<16xf32> to vector<16xf32>
      tpu.vector_store %arg7[%parallel_loop3A_2766], %parallel_loop3A_2769 {strides = array<i32>} : memref<32768xf32, #tpu.memory_space<vmem>>, vector<16xf32>,
      %parallel_loop3A_2770 = arith.constant 32 : i32
      %parallel_loop3A_2771 = arith.addi %parallel_loop3A_2757, %parallel_loop3A_2770 : i32
      %parallel_loop3A_2772 = arith.index_cast %parallel_loop3A_2771 : i32 to index
      %parallel_loop3A_2773 = tpu.vector_load %arg7[%parallel_loop3A_2772] {strides = array<i32>} : memref<32768xf32, #tpu.memory_space<vmem>>, vector<16xf32>,
      %parallel_loop3A_2774 = vector.shape_cast %parallel_loop3A_2773 : vector<16xf32> to vector<16xf32>
      %parallel_loop3A_2775 = vector.shape_cast %parallel_loop3A_2753 : vector<16xf32> to vector<16xf32>
      tpu.vector_store %arg7[%parallel_loop3A_2772], %parallel_loop3A_2775 {strides = array<i32>} : memref<32768xf32, #tpu.memory_space<vmem>>, vector<16xf32>,
      %parallel_loop3A_2776 = arith.constant 48 : i32
      %parallel_loop3A_2777 = arith.addi %parallel_loop3A_2757, %parallel_loop3A_2776 : i32
      %parallel_loop3A_2778 = arith.index_cast %parallel_loop3A_2777 : i32 to index
      %parallel_loop3A_2779 = tpu.vector_load %arg7[%parallel_loop3A_2778] {strides = array<i32>} : memref<32768xf32, #tpu.memory_space<vmem>>, vector<16xf32>,
      %parallel_loop3A_2780 = vector.shape_cast %parallel_loop3A_2779 : vector<16xf32> to vector<16xf32>
      %parallel_loop3A_2781 = vector.shape_cast %parallel_loop3A_2753 : vector<16xf32> to vector<16xf32>
      tpu.vector_store %arg7[%parallel_loop3A_2778], %parallel_loop3A_2781 {strides = array<i32>} : memref<32768xf32, #tpu.memory_space<vmem>>, vector<16xf32>,
      %parallel_loop3A_2782 = arith.constant 1 : i32
      %parallel_loop3A_2783 = vector.broadcast %parallel_loop3A_2782 : i32 to vector<16xi32>
      %parallel_loop3A_2784 = vector.shape_cast %parallel_loop3A_2783 : vector<16xi32> to vector<16x1xi32>
      %parallel_loop3A_2785 = vector.shape_cast %parallel_loop3A_2784 : vector<16x1xi32> to vector<16xi32>
      %parallel_loop3A_2786 = tpu.dynamic_gather %parallel_loop3A_2748[%parallel_loop3A_2785] in [0] : vector<16xf32>, vector<16xi32> -> vector<16xf32>
      %parallel_loop3A_2787 = arith.constant 1 : i32
      %parallel_loop3A_2788 = arith.addi %parallel_loop3A_16, %parallel_loop3A_2787 : i32
      %parallel_loop3A_2789 = arith.constant 64 : i32
      %parallel_loop3A_2790 = arith.muli %parallel_loop3A_2788, %parallel_loop3A_2789 : i32
      %parallel_loop3A_2791 = arith.constant 0 : i32
      %parallel_loop3A_2792 = arith.addi %parallel_loop3A_2790, %parallel_loop3A_2791 : i32
      %parallel_loop3A_2793 = arith.index_cast %parallel_loop3A_2792 : i32 to index
      %parallel_loop3A_2794 = tpu.vector_load %arg7[%parallel_loop3A_2793] {strides = array<i32>} : memref<32768xf32, #tpu.memory_space<vmem>>, vector<16xf32>,
      %parallel_loop3A_2795 = vector.shape_cast %parallel_loop3A_2794 : vector<16xf32> to vector<16xf32>
      %parallel_loop3A_2796 = vector.shape_cast %parallel_loop3A_2786 : vector<16xf32> to vector<16xf32>
      tpu.vector_store %arg7[%parallel_loop3A_2793], %parallel_loop3A_2796 {strides = array<i32>} : memref<32768xf32, #tpu.memory_space<vmem>>, vector<16xf32>,
      %parallel_loop3A_2797 = arith.constant 16 : i32
      %parallel_loop3A_2798 = arith.addi %parallel_loop3A_2790, %parallel_loop3A_2797 : i32
      %parallel_loop3A_2799 = arith.index_cast %parallel_loop3A_2798 : i32 to index
      %parallel_loop3A_2800 = tpu.vector_load %arg7[%parallel_loop3A_2799] {strides = array<i32>} : memref<32768xf32, #tpu.memory_space<vmem>>, vector<16xf32>,
      %parallel_loop3A_2801 = vector.shape_cast %parallel_loop3A_2800 : vector<16xf32> to vector<16xf32>
      %parallel_loop3A_2802 = vector.shape_cast %parallel_loop3A_2786 : vector<16xf32> to vector<16xf32>
      tpu.vector_store %arg7[%parallel_loop3A_2799], %parallel_loop3A_2802 {strides = array<i32>} : memref<32768xf32, #tpu.memory_space<vmem>>, vector<16xf32>,
      %parallel_loop3A_2803 = arith.constant 32 : i32
      %parallel_loop3A_2804 = arith.addi %parallel_loop3A_2790, %parallel_loop3A_2803 : i32
      %parallel_loop3A_2805 = arith.index_cast %parallel_loop3A_2804 : i32 to index
      %parallel_loop3A_2806 = tpu.vector_load %arg7[%parallel_loop3A_2805] {strides = array<i32>} : memref<32768xf32, #tpu.memory_space<vmem>>, vector<16xf32>,
      %parallel_loop3A_2807 = vector.shape_cast %parallel_loop3A_2806 : vector<16xf32> to vector<16xf32>
      %parallel_loop3A_2808 = vector.shape_cast %parallel_loop3A_2786 : vector<16xf32> to vector<16xf32>
      tpu.vector_store %arg7[%parallel_loop3A_2805], %parallel_loop3A_2808 {strides = array<i32>} : memref<32768xf32, #tpu.memory_space<vmem>>, vector<16xf32>,
      %parallel_loop3A_2809 = arith.constant 48 : i32
      %parallel_loop3A_2810 = arith.addi %parallel_loop3A_2790, %parallel_loop3A_2809 : i32
      %parallel_loop3A_2811 = arith.index_cast %parallel_loop3A_2810 : i32 to index
      %parallel_loop3A_2812 = tpu.vector_load %arg7[%parallel_loop3A_2811] {strides = array<i32>} : memref<32768xf32, #tpu.memory_space<vmem>>, vector<16xf32>,
      %parallel_loop3A_2813 = vector.shape_cast %parallel_loop3A_2812 : vector<16xf32> to vector<16xf32>
      %parallel_loop3A_2814 = vector.shape_cast %parallel_loop3A_2786 : vector<16xf32> to vector<16xf32>
      tpu.vector_store %arg7[%parallel_loop3A_2811], %parallel_loop3A_2814 {strides = array<i32>} : memref<32768xf32, #tpu.memory_space<vmem>>, vector<16xf32>,
      %parallel_loop3A_2815 = arith.constant 2 : i32
      %parallel_loop3A_2816 = vector.broadcast %parallel_loop3A_2815 : i32 to vector<16xi32>
      %parallel_loop3A_2817 = vector.shape_cast %parallel_loop3A_2816 : vector<16xi32> to vector<16x1xi32>
      %parallel_loop3A_2818 = vector.shape_cast %parallel_loop3A_2817 : vector<16x1xi32> to vector<16xi32>
      %parallel_loop3A_2819 = tpu.dynamic_gather %parallel_loop3A_2748[%parallel_loop3A_2818] in [0] : vector<16xf32>, vector<16xi32> -> vector<16xf32>
      %parallel_loop3A_2820 = arith.constant 2 : i32
      %parallel_loop3A_2821 = arith.addi %parallel_loop3A_16, %parallel_loop3A_2820 : i32
      %parallel_loop3A_2822 = arith.constant 64 : i32
      %parallel_loop3A_2823 = arith.muli %parallel_loop3A_2821, %parallel_loop3A_2822 : i32
      %parallel_loop3A_2824 = arith.constant 0 : i32
      %parallel_loop3A_2825 = arith.addi %parallel_loop3A_2823, %parallel_loop3A_2824 : i32
      %parallel_loop3A_2826 = arith.index_cast %parallel_loop3A_2825 : i32 to index
      %parallel_loop3A_2827 = tpu.vector_load %arg7[%parallel_loop3A_2826] {strides = array<i32>} : memref<32768xf32, #tpu.memory_space<vmem>>, vector<16xf32>,
      %parallel_loop3A_2828 = vector.shape_cast %parallel_loop3A_2827 : vector<16xf32> to vector<16xf32>
      %parallel_loop3A_2829 = vector.shape_cast %parallel_loop3A_2819 : vector<16xf32> to vector<16xf32>
      tpu.vector_store %arg7[%parallel_loop3A_2826], %parallel_loop3A_2829 {strides = array<i32>} : memref<32768xf32, #tpu.memory_space<vmem>>, vector<16xf32>,
      %parallel_loop3A_2830 = arith.constant 16 : i32
      %parallel_loop3A_2831 = arith.addi %parallel_loop3A_2823, %parallel_loop3A_2830 : i32
      %parallel_loop3A_2832 = arith.index_cast %parallel_loop3A_2831 : i32 to index
      %parallel_loop3A_2833 = tpu.vector_load %arg7[%parallel_loop3A_2832] {strides = array<i32>} : memref<32768xf32, #tpu.memory_space<vmem>>, vector<16xf32>,
      %parallel_loop3A_2834 = vector.shape_cast %parallel_loop3A_2833 : vector<16xf32> to vector<16xf32>
      %parallel_loop3A_2835 = vector.shape_cast %parallel_loop3A_2819 : vector<16xf32> to vector<16xf32>
      tpu.vector_store %arg7[%parallel_loop3A_2832], %parallel_loop3A_2835 {strides = array<i32>} : memref<32768xf32, #tpu.memory_space<vmem>>, vector<16xf32>,
      %parallel_loop3A_2836 = arith.constant 32 : i32
      %parallel_loop3A_2837 = arith.addi %parallel_loop3A_2823, %parallel_loop3A_2836 : i32
      %parallel_loop3A_2838 = arith.index_cast %parallel_loop3A_2837 : i32 to index
      %parallel_loop3A_2839 = tpu.vector_load %arg7[%parallel_loop3A_2838] {strides = array<i32>} : memref<32768xf32, #tpu.memory_space<vmem>>, vector<16xf32>,
      %parallel_loop3A_2840 = vector.shape_cast %parallel_loop3A_2839 : vector<16xf32> to vector<16xf32>
      %parallel_loop3A_2841 = vector.shape_cast %parallel_loop3A_2819 : vector<16xf32> to vector<16xf32>
      tpu.vector_store %arg7[%parallel_loop3A_2838], %parallel_loop3A_2841 {strides = array<i32>} : memref<32768xf32, #tpu.memory_space<vmem>>, vector<16xf32>,
      %parallel_loop3A_2842 = arith.constant 48 : i32
      %parallel_loop3A_2843 = arith.addi %parallel_loop3A_2823, %parallel_loop3A_2842 : i32
      %parallel_loop3A_2844 = arith.index_cast %parallel_loop3A_2843 : i32 to index
      %parallel_loop3A_2845 = tpu.vector_load %arg7[%parallel_loop3A_2844] {strides = array<i32>} : memref<32768xf32, #tpu.memory_space<vmem>>, vector<16xf32>,
      %parallel_loop3A_2846 = vector.shape_cast %parallel_loop3A_2845 : vector<16xf32> to vector<16xf32>
      %parallel_loop3A_2847 = vector.shape_cast %parallel_loop3A_2819 : vector<16xf32> to vector<16xf32>
      tpu.vector_store %arg7[%parallel_loop3A_2844], %parallel_loop3A_2847 {strides = array<i32>} : memref<32768xf32, #tpu.memory_space<vmem>>, vector<16xf32>,
      %parallel_loop3A_2848 = arith.constant 3 : i32
      %parallel_loop3A_2849 = vector.broadcast %parallel_loop3A_2848 : i32 to vector<16xi32>
      %parallel_loop3A_2850 = vector.shape_cast %parallel_loop3A_2849 : vector<16xi32> to vector<16x1xi32>
      %parallel_loop3A_2851 = vector.shape_cast %parallel_loop3A_2850 : vector<16x1xi32> to vector<16xi32>
      %parallel_loop3A_2852 = tpu.dynamic_gather %parallel_loop3A_2748[%parallel_loop3A_2851] in [0] : vector<16xf32>, vector<16xi32> -> vector<16xf32>
      %parallel_loop3A_2853 = arith.constant 3 : i32
      %parallel_loop3A_2854 = arith.addi %parallel_loop3A_16, %parallel_loop3A_2853 : i32
      %parallel_loop3A_2855 = arith.constant 64 : i32
      %parallel_loop3A_2856 = arith.muli %parallel_loop3A_2854, %parallel_loop3A_2855 : i32
      %parallel_loop3A_2857 = arith.constant 0 : i32
      %parallel_loop3A_2858 = arith.addi %parallel_loop3A_2856, %parallel_loop3A_2857 : i32
      %parallel_loop3A_2859 = arith.index_cast %parallel_loop3A_2858 : i32 to index
      %parallel_loop3A_2860 = tpu.vector_load %arg7[%parallel_loop3A_2859] {strides = array<i32>} : memref<32768xf32, #tpu.memory_space<vmem>>, vector<16xf32>,
      %parallel_loop3A_2861 = vector.shape_cast %parallel_loop3A_2860 : vector<16xf32> to vector<16xf32>
      %parallel_loop3A_2862 = vector.shape_cast %parallel_loop3A_2852 : vector<16xf32> to vector<16xf32>
      tpu.vector_store %arg7[%parallel_loop3A_2859], %parallel_loop3A_2862 {strides = array<i32>} : memref<32768xf32, #tpu.memory_space<vmem>>, vector<16xf32>,
      %parallel_loop3A_2863 = arith.constant 16 : i32
      %parallel_loop3A_2864 = arith.addi %parallel_loop3A_2856, %parallel_loop3A_2863 : i32
      %parallel_loop3A_2865 = arith.index_cast %parallel_loop3A_2864 : i32 to index
      %parallel_loop3A_2866 = tpu.vector_load %arg7[%parallel_loop3A_2865] {strides = array<i32>} : memref<32768xf32, #tpu.memory_space<vmem>>, vector<16xf32>,
      %parallel_loop3A_2867 = vector.shape_cast %parallel_loop3A_2866 : vector<16xf32> to vector<16xf32>
      %parallel_loop3A_2868 = vector.shape_cast %parallel_loop3A_2852 : vector<16xf32> to vector<16xf32>
      tpu.vector_store %arg7[%parallel_loop3A_2865], %parallel_loop3A_2868 {strides = array<i32>} : memref<32768xf32, #tpu.memory_space<vmem>>, vector<16xf32>,
      %parallel_loop3A_2869 = arith.constant 32 : i32
      %parallel_loop3A_2870 = arith.addi %parallel_loop3A_2856, %parallel_loop3A_2869 : i32
      %parallel_loop3A_2871 = arith.index_cast %parallel_loop3A_2870 : i32 to index
      %parallel_loop3A_2872 = tpu.vector_load %arg7[%parallel_loop3A_2871] {strides = array<i32>} : memref<32768xf32, #tpu.memory_space<vmem>>, vector<16xf32>,
      %parallel_loop3A_2873 = vector.shape_cast %parallel_loop3A_2872 : vector<16xf32> to vector<16xf32>
      %parallel_loop3A_2874 = vector.shape_cast %parallel_loop3A_2852 : vector<16xf32> to vector<16xf32>
      tpu.vector_store %arg7[%parallel_loop3A_2871], %parallel_loop3A_2874 {strides = array<i32>} : memref<32768xf32, #tpu.memory_space<vmem>>, vector<16xf32>,
      %parallel_loop3A_2875 = arith.constant 48 : i32
      %parallel_loop3A_2876 = arith.addi %parallel_loop3A_2856, %parallel_loop3A_2875 : i32
      %parallel_loop3A_2877 = arith.index_cast %parallel_loop3A_2876 : i32 to index
      %parallel_loop3A_2878 = tpu.vector_load %arg7[%parallel_loop3A_2877] {strides = array<i32>} : memref<32768xf32, #tpu.memory_space<vmem>>, vector<16xf32>,
      %parallel_loop3A_2879 = vector.shape_cast %parallel_loop3A_2878 : vector<16xf32> to vector<16xf32>
      %parallel_loop3A_2880 = vector.shape_cast %parallel_loop3A_2852 : vector<16xf32> to vector<16xf32>
      tpu.vector_store %arg7[%parallel_loop3A_2877], %parallel_loop3A_2880 {strides = array<i32>} : memref<32768xf32, #tpu.memory_space<vmem>>, vector<16xf32>,
      %parallel_loop3A_2881 = arith.constant 4 : i32
      %parallel_loop3A_2882 = vector.broadcast %parallel_loop3A_2881 : i32 to vector<16xi32>
      %parallel_loop3A_2883 = vector.shape_cast %parallel_loop3A_2882 : vector<16xi32> to vector<16x1xi32>
      %parallel_loop3A_2884 = vector.shape_cast %parallel_loop3A_2883 : vector<16x1xi32> to vector<16xi32>
      %parallel_loop3A_2885 = tpu.dynamic_gather %parallel_loop3A_2748[%parallel_loop3A_2884] in [0] : vector<16xf32>, vector<16xi32> -> vector<16xf32>
      %parallel_loop3A_2886 = arith.constant 4 : i32
      %parallel_loop3A_2887 = arith.addi %parallel_loop3A_16, %parallel_loop3A_2886 : i32
      %parallel_loop3A_2888 = arith.constant 64 : i32
      %parallel_loop3A_2889 = arith.muli %parallel_loop3A_2887, %parallel_loop3A_2888 : i32
      %parallel_loop3A_2890 = arith.constant 0 : i32
      %parallel_loop3A_2891 = arith.addi %parallel_loop3A_2889, %parallel_loop3A_2890 : i32
      %parallel_loop3A_2892 = arith.index_cast %parallel_loop3A_2891 : i32 to index
      %parallel_loop3A_2893 = tpu.vector_load %arg7[%parallel_loop3A_2892] {strides = array<i32>} : memref<32768xf32, #tpu.memory_space<vmem>>, vector<16xf32>,
      %parallel_loop3A_2894 = vector.shape_cast %parallel_loop3A_2893 : vector<16xf32> to vector<16xf32>
      %parallel_loop3A_2895 = vector.shape_cast %parallel_loop3A_2885 : vector<16xf32> to vector<16xf32>
      tpu.vector_store %arg7[%parallel_loop3A_2892], %parallel_loop3A_2895 {strides = array<i32>} : memref<32768xf32, #tpu.memory_space<vmem>>, vector<16xf32>,
      %parallel_loop3A_2896 = arith.constant 16 : i32
      %parallel_loop3A_2897 = arith.addi %parallel_loop3A_2889, %parallel_loop3A_2896 : i32
      %parallel_loop3A_2898 = arith.index_cast %parallel_loop3A_2897 : i32 to index
      %parallel_loop3A_2899 = tpu.vector_load %arg7[%parallel_loop3A_2898] {strides = array<i32>} : memref<32768xf32, #tpu.memory_space<vmem>>, vector<16xf32>,
      %parallel_loop3A_2900 = vector.shape_cast %parallel_loop3A_2899 : vector<16xf32> to vector<16xf32>
      %parallel_loop3A_2901 = vector.shape_cast %parallel_loop3A_2885 : vector<16xf32> to vector<16xf32>
      tpu.vector_store %arg7[%parallel_loop3A_2898], %parallel_loop3A_2901 {strides = array<i32>} : memref<32768xf32, #tpu.memory_space<vmem>>, vector<16xf32>,
      %parallel_loop3A_2902 = arith.constant 32 : i32
      %parallel_loop3A_2903 = arith.addi %parallel_loop3A_2889, %parallel_loop3A_2902 : i32
      %parallel_loop3A_2904 = arith.index_cast %parallel_loop3A_2903 : i32 to index
      %parallel_loop3A_2905 = tpu.vector_load %arg7[%parallel_loop3A_2904] {strides = array<i32>} : memref<32768xf32, #tpu.memory_space<vmem>>, vector<16xf32>,
      %parallel_loop3A_2906 = vector.shape_cast %parallel_loop3A_2905 : vector<16xf32> to vector<16xf32>
      %parallel_loop3A_2907 = vector.shape_cast %parallel_loop3A_2885 : vector<16xf32> to vector<16xf32>
      tpu.vector_store %arg7[%parallel_loop3A_2904], %parallel_loop3A_2907 {strides = array<i32>} : memref<32768xf32, #tpu.memory_space<vmem>>, vector<16xf32>,
      %parallel_loop3A_2908 = arith.constant 48 : i32
      %parallel_loop3A_2909 = arith.addi %parallel_loop3A_2889, %parallel_loop3A_2908 : i32
      %parallel_loop3A_2910 = arith.index_cast %parallel_loop3A_2909 : i32 to index
      %parallel_loop3A_2911 = tpu.vector_load %arg7[%parallel_loop3A_2910] {strides = array<i32>} : memref<32768xf32, #tpu.memory_space<vmem>>, vector<16xf32>,
      %parallel_loop3A_2912 = vector.shape_cast %parallel_loop3A_2911 : vector<16xf32> to vector<16xf32>
      %parallel_loop3A_2913 = vector.shape_cast %parallel_loop3A_2885 : vector<16xf32> to vector<16xf32>
      tpu.vector_store %arg7[%parallel_loop3A_2910], %parallel_loop3A_2913 {strides = array<i32>} : memref<32768xf32, #tpu.memory_space<vmem>>, vector<16xf32>,
      %parallel_loop3A_2914 = arith.constant 5 : i32
      %parallel_loop3A_2915 = vector.broadcast %parallel_loop3A_2914 : i32 to vector<16xi32>
      %parallel_loop3A_2916 = vector.shape_cast %parallel_loop3A_2915 : vector<16xi32> to vector<16x1xi32>
      %parallel_loop3A_2917 = vector.shape_cast %parallel_loop3A_2916 : vector<16x1xi32> to vector<16xi32>
      %parallel_loop3A_2918 = tpu.dynamic_gather %parallel_loop3A_2748[%parallel_loop3A_2917] in [0] : vector<16xf32>, vector<16xi32> -> vector<16xf32>
      %parallel_loop3A_2919 = arith.constant 5 : i32
      %parallel_loop3A_2920 = arith.addi %parallel_loop3A_16, %parallel_loop3A_2919 : i32
      %parallel_loop3A_2921 = arith.constant 64 : i32
      %parallel_loop3A_2922 = arith.muli %parallel_loop3A_2920, %parallel_loop3A_2921 : i32
      %parallel_loop3A_2923 = arith.constant 0 : i32
      %parallel_loop3A_2924 = arith.addi %parallel_loop3A_2922, %parallel_loop3A_2923 : i32
      %parallel_loop3A_2925 = arith.index_cast %parallel_loop3A_2924 : i32 to index
      %parallel_loop3A_2926 = tpu.vector_load %arg7[%parallel_loop3A_2925] {strides = array<i32>} : memref<32768xf32, #tpu.memory_space<vmem>>, vector<16xf32>,
      %parallel_loop3A_2927 = vector.shape_cast %parallel_loop3A_2926 : vector<16xf32> to vector<16xf32>
      %parallel_loop3A_2928 = vector.shape_cast %parallel_loop3A_2918 : vector<16xf32> to vector<16xf32>
      tpu.vector_store %arg7[%parallel_loop3A_2925], %parallel_loop3A_2928 {strides = array<i32>} : memref<32768xf32, #tpu.memory_space<vmem>>, vector<16xf32>,
      %parallel_loop3A_2929 = arith.constant 16 : i32
      %parallel_loop3A_2930 = arith.addi %parallel_loop3A_2922, %parallel_loop3A_2929 : i32
      %parallel_loop3A_2931 = arith.index_cast %parallel_loop3A_2930 : i32 to index
      %parallel_loop3A_2932 = tpu.vector_load %arg7[%parallel_loop3A_2931] {strides = array<i32>} : memref<32768xf32, #tpu.memory_space<vmem>>, vector<16xf32>,
      %parallel_loop3A_2933 = vector.shape_cast %parallel_loop3A_2932 : vector<16xf32> to vector<16xf32>
      %parallel_loop3A_2934 = vector.shape_cast %parallel_loop3A_2918 : vector<16xf32> to vector<16xf32>
      tpu.vector_store %arg7[%parallel_loop3A_2931], %parallel_loop3A_2934 {strides = array<i32>} : memref<32768xf32, #tpu.memory_space<vmem>>, vector<16xf32>,
      %parallel_loop3A_2935 = arith.constant 32 : i32
      %parallel_loop3A_2936 = arith.addi %parallel_loop3A_2922, %parallel_loop3A_2935 : i32
      %parallel_loop3A_2937 = arith.index_cast %parallel_loop3A_2936 : i32 to index
      %parallel_loop3A_2938 = tpu.vector_load %arg7[%parallel_loop3A_2937] {strides = array<i32>} : memref<32768xf32, #tpu.memory_space<vmem>>, vector<16xf32>,
      %parallel_loop3A_2939 = vector.shape_cast %parallel_loop3A_2938 : vector<16xf32> to vector<16xf32>
      %parallel_loop3A_2940 = vector.shape_cast %parallel_loop3A_2918 : vector<16xf32> to vector<16xf32>
      tpu.vector_store %arg7[%parallel_loop3A_2937], %parallel_loop3A_2940 {strides = array<i32>} : memref<32768xf32, #tpu.memory_space<vmem>>, vector<16xf32>,
      %parallel_loop3A_2941 = arith.constant 48 : i32
      %parallel_loop3A_2942 = arith.addi %parallel_loop3A_2922, %parallel_loop3A_2941 : i32
      %parallel_loop3A_2943 = arith.index_cast %parallel_loop3A_2942 : i32 to index
      %parallel_loop3A_2944 = tpu.vector_load %arg7[%parallel_loop3A_2943] {strides = array<i32>} : memref<32768xf32, #tpu.memory_space<vmem>>, vector<16xf32>,
      %parallel_loop3A_2945 = vector.shape_cast %parallel_loop3A_2944 : vector<16xf32> to vector<16xf32>
      %parallel_loop3A_2946 = vector.shape_cast %parallel_loop3A_2918 : vector<16xf32> to vector<16xf32>
      tpu.vector_store %arg7[%parallel_loop3A_2943], %parallel_loop3A_2946 {strides = array<i32>} : memref<32768xf32, #tpu.memory_space<vmem>>, vector<16xf32>,
      %parallel_loop3A_2947 = arith.constant 6 : i32
      %parallel_loop3A_2948 = vector.broadcast %parallel_loop3A_2947 : i32 to vector<16xi32>
      %parallel_loop3A_2949 = vector.shape_cast %parallel_loop3A_2948 : vector<16xi32> to vector<16x1xi32>
      %parallel_loop3A_2950 = vector.shape_cast %parallel_loop3A_2949 : vector<16x1xi32> to vector<16xi32>
      %parallel_loop3A_2951 = tpu.dynamic_gather %parallel_loop3A_2748[%parallel_loop3A_2950] in [0] : vector<16xf32>, vector<16xi32> -> vector<16xf32>
      %parallel_loop3A_2952 = arith.constant 6 : i32
      %parallel_loop3A_2953 = arith.addi %parallel_loop3A_16, %parallel_loop3A_2952 : i32
      %parallel_loop3A_2954 = arith.constant 64 : i32
      %parallel_loop3A_2955 = arith.muli %parallel_loop3A_2953, %parallel_loop3A_2954 : i32
      %parallel_loop3A_2956 = arith.constant 0 : i32
      %parallel_loop3A_2957 = arith.addi %parallel_loop3A_2955, %parallel_loop3A_2956 : i32
      %parallel_loop3A_2958 = arith.index_cast %parallel_loop3A_2957 : i32 to index
      %parallel_loop3A_2959 = tpu.vector_load %arg7[%parallel_loop3A_2958] {strides = array<i32>} : memref<32768xf32, #tpu.memory_space<vmem>>, vector<16xf32>,
      %parallel_loop3A_2960 = vector.shape_cast %parallel_loop3A_2959 : vector<16xf32> to vector<16xf32>
      %parallel_loop3A_2961 = vector.shape_cast %parallel_loop3A_2951 : vector<16xf32> to vector<16xf32>
      tpu.vector_store %arg7[%parallel_loop3A_2958], %parallel_loop3A_2961 {strides = array<i32>} : memref<32768xf32, #tpu.memory_space<vmem>>, vector<16xf32>,
      %parallel_loop3A_2962 = arith.constant 16 : i32
      %parallel_loop3A_2963 = arith.addi %parallel_loop3A_2955, %parallel_loop3A_2962 : i32
      %parallel_loop3A_2964 = arith.index_cast %parallel_loop3A_2963 : i32 to index
      %parallel_loop3A_2965 = tpu.vector_load %arg7[%parallel_loop3A_2964] {strides = array<i32>} : memref<32768xf32, #tpu.memory_space<vmem>>, vector<16xf32>,
      %parallel_loop3A_2966 = vector.shape_cast %parallel_loop3A_2965 : vector<16xf32> to vector<16xf32>
      %parallel_loop3A_2967 = vector.shape_cast %parallel_loop3A_2951 : vector<16xf32> to vector<16xf32>
      tpu.vector_store %arg7[%parallel_loop3A_2964], %parallel_loop3A_2967 {strides = array<i32>} : memref<32768xf32, #tpu.memory_space<vmem>>, vector<16xf32>,
      %parallel_loop3A_2968 = arith.constant 32 : i32
      %parallel_loop3A_2969 = arith.addi %parallel_loop3A_2955, %parallel_loop3A_2968 : i32
      %parallel_loop3A_2970 = arith.index_cast %parallel_loop3A_2969 : i32 to index
      %parallel_loop3A_2971 = tpu.vector_load %arg7[%parallel_loop3A_2970] {strides = array<i32>} : memref<32768xf32, #tpu.memory_space<vmem>>, vector<16xf32>,
      %parallel_loop3A_2972 = vector.shape_cast %parallel_loop3A_2971 : vector<16xf32> to vector<16xf32>
      %parallel_loop3A_2973 = vector.shape_cast %parallel_loop3A_2951 : vector<16xf32> to vector<16xf32>
      tpu.vector_store %arg7[%parallel_loop3A_2970], %parallel_loop3A_2973 {strides = array<i32>} : memref<32768xf32, #tpu.memory_space<vmem>>, vector<16xf32>,
      %parallel_loop3A_2974 = arith.constant 48 : i32
      %parallel_loop3A_2975 = arith.addi %parallel_loop3A_2955, %parallel_loop3A_2974 : i32
      %parallel_loop3A_2976 = arith.index_cast %parallel_loop3A_2975 : i32 to index
      %parallel_loop3A_2977 = tpu.vector_load %arg7[%parallel_loop3A_2976] {strides = array<i32>} : memref<32768xf32, #tpu.memory_space<vmem>>, vector<16xf32>,
      %parallel_loop3A_2978 = vector.shape_cast %parallel_loop3A_2977 : vector<16xf32> to vector<16xf32>
      %parallel_loop3A_2979 = vector.shape_cast %parallel_loop3A_2951 : vector<16xf32> to vector<16xf32>
      tpu.vector_store %arg7[%parallel_loop3A_2976], %parallel_loop3A_2979 {strides = array<i32>} : memref<32768xf32, #tpu.memory_space<vmem>>, vector<16xf32>,
      %parallel_loop3A_2980 = arith.constant 7 : i32
      %parallel_loop3A_2981 = vector.broadcast %parallel_loop3A_2980 : i32 to vector<16xi32>
      %parallel_loop3A_2982 = vector.shape_cast %parallel_loop3A_2981 : vector<16xi32> to vector<16x1xi32>
      %parallel_loop3A_2983 = vector.shape_cast %parallel_loop3A_2982 : vector<16x1xi32> to vector<16xi32>
      %parallel_loop3A_2984 = tpu.dynamic_gather %parallel_loop3A_2748[%parallel_loop3A_2983] in [0] : vector<16xf32>, vector<16xi32> -> vector<16xf32>
      %parallel_loop3A_2985 = arith.constant 7 : i32
      %parallel_loop3A_2986 = arith.addi %parallel_loop3A_16, %parallel_loop3A_2985 : i32
      %parallel_loop3A_2987 = arith.constant 64 : i32
      %parallel_loop3A_2988 = arith.muli %parallel_loop3A_2986, %parallel_loop3A_2987 : i32
      %parallel_loop3A_2989 = arith.constant 0 : i32
      %parallel_loop3A_2990 = arith.addi %parallel_loop3A_2988, %parallel_loop3A_2989 : i32
      %parallel_loop3A_2991 = arith.index_cast %parallel_loop3A_2990 : i32 to index
      %parallel_loop3A_2992 = tpu.vector_load %arg7[%parallel_loop3A_2991] {strides = array<i32>} : memref<32768xf32, #tpu.memory_space<vmem>>, vector<16xf32>,
      %parallel_loop3A_2993 = vector.shape_cast %parallel_loop3A_2992 : vector<16xf32> to vector<16xf32>
      %parallel_loop3A_2994 = vector.shape_cast %parallel_loop3A_2984 : vector<16xf32> to vector<16xf32>
      tpu.vector_store %arg7[%parallel_loop3A_2991], %parallel_loop3A_2994 {strides = array<i32>} : memref<32768xf32, #tpu.memory_space<vmem>>, vector<16xf32>,
      %parallel_loop3A_2995 = arith.constant 16 : i32
      %parallel_loop3A_2996 = arith.addi %parallel_loop3A_2988, %parallel_loop3A_2995 : i32
      %parallel_loop3A_2997 = arith.index_cast %parallel_loop3A_2996 : i32 to index
      %parallel_loop3A_2998 = tpu.vector_load %arg7[%parallel_loop3A_2997] {strides = array<i32>} : memref<32768xf32, #tpu.memory_space<vmem>>, vector<16xf32>,
      %parallel_loop3A_2999 = vector.shape_cast %parallel_loop3A_2998 : vector<16xf32> to vector<16xf32>
      %parallel_loop3A_3000 = vector.shape_cast %parallel_loop3A_2984 : vector<16xf32> to vector<16xf32>
      tpu.vector_store %arg7[%parallel_loop3A_2997], %parallel_loop3A_3000 {strides = array<i32>} : memref<32768xf32, #tpu.memory_space<vmem>>, vector<16xf32>,
      %parallel_loop3A_3001 = arith.constant 32 : i32
      %parallel_loop3A_3002 = arith.addi %parallel_loop3A_2988, %parallel_loop3A_3001 : i32
      %parallel_loop3A_3003 = arith.index_cast %parallel_loop3A_3002 : i32 to index
      %parallel_loop3A_3004 = tpu.vector_load %arg7[%parallel_loop3A_3003] {strides = array<i32>} : memref<32768xf32, #tpu.memory_space<vmem>>, vector<16xf32>,
      %parallel_loop3A_3005 = vector.shape_cast %parallel_loop3A_3004 : vector<16xf32> to vector<16xf32>
      %parallel_loop3A_3006 = vector.shape_cast %parallel_loop3A_2984 : vector<16xf32> to vector<16xf32>
      tpu.vector_store %arg7[%parallel_loop3A_3003], %parallel_loop3A_3006 {strides = array<i32>} : memref<32768xf32, #tpu.memory_space<vmem>>, vector<16xf32>,
      %parallel_loop3A_3007 = arith.constant 48 : i32
      %parallel_loop3A_3008 = arith.addi %parallel_loop3A_2988, %parallel_loop3A_3007 : i32
      %parallel_loop3A_3009 = arith.index_cast %parallel_loop3A_3008 : i32 to index
      %parallel_loop3A_3010 = tpu.vector_load %arg7[%parallel_loop3A_3009] {strides = array<i32>} : memref<32768xf32, #tpu.memory_space<vmem>>, vector<16xf32>,
      %parallel_loop3A_3011 = vector.shape_cast %parallel_loop3A_3010 : vector<16xf32> to vector<16xf32>
      %parallel_loop3A_3012 = vector.shape_cast %parallel_loop3A_2984 : vector<16xf32> to vector<16xf32>
      tpu.vector_store %arg7[%parallel_loop3A_3009], %parallel_loop3A_3012 {strides = array<i32>} : memref<32768xf32, #tpu.memory_space<vmem>>, vector<16xf32>,
      %parallel_loop3A_3013 = arith.constant 8 : i32
      %parallel_loop3A_3014 = vector.broadcast %parallel_loop3A_3013 : i32 to vector<16xi32>
      %parallel_loop3A_3015 = vector.shape_cast %parallel_loop3A_3014 : vector<16xi32> to vector<16x1xi32>
      %parallel_loop3A_3016 = vector.shape_cast %parallel_loop3A_3015 : vector<16x1xi32> to vector<16xi32>
      %parallel_loop3A_3017 = tpu.dynamic_gather %parallel_loop3A_2748[%parallel_loop3A_3016] in [0] : vector<16xf32>, vector<16xi32> -> vector<16xf32>
      %parallel_loop3A_3018 = arith.constant 8 : i32
      %parallel_loop3A_3019 = arith.addi %parallel_loop3A_16, %parallel_loop3A_3018 : i32
      %parallel_loop3A_3020 = arith.constant 64 : i32
      %parallel_loop3A_3021 = arith.muli %parallel_loop3A_3019, %parallel_loop3A_3020 : i32
      %parallel_loop3A_3022 = arith.constant 0 : i32
      %parallel_loop3A_3023 = arith.addi %parallel_loop3A_3021, %parallel_loop3A_3022 : i32
      %parallel_loop3A_3024 = arith.index_cast %parallel_loop3A_3023 : i32 to index
      %parallel_loop3A_3025 = tpu.vector_load %arg7[%parallel_loop3A_3024] {strides = array<i32>} : memref<32768xf32, #tpu.memory_space<vmem>>, vector<16xf32>,
      %parallel_loop3A_3026 = vector.shape_cast %parallel_loop3A_3025 : vector<16xf32> to vector<16xf32>
      %parallel_loop3A_3027 = vector.shape_cast %parallel_loop3A_3017 : vector<16xf32> to vector<16xf32>
      tpu.vector_store %arg7[%parallel_loop3A_3024], %parallel_loop3A_3027 {strides = array<i32>} : memref<32768xf32, #tpu.memory_space<vmem>>, vector<16xf32>,
      %parallel_loop3A_3028 = arith.constant 16 : i32
      %parallel_loop3A_3029 = arith.addi %parallel_loop3A_3021, %parallel_loop3A_3028 : i32
      %parallel_loop3A_3030 = arith.index_cast %parallel_loop3A_3029 : i32 to index
      %parallel_loop3A_3031 = tpu.vector_load %arg7[%parallel_loop3A_3030] {strides = array<i32>} : memref<32768xf32, #tpu.memory_space<vmem>>, vector<16xf32>,
      %parallel_loop3A_3032 = vector.shape_cast %parallel_loop3A_3031 : vector<16xf32> to vector<16xf32>
      %parallel_loop3A_3033 = vector.shape_cast %parallel_loop3A_3017 : vector<16xf32> to vector<16xf32>
      tpu.vector_store %arg7[%parallel_loop3A_3030], %parallel_loop3A_3033 {strides = array<i32>} : memref<32768xf32, #tpu.memory_space<vmem>>, vector<16xf32>,
      %parallel_loop3A_3034 = arith.constant 32 : i32
      %parallel_loop3A_3035 = arith.addi %parallel_loop3A_3021, %parallel_loop3A_3034 : i32
      %parallel_loop3A_3036 = arith.index_cast %parallel_loop3A_3035 : i32 to index
      %parallel_loop3A_3037 = tpu.vector_load %arg7[%parallel_loop3A_3036] {strides = array<i32>} : memref<32768xf32, #tpu.memory_space<vmem>>, vector<16xf32>,
      %parallel_loop3A_3038 = vector.shape_cast %parallel_loop3A_3037 : vector<16xf32> to vector<16xf32>
      %parallel_loop3A_3039 = vector.shape_cast %parallel_loop3A_3017 : vector<16xf32> to vector<16xf32>
      tpu.vector_store %arg7[%parallel_loop3A_3036], %parallel_loop3A_3039 {strides = array<i32>} : memref<32768xf32, #tpu.memory_space<vmem>>, vector<16xf32>,
      %parallel_loop3A_3040 = arith.constant 48 : i32
      %parallel_loop3A_3041 = arith.addi %parallel_loop3A_3021, %parallel_loop3A_3040 : i32
      %parallel_loop3A_3042 = arith.index_cast %parallel_loop3A_3041 : i32 to index
      %parallel_loop3A_3043 = tpu.vector_load %arg7[%parallel_loop3A_3042] {strides = array<i32>} : memref<32768xf32, #tpu.memory_space<vmem>>, vector<16xf32>,
      %parallel_loop3A_3044 = vector.shape_cast %parallel_loop3A_3043 : vector<16xf32> to vector<16xf32>
      %parallel_loop3A_3045 = vector.shape_cast %parallel_loop3A_3017 : vector<16xf32> to vector<16xf32>
      tpu.vector_store %arg7[%parallel_loop3A_3042], %parallel_loop3A_3045 {strides = array<i32>} : memref<32768xf32, #tpu.memory_space<vmem>>, vector<16xf32>,
      %parallel_loop3A_3046 = arith.constant 9 : i32
      %parallel_loop3A_3047 = vector.broadcast %parallel_loop3A_3046 : i32 to vector<16xi32>
      %parallel_loop3A_3048 = vector.shape_cast %parallel_loop3A_3047 : vector<16xi32> to vector<16x1xi32>
      %parallel_loop3A_3049 = vector.shape_cast %parallel_loop3A_3048 : vector<16x1xi32> to vector<16xi32>
      %parallel_loop3A_3050 = tpu.dynamic_gather %parallel_loop3A_2748[%parallel_loop3A_3049] in [0] : vector<16xf32>, vector<16xi32> -> vector<16xf32>
      %parallel_loop3A_3051 = arith.constant 9 : i32
      %parallel_loop3A_3052 = arith.addi %parallel_loop3A_16, %parallel_loop3A_3051 : i32
      %parallel_loop3A_3053 = arith.constant 64 : i32
      %parallel_loop3A_3054 = arith.muli %parallel_loop3A_3052, %parallel_loop3A_3053 : i32
      %parallel_loop3A_3055 = arith.constant 0 : i32
      %parallel_loop3A_3056 = arith.addi %parallel_loop3A_3054, %parallel_loop3A_3055 : i32
      %parallel_loop3A_3057 = arith.index_cast %parallel_loop3A_3056 : i32 to index
      %parallel_loop3A_3058 = tpu.vector_load %arg7[%parallel_loop3A_3057] {strides = array<i32>} : memref<32768xf32, #tpu.memory_space<vmem>>, vector<16xf32>,
      %parallel_loop3A_3059 = vector.shape_cast %parallel_loop3A_3058 : vector<16xf32> to vector<16xf32>
      %parallel_loop3A_3060 = vector.shape_cast %parallel_loop3A_3050 : vector<16xf32> to vector<16xf32>
      tpu.vector_store %arg7[%parallel_loop3A_3057], %parallel_loop3A_3060 {strides = array<i32>} : memref<32768xf32, #tpu.memory_space<vmem>>, vector<16xf32>,
      %parallel_loop3A_3061 = arith.constant 16 : i32
      %parallel_loop3A_3062 = arith.addi %parallel_loop3A_3054, %parallel_loop3A_3061 : i32
      %parallel_loop3A_3063 = arith.index_cast %parallel_loop3A_3062 : i32 to index
      %parallel_loop3A_3064 = tpu.vector_load %arg7[%parallel_loop3A_3063] {strides = array<i32>} : memref<32768xf32, #tpu.memory_space<vmem>>, vector<16xf32>,
      %parallel_loop3A_3065 = vector.shape_cast %parallel_loop3A_3064 : vector<16xf32> to vector<16xf32>
      %parallel_loop3A_3066 = vector.shape_cast %parallel_loop3A_3050 : vector<16xf32> to vector<16xf32>
      tpu.vector_store %arg7[%parallel_loop3A_3063], %parallel_loop3A_3066 {strides = array<i32>} : memref<32768xf32, #tpu.memory_space<vmem>>, vector<16xf32>,
      %parallel_loop3A_3067 = arith.constant 32 : i32
      %parallel_loop3A_3068 = arith.addi %parallel_loop3A_3054, %parallel_loop3A_3067 : i32
      %parallel_loop3A_3069 = arith.index_cast %parallel_loop3A_3068 : i32 to index
      %parallel_loop3A_3070 = tpu.vector_load %arg7[%parallel_loop3A_3069] {strides = array<i32>} : memref<32768xf32, #tpu.memory_space<vmem>>, vector<16xf32>,
      %parallel_loop3A_3071 = vector.shape_cast %parallel_loop3A_3070 : vector<16xf32> to vector<16xf32>
      %parallel_loop3A_3072 = vector.shape_cast %parallel_loop3A_3050 : vector<16xf32> to vector<16xf32>
      tpu.vector_store %arg7[%parallel_loop3A_3069], %parallel_loop3A_3072 {strides = array<i32>} : memref<32768xf32, #tpu.memory_space<vmem>>, vector<16xf32>,
      %parallel_loop3A_3073 = arith.constant 48 : i32
      %parallel_loop3A_3074 = arith.addi %parallel_loop3A_3054, %parallel_loop3A_3073 : i32
      %parallel_loop3A_3075 = arith.index_cast %parallel_loop3A_3074 : i32 to index
      %parallel_loop3A_3076 = tpu.vector_load %arg7[%parallel_loop3A_3075] {strides = array<i32>} : memref<32768xf32, #tpu.memory_space<vmem>>, vector<16xf32>,
      %parallel_loop3A_3077 = vector.shape_cast %parallel_loop3A_3076 : vector<16xf32> to vector<16xf32>
      %parallel_loop3A_3078 = vector.shape_cast %parallel_loop3A_3050 : vector<16xf32> to vector<16xf32>
      tpu.vector_store %arg7[%parallel_loop3A_3075], %parallel_loop3A_3078 {strides = array<i32>} : memref<32768xf32, #tpu.memory_space<vmem>>, vector<16xf32>,
      %parallel_loop3A_3079 = arith.constant 10 : i32
      %parallel_loop3A_3080 = vector.broadcast %parallel_loop3A_3079 : i32 to vector<16xi32>
      %parallel_loop3A_3081 = vector.shape_cast %parallel_loop3A_3080 : vector<16xi32> to vector<16x1xi32>
      %parallel_loop3A_3082 = vector.shape_cast %parallel_loop3A_3081 : vector<16x1xi32> to vector<16xi32>
      %parallel_loop3A_3083 = tpu.dynamic_gather %parallel_loop3A_2748[%parallel_loop3A_3082] in [0] : vector<16xf32>, vector<16xi32> -> vector<16xf32>
      %parallel_loop3A_3084 = arith.constant 10 : i32
      %parallel_loop3A_3085 = arith.addi %parallel_loop3A_16, %parallel_loop3A_3084 : i32
      %parallel_loop3A_3086 = arith.constant 64 : i32
      %parallel_loop3A_3087 = arith.muli %parallel_loop3A_3085, %parallel_loop3A_3086 : i32
      %parallel_loop3A_3088 = arith.constant 0 : i32
      %parallel_loop3A_3089 = arith.addi %parallel_loop3A_3087, %parallel_loop3A_3088 : i32
      %parallel_loop3A_3090 = arith.index_cast %parallel_loop3A_3089 : i32 to index
      %parallel_loop3A_3091 = tpu.vector_load %arg7[%parallel_loop3A_3090] {strides = array<i32>} : memref<32768xf32, #tpu.memory_space<vmem>>, vector<16xf32>,
      %parallel_loop3A_3092 = vector.shape_cast %parallel_loop3A_3091 : vector<16xf32> to vector<16xf32>
      %parallel_loop3A_3093 = vector.shape_cast %parallel_loop3A_3083 : vector<16xf32> to vector<16xf32>
      tpu.vector_store %arg7[%parallel_loop3A_3090], %parallel_loop3A_3093 {strides = array<i32>} : memref<32768xf32, #tpu.memory_space<vmem>>, vector<16xf32>,
      %parallel_loop3A_3094 = arith.constant 16 : i32
      %parallel_loop3A_3095 = arith.addi %parallel_loop3A_3087, %parallel_loop3A_3094 : i32
      %parallel_loop3A_3096 = arith.index_cast %parallel_loop3A_3095 : i32 to index
      %parallel_loop3A_3097 = tpu.vector_load %arg7[%parallel_loop3A_3096] {strides = array<i32>} : memref<32768xf32, #tpu.memory_space<vmem>>, vector<16xf32>,
      %parallel_loop3A_3098 = vector.shape_cast %parallel_loop3A_3097 : vector<16xf32> to vector<16xf32>
      %parallel_loop3A_3099 = vector.shape_cast %parallel_loop3A_3083 : vector<16xf32> to vector<16xf32>
      tpu.vector_store %arg7[%parallel_loop3A_3096], %parallel_loop3A_3099 {strides = array<i32>} : memref<32768xf32, #tpu.memory_space<vmem>>, vector<16xf32>,
      %parallel_loop3A_3100 = arith.constant 32 : i32
      %parallel_loop3A_3101 = arith.addi %parallel_loop3A_3087, %parallel_loop3A_3100 : i32
      %parallel_loop3A_3102 = arith.index_cast %parallel_loop3A_3101 : i32 to index
      %parallel_loop3A_3103 = tpu.vector_load %arg7[%parallel_loop3A_3102] {strides = array<i32>} : memref<32768xf32, #tpu.memory_space<vmem>>, vector<16xf32>,
      %parallel_loop3A_3104 = vector.shape_cast %parallel_loop3A_3103 : vector<16xf32> to vector<16xf32>
      %parallel_loop3A_3105 = vector.shape_cast %parallel_loop3A_3083 : vector<16xf32> to vector<16xf32>
      tpu.vector_store %arg7[%parallel_loop3A_3102], %parallel_loop3A_3105 {strides = array<i32>} : memref<32768xf32, #tpu.memory_space<vmem>>, vector<16xf32>,
      %parallel_loop3A_3106 = arith.constant 48 : i32
      %parallel_loop3A_3107 = arith.addi %parallel_loop3A_3087, %parallel_loop3A_3106 : i32
      %parallel_loop3A_3108 = arith.index_cast %parallel_loop3A_3107 : i32 to index
      %parallel_loop3A_3109 = tpu.vector_load %arg7[%parallel_loop3A_3108] {strides = array<i32>} : memref<32768xf32, #tpu.memory_space<vmem>>, vector<16xf32>,
      %parallel_loop3A_3110 = vector.shape_cast %parallel_loop3A_3109 : vector<16xf32> to vector<16xf32>
      %parallel_loop3A_3111 = vector.shape_cast %parallel_loop3A_3083 : vector<16xf32> to vector<16xf32>
      tpu.vector_store %arg7[%parallel_loop3A_3108], %parallel_loop3A_3111 {strides = array<i32>} : memref<32768xf32, #tpu.memory_space<vmem>>, vector<16xf32>,
      %parallel_loop3A_3112 = arith.constant 11 : i32
      %parallel_loop3A_3113 = vector.broadcast %parallel_loop3A_3112 : i32 to vector<16xi32>
      %parallel_loop3A_3114 = vector.shape_cast %parallel_loop3A_3113 : vector<16xi32> to vector<16x1xi32>
      %parallel_loop3A_3115 = vector.shape_cast %parallel_loop3A_3114 : vector<16x1xi32> to vector<16xi32>
      %parallel_loop3A_3116 = tpu.dynamic_gather %parallel_loop3A_2748[%parallel_loop3A_3115] in [0] : vector<16xf32>, vector<16xi32> -> vector<16xf32>
      %parallel_loop3A_3117 = arith.constant 11 : i32
      %parallel_loop3A_3118 = arith.addi %parallel_loop3A_16, %parallel_loop3A_3117 : i32
      %parallel_loop3A_3119 = arith.constant 64 : i32
      %parallel_loop3A_3120 = arith.muli %parallel_loop3A_3118, %parallel_loop3A_3119 : i32
      %parallel_loop3A_3121 = arith.constant 0 : i32
      %parallel_loop3A_3122 = arith.addi %parallel_loop3A_3120, %parallel_loop3A_3121 : i32
      %parallel_loop3A_3123 = arith.index_cast %parallel_loop3A_3122 : i32 to index
      %parallel_loop3A_3124 = tpu.vector_load %arg7[%parallel_loop3A_3123] {strides = array<i32>} : memref<32768xf32, #tpu.memory_space<vmem>>, vector<16xf32>,
      %parallel_loop3A_3125 = vector.shape_cast %parallel_loop3A_3124 : vector<16xf32> to vector<16xf32>
      %parallel_loop3A_3126 = vector.shape_cast %parallel_loop3A_3116 : vector<16xf32> to vector<16xf32>
      tpu.vector_store %arg7[%parallel_loop3A_3123], %parallel_loop3A_3126 {strides = array<i32>} : memref<32768xf32, #tpu.memory_space<vmem>>, vector<16xf32>,
      %parallel_loop3A_3127 = arith.constant 16 : i32
      %parallel_loop3A_3128 = arith.addi %parallel_loop3A_3120, %parallel_loop3A_3127 : i32
      %parallel_loop3A_3129 = arith.index_cast %parallel_loop3A_3128 : i32 to index
      %parallel_loop3A_3130 = tpu.vector_load %arg7[%parallel_loop3A_3129] {strides = array<i32>} : memref<32768xf32, #tpu.memory_space<vmem>>, vector<16xf32>,
      %parallel_loop3A_3131 = vector.shape_cast %parallel_loop3A_3130 : vector<16xf32> to vector<16xf32>
      %parallel_loop3A_3132 = vector.shape_cast %parallel_loop3A_3116 : vector<16xf32> to vector<16xf32>
      tpu.vector_store %arg7[%parallel_loop3A_3129], %parallel_loop3A_3132 {strides = array<i32>} : memref<32768xf32, #tpu.memory_space<vmem>>, vector<16xf32>,
      %parallel_loop3A_3133 = arith.constant 32 : i32
      %parallel_loop3A_3134 = arith.addi %parallel_loop3A_3120, %parallel_loop3A_3133 : i32
      %parallel_loop3A_3135 = arith.index_cast %parallel_loop3A_3134 : i32 to index
      %parallel_loop3A_3136 = tpu.vector_load %arg7[%parallel_loop3A_3135] {strides = array<i32>} : memref<32768xf32, #tpu.memory_space<vmem>>, vector<16xf32>,
      %parallel_loop3A_3137 = vector.shape_cast %parallel_loop3A_3136 : vector<16xf32> to vector<16xf32>
      %parallel_loop3A_3138 = vector.shape_cast %parallel_loop3A_3116 : vector<16xf32> to vector<16xf32>
      tpu.vector_store %arg7[%parallel_loop3A_3135], %parallel_loop3A_3138 {strides = array<i32>} : memref<32768xf32, #tpu.memory_space<vmem>>, vector<16xf32>,
      %parallel_loop3A_3139 = arith.constant 48 : i32
      %parallel_loop3A_3140 = arith.addi %parallel_loop3A_3120, %parallel_loop3A_3139 : i32
      %parallel_loop3A_3141 = arith.index_cast %parallel_loop3A_3140 : i32 to index
      %parallel_loop3A_3142 = tpu.vector_load %arg7[%parallel_loop3A_3141] {strides = array<i32>} : memref<32768xf32, #tpu.memory_space<vmem>>, vector<16xf32>,
      %parallel_loop3A_3143 = vector.shape_cast %parallel_loop3A_3142 : vector<16xf32> to vector<16xf32>
      %parallel_loop3A_3144 = vector.shape_cast %parallel_loop3A_3116 : vector<16xf32> to vector<16xf32>
      tpu.vector_store %arg7[%parallel_loop3A_3141], %parallel_loop3A_3144 {strides = array<i32>} : memref<32768xf32, #tpu.memory_space<vmem>>, vector<16xf32>,
      %parallel_loop3A_3145 = arith.constant 12 : i32
      %parallel_loop3A_3146 = vector.broadcast %parallel_loop3A_3145 : i32 to vector<16xi32>
      %parallel_loop3A_3147 = vector.shape_cast %parallel_loop3A_3146 : vector<16xi32> to vector<16x1xi32>
      %parallel_loop3A_3148 = vector.shape_cast %parallel_loop3A_3147 : vector<16x1xi32> to vector<16xi32>
      %parallel_loop3A_3149 = tpu.dynamic_gather %parallel_loop3A_2748[%parallel_loop3A_3148] in [0] : vector<16xf32>, vector<16xi32> -> vector<16xf32>
      %parallel_loop3A_3150 = arith.constant 12 : i32
      %parallel_loop3A_3151 = arith.addi %parallel_loop3A_16, %parallel_loop3A_3150 : i32
      %parallel_loop3A_3152 = arith.constant 64 : i32
      %parallel_loop3A_3153 = arith.muli %parallel_loop3A_3151, %parallel_loop3A_3152 : i32
      %parallel_loop3A_3154 = arith.constant 0 : i32
      %parallel_loop3A_3155 = arith.addi %parallel_loop3A_3153, %parallel_loop3A_3154 : i32
      %parallel_loop3A_3156 = arith.index_cast %parallel_loop3A_3155 : i32 to index
      %parallel_loop3A_3157 = tpu.vector_load %arg7[%parallel_loop3A_3156] {strides = array<i32>} : memref<32768xf32, #tpu.memory_space<vmem>>, vector<16xf32>,
      %parallel_loop3A_3158 = vector.shape_cast %parallel_loop3A_3157 : vector<16xf32> to vector<16xf32>
      %parallel_loop3A_3159 = vector.shape_cast %parallel_loop3A_3149 : vector<16xf32> to vector<16xf32>
      tpu.vector_store %arg7[%parallel_loop3A_3156], %parallel_loop3A_3159 {strides = array<i32>} : memref<32768xf32, #tpu.memory_space<vmem>>, vector<16xf32>,
      %parallel_loop3A_3160 = arith.constant 16 : i32
      %parallel_loop3A_3161 = arith.addi %parallel_loop3A_3153, %parallel_loop3A_3160 : i32
      %parallel_loop3A_3162 = arith.index_cast %parallel_loop3A_3161 : i32 to index
      %parallel_loop3A_3163 = tpu.vector_load %arg7[%parallel_loop3A_3162] {strides = array<i32>} : memref<32768xf32, #tpu.memory_space<vmem>>, vector<16xf32>,
      %parallel_loop3A_3164 = vector.shape_cast %parallel_loop3A_3163 : vector<16xf32> to vector<16xf32>
      %parallel_loop3A_3165 = vector.shape_cast %parallel_loop3A_3149 : vector<16xf32> to vector<16xf32>
      tpu.vector_store %arg7[%parallel_loop3A_3162], %parallel_loop3A_3165 {strides = array<i32>} : memref<32768xf32, #tpu.memory_space<vmem>>, vector<16xf32>,
      %parallel_loop3A_3166 = arith.constant 32 : i32
      %parallel_loop3A_3167 = arith.addi %parallel_loop3A_3153, %parallel_loop3A_3166 : i32
      %parallel_loop3A_3168 = arith.index_cast %parallel_loop3A_3167 : i32 to index
      %parallel_loop3A_3169 = tpu.vector_load %arg7[%parallel_loop3A_3168] {strides = array<i32>} : memref<32768xf32, #tpu.memory_space<vmem>>, vector<16xf32>,
      %parallel_loop3A_3170 = vector.shape_cast %parallel_loop3A_3169 : vector<16xf32> to vector<16xf32>
      %parallel_loop3A_3171 = vector.shape_cast %parallel_loop3A_3149 : vector<16xf32> to vector<16xf32>
      tpu.vector_store %arg7[%parallel_loop3A_3168], %parallel_loop3A_3171 {strides = array<i32>} : memref<32768xf32, #tpu.memory_space<vmem>>, vector<16xf32>,
      %parallel_loop3A_3172 = arith.constant 48 : i32
      %parallel_loop3A_3173 = arith.addi %parallel_loop3A_3153, %parallel_loop3A_3172 : i32
      %parallel_loop3A_3174 = arith.index_cast %parallel_loop3A_3173 : i32 to index
      %parallel_loop3A_3175 = tpu.vector_load %arg7[%parallel_loop3A_3174] {strides = array<i32>} : memref<32768xf32, #tpu.memory_space<vmem>>, vector<16xf32>,
      %parallel_loop3A_3176 = vector.shape_cast %parallel_loop3A_3175 : vector<16xf32> to vector<16xf32>
      %parallel_loop3A_3177 = vector.shape_cast %parallel_loop3A_3149 : vector<16xf32> to vector<16xf32>
      tpu.vector_store %arg7[%parallel_loop3A_3174], %parallel_loop3A_3177 {strides = array<i32>} : memref<32768xf32, #tpu.memory_space<vmem>>, vector<16xf32>,
      %parallel_loop3A_3178 = arith.constant 13 : i32
      %parallel_loop3A_3179 = vector.broadcast %parallel_loop3A_3178 : i32 to vector<16xi32>
      %parallel_loop3A_3180 = vector.shape_cast %parallel_loop3A_3179 : vector<16xi32> to vector<16x1xi32>
      %parallel_loop3A_3181 = vector.shape_cast %parallel_loop3A_3180 : vector<16x1xi32> to vector<16xi32>
      %parallel_loop3A_3182 = tpu.dynamic_gather %parallel_loop3A_2748[%parallel_loop3A_3181] in [0] : vector<16xf32>, vector<16xi32> -> vector<16xf32>
      %parallel_loop3A_3183 = arith.constant 13 : i32
      %parallel_loop3A_3184 = arith.addi %parallel_loop3A_16, %parallel_loop3A_3183 : i32
      %parallel_loop3A_3185 = arith.constant 64 : i32
      %parallel_loop3A_3186 = arith.muli %parallel_loop3A_3184, %parallel_loop3A_3185 : i32
      %parallel_loop3A_3187 = arith.constant 0 : i32
      %parallel_loop3A_3188 = arith.addi %parallel_loop3A_3186, %parallel_loop3A_3187 : i32
      %parallel_loop3A_3189 = arith.index_cast %parallel_loop3A_3188 : i32 to index
      %parallel_loop3A_3190 = tpu.vector_load %arg7[%parallel_loop3A_3189] {strides = array<i32>} : memref<32768xf32, #tpu.memory_space<vmem>>, vector<16xf32>,
      %parallel_loop3A_3191 = vector.shape_cast %parallel_loop3A_3190 : vector<16xf32> to vector<16xf32>
      %parallel_loop3A_3192 = vector.shape_cast %parallel_loop3A_3182 : vector<16xf32> to vector<16xf32>
      tpu.vector_store %arg7[%parallel_loop3A_3189], %parallel_loop3A_3192 {strides = array<i32>} : memref<32768xf32, #tpu.memory_space<vmem>>, vector<16xf32>,
      %parallel_loop3A_3193 = arith.constant 16 : i32
      %parallel_loop3A_3194 = arith.addi %parallel_loop3A_3186, %parallel_loop3A_3193 : i32
      %parallel_loop3A_3195 = arith.index_cast %parallel_loop3A_3194 : i32 to index
      %parallel_loop3A_3196 = tpu.vector_load %arg7[%parallel_loop3A_3195] {strides = array<i32>} : memref<32768xf32, #tpu.memory_space<vmem>>, vector<16xf32>,
      %parallel_loop3A_3197 = vector.shape_cast %parallel_loop3A_3196 : vector<16xf32> to vector<16xf32>
      %parallel_loop3A_3198 = vector.shape_cast %parallel_loop3A_3182 : vector<16xf32> to vector<16xf32>
      tpu.vector_store %arg7[%parallel_loop3A_3195], %parallel_loop3A_3198 {strides = array<i32>} : memref<32768xf32, #tpu.memory_space<vmem>>, vector<16xf32>,
      %parallel_loop3A_3199 = arith.constant 32 : i32
      %parallel_loop3A_3200 = arith.addi %parallel_loop3A_3186, %parallel_loop3A_3199 : i32
      %parallel_loop3A_3201 = arith.index_cast %parallel_loop3A_3200 : i32 to index
      %parallel_loop3A_3202 = tpu.vector_load %arg7[%parallel_loop3A_3201] {strides = array<i32>} : memref<32768xf32, #tpu.memory_space<vmem>>, vector<16xf32>,
      %parallel_loop3A_3203 = vector.shape_cast %parallel_loop3A_3202 : vector<16xf32> to vector<16xf32>
      %parallel_loop3A_3204 = vector.shape_cast %parallel_loop3A_3182 : vector<16xf32> to vector<16xf32>
      tpu.vector_store %arg7[%parallel_loop3A_3201], %parallel_loop3A_3204 {strides = array<i32>} : memref<32768xf32, #tpu.memory_space<vmem>>, vector<16xf32>,
      %parallel_loop3A_3205 = arith.constant 48 : i32
      %parallel_loop3A_3206 = arith.addi %parallel_loop3A_3186, %parallel_loop3A_3205 : i32
      %parallel_loop3A_3207 = arith.index_cast %parallel_loop3A_3206 : i32 to index
      %parallel_loop3A_3208 = tpu.vector_load %arg7[%parallel_loop3A_3207] {strides = array<i32>} : memref<32768xf32, #tpu.memory_space<vmem>>, vector<16xf32>,
      %parallel_loop3A_3209 = vector.shape_cast %parallel_loop3A_3208 : vector<16xf32> to vector<16xf32>
      %parallel_loop3A_3210 = vector.shape_cast %parallel_loop3A_3182 : vector<16xf32> to vector<16xf32>
      tpu.vector_store %arg7[%parallel_loop3A_3207], %parallel_loop3A_3210 {strides = array<i32>} : memref<32768xf32, #tpu.memory_space<vmem>>, vector<16xf32>,
      %parallel_loop3A_3211 = arith.constant 14 : i32
      %parallel_loop3A_3212 = vector.broadcast %parallel_loop3A_3211 : i32 to vector<16xi32>
      %parallel_loop3A_3213 = vector.shape_cast %parallel_loop3A_3212 : vector<16xi32> to vector<16x1xi32>
      %parallel_loop3A_3214 = vector.shape_cast %parallel_loop3A_3213 : vector<16x1xi32> to vector<16xi32>
      %parallel_loop3A_3215 = tpu.dynamic_gather %parallel_loop3A_2748[%parallel_loop3A_3214] in [0] : vector<16xf32>, vector<16xi32> -> vector<16xf32>
      %parallel_loop3A_3216 = arith.constant 14 : i32
      %parallel_loop3A_3217 = arith.addi %parallel_loop3A_16, %parallel_loop3A_3216 : i32
      %parallel_loop3A_3218 = arith.constant 64 : i32
      %parallel_loop3A_3219 = arith.muli %parallel_loop3A_3217, %parallel_loop3A_3218 : i32
      %parallel_loop3A_3220 = arith.constant 0 : i32
      %parallel_loop3A_3221 = arith.addi %parallel_loop3A_3219, %parallel_loop3A_3220 : i32
      %parallel_loop3A_3222 = arith.index_cast %parallel_loop3A_3221 : i32 to index
      %parallel_loop3A_3223 = tpu.vector_load %arg7[%parallel_loop3A_3222] {strides = array<i32>} : memref<32768xf32, #tpu.memory_space<vmem>>, vector<16xf32>,
      %parallel_loop3A_3224 = vector.shape_cast %parallel_loop3A_3223 : vector<16xf32> to vector<16xf32>
      %parallel_loop3A_3225 = vector.shape_cast %parallel_loop3A_3215 : vector<16xf32> to vector<16xf32>
      tpu.vector_store %arg7[%parallel_loop3A_3222], %parallel_loop3A_3225 {strides = array<i32>} : memref<32768xf32, #tpu.memory_space<vmem>>, vector<16xf32>,
      %parallel_loop3A_3226 = arith.constant 16 : i32
      %parallel_loop3A_3227 = arith.addi %parallel_loop3A_3219, %parallel_loop3A_3226 : i32
      %parallel_loop3A_3228 = arith.index_cast %parallel_loop3A_3227 : i32 to index
      %parallel_loop3A_3229 = tpu.vector_load %arg7[%parallel_loop3A_3228] {strides = array<i32>} : memref<32768xf32, #tpu.memory_space<vmem>>, vector<16xf32>,
      %parallel_loop3A_3230 = vector.shape_cast %parallel_loop3A_3229 : vector<16xf32> to vector<16xf32>
      %parallel_loop3A_3231 = vector.shape_cast %parallel_loop3A_3215 : vector<16xf32> to vector<16xf32>
      tpu.vector_store %arg7[%parallel_loop3A_3228], %parallel_loop3A_3231 {strides = array<i32>} : memref<32768xf32, #tpu.memory_space<vmem>>, vector<16xf32>,
      %parallel_loop3A_3232 = arith.constant 32 : i32
      %parallel_loop3A_3233 = arith.addi %parallel_loop3A_3219, %parallel_loop3A_3232 : i32
      %parallel_loop3A_3234 = arith.index_cast %parallel_loop3A_3233 : i32 to index
      %parallel_loop3A_3235 = tpu.vector_load %arg7[%parallel_loop3A_3234] {strides = array<i32>} : memref<32768xf32, #tpu.memory_space<vmem>>, vector<16xf32>,
      %parallel_loop3A_3236 = vector.shape_cast %parallel_loop3A_3235 : vector<16xf32> to vector<16xf32>
      %parallel_loop3A_3237 = vector.shape_cast %parallel_loop3A_3215 : vector<16xf32> to vector<16xf32>
      tpu.vector_store %arg7[%parallel_loop3A_3234], %parallel_loop3A_3237 {strides = array<i32>} : memref<32768xf32, #tpu.memory_space<vmem>>, vector<16xf32>,
      %parallel_loop3A_3238 = arith.constant 48 : i32
      %parallel_loop3A_3239 = arith.addi %parallel_loop3A_3219, %parallel_loop3A_3238 : i32
      %parallel_loop3A_3240 = arith.index_cast %parallel_loop3A_3239 : i32 to index
      %parallel_loop3A_3241 = tpu.vector_load %arg7[%parallel_loop3A_3240] {strides = array<i32>} : memref<32768xf32, #tpu.memory_space<vmem>>, vector<16xf32>,
      %parallel_loop3A_3242 = vector.shape_cast %parallel_loop3A_3241 : vector<16xf32> to vector<16xf32>
      %parallel_loop3A_3243 = vector.shape_cast %parallel_loop3A_3215 : vector<16xf32> to vector<16xf32>
      tpu.vector_store %arg7[%parallel_loop3A_3240], %parallel_loop3A_3243 {strides = array<i32>} : memref<32768xf32, #tpu.memory_space<vmem>>, vector<16xf32>,
      %parallel_loop3A_3244 = arith.constant 15 : i32
      %parallel_loop3A_3245 = vector.broadcast %parallel_loop3A_3244 : i32 to vector<16xi32>
      %parallel_loop3A_3246 = vector.shape_cast %parallel_loop3A_3245 : vector<16xi32> to vector<16x1xi32>
      %parallel_loop3A_3247 = vector.shape_cast %parallel_loop3A_3246 : vector<16x1xi32> to vector<16xi32>
      %parallel_loop3A_3248 = tpu.dynamic_gather %parallel_loop3A_2748[%parallel_loop3A_3247] in [0] : vector<16xf32>, vector<16xi32> -> vector<16xf32>
      %parallel_loop3A_3249 = arith.constant 15 : i32
      %parallel_loop3A_3250 = arith.addi %parallel_loop3A_16, %parallel_loop3A_3249 : i32
      %parallel_loop3A_3251 = arith.constant 64 : i32
      %parallel_loop3A_3252 = arith.muli %parallel_loop3A_3250, %parallel_loop3A_3251 : i32
      %parallel_loop3A_3253 = arith.constant 0 : i32
      %parallel_loop3A_3254 = arith.addi %parallel_loop3A_3252, %parallel_loop3A_3253 : i32
      %parallel_loop3A_3255 = arith.index_cast %parallel_loop3A_3254 : i32 to index
      %parallel_loop3A_3256 = tpu.vector_load %arg7[%parallel_loop3A_3255] {strides = array<i32>} : memref<32768xf32, #tpu.memory_space<vmem>>, vector<16xf32>,
      %parallel_loop3A_3257 = vector.shape_cast %parallel_loop3A_3256 : vector<16xf32> to vector<16xf32>
      %parallel_loop3A_3258 = vector.shape_cast %parallel_loop3A_3248 : vector<16xf32> to vector<16xf32>
      tpu.vector_store %arg7[%parallel_loop3A_3255], %parallel_loop3A_3258 {strides = array<i32>} : memref<32768xf32, #tpu.memory_space<vmem>>, vector<16xf32>,
      %parallel_loop3A_3259 = arith.constant 16 : i32
      %parallel_loop3A_3260 = arith.addi %parallel_loop3A_3252, %parallel_loop3A_3259 : i32
      %parallel_loop3A_3261 = arith.index_cast %parallel_loop3A_3260 : i32 to index
      %parallel_loop3A_3262 = tpu.vector_load %arg7[%parallel_loop3A_3261] {strides = array<i32>} : memref<32768xf32, #tpu.memory_space<vmem>>, vector<16xf32>,
      %parallel_loop3A_3263 = vector.shape_cast %parallel_loop3A_3262 : vector<16xf32> to vector<16xf32>
      %parallel_loop3A_3264 = vector.shape_cast %parallel_loop3A_3248 : vector<16xf32> to vector<16xf32>
      tpu.vector_store %arg7[%parallel_loop3A_3261], %parallel_loop3A_3264 {strides = array<i32>} : memref<32768xf32, #tpu.memory_space<vmem>>, vector<16xf32>,
      %parallel_loop3A_3265 = arith.constant 32 : i32
      %parallel_loop3A_3266 = arith.addi %parallel_loop3A_3252, %parallel_loop3A_3265 : i32
      %parallel_loop3A_3267 = arith.index_cast %parallel_loop3A_3266 : i32 to index
      %parallel_loop3A_3268 = tpu.vector_load %arg7[%parallel_loop3A_3267] {strides = array<i32>} : memref<32768xf32, #tpu.memory_space<vmem>>, vector<16xf32>,
      %parallel_loop3A_3269 = vector.shape_cast %parallel_loop3A_3268 : vector<16xf32> to vector<16xf32>
      %parallel_loop3A_3270 = vector.shape_cast %parallel_loop3A_3248 : vector<16xf32> to vector<16xf32>
      tpu.vector_store %arg7[%parallel_loop3A_3267], %parallel_loop3A_3270 {strides = array<i32>} : memref<32768xf32, #tpu.memory_space<vmem>>, vector<16xf32>,
      %parallel_loop3A_3271 = arith.constant 48 : i32
      %parallel_loop3A_3272 = arith.addi %parallel_loop3A_3252, %parallel_loop3A_3271 : i32
      %parallel_loop3A_3273 = arith.index_cast %parallel_loop3A_3272 : i32 to index
      %parallel_loop3A_3274 = tpu.vector_load %arg7[%parallel_loop3A_3273] {strides = array<i32>} : memref<32768xf32, #tpu.memory_space<vmem>>, vector<16xf32>,
      %parallel_loop3A_3275 = vector.shape_cast %parallel_loop3A_3274 : vector<16xf32> to vector<16xf32>
      %parallel_loop3A_3276 = vector.shape_cast %parallel_loop3A_3248 : vector<16xf32> to vector<16xf32>
      tpu.vector_store %arg7[%parallel_loop3A_3273], %parallel_loop3A_3276 {strides = array<i32>} : memref<32768xf32, #tpu.memory_space<vmem>>, vector<16xf32>,
    } {sc.loop_unroll_factor = 1 : i64, sc.parallel_access}
    %mul3A_10 = arith.constant 512 : i32
    %mul3A_11 = arith.muli %add3A, %mul3A_10 : i32
    %mul3A_12 = arith.constant 64 : i32
    %mul3A_13 = arith.muli %mul3A_11, %mul3A_12 : i32
    "tpu.region"() ({
      %run_scoped3A = tpu.sem_alloc : memref<!tpu.dma_semaphore, #tpu.memory_space<semaphore_mem>>
      %dma_start3A = tpu.memref_slice %arg5[%mul3A_13] : memref<1048576xf32, #tpu.memory_space<hbm>> -> memref<32768xf32, #tpu.memory_space<hbm>>
      %dma_start3A_14 = tpu.memref_slice %arg5[%mul3A_13] : memref<1048576xf32, #tpu.memory_space<hbm>> -> memref<32768xf32, #tpu.memory_space<hbm>>
      tpu.enqueue_dma source(%arg7 : memref<32768xf32, #tpu.memory_space<vmem>>) target(%dma_start3A_14 : memref<32768xf32, #tpu.memory_space<hbm>>) target_semaphore(%run_scoped3A : memref<!tpu.dma_semaphore, #tpu.memory_space<semaphore_mem>>)
      %dma_wait3A = tpu.memref_slice %arg5[%mul3A_13] : memref<1048576xf32, #tpu.memory_space<hbm>> -> memref<32768xf32, #tpu.memory_space<hbm>>
      %dma_wait3A_15 = tpu.memref_slice %arg5[%mul3A_13] : memref<1048576xf32, #tpu.memory_space<hbm>> -> memref<32768xf32, #tpu.memory_space<hbm>>
      tpu.wait_dma2 semaphore(%run_scoped3A : memref<!tpu.dma_semaphore, #tpu.memory_space<semaphore_mem>>) src(%arg7 : memref<32768xf32, #tpu.memory_space<vmem>>) dst(%dma_wait3A_15 : memref<32768xf32, #tpu.memory_space<hbm>>)
      tpu.yield
    }) : () -> ()
    return
  }
}

</mosaic_0001>

<sc_bundles>
// kernel: kernel.3.cloned.1.call-start
scs
__scs_entry_jumppad:
0x0: {  	(pc) =	sbr.rel $0x88, $3  }
0x1: {  	(tag) =	ssettag $0x0;
	lr =	simm.s32 $0x1  }
0x2: {  	[smem:$0x3F9E] =	sst lr;
	_ =	strace $0xD0000000  }
0x3: {  	_ = 	snop  }
0x4: {  	_ = 	snop  }
0x5: {  	_ = 	snop  }
0x6: {  	_ = 	snop  }
0x7: {  	_ = 	snop  }
__scs_overlays_trampoline_lowered:
0x8: {  	[smem:$0x3FAD] =	sst s0  }
0x9: {  	[smem:$0x3FAE] =	sst s1  }
0xa: {  	[smem:$0x3FAF] =	sst s2  }
0xb: {  	[smem:$0x3FB0] =	sst s3  }
0xc: {  	[smem:$0x3FB1] =	sst s4  }
0xd: {  	[smem:$0x3FB2] =	sst s5  }
0xe: {  	[smem:$0x3FB3] =	sst s6  }
0xf: {  	[smem:$0x3FB4] =	sst s7  }
0x10: {  	[smem:$0x3FB5] =	sst s8  }
0x11: {  	[smem:$0x3FB6] =	sst s9;
	s0 =	simm.s32 @!p0 $0x0  }
0x12: {  	s1 =	sld [smem:$0x3F9C];
	s0 =	simm.s32 @p0 $0x1  }
0x13: {  	[smem:$0x3FB7] =	sst s0;
	s0 =	simm.s32 @!p1 $0x0  }
0x14: {  	s2 =	sld [smem:$0x3F9B];
	s0 =	simm.s32 @p1 $0x1  }
0x15: {  	[smem:$0x3FB8] =	sst s0;
	s0 =	simm.s32 @!p2 $0x0  }
0x16: {  	s3 =	sld [smem:$0x3FDB];
	s0 =	simm.s32 @p2 $0x1  }
0x17: {  	s4 =	simm.s32 $0x1BF5;
	[smem:$0x3FBA] =	sst s0  }
0x18: {  	s0 =	sld [smem:$0x3F9D];
	_ =	swait.ge [sflag:s4], $0x0  }
0x19: {  	s7 =	sld [smem:$0x3F9E]  }
0x1a: {  	s8 =	sadd.s32 $0xFFFFE003, lr  }
0x1b: {  	s9 =	sadd.s32 $0xFFFFFEF7, lr;
	s5 =	simm.s32 $0xFFFFFFFF;
	p2 =	slt.u32 s8, $0xFFFFF086  }
0x1c: {  	p1 =	slt.u32 s9, $0xF7A;
	s5 =	simm.s32 @!p2 $0x0  }
0x1d: {  	s5 =	simm.s32 @p1 $0x1;
	p0 =	seq.s32 s7, s2  }
0x1e: {  	s7 =	smul.u32 @!p0 $0xF7A, s2;
	p2 =	seq.s32 @!p0 s5, $0x0  }
0x1f: {  	s9 =	smul.u32 $0xF7A, s1;
	s8 =	simm.s32 @!p0 $0x1BF5;
	p2 =	por !p2, p0  }
0x20: {  	[sflag:s8] =	ssyncset.s32 @!p0 $0xFFFFF086;
	s6 =	sadd.s32 @!p0 s3, s7;
	s7 =	simm.s32 @!p0 $0x108  }
0x21: {  	s3 =	sadd.s32 s3, s9;
	s6 =	sadd.s32 @!p0 $0x88, s6;
	s7 =	simm.s32 @p2 $0x1082  }
0x22: {  	[simem:s7], [sflag:s8] =	dma.local @!p0 [hbm:s6], $0xF7A  }
0x23: {  	s9 =	sor.u32 $0xD0000000, s2;
	s6 =	simm.s32 $0x108;
	_ =	swait.ge @!p0 [sflag:s8], $0x0  }
0x24: {  	s3 =	sadd.s32 $0x88, s3;
	s6 =	simm.s32 @!p1 $0x1082;
	[sflag:s4] =	ssyncset.s32 $0xFFFFF086  }
0x25: {  	[simem:s6], [sflag:s4] =	dma.local [hbm:s3], $0xF7A  }
0x26: {  	[smem:$0x3F9E] =	sst s1;
	(tag) =	ssettag s2;
	_ =	strace s9  }
0x27: {  	s1 =	sld [smem:$0x3FAE]  }
0x28: {  	s2 =	sld [smem:$0x3FAF]  }
0x29: {  	s4 =	sld [smem:$0x3FB1]  }
0x2a: {  	p0 =	seq.s32 s5, $0x0;
	s5 =	sld [smem:$0x3FB2]  }
0x2b: {  	s6 =	sld [smem:$0x3FB3]  }
0x2c: {  	s7 =	sld [smem:$0x3FB4]  }
0x2d: {  	s3 =	simm.s32 $0x108;
	s8 =	sld [smem:$0x3FB5]  }
0x2e: {  	s3 =	simm.s32 @!p0 $0x1082;
	s9 =	sld [smem:$0x3FB6]  }
0x2f: {  	lr =	sadd.s32 s0, s3;
	s0 =	sld [smem:$0x3FAD]  }
0x30: {  	s3 =	sld [smem:$0x3FB0]  }
0x31: {  	[smem:$0x3FB9] =	sst s10  }
0x32: {  	s10 =	sld [smem:$0x3FB7];
	_ =	sdelay $0x3  }
0x33: {  	p0 =	seq.s32 s10, $0x1;
	s10 =	sld [smem:$0x3FB9];
	_ =	sdelay $0x3  }
0x34: {  	[smem:$0x3FB9] =	sst s10  }
0x35: {  	s10 =	sld [smem:$0x3FB8];
	_ =	sdelay $0x3  }
0x36: {  	p1 =	seq.s32 s10, $0x1;
	s10 =	sld [smem:$0x3FB9];
	_ =	sdelay $0x3  }
0x37: {  	[smem:$0x3FB9] =	sst s10  }
0x38: {  	s10 =	sld [smem:$0x3FBA]  }
0x39: {  	_ = 	snop;
	(pc) =	sbr.ind lr, $3  }
0x3a: {  	_ = 	snop  }
0x3b: {  	_ = 	snop  }
0x3c: {  	p2 =	seq.s32 s10, $0x1;
	s10 =	sld [smem:$0x3FB9]  }
0x3d: {  	_ =	shalt  }
0x3e: {  	_ =	shalt  }
0x3f: {  	_ =	shalt  }
0x40: {  	_ =	shalt  }
0x41: {  	_ =	shalt  }
0x42: {  	_ =	shalt  }
0x43: {  	_ =	shalt  }
0x44: {  	_ =	shalt  }
0x45: {  	_ =	shalt  }
0x46: {  	_ =	shalt  }
0x47: {  	_ =	shalt  }
0x48: {  	_ =	shalt  }
0x49: {  	_ =	shalt  }
0x4a: {  	_ =	shalt  }
0x4b: {  	_ =	shalt  }
0x4c: {  	_ =	shalt  }
0x4d: {  	_ =	shalt  }
0x4e: {  	_ =	shalt  }
0x4f: {  	_ =	shalt  }
0x50: {  	_ =	shalt  }
0x51: {  	_ =	shalt  }
0x52: {  	_ =	shalt  }
0x53: {  	_ =	shalt  }
0x54: {  	_ =	shalt  }
0x55: {  	_ =	shalt  }
0x56: {  	_ =	shalt  }
0x57: {  	_ =	shalt  }
0x58: {  	_ =	shalt  }
0x59: {  	_ =	shalt  }
0x5a: {  	_ =	shalt  }
0x5b: {  	_ =	shalt  }
0x5c: {  	_ =	shalt  }
0x5d: {  	_ =	shalt  }
0x5e: {  	_ =	shalt  }
0x5f: {  	_ =	shalt  }
0x60: {  	_ =	shalt  }
0x61: {  	_ =	shalt  }
0x62: {  	_ =	shalt  }
0x63: {  	_ =	shalt  }
0x64: {  	_ =	shalt  }
0x65: {  	_ =	shalt  }
0x66: {  	_ =	shalt  }
0x67: {  	_ =	shalt  }
0x68: {  	_ =	shalt  }
0x69: {  	_ =	shalt  }
0x6a: {  	_ =	shalt  }
0x6b: {  	_ =	shalt  }
0x6c: {  	_ =	shalt  }
0x6d: {  	_ =	shalt  }
0x6e: {  	_ =	shalt  }
0x6f: {  	_ =	shalt  }
0x70: {  	_ =	shalt  }
0x71: {  	_ =	shalt  }
0x72: {  	_ =	shalt  }
0x73: {  	_ =	shalt  }
0x74: {  	_ =	shalt  }
0x75: {  	_ =	shalt  }
0x76: {  	_ =	shalt  }
0x77: {  	_ =	shalt  }
0x78: {  	_ =	shalt  }
0x79: {  	_ =	shalt  }
0x7a: {  	_ =	shalt  }
0x7b: {  	_ =	shalt  }
0x7c: {  	_ =	shalt  }
0x7d: {  	_ =	shalt  }
0x7e: {  	_ =	shalt  }
0x7f: {  	_ =	shalt  }
0x80: {  	_ =	shalt  }
0x81: {  	_ =	shalt  }
0x82: {  	_ =	shalt  }
0x83: {  	_ =	shalt  }
0x84: {  	_ =	shalt  }
0x85: {  	_ =	shalt  }
0x86: {  	_ =	shalt  }
0x87: {  	_ =	shalt  }
.Lfunc_end0:
.L_simem_size_0:
called_computation_lowered:
.L_overlay_start_0:
0x88: {  	s2 =	sld [smem:$0x3FD9]  }
0x89: {  	s3 =	sld [smem:$0x3FFE];
	_ =	sdelay $0x1  }
0x8a: {  	s1 =	srdreg.scid  }
0x8b: {  	s0 =	sand.u32 $0x1, s1  }
0x8c: {  	s17 =	sshll.u32 s0, $0xA;
	s2 =	sadd.s32 s3, s2  }
0x8d: {  	s2 =	sadd.s32 s2, s17  }
0x8e: {  	[smem:$0x3FC5] =	sst s2  }
0x8f: {  	_ = 	snop  }
0x90: {  	s2 =	sld [smem:$0x3FC9]  }
0x91: {  	s18 =	sld [smem:$0x3FD0];
	(tm) =	ssettm $0x1  }
0x92: {  	s4 =	sld [smem:$0x3FFB];
	_ =	sdelay $0x3  }
0x93: {  	_ =	strace s4  }
0x94: {  	s4 =	sld [smem:$0x3FFC];
	_ =	sdelay $0x3  }
0x95: {  	_ =	strace s4  }
0x96: {  	s4 =	sld [smem:$0x3FFD];
	_ =	sdelay $0x3  }
0x97: {  	_ =	strace s4  }
0x98: {  	_ =	strace $0x8FFFFFFF  }
0x99: {  	s19 =	sld [smem:$0x3FDB];
	_ =	sdelay $0x1  }
0x9a: {  	s5 =	simm.s32 $_scs_section_size  }
0x9b: {  	s6 =	simm.s32 $_size__tile_overlayer_lowered;
	s7 =	simm.s32 $_tile_overlayer_lowered  }
0x9c: {  	s22 =	simm.s32 $0x1BFF;
	s21 =	sshll.u32 s7, $0x1;
	s4 =	sadd.s32 s5, s19  }
0x9d: {  	s8 =	simm.s32 $0x0;
	s20 =	sshll.u32 s6, $0x1;
	s6 =	sadd.s32 s21, s4  }
0x9e: {  	[timem:s8], [sflag:s22] =	dma.local [hbm:s6], s20  }
0x9f: {  	_ =	swait.ge [sflag:s22], s20  }
0xa0: {  	s5 =	ssub.s32 $0x0, s20;
	[sflag:s22] =	ssyncset.done $0x0  }
0xa1: {  	[sflag:s22] =	ssyncadd.s32 s5;
	_ =	sdelay $0x1  }
0xa2: {  	s23 =	simm.s32 $0x1B8B  }
0xa3: {  	_ =	swait.ge [sflag:s23], $0x1  }
0xa4: {  	[sflag:s23] =	ssyncset.done $0x0  }
0xa5: {  	s25 =	simm.s32 $0x1B8E;
	s24 =	sld [smem:$0x3FFE];
	[sflag:s23] =	ssyncadd.s32 $0xFFFFFFFF  }
0xa6: {  	s26 =	simm.s32 $execute0_lowered;
	[smem:$0x3FD2] =	sst s25  }
0xa7: {  	s6 =	sshll.u32 s26, $0x1;
	_ =	strace $0x80000046;
	[dreg:$0x1] =	wrdreg $0xFFFFFFFF  }
0xa8: {  	s28 =	simm.s32 $_size_execute0_lowered;
	s4 =	sadd.s32 s4, s6;
	[dreg:$0x0] =	wrdreg $0x0  }
0xa9: {  	s6 =	sshll.u32 s28, $0x1;
	[dreg:$0x2] =	wrdreg s4  }
0xaa: {  	[dreg:$0x3] =	wrdreg s6  }
0xab: {  	[dreg:$0x4] =	wrdreg $0xC0  }
0xac: {  	_ =	task [dreg:s8], $0x5FFFF  }
0xad: {  	[dreg:$0x1] =	wrdreg $0xFFFFFFFF  }
0xae: {  	[dreg:$0x0] =	wrdreg $0x60  }
0xaf: {  	[dreg:$0x2] =	wrdreg s2  }
0xb0: {  	[dreg:$0x3] =	wrdreg s24  }
0xb1: {  	[dreg:$0x4] =	wrdreg s18  }
0xb2: {  	[dreg:$0x5] =	wrdreg $0x9  }
0xb3: {  	_ =	task.clear_ibuf [dreg:s8], $0x6FFFF;
	_ =	strace $0x90000046  }
0xb4: {  	s29 =	simm.s32 $0x9;
	_ =	strace $0x80000048  }
0xb5: {  	_ =	swait.ge [sflag:s29], $0x1  }
0xb6: {  	[sflag:s29] =	ssyncadd.s32 $0xFFFFFFFF  }
0xb7: {  	_ =	strace $0x90000048  }
0xb8: {  	_ =	sfence  }
0xb9: {  	s30 =	sld [smem:$0x0];
	_ =	sdelay $0x2  }
0xba: {  	s31 =	sshll.u32 s1, $0xD;
	s1 =	sshrl.u32 s1, $0x2  }
0xbb: {  	s3 =	sand.u32 $0x4000, s31;
	s1 =	sadd.s32 s1, s30  }
0xbc: {  	s0 =	sor.u32 s3, s0;
	s1 =	sshll.u32 s1, $0x11  }
0xbd: {  	s0 =	sor.u32 s1, s0  }
0xbe: {  	s0 =	sadd.s32 $0x8F2B, s0  }
0xbf: {  	[sflag:s0] =	ssyncadd.remote.s32 $0x1  }
0xc0: {  	_ =	sfence.sel $0xFFFF  }
0xc1: {  	[dreg:$0x0] =	wrdreg $0xFFFFFFFF;
	(pc) =	sbr.abs _section_cstart, $3  }
0xc2: {  	[dreg:$0x1] =	wrdreg $0xFFFFFFFF  }
0xc3: {  	_ =	task.clear_ibuf [dreg:s8], $0x2FFFF;
	_ =	strace $0x9FFFFFFF  }
0xc4: {  	(tm) =	ssettm $0x7FFFFFFF  }
0xc5: {  	_ =	shalt  }
tec
execute0_lowered:
.L_overlay_start_1:
0x0: {  	(tag) =	ssettag $0x1  }
0x1: {  	s5 =	rddreg [dreg:$0x0]  }
0x2: {  	s4 =	rddreg [dreg:$0x1]  }
0x3: {  	s6 =	rddreg [dreg:$0x2]  }
0x4: {  	s0 =	rddreg [dreg:$0x3];
	s2 =	simm.s32 $0x0  }
0x5: {  	s3 =	srdreg.scid;
	s1 =	stileid.u32;
	s11 =	simm.s32 $0xC000  }
0x6: {  	s12 =	simm.s32 $0xC080;
	s13 =	simm.s32 $0x4000;
	s14 =	simm.s32 $0x0  }
0x7: {  	[smem:$0x7FF] =	sst s2;
	s7 =	sand.u32 $0x1, s3;
	s8 =	sshll.u32 s1, $0x1  }
0x8: {  	s3 =	sadd.s32 $0x800, s4;
	s4 =	sadd.s32 $0x600, s4;
	s9 =	ssub.s32 $0x2, s7  }
0x9: {  	_ =	strace $0x80000047;
	s7 =	sor.u32 s7, s8;
	s31 =	sshrl.u32 s9, $0x1  }
0xa: {  	v9 =	vimm.s32 $0x8;
	s10 =	sshll.u32 s7, $0x9;
	s7 =	sshll.u32 s7, $0xC;
	s8 =	ssub.s32 s9, s31  }
0xb: {  	v10 =	vimm.s32 $0x9;
	v11 =	vimm.s32 $0xA;
	v12 =	vimm.s32 $0xB;
	s5 =	sadd.s32 s5, s10;
	s6 =	sadd.s32 s6, s7;
	s9 =	simm.s32 $0x20000  }
0xc: {  	v13 =	vimm.s32 $0xC;
	v14 =	vimm.s32 $0xD;
	v15 =	vimm.s32 $0xE;
	s10 =	simm.s32 $0x1;
	s7 =	smax.u32 s8, $0x1;
	s8 =	simm.s32 $0x1000  }
.LBB2_1:
0xd: {  	[tilespmem:s2], [sflag:$0x1] =	stream.strided.gather [hbm4b:s5+s8], $0x4000, s9, s8, $0x38;
	[tilespmem:$0xC100] =	vst v63  }
0xe: {  	_ =	swait.ge [sflag:s10], $0x4000  }
0xf: {  	[sflag:s10] =	ssyncset.done $0x0  }
0x10: {  	[sflag:s10] =	ssyncadd.s32 $0xFFFFC000  }
0x11: {  	[tilespmem:s11], [sflag:$0x1] =	stream.linear.gather [hbm4b:s3+s2], $0x80, $0x38;
	[tilespmem:$0xC100] =	vst v63  }
0x12: {  	_ =	swait.ge [sflag:s10], $0x80  }
0x13: {  	[sflag:s10] =	ssyncset.done $0x0  }
0x14: {  	[sflag:s10] =	ssyncadd.s32 $0xFFFFFF80  }
0x15: {  	[tilespmem:s12], [sflag:$0x1] =	stream.linear.gather [hbm4b:s4+s2], $0x80, $0x38;
	[tilespmem:$0xC100] =	vst v63  }
0x16: {  	_ =	swait.ge [sflag:s10], $0x80  }
0x17: {  	[sflag:s10] =	ssyncset.done $0x0  }
0x18: {  	[sflag:s10] =	ssyncadd.s32 $0xFFFFFF80  }
0x19: {  	v16 =	vld [tilespmem:$0xC000]  }
0x1a: {  	s15 =	simm.s32 $0x4200;
	s16 =	simm.s32 $0x0;
	s17 =	simm.s32 $0x0;
	v17 =	vld [tilespmem:$0xC080]  }
.LBB2_2:
0x1b: {  	s18 =	sand.u32 $0x70, s17;
	s19 =	sand.u32 $0xC00, s16  }
0x1c: {  	s18 =	sor.u32 s18, s19  }
0x1d: {  	v0 =	vld [tilespmem:s18+$0x0];
	_ =	sdelay $0x4  }
0x1e: {  	v1 =	vadd.f32 v0, v0;
	_ =	sdelay $0x1  }
0x1f: {  	v1 =	vmul.f32 $1.442695020e+00, v1;
	_ =	sdelay $0x1  }
0x20: {  	(erf) = vpow2.f32 v1;
	_ =	sdelay $0x8  }
0x21: {  	v1 =	vpop (erf)  }
0x22: {  	v1 =	vadd.f32 $1.000000000e+00, v1;
	_ =	sdelay $0x1  }
0x23: {  	(erf) = vrcp.f32 v1;
	_ =	sdelay $0x8  }
0x24: {  	v1 =	vpop (erf)  }
0x25: {  	v1 =	vadd.f32 v1, v1;
	_ =	sdelay $0x1  }
0x26: {  	v18 =	vmul.f32 $8.000000000e+00, v1;
	_ =	sdelay $0x1  }
0x27: {  	v18 =	vsub.f32 $1.600000000e+01, v18;
	_ =	sdelay $0x1  }
0x28: {  	v18 =	vadd.f32 $8.388608000e+06, v18;
	_ =	sdelay $0x1  }
0x29: {  	v18 =	vadd.f32 $-8.388608000e+06, v18;
	_ =	sdelay $0x1  }
0x2a: {  	v18 =	vmin.f32 v18, $1.500000000e+01  }
0x2b: {  	v18 =	vtrunc.f32 v18  }
0x2c: {  	v18 =	vcvt.f32.s32 v18;
	_ =	sdelay $0x1  }
0x2d: {  	v18 =	vand.u32 $0xF, v18  }
0x2e: {  	v19 =	vperm.xlane v16, v18;
	v18 =	vperm.xlane v17, v18;
	_ =	sdelay $0x1  }
0x2f: {  	v0 =	vadd.f32 v19, v0;
	v1 =	vmul.f32 v1, v18;
	_ =	sdelay $0x1  }
0x30: {  	v0 =	vsub.f32 v0, v1;
	_ =	sdelay $0x1  }
0x31: {  	v1 =	vadd.f32 v0, v0;
	_ =	sdelay $0x1  }
0x32: {  	v1 =	vmul.f32 $1.442695020e+00, v1;
	_ =	sdelay $0x1  }
0x33: {  	(erf) = vpow2.f32 v1;
	_ =	sdelay $0x8  }
0x34: {  	v1 =	vpop (erf)  }
0x35: {  	v1 =	vadd.f32 $1.000000000e+00, v1;
	_ =	sdelay $0x1  }
0x36: {  	(erf) = vrcp.f32 v1;
	_ =	sdelay $0x8  }
0x37: {  	v1 =	vpop (erf)  }
0x38: {  	v1 =	vadd.f32 v1, v1;
	_ =	sdelay $0x1  }
0x39: {  	v18 =	vmul.f32 $8.000000000e+00, v1;
	_ =	sdelay $0x1  }
0x3a: {  	v18 =	vsub.f32 $1.600000000e+01, v18;
	_ =	sdelay $0x1  }
0x3b: {  	v18 =	vadd.f32 $8.388608000e+06, v18;
	_ =	sdelay $0x1  }
0x3c: {  	v18 =	vadd.f32 $-8.388608000e+06, v18;
	_ =	sdelay $0x1  }
0x3d: {  	v18 =	vmin.f32 v18, $1.500000000e+01  }
0x3e: {  	v18 =	vtrunc.f32 v18  }
0x3f: {  	v18 =	vcvt.f32.s32 v18;
	_ =	sdelay $0x1  }
0x40: {  	v18 =	vand.u32 $0xF, v18  }
0x41: {  	v19 =	vperm.xlane v16, v18;
	v18 =	vperm.xlane v17, v18;
	_ =	sdelay $0x1  }
0x42: {  	v0 =	vadd.f32 v0, v19;
	v1 =	vmul.f32 v1, v18;
	_ =	sdelay $0x1  }
0x43: {  	v18 =	vsub.f32 v0, v1;
	_ =	sdelay $0x1  }
0x44: {  	v0 =	vadd.f32 v18, v18;
	_ =	sdelay $0x1  }
0x45: {  	v0 =	vmul.f32 $1.442695020e+00, v0;
	_ =	sdelay $0x1  }
0x46: {  	(erf) = vpow2.f32 v0;
	_ =	sdelay $0x3  }
0x47: {  	v55 =	vld [tilespmem:s18+$0x80];
	_ =	sdelay $0x4  }
0x48: {  	v19 =	vadd.f32 v55, v55;
	v56 =	vpop (erf)  }
0x49: {  	v1 =	vadd.f32 $1.000000000e+00, v56  }
0x4a: {  	v19 =	vmul.f32 $1.442695020e+00, v19  }
0x4b: {  	(erf) = vrcp.f32 v1  }
0x4c: {  	(erf) = vpow2.f32 v19;
	_ =	sdelay $0x7  }
0x4d: {  	v19 =	vpop (erf)  }
0x4e: {  	v57 =	vpop (erf)  }
0x4f: {  	v1 =	vadd.f32 $1.000000000e+00, v57;
	_ =	sdelay $0x1  }
0x50: {  	(erf) = vrcp.f32 v1;
	_ =	sdelay $0x8  }
0x51: {  	v1 =	vpop (erf)  }
0x52: {  	v1 =	vadd.f32 v1, v1;
	_ =	sdelay $0x1  }
0x53: {  	v20 =	vmul.f32 $8.000000000e+00, v1;
	_ =	sdelay $0x1  }
0x54: {  	v20 =	vsub.f32 $1.600000000e+01, v20;
	_ =	sdelay $0x1  }
0x55: {  	v20 =	vadd.f32 $8.388608000e+06, v20;
	_ =	sdelay $0x1  }
0x56: {  	v20 =	vadd.f32 $-8.388608000e+06, v20;
	_ =	sdelay $0x1  }
0x57: {  	v20 =	vmin.f32 v20, $1.500000000e+01  }
0x58: {  	v20 =	vtrunc.f32 v20  }
0x59: {  	v20 =	vcvt.f32.s32 v20;
	_ =	sdelay $0x1  }
0x5a: {  	v20 =	vand.u32 $0xF, v20  }
0x5b: {  	v21 =	vperm.xlane v16, v20;
	v20 =	vperm.xlane v17, v20;
	_ =	sdelay $0x1  }
0x5c: {  	v0 =	vadd.f32 v21, v55;
	v1 =	vmul.f32 v1, v20;
	_ =	sdelay $0x1  }
0x5d: {  	v0 =	vsub.f32 v0, v1;
	_ =	sdelay $0x1  }
0x5e: {  	v1 =	vadd.f32 v0, v0;
	_ =	sdelay $0x1  }
0x5f: {  	v1 =	vmul.f32 $1.442695020e+00, v1;
	_ =	sdelay $0x1  }
0x60: {  	(erf) = vpow2.f32 v1;
	_ =	sdelay $0x8  }
0x61: {  	v1 =	vpop (erf)  }
0x62: {  	v1 =	vadd.f32 $1.000000000e+00, v1;
	_ =	sdelay $0x1  }
0x63: {  	(erf) = vrcp.f32 v1;
	_ =	sdelay $0x8  }
0x64: {  	v1 =	vpop (erf)  }
0x65: {  	v1 =	vadd.f32 v1, v1;
	_ =	sdelay $0x1  }
0x66: {  	v58 =	vmul.f32 $8.000000000e+00, v1;
	_ =	sdelay $0x1  }
0x67: {  	v20 =	vsub.f32 $1.600000000e+01, v58;
	_ =	sdelay $0x1  }
0x68: {  	v20 =	vadd.f32 $8.388608000e+06, v20;
	_ =	sdelay $0x1  }
0x69: {  	v20 =	vadd.f32 $-8.388608000e+06, v20;
	_ =	sdelay $0x1  }
0x6a: {  	v20 =	vmin.f32 v20, $1.500000000e+01  }
0x6b: {  	v20 =	vtrunc.f32 v20  }
0x6c: {  	v20 =	vcvt.f32.s32 v20;
	_ =	sdelay $0x1  }
0x6d: {  	v20 =	vand.u32 $0xF, v20  }
0x6e: {  	v59 =	vperm.xlane v16, v20;
	v20 =	vperm.xlane v17, v20;
	_ =	sdelay $0x1  }
0x6f: {  	v0 =	vadd.f32 v0, v59;
	v1 =	vmul.f32 v1, v20;
	_ =	sdelay $0x1  }
0x70: {  	v20 =	vsub.f32 v0, v1;
	_ =	sdelay $0x1  }
0x71: {  	v0 =	vadd.f32 v20, v20;
	_ =	sdelay $0x1  }
0x72: {  	v0 =	vmul.f32 $1.442695020e+00, v0;
	_ =	sdelay $0x1  }
0x73: {  	(erf) = vpow2.f32 v0;
	_ =	sdelay $0x3  }
0x74: {  	v60 =	vld [tilespmem:s18+$0x100];
	_ =	sdelay $0x4  }
0x75: {  	v62 =	vadd.f32 v60, v60;
	v61 =	vpop (erf)  }
0x76: {  	v1 =	vadd.f32 $1.000000000e+00, v61  }
0x77: {  	v21 =	vmul.f32 $1.442695020e+00, v62  }
0x78: {  	(erf) = vrcp.f32 v1  }
0x79: {  	(erf) = vpow2.f32 v21;
	_ =	sdelay $0x7  }
0x7a: {  	v22 =	vpop (erf)  }
0x7b: {  	v63 =	vpop (erf)  }
0x7c: {  	v1 =	vadd.f32 $1.000000000e+00, v63;
	_ =	sdelay $0x1  }
0x7d: {  	(erf) = vrcp.f32 v1;
	_ =	sdelay $0x8  }
0x7e: {  	v1 =	vpop (erf)  }
0x7f: {  	v1 =	vadd.f32 v1, v1;
	_ =	sdelay $0x1  }
0x80: {  	v4 =	vmul.f32 $8.000000000e+00, v1;
	_ =	sdelay $0x1  }
0x81: {  	v21 =	vsub.f32 $1.600000000e+01, v4;
	_ =	sdelay $0x1  }
0x82: {  	v21 =	vadd.f32 $8.388608000e+06, v21;
	_ =	sdelay $0x1  }
0x83: {  	v21 =	vadd.f32 $-8.388608000e+06, v21;
	_ =	sdelay $0x1  }
0x84: {  	v21 =	vmin.f32 v21, $1.500000000e+01  }
0x85: {  	v21 =	vtrunc.f32 v21  }
0x86: {  	v21 =	vcvt.f32.s32 v21;
	_ =	sdelay $0x1  }
0x87: {  	v21 =	vand.u32 $0xF, v21  }
0x88: {  	v23 =	vperm.xlane v16, v21;
	v21 =	vperm.xlane v17, v21;
	_ =	sdelay $0x1  }
0x89: {  	v0 =	vadd.f32 v23, v60;
	v1 =	vmul.f32 v1, v21;
	_ =	sdelay $0x1  }
0x8a: {  	v0 =	vsub.f32 v0, v1;
	_ =	sdelay $0x1  }
0x8b: {  	v1 =	vadd.f32 v0, v0;
	_ =	sdelay $0x1  }
0x8c: {  	v1 =	vmul.f32 $1.442695020e+00, v1;
	_ =	sdelay $0x1  }
0x8d: {  	(erf) = vpow2.f32 v1;
	_ =	sdelay $0x8  }
0x8e: {  	v1 =	vpop (erf)  }
0x8f: {  	v1 =	vadd.f32 $1.000000000e+00, v1;
	_ =	sdelay $0x1  }
0x90: {  	(erf) = vrcp.f32 v1;
	_ =	sdelay $0x8  }
0x91: {  	v1 =	vpop (erf)  }
0x92: {  	v1 =	vadd.f32 v1, v1;
	_ =	sdelay $0x1  }
0x93: {  	v5 =	vmul.f32 $8.000000000e+00, v1;
	_ =	sdelay $0x1  }
0x94: {  	v21 =	vsub.f32 $1.600000000e+01, v5;
	_ =	sdelay $0x1  }
0x95: {  	v21 =	vadd.f32 $8.388608000e+06, v21;
	_ =	sdelay $0x1  }
0x96: {  	v21 =	vadd.f32 $-8.388608000e+06, v21;
	_ =	sdelay $0x1  }
0x97: {  	v21 =	vmin.f32 v21, $1.500000000e+01  }
0x98: {  	v21 =	vtrunc.f32 v21  }
0x99: {  	v21 =	vcvt.f32.s32 v21;
	_ =	sdelay $0x1  }
0x9a: {  	v21 =	vand.u32 $0xF, v21  }
0x9b: {  	v6 =	vperm.xlane v16, v21;
	v21 =	vperm.xlane v17, v21;
	_ =	sdelay $0x1  }
0x9c: {  	v0 =	vadd.f32 v0, v6;
	v1 =	vmul.f32 v1, v21;
	_ =	sdelay $0x1  }
0x9d: {  	v21 =	vsub.f32 v0, v1;
	_ =	sdelay $0x1  }
0x9e: {  	v0 =	vadd.f32 v21, v21;
	_ =	sdelay $0x1  }
0x9f: {  	v0 =	vmul.f32 $1.442695020e+00, v0;
	_ =	sdelay $0x1  }
0xa0: {  	(erf) = vpow2.f32 v0;
	_ =	sdelay $0x3  }
0xa1: {  	v7 =	vld [tilespmem:s18+$0x180];
	_ =	sdelay $0x4  }
0xa2: {  	v27 =	vadd.f32 v7, v7;
	v26 =	vpop (erf)  }
0xa3: {  	v1 =	vadd.f32 $1.000000000e+00, v26  }
0xa4: {  	v23 =	vmul.f32 $1.442695020e+00, v27  }
0xa5: {  	(erf) = vrcp.f32 v1  }
0xa6: {  	(erf) = vpow2.f32 v23;
	_ =	sdelay $0x7  }
0xa7: {  	v24 =	vpop (erf)  }
0xa8: {  	v28 =	vpop (erf)  }
0xa9: {  	v1 =	vadd.f32 $1.000000000e+00, v28;
	_ =	sdelay $0x1  }
0xaa: {  	(erf) = vrcp.f32 v1;
	_ =	sdelay $0x8  }
0xab: {  	v1 =	vpop (erf)  }
0xac: {  	v1 =	vadd.f32 v1, v1;
	_ =	sdelay $0x1  }
0xad: {  	v29 =	vmul.f32 $8.000000000e+00, v1;
	_ =	sdelay $0x1  }
0xae: {  	v23 =	vsub.f32 $1.600000000e+01, v29;
	_ =	sdelay $0x1  }
0xaf: {  	v23 =	vadd.f32 $8.388608000e+06, v23;
	_ =	sdelay $0x1  }
0xb0: {  	v23 =	vadd.f32 $-8.388608000e+06, v23;
	_ =	sdelay $0x1  }
0xb1: {  	v23 =	vmin.f32 v23, $1.500000000e+01  }
0xb2: {  	v23 =	vtrunc.f32 v23  }
0xb3: {  	v23 =	vcvt.f32.s32 v23;
	_ =	sdelay $0x1  }
0xb4: {  	v23 =	vand.u32 $0xF, v23  }
0xb5: {  	v25 =	vperm.xlane v16, v23;
	v23 =	vperm.xlane v17, v23;
	_ =	sdelay $0x1  }
0xb6: {  	v0 =	vadd.f32 v25, v7;
	v1 =	vmul.f32 v1, v23;
	_ =	sdelay $0x1  }
0xb7: {  	v0 =	vsub.f32 v0, v1;
	_ =	sdelay $0x1  }
0xb8: {  	v1 =	vadd.f32 v0, v0;
	_ =	sdelay $0x1  }
0xb9: {  	v1 =	vmul.f32 $1.442695020e+00, v1;
	_ =	sdelay $0x1  }
0xba: {  	(erf) = vpow2.f32 v1;
	_ =	sdelay $0x8  }
0xbb: {  	v1 =	vpop (erf)  }
0xbc: {  	v1 =	vadd.f32 $1.000000000e+00, v1;
	_ =	sdelay $0x1  }
0xbd: {  	(erf) = vrcp.f32 v1;
	_ =	sdelay $0x8  }
0xbe: {  	v1 =	vpop (erf)  }
0xbf: {  	v1 =	vadd.f32 v1, v1;
	_ =	sdelay $0x1  }
0xc0: {  	v30 =	vmul.f32 $8.000000000e+00, v1;
	_ =	sdelay $0x1  }
0xc1: {  	v23 =	vsub.f32 $1.600000000e+01, v30;
	_ =	sdelay $0x1  }
0xc2: {  	v23 =	vadd.f32 $8.388608000e+06, v23;
	_ =	sdelay $0x1  }
0xc3: {  	v23 =	vadd.f32 $-8.388608000e+06, v23;
	_ =	sdelay $0x1  }
0xc4: {  	v23 =	vmin.f32 v23, $1.500000000e+01  }
0xc5: {  	v23 =	vtrunc.f32 v23  }
0xc6: {  	v23 =	vcvt.f32.s32 v23;
	_ =	sdelay $0x1  }
0xc7: {  	v23 =	vand.u32 $0xF, v23  }
0xc8: {  	v31 =	vperm.xlane v16, v23;
	v23 =	vperm.xlane v17, v23;
	_ =	sdelay $0x1  }
0xc9: {  	v0 =	vadd.f32 v0, v31;
	v1 =	vmul.f32 v1, v23;
	_ =	sdelay $0x1  }
0xca: {  	v23 =	vsub.f32 v0, v1;
	_ =	sdelay $0x1  }
0xcb: {  	v0 =	vadd.f32 v23, v23;
	_ =	sdelay $0x1  }
0xcc: {  	v0 =	vmul.f32 $1.442695020e+00, v0;
	_ =	sdelay $0x1  }
0xcd: {  	(erf) = vpow2.f32 v0;
	_ =	sdelay $0x3  }
0xce: {  	v32 =	vld [tilespmem:s18+$0x200];
	_ =	sdelay $0x4  }
0xcf: {  	v34 =	vadd.f32 v32, v32;
	v33 =	vpop (erf)  }
0xd0: {  	v1 =	vadd.f32 $1.000000000e+00, v33  }
0xd1: {  	v25 =	vmul.f32 $1.442695020e+00, v34  }
0xd2: {  	(erf) = vrcp.f32 v1  }
0xd3: {  	(erf) = vpow2.f32 v25;
	_ =	sdelay $0x7  }
0xd4: {  	v26 =	vpop (erf)  }
0xd5: {  	v35 =	vpop (erf)  }
0xd6: {  	v1 =	vadd.f32 $1.000000000e+00, v35;
	_ =	sdelay $0x1  }
0xd7: {  	(erf) = vrcp.f32 v1;
	_ =	sdelay $0x8  }
0xd8: {  	v1 =	vpop (erf)  }
0xd9: {  	v1 =	vadd.f32 v1, v1;
	_ =	sdelay $0x1  }
0xda: {  	v36 =	vmul.f32 $8.000000000e+00, v1;
	_ =	sdelay $0x1  }
0xdb: {  	v25 =	vsub.f32 $1.600000000e+01, v36;
	_ =	sdelay $0x1  }
0xdc: {  	v25 =	vadd.f32 $8.388608000e+06, v25;
	_ =	sdelay $0x1  }
0xdd: {  	v25 =	vadd.f32 $-8.388608000e+06, v25;
	_ =	sdelay $0x1  }
0xde: {  	v25 =	vmin.f32 v25, $1.500000000e+01  }
0xdf: {  	v25 =	vtrunc.f32 v25  }
0xe0: {  	v25 =	vcvt.f32.s32 v25;
	_ =	sdelay $0x1  }
0xe1: {  	v25 =	vand.u32 $0xF, v25  }
0xe2: {  	v27 =	vperm.xlane v16, v25;
	v25 =	vperm.xlane v17, v25;
	_ =	sdelay $0x1  }
0xe3: {  	v0 =	vadd.f32 v27, v32;
	v1 =	vmul.f32 v1, v25;
	_ =	sdelay $0x1  }
0xe4: {  	v0 =	vsub.f32 v0, v1;
	_ =	sdelay $0x1  }
0xe5: {  	v1 =	vadd.f32 v0, v0;
	_ =	sdelay $0x1  }
0xe6: {  	v1 =	vmul.f32 $1.442695020e+00, v1;
	_ =	sdelay $0x1  }
0xe7: {  	(erf) = vpow2.f32 v1;
	_ =	sdelay $0x8  }
0xe8: {  	v1 =	vpop (erf)  }
0xe9: {  	v1 =	vadd.f32 $1.000000000e+00, v1;
	_ =	sdelay $0x1  }
0xea: {  	(erf) = vrcp.f32 v1;
	_ =	sdelay $0x8  }
0xeb: {  	v1 =	vpop (erf)  }
0xec: {  	v1 =	vadd.f32 v1, v1;
	_ =	sdelay $0x1  }
0xed: {  	v37 =	vmul.f32 $8.000000000e+00, v1;
	_ =	sdelay $0x1  }
0xee: {  	v25 =	vsub.f32 $1.600000000e+01, v37;
	_ =	sdelay $0x1  }
0xef: {  	v25 =	vadd.f32 $8.388608000e+06, v25;
	_ =	sdelay $0x1  }
0xf0: {  	v25 =	vadd.f32 $-8.388608000e+06, v25;
	_ =	sdelay $0x1  }
0xf1: {  	v25 =	vmin.f32 v25, $1.500000000e+01  }
0xf2: {  	v25 =	vtrunc.f32 v25  }
0xf3: {  	v25 =	vcvt.f32.s32 v25;
	_ =	sdelay $0x1  }
0xf4: {  	v25 =	vand.u32 $0xF, v25  }
0xf5: {  	v38 =	vperm.xlane v16, v25;
	v25 =	vperm.xlane v17, v25;
	_ =	sdelay $0x1  }
0xf6: {  	v0 =	vadd.f32 v0, v38;
	v1 =	vmul.f32 v1, v25;
	_ =	sdelay $0x1  }
0xf7: {  	v25 =	vsub.f32 v0, v1;
	_ =	sdelay $0x1  }
0xf8: {  	v0 =	vadd.f32 v25, v25;
	_ =	sdelay $0x1  }
0xf9: {  	v0 =	vmul.f32 $1.442695020e+00, v0;
	_ =	sdelay $0x1  }
0xfa: {  	(erf) = vpow2.f32 v0;
	_ =	sdelay $0x3  }
0xfb: {  	v39 =	vld [tilespmem:s18+$0x280];
	_ =	sdelay $0x4  }
0xfc: {  	v41 =	vadd.f32 v39, v39;
	v40 =	vpop (erf)  }
0xfd: {  	v1 =	vadd.f32 $1.000000000e+00, v40  }
0xfe: {  	v27 =	vmul.f32 $1.442695020e+00, v41  }
0xff: {  	(erf) = vrcp.f32 v1  }
0x100: {  	(erf) = vpow2.f32 v27;
	_ =	sdelay $0x7  }
0x101: {  	v28 =	vpop (erf)  }
0x102: {  	v42 =	vpop (erf)  }
0x103: {  	v1 =	vadd.f32 $1.000000000e+00, v42;
	_ =	sdelay $0x1  }
0x104: {  	(erf) = vrcp.f32 v1;
	_ =	sdelay $0x8  }
0x105: {  	v1 =	vpop (erf)  }
0x106: {  	v1 =	vadd.f32 v1, v1;
	_ =	sdelay $0x1  }
0x107: {  	v43 =	vmul.f32 $8.000000000e+00, v1;
	_ =	sdelay $0x1  }
0x108: {  	v27 =	vsub.f32 $1.600000000e+01, v43;
	_ =	sdelay $0x1  }
0x109: {  	v27 =	vadd.f32 $8.388608000e+06, v27;
	_ =	sdelay $0x1  }
0x10a: {  	v27 =	vadd.f32 $-8.388608000e+06, v27;
	_ =	sdelay $0x1  }
0x10b: {  	v27 =	vmin.f32 v27, $1.500000000e+01  }
0x10c: {  	v27 =	vtrunc.f32 v27  }
0x10d: {  	v27 =	vcvt.f32.s32 v27;
	_ =	sdelay $0x1  }
0x10e: {  	v27 =	vand.u32 $0xF, v27  }
0x10f: {  	v29 =	vperm.xlane v16, v27;
	v27 =	vperm.xlane v17, v27;
	_ =	sdelay $0x1  }
0x110: {  	v0 =	vadd.f32 v29, v39;
	v1 =	vmul.f32 v1, v27;
	_ =	sdelay $0x1  }
0x111: {  	v0 =	vsub.f32 v0, v1;
	_ =	sdelay $0x1  }
0x112: {  	v1 =	vadd.f32 v0, v0;
	_ =	sdelay $0x1  }
0x113: {  	v1 =	vmul.f32 $1.442695020e+00, v1;
	_ =	sdelay $0x1  }
0x114: {  	(erf) = vpow2.f32 v1;
	_ =	sdelay $0x8  }
0x115: {  	v1 =	vpop (erf)  }
0x116: {  	v1 =	vadd.f32 $1.000000000e+00, v1;
	_ =	sdelay $0x1  }
0x117: {  	(erf) = vrcp.f32 v1;
	_ =	sdelay $0x8  }
0x118: {  	v1 =	vpop (erf)  }
0x119: {  	v1 =	vadd.f32 v1, v1;
	_ =	sdelay $0x1  }
0x11a: {  	v44 =	vmul.f32 $8.000000000e+00, v1;
	_ =	sdelay $0x1  }
0x11b: {  	v27 =	vsub.f32 $1.600000000e+01, v44;
	_ =	sdelay $0x1  }
0x11c: {  	v27 =	vadd.f32 $8.388608000e+06, v27;
	_ =	sdelay $0x1  }
0x11d: {  	v27 =	vadd.f32 $-8.388608000e+06, v27;
	_ =	sdelay $0x1  }
0x11e: {  	v27 =	vmin.f32 v27, $1.500000000e+01  }
0x11f: {  	v27 =	vtrunc.f32 v27  }
0x120: {  	v27 =	vcvt.f32.s32 v27;
	_ =	sdelay $0x1  }
0x121: {  	v27 =	vand.u32 $0xF, v27  }
0x122: {  	v45 =	vperm.xlane v16, v27;
	v27 =	vperm.xlane v17, v27;
	_ =	sdelay $0x1  }
0x123: {  	v0 =	vadd.f32 v0, v45;
	v1 =	vmul.f32 v1, v27;
	_ =	sdelay $0x1  }
0x124: {  	v27 =	vsub.f32 v0, v1;
	_ =	sdelay $0x1  }
0x125: {  	v0 =	vadd.f32 v27, v27;
	_ =	sdelay $0x1  }
0x126: {  	v0 =	vmul.f32 $1.442695020e+00, v0;
	_ =	sdelay $0x1  }
0x127: {  	(erf) = vpow2.f32 v0;
	_ =	sdelay $0x3  }
0x128: {  	v46 =	vld [tilespmem:s18+$0x300];
	_ =	sdelay $0x4  }
0x129: {  	v48 =	vadd.f32 v46, v46;
	v47 =	vpop (erf)  }
0x12a: {  	v1 =	vadd.f32 $1.000000000e+00, v47  }
0x12b: {  	v29 =	vmul.f32 $1.442695020e+00, v48  }
0x12c: {  	(erf) = vrcp.f32 v1  }
0x12d: {  	(erf) = vpow2.f32 v29;
	_ =	sdelay $0x7  }
0x12e: {  	v30 =	vpop (erf)  }
0x12f: {  	v49 =	vpop (erf)  }
0x130: {  	v1 =	vadd.f32 $1.000000000e+00, v49;
	_ =	sdelay $0x1  }
0x131: {  	(erf) = vrcp.f32 v1;
	_ =	sdelay $0x8  }
0x132: {  	v1 =	vpop (erf)  }
0x133: {  	v1 =	vadd.f32 v1, v1;
	_ =	sdelay $0x1  }
0x134: {  	v50 =	vmul.f32 $8.000000000e+00, v1;
	_ =	sdelay $0x1  }
0x135: {  	v29 =	vsub.f32 $1.600000000e+01, v50;
	_ =	sdelay $0x1  }
0x136: {  	v29 =	vadd.f32 $8.388608000e+06, v29;
	_ =	sdelay $0x1  }
0x137: {  	v29 =	vadd.f32 $-8.388608000e+06, v29;
	_ =	sdelay $0x1  }
0x138: {  	v29 =	vmin.f32 v29, $1.500000000e+01  }
0x139: {  	v29 =	vtrunc.f32 v29  }
0x13a: {  	v29 =	vcvt.f32.s32 v29;
	_ =	sdelay $0x1  }
0x13b: {  	v29 =	vand.u32 $0xF, v29  }
0x13c: {  	v31 =	vperm.xlane v16, v29;
	v29 =	vperm.xlane v17, v29;
	_ =	sdelay $0x1  }
0x13d: {  	v0 =	vadd.f32 v31, v46;
	v1 =	vmul.f32 v1, v29;
	_ =	sdelay $0x1  }
0x13e: {  	v0 =	vsub.f32 v0, v1;
	_ =	sdelay $0x1  }
0x13f: {  	v1 =	vadd.f32 v0, v0;
	_ =	sdelay $0x1  }
0x140: {  	v1 =	vmul.f32 $1.442695020e+00, v1;
	_ =	sdelay $0x1  }
0x141: {  	(erf) = vpow2.f32 v1;
	_ =	sdelay $0x8  }
0x142: {  	v1 =	vpop (erf)  }
0x143: {  	v1 =	vadd.f32 $1.000000000e+00, v1;
	_ =	sdelay $0x1  }
0x144: {  	(erf) = vrcp.f32 v1;
	_ =	sdelay $0x8  }
0x145: {  	v1 =	vpop (erf)  }
0x146: {  	v1 =	vadd.f32 v1, v1;
	_ =	sdelay $0x1  }
0x147: {  	v51 =	vmul.f32 $8.000000000e+00, v1;
	_ =	sdelay $0x1  }
0x148: {  	v29 =	vsub.f32 $1.600000000e+01, v51;
	_ =	sdelay $0x1  }
0x149: {  	v29 =	vadd.f32 $8.388608000e+06, v29;
	_ =	sdelay $0x1  }
0x14a: {  	v29 =	vadd.f32 $-8.388608000e+06, v29;
	_ =	sdelay $0x1  }
0x14b: {  	v29 =	vmin.f32 v29, $1.500000000e+01  }
0x14c: {  	v29 =	vtrunc.f32 v29  }
0x14d: {  	v29 =	vcvt.f32.s32 v29;
	_ =	sdelay $0x1  }
0x14e: {  	v29 =	vand.u32 $0xF, v29  }
0x14f: {  	v52 =	vperm.xlane v16, v29;
	v29 =	vperm.xlane v17, v29;
	_ =	sdelay $0x1  }
0x150: {  	v0 =	vadd.f32 v0, v52;
	v1 =	vmul.f32 v1, v29;
	_ =	sdelay $0x1  }
0x151: {  	v29 =	vsub.f32 v0, v1;
	_ =	sdelay $0x1  }
0x152: {  	v0 =	vadd.f32 v29, v29;
	_ =	sdelay $0x1  }
0x153: {  	v0 =	vmul.f32 $1.442695020e+00, v0;
	_ =	sdelay $0x1  }
0x154: {  	(erf) = vpow2.f32 v0;
	_ =	sdelay $0x1  }
0x155: {  	s31 =	sor.u32 s16, s17  }
0x156: {  	s19 =	sor.u32 $0x380, s31  }
0x157: {  	v53 =	vld [tilespmem:s19+$0x0];
	_ =	sdelay $0x4  }
0x158: {  	v55 =	vadd.f32 v53, v53;
	v54 =	vpop (erf)  }
0x159: {  	v1 =	vadd.f32 $1.000000000e+00, v54  }
0x15a: {  	v31 =	vmul.f32 $1.442695020e+00, v55  }
0x15b: {  	(erf) = vrcp.f32 v1  }
0x15c: {  	(erf) = vpow2.f32 v31;
	_ =	sdelay $0x7  }
0x15d: {  	v33 =	vpop (erf)  }
0x15e: {  	v56 =	vpop (erf)  }
0x15f: {  	v1 =	vadd.f32 $1.000000000e+00, v56;
	_ =	sdelay $0x1  }
0x160: {  	(erf) = vrcp.f32 v1;
	_ =	sdelay $0x8  }
0x161: {  	v1 =	vpop (erf)  }
0x162: {  	v1 =	vadd.f32 v1, v1;
	_ =	sdelay $0x1  }
0x163: {  	v57 =	vmul.f32 $8.000000000e+00, v1;
	_ =	sdelay $0x1  }
0x164: {  	v31 =	vsub.f32 $1.600000000e+01, v57;
	_ =	sdelay $0x1  }
0x165: {  	v31 =	vadd.f32 $8.388608000e+06, v31;
	_ =	sdelay $0x1  }
0x166: {  	v31 =	vadd.f32 $-8.388608000e+06, v31;
	_ =	sdelay $0x1  }
0x167: {  	v31 =	vmin.f32 v31, $1.500000000e+01  }
0x168: {  	v31 =	vtrunc.f32 v31  }
0x169: {  	v31 =	vcvt.f32.s32 v31;
	_ =	sdelay $0x1  }
0x16a: {  	v31 =	vand.u32 $0xF, v31  }
0x16b: {  	v32 =	vperm.xlane v16, v31;
	v31 =	vperm.xlane v17, v31;
	_ =	sdelay $0x1  }
0x16c: {  	v0 =	vadd.f32 v32, v53;
	v1 =	vmul.f32 v1, v31;
	_ =	sdelay $0x1  }
0x16d: {  	v0 =	vsub.f32 v0, v1;
	_ =	sdelay $0x1  }
0x16e: {  	v1 =	vadd.f32 v0, v0;
	_ =	sdelay $0x1  }
0x16f: {  	v1 =	vmul.f32 $1.442695020e+00, v1;
	_ =	sdelay $0x1  }
0x170: {  	(erf) = vpow2.f32 v1;
	_ =	sdelay $0x8  }
0x171: {  	v1 =	vpop (erf)  }
0x172: {  	v1 =	vadd.f32 $1.000000000e+00, v1;
	_ =	sdelay $0x1  }
0x173: {  	(erf) = vrcp.f32 v1;
	_ =	sdelay $0x8  }
0x174: {  	v1 =	vpop (erf)  }
0x175: {  	v1 =	vadd.f32 v1, v1;
	_ =	sdelay $0x1  }
0x176: {  	v58 =	vmul.f32 $8.000000000e+00, v1;
	_ =	sdelay $0x1  }
0x177: {  	v31 =	vsub.f32 $1.600000000e+01, v58;
	_ =	sdelay $0x1  }
0x178: {  	v31 =	vadd.f32 $8.388608000e+06, v31;
	_ =	sdelay $0x1  }
0x179: {  	v31 =	vadd.f32 $-8.388608000e+06, v31;
	_ =	sdelay $0x1  }
0x17a: {  	v31 =	vmin.f32 v31, $1.500000000e+01  }
0x17b: {  	v31 =	vtrunc.f32 v31  }
0x17c: {  	v31 =	vcvt.f32.s32 v31;
	_ =	sdelay $0x1  }
0x17d: {  	v31 =	vand.u32 $0xF, v31  }
0x17e: {  	v59 =	vperm.xlane v16, v31;
	v31 =	vperm.xlane v17, v31;
	_ =	sdelay $0x1  }
0x17f: {  	v0 =	vadd.f32 v0, v59;
	v1 =	vmul.f32 v1, v31;
	_ =	sdelay $0x1  }
0x180: {  	v31 =	vsub.f32 v0, v1;
	_ =	sdelay $0x1  }
0x181: {  	v0 =	vadd.f32 v31, v31;
	_ =	sdelay $0x1  }
0x182: {  	v0 =	vmul.f32 $1.442695020e+00, v0;
	_ =	sdelay $0x1  }
0x183: {  	(erf) = vpow2.f32 v0;
	_ =	sdelay $0x3  }
0x184: {  	v60 =	vld [tilespmem:s18+$0x1000];
	_ =	sdelay $0x4  }
0x185: {  	v62 =	vadd.f32 v60, v60;
	v61 =	vpop (erf)  }
0x186: {  	v1 =	vadd.f32 $1.000000000e+00, v61  }
0x187: {  	v32 =	vmul.f32 $1.442695020e+00, v62  }
0x188: {  	(erf) = vrcp.f32 v1  }
0x189: {  	(erf) = vpow2.f32 v32;
	_ =	sdelay $0x7  }
0x18a: {  	v35 =	vpop (erf)  }
0x18b: {  	v63 =	vpop (erf)  }
0x18c: {  	v1 =	vadd.f32 $1.000000000e+00, v63;
	_ =	sdelay $0x1  }
0x18d: {  	(erf) = vrcp.f32 v1;
	_ =	sdelay $0x8  }
0x18e: {  	v1 =	vpop (erf)  }
0x18f: {  	v1 =	vadd.f32 v1, v1;
	_ =	sdelay $0x1  }
0x190: {  	v4 =	vmul.f32 $8.000000000e+00, v1;
	_ =	sdelay $0x1  }
0x191: {  	v32 =	vsub.f32 $1.600000000e+01, v4;
	_ =	sdelay $0x1  }
0x192: {  	v32 =	vadd.f32 $8.388608000e+06, v32;
	_ =	sdelay $0x1  }
0x193: {  	v32 =	vadd.f32 $-8.388608000e+06, v32;
	_ =	sdelay $0x1  }
0x194: {  	v32 =	vmin.f32 v32, $1.500000000e+01  }
0x195: {  	v32 =	vtrunc.f32 v32  }
0x196: {  	v32 =	vcvt.f32.s32 v32;
	_ =	sdelay $0x1  }
0x197: {  	v32 =	vand.u32 $0xF, v32  }
0x198: {  	v34 =	vperm.xlane v16, v32;
	v32 =	vperm.xlane v17, v32;
	_ =	sdelay $0x1  }
0x199: {  	v0 =	vadd.f32 v34, v60;
	v1 =	vmul.f32 v1, v32;
	_ =	sdelay $0x1  }
0x19a: {  	v0 =	vsub.f32 v0, v1;
	_ =	sdelay $0x1  }
0x19b: {  	v1 =	vadd.f32 v0, v0;
	_ =	sdelay $0x1  }
0x19c: {  	v1 =	vmul.f32 $1.442695020e+00, v1;
	_ =	sdelay $0x1  }
0x19d: {  	(erf) = vpow2.f32 v1;
	_ =	sdelay $0x8  }
0x19e: {  	v1 =	vpop (erf)  }
0x19f: {  	v1 =	vadd.f32 $1.000000000e+00, v1;
	_ =	sdelay $0x1  }
0x1a0: {  	(erf) = vrcp.f32 v1;
	_ =	sdelay $0x8  }
0x1a1: {  	v1 =	vpop (erf)  }
0x1a2: {  	v1 =	vadd.f32 v1, v1;
	_ =	sdelay $0x1  }
0x1a3: {  	v5 =	vmul.f32 $8.000000000e+00, v1;
	_ =	sdelay $0x1  }
0x1a4: {  	v32 =	vsub.f32 $1.600000000e+01, v5;
	_ =	sdelay $0x1  }
0x1a5: {  	v32 =	vadd.f32 $8.388608000e+06, v32;
	_ =	sdelay $0x1  }
0x1a6: {  	v32 =	vadd.f32 $-8.388608000e+06, v32;
	_ =	sdelay $0x1  }
0x1a7: {  	v32 =	vmin.f32 v32, $1.500000000e+01  }
0x1a8: {  	v32 =	vtrunc.f32 v32  }
0x1a9: {  	v32 =	vcvt.f32.s32 v32;
	_ =	sdelay $0x1  }
0x1aa: {  	v32 =	vand.u32 $0xF, v32  }
0x1ab: {  	v6 =	vperm.xlane v16, v32;
	v32 =	vperm.xlane v17, v32;
	_ =	sdelay $0x1  }
0x1ac: {  	v0 =	vadd.f32 v0, v6;
	v1 =	vmul.f32 v1, v32;
	_ =	sdelay $0x1  }
0x1ad: {  	v32 =	vsub.f32 v0, v1;
	_ =	sdelay $0x1  }
0x1ae: {  	v0 =	vadd.f32 v32, v32;
	_ =	sdelay $0x1  }
0x1af: {  	v0 =	vmul.f32 $1.442695020e+00, v0;
	_ =	sdelay $0x1  }
0x1b0: {  	(erf) = vpow2.f32 v0;
	_ =	sdelay $0x3  }
0x1b1: {  	v7 =	vld [tilespmem:s18+$0x1080];
	_ =	sdelay $0x4  }
0x1b2: {  	v41 =	vadd.f32 v7, v7;
	v40 =	vpop (erf)  }
0x1b3: {  	v1 =	vadd.f32 $1.000000000e+00, v40  }
0x1b4: {  	v34 =	vmul.f32 $1.442695020e+00, v41  }
0x1b5: {  	(erf) = vrcp.f32 v1  }
0x1b6: {  	(erf) = vpow2.f32 v34;
	_ =	sdelay $0x7  }
0x1b7: {  	v36 =	vpop (erf)  }
0x1b8: {  	v42 =	vpop (erf)  }
0x1b9: {  	v1 =	vadd.f32 $1.000000000e+00, v42;
	_ =	sdelay $0x1  }
0x1ba: {  	(erf) = vrcp.f32 v1;
	_ =	sdelay $0x8  }
0x1bb: {  	v1 =	vpop (erf)  }
0x1bc: {  	v1 =	vadd.f32 v1, v1;
	_ =	sdelay $0x1  }
0x1bd: {  	v43 =	vmul.f32 $8.000000000e+00, v1;
	_ =	sdelay $0x1  }
0x1be: {  	v34 =	vsub.f32 $1.600000000e+01, v43;
	_ =	sdelay $0x1  }
0x1bf: {  	v34 =	vadd.f32 $8.388608000e+06, v34;
	_ =	sdelay $0x1  }
0x1c0: {  	v34 =	vadd.f32 $-8.388608000e+06, v34;
	_ =	sdelay $0x1  }
0x1c1: {  	v34 =	vmin.f32 v34, $1.500000000e+01  }
0x1c2: {  	v34 =	vtrunc.f32 v34  }
0x1c3: {  	v34 =	vcvt.f32.s32 v34;
	_ =	sdelay $0x1  }
0x1c4: {  	v34 =	vand.u32 $0xF, v34  }
0x1c5: {  	v37 =	vperm.xlane v16, v34;
	v34 =	vperm.xlane v17, v34;
	_ =	sdelay $0x1  }
0x1c6: {  	v0 =	vadd.f32 v37, v7;
	v1 =	vmul.f32 v1, v34;
	_ =	sdelay $0x1  }
0x1c7: {  	v0 =	vsub.f32 v0, v1;
	_ =	sdelay $0x1  }
0x1c8: {  	v1 =	vadd.f32 v0, v0;
	_ =	sdelay $0x1  }
0x1c9: {  	v1 =	vmul.f32 $1.442695020e+00, v1;
	_ =	sdelay $0x1  }
0x1ca: {  	(erf) = vpow2.f32 v1;
	_ =	sdelay $0x8  }
0x1cb: {  	v1 =	vpop (erf)  }
0x1cc: {  	v1 =	vadd.f32 $1.000000000e+00, v1;
	_ =	sdelay $0x1  }
0x1cd: {  	(erf) = vrcp.f32 v1;
	_ =	sdelay $0x8  }
0x1ce: {  	v1 =	vpop (erf)  }
0x1cf: {  	v1 =	vadd.f32 v1, v1;
	_ =	sdelay $0x1  }
0x1d0: {  	v44 =	vmul.f32 $8.000000000e+00, v1;
	_ =	sdelay $0x1  }
0x1d1: {  	v34 =	vsub.f32 $1.600000000e+01, v44;
	_ =	sdelay $0x1  }
0x1d2: {  	v34 =	vadd.f32 $8.388608000e+06, v34;
	_ =	sdelay $0x1  }
0x1d3: {  	v34 =	vadd.f32 $-8.388608000e+06, v34;
	_ =	sdelay $0x1  }
0x1d4: {  	v34 =	vmin.f32 v34, $1.500000000e+01  }
0x1d5: {  	v34 =	vtrunc.f32 v34  }
0x1d6: {  	v34 =	vcvt.f32.s32 v34;
	_ =	sdelay $0x1  }
0x1d7: {  	v34 =	vand.u32 $0xF, v34  }
0x1d8: {  	v45 =	vperm.xlane v16, v34;
	v34 =	vperm.xlane v17, v34;
	_ =	sdelay $0x1  }
0x1d9: {  	v0 =	vadd.f32 v0, v45;
	v1 =	vmul.f32 v1, v34;
	_ =	sdelay $0x1  }
0x1da: {  	v34 =	vsub.f32 v0, v1;
	_ =	sdelay $0x1  }
0x1db: {  	v0 =	vadd.f32 v34, v34;
	_ =	sdelay $0x1  }
0x1dc: {  	v0 =	vmul.f32 $1.442695020e+00, v0;
	_ =	sdelay $0x1  }
0x1dd: {  	(erf) = vpow2.f32 v0;
	_ =	sdelay $0x3  }
0x1de: {  	v46 =	vld [tilespmem:s18+$0x1100];
	_ =	sdelay $0x4  }
0x1df: {  	v48 =	vadd.f32 v46, v46;
	v47 =	vpop (erf)  }
0x1e0: {  	v1 =	vadd.f32 $1.000000000e+00, v47  }
0x1e1: {  	v37 =	vmul.f32 $1.442695020e+00, v48  }
0x1e2: {  	(erf) = vrcp.f32 v1  }
0x1e3: {  	(erf) = vpow2.f32 v37;
	_ =	sdelay $0x7  }
0x1e4: {  	v38 =	vpop (erf)  }
0x1e5: {  	v49 =	vpop (erf)  }
0x1e6: {  	v1 =	vadd.f32 $1.000000000e+00, v49;
	_ =	sdelay $0x1  }
0x1e7: {  	(erf) = vrcp.f32 v1;
	_ =	sdelay $0x8  }
0x1e8: {  	v1 =	vpop (erf)  }
0x1e9: {  	v1 =	vadd.f32 v1, v1;
	_ =	sdelay $0x1  }
0x1ea: {  	v50 =	vmul.f32 $8.000000000e+00, v1;
	_ =	sdelay $0x1  }
0x1eb: {  	v37 =	vsub.f32 $1.600000000e+01, v50;
	_ =	sdelay $0x1  }
0x1ec: {  	v37 =	vadd.f32 $8.388608000e+06, v37;
	_ =	sdelay $0x1  }
0x1ed: {  	v37 =	vadd.f32 $-8.388608000e+06, v37;
	_ =	sdelay $0x1  }
0x1ee: {  	v37 =	vmin.f32 v37, $1.500000000e+01  }
0x1ef: {  	v37 =	vtrunc.f32 v37  }
0x1f0: {  	v37 =	vcvt.f32.s32 v37;
	_ =	sdelay $0x1  }
0x1f1: {  	v37 =	vand.u32 $0xF, v37  }
0x1f2: {  	v39 =	vperm.xlane v16, v37;
	v37 =	vperm.xlane v17, v37;
	_ =	sdelay $0x1  }
0x1f3: {  	v0 =	vadd.f32 v39, v46;
	v1 =	vmul.f32 v1, v37;
	_ =	sdelay $0x1  }
0x1f4: {  	v0 =	vsub.f32 v0, v1;
	_ =	sdelay $0x1  }
0x1f5: {  	v1 =	vadd.f32 v0, v0;
	_ =	sdelay $0x1  }
0x1f6: {  	v1 =	vmul.f32 $1.442695020e+00, v1;
	_ =	sdelay $0x1  }
0x1f7: {  	(erf) = vpow2.f32 v1;
	_ =	sdelay $0x8  }
0x1f8: {  	v1 =	vpop (erf)  }
0x1f9: {  	v1 =	vadd.f32 $1.000000000e+00, v1;
	_ =	sdelay $0x1  }
0x1fa: {  	(erf) = vrcp.f32 v1;
	_ =	sdelay $0x8  }
0x1fb: {  	v1 =	vpop (erf)  }
0x1fc: {  	v1 =	vadd.f32 v1, v1;
	_ =	sdelay $0x1  }
0x1fd: {  	v51 =	vmul.f32 $8.000000000e+00, v1;
	_ =	sdelay $0x1  }
0x1fe: {  	v37 =	vsub.f32 $1.600000000e+01, v51;
	_ =	sdelay $0x1  }
0x1ff: {  	v37 =	vadd.f32 $8.388608000e+06, v37;
	_ =	sdelay $0x1  }
0x200: {  	v37 =	vadd.f32 $-8.388608000e+06, v37;
	_ =	sdelay $0x1  }
0x201: {  	v37 =	vmin.f32 v37, $1.500000000e+01  }
0x202: {  	v37 =	vtrunc.f32 v37  }
0x203: {  	v37 =	vcvt.f32.s32 v37;
	_ =	sdelay $0x1  }
0x204: {  	v37 =	vand.u32 $0xF, v37  }
0x205: {  	v52 =	vperm.xlane v16, v37;
	v37 =	vperm.xlane v17, v37;
	_ =	sdelay $0x1  }
0x206: {  	v0 =	vadd.f32 v0, v52;
	v1 =	vmul.f32 v1, v37;
	_ =	sdelay $0x1  }
0x207: {  	v37 =	vsub.f32 v0, v1;
	_ =	sdelay $0x1  }
0x208: {  	v0 =	vadd.f32 v37, v37;
	_ =	sdelay $0x1  }
0x209: {  	v0 =	vmul.f32 $1.442695020e+00, v0;
	_ =	sdelay $0x1  }
0x20a: {  	(erf) = vpow2.f32 v0;
	_ =	sdelay $0x3  }
0x20b: {  	v53 =	vld [tilespmem:s18+$0x1180];
	_ =	sdelay $0x4  }
0x20c: {  	v55 =	vadd.f32 v53, v53;
	v54 =	vpop (erf)  }
0x20d: {  	v1 =	vadd.f32 $1.000000000e+00, v54  }
0x20e: {  	v39 =	vmul.f32 $1.442695020e+00, v55  }
0x20f: {  	(erf) = vrcp.f32 v1  }
0x210: {  	(erf) = vpow2.f32 v39;
	_ =	sdelay $0x7  }
0x211: {  	v40 =	vpop (erf)  }
0x212: {  	v56 =	vpop (erf)  }
0x213: {  	v1 =	vadd.f32 $1.000000000e+00, v56;
	_ =	sdelay $0x1  }
0x214: {  	(erf) = vrcp.f32 v1;
	_ =	sdelay $0x8  }
0x215: {  	v1 =	vpop (erf)  }
0x216: {  	v1 =	vadd.f32 v1, v1;
	_ =	sdelay $0x1  }
0x217: {  	v57 =	vmul.f32 $8.000000000e+00, v1;
	_ =	sdelay $0x1  }
0x218: {  	v39 =	vsub.f32 $1.600000000e+01, v57;
	_ =	sdelay $0x1  }
0x219: {  	v39 =	vadd.f32 $8.388608000e+06, v39;
	_ =	sdelay $0x1  }
0x21a: {  	v39 =	vadd.f32 $-8.388608000e+06, v39;
	_ =	sdelay $0x1  }
0x21b: {  	v39 =	vmin.f32 v39, $1.500000000e+01  }
0x21c: {  	v39 =	vtrunc.f32 v39  }
0x21d: {  	v39 =	vcvt.f32.s32 v39;
	_ =	sdelay $0x1  }
0x21e: {  	v39 =	vand.u32 $0xF, v39  }
0x21f: {  	v41 =	vperm.xlane v16, v39;
	v39 =	vperm.xlane v17, v39;
	_ =	sdelay $0x1  }
0x220: {  	v0 =	vadd.f32 v41, v53;
	v1 =	vmul.f32 v1, v39;
	_ =	sdelay $0x1  }
0x221: {  	v0 =	vsub.f32 v0, v1;
	_ =	sdelay $0x1  }
0x222: {  	v1 =	vadd.f32 v0, v0;
	_ =	sdelay $0x1  }
0x223: {  	v1 =	vmul.f32 $1.442695020e+00, v1;
	_ =	sdelay $0x1  }
0x224: {  	(erf) = vpow2.f32 v1;
	_ =	sdelay $0x8  }
0x225: {  	v1 =	vpop (erf)  }
0x226: {  	v1 =	vadd.f32 $1.000000000e+00, v1;
	_ =	sdelay $0x1  }
0x227: {  	(erf) = vrcp.f32 v1;
	_ =	sdelay $0x8  }
0x228: {  	v1 =	vpop (erf)  }
0x229: {  	v1 =	vadd.f32 v1, v1;
	_ =	sdelay $0x1  }
0x22a: {  	v58 =	vmul.f32 $8.000000000e+00, v1;
	_ =	sdelay $0x1  }
0x22b: {  	v39 =	vsub.f32 $1.600000000e+01, v58;
	_ =	sdelay $0x1  }
0x22c: {  	v39 =	vadd.f32 $8.388608000e+06, v39;
	_ =	sdelay $0x1  }
0x22d: {  	v39 =	vadd.f32 $-8.388608000e+06, v39;
	_ =	sdelay $0x1  }
0x22e: {  	v39 =	vmin.f32 v39, $1.500000000e+01  }
0x22f: {  	v39 =	vtrunc.f32 v39  }
0x230: {  	v39 =	vcvt.f32.s32 v39;
	_ =	sdelay $0x1  }
0x231: {  	v39 =	vand.u32 $0xF, v39  }
0x232: {  	v59 =	vperm.xlane v16, v39;
	v39 =	vperm.xlane v17, v39;
	_ =	sdelay $0x1  }
0x233: {  	v0 =	vadd.f32 v0, v59;
	v1 =	vmul.f32 v1, v39;
	_ =	sdelay $0x1  }
0x234: {  	v39 =	vsub.f32 v0, v1;
	_ =	sdelay $0x1  }
0x235: {  	v0 =	vadd.f32 v39, v39;
	_ =	sdelay $0x1  }
0x236: {  	v0 =	vmul.f32 $1.442695020e+00, v0;
	_ =	sdelay $0x1  }
0x237: {  	(erf) = vpow2.f32 v0;
	_ =	sdelay $0x3  }
0x238: {  	v60 =	vld [tilespmem:s18+$0x1200];
	_ =	sdelay $0x4  }
0x239: {  	v62 =	vadd.f32 v60, v60;
	v61 =	vpop (erf)  }
0x23a: {  	v1 =	vadd.f32 $1.000000000e+00, v61  }
0x23b: {  	v41 =	vmul.f32 $1.442695020e+00, v62  }
0x23c: {  	(erf) = vrcp.f32 v1  }
0x23d: {  	(erf) = vpow2.f32 v41;
	_ =	sdelay $0x7  }
0x23e: {  	v42 =	vpop (erf)  }
0x23f: {  	v63 =	vpop (erf)  }
0x240: {  	v1 =	vadd.f32 $1.000000000e+00, v63;
	_ =	sdelay $0x1  }
0x241: {  	(erf) = vrcp.f32 v1;
	_ =	sdelay $0x8  }
0x242: {  	v1 =	vpop (erf)  }
0x243: {  	v1 =	vadd.f32 v1, v1;
	_ =	sdelay $0x1  }
0x244: {  	v4 =	vmul.f32 $8.000000000e+00, v1;
	_ =	sdelay $0x1  }
0x245: {  	v41 =	vsub.f32 $1.600000000e+01, v4;
	_ =	sdelay $0x1  }
0x246: {  	v41 =	vadd.f32 $8.388608000e+06, v41;
	_ =	sdelay $0x1  }
0x247: {  	v41 =	vadd.f32 $-8.388608000e+06, v41;
	_ =	sdelay $0x1  }
0x248: {  	v41 =	vmin.f32 v41, $1.500000000e+01  }
0x249: {  	v41 =	vtrunc.f32 v41  }
0x24a: {  	v41 =	vcvt.f32.s32 v41;
	_ =	sdelay $0x1  }
0x24b: {  	v41 =	vand.u32 $0xF, v41  }
0x24c: {  	v43 =	vperm.xlane v16, v41;
	v41 =	vperm.xlane v17, v41;
	_ =	sdelay $0x1  }
0x24d: {  	v0 =	vadd.f32 v43, v60;
	v1 =	vmul.f32 v1, v41;
	_ =	sdelay $0x1  }
0x24e: {  	v0 =	vsub.f32 v0, v1;
	_ =	sdelay $0x1  }
0x24f: {  	v1 =	vadd.f32 v0, v0;
	_ =	sdelay $0x1  }
0x250: {  	v1 =	vmul.f32 $1.442695020e+00, v1;
	_ =	sdelay $0x1  }
0x251: {  	(erf) = vpow2.f32 v1;
	_ =	sdelay $0x8  }
0x252: {  	v1 =	vpop (erf)  }
0x253: {  	v1 =	vadd.f32 $1.000000000e+00, v1;
	_ =	sdelay $0x1  }
0x254: {  	(erf) = vrcp.f32 v1;
	_ =	sdelay $0x8  }
0x255: {  	v1 =	vpop (erf)  }
0x256: {  	v1 =	vadd.f32 v1, v1;
	_ =	sdelay $0x1  }
0x257: {  	v5 =	vmul.f32 $8.000000000e+00, v1;
	_ =	sdelay $0x1  }
0x258: {  	v41 =	vsub.f32 $1.600000000e+01, v5;
	_ =	sdelay $0x1  }
0x259: {  	v41 =	vadd.f32 $8.388608000e+06, v41;
	_ =	sdelay $0x1  }
0x25a: {  	v41 =	vadd.f32 $-8.388608000e+06, v41;
	_ =	sdelay $0x1  }
0x25b: {  	v41 =	vmin.f32 v41, $1.500000000e+01  }
0x25c: {  	v41 =	vtrunc.f32 v41  }
0x25d: {  	v41 =	vcvt.f32.s32 v41;
	_ =	sdelay $0x1  }
0x25e: {  	v41 =	vand.u32 $0xF, v41  }
0x25f: {  	v6 =	vperm.xlane v16, v41;
	v41 =	vperm.xlane v17, v41;
	_ =	sdelay $0x1  }
0x260: {  	v0 =	vadd.f32 v0, v6;
	v1 =	vmul.f32 v1, v41;
	_ =	sdelay $0x1  }
0x261: {  	v41 =	vsub.f32 v0, v1;
	_ =	sdelay $0x1  }
0x262: {  	v0 =	vadd.f32 v41, v41;
	_ =	sdelay $0x1  }
0x263: {  	v0 =	vmul.f32 $1.442695020e+00, v0;
	_ =	sdelay $0x1  }
0x264: {  	(erf) = vpow2.f32 v0;
	_ =	sdelay $0x3  }
0x265: {  	v7 =	vld [tilespmem:s18+$0x1280];
	_ =	sdelay $0x4  }
0x266: {  	v48 =	vadd.f32 v7, v7;
	v47 =	vpop (erf)  }
0x267: {  	v1 =	vadd.f32 $1.000000000e+00, v47  }
0x268: {  	v43 =	vmul.f32 $1.442695020e+00, v48  }
0x269: {  	(erf) = vrcp.f32 v1  }
0x26a: {  	(erf) = vpow2.f32 v43;
	_ =	sdelay $0x7  }
0x26b: {  	v44 =	vpop (erf)  }
0x26c: {  	v49 =	vpop (erf)  }
0x26d: {  	v1 =	vadd.f32 $1.000000000e+00, v49;
	_ =	sdelay $0x1  }
0x26e: {  	(erf) = vrcp.f32 v1;
	_ =	sdelay $0x8  }
0x26f: {  	v1 =	vpop (erf)  }
0x270: {  	v1 =	vadd.f32 v1, v1;
	_ =	sdelay $0x1  }
0x271: {  	v50 =	vmul.f32 $8.000000000e+00, v1;
	_ =	sdelay $0x1  }
0x272: {  	v43 =	vsub.f32 $1.600000000e+01, v50;
	_ =	sdelay $0x1  }
0x273: {  	v43 =	vadd.f32 $8.388608000e+06, v43;
	_ =	sdelay $0x1  }
0x274: {  	v43 =	vadd.f32 $-8.388608000e+06, v43;
	_ =	sdelay $0x1  }
0x275: {  	v43 =	vmin.f32 v43, $1.500000000e+01  }
0x276: {  	v43 =	vtrunc.f32 v43  }
0x277: {  	v43 =	vcvt.f32.s32 v43;
	_ =	sdelay $0x1  }
0x278: {  	v43 =	vand.u32 $0xF, v43  }
0x279: {  	v45 =	vperm.xlane v16, v43;
	v43 =	vperm.xlane v17, v43;
	_ =	sdelay $0x1  }
0x27a: {  	v0 =	vadd.f32 v45, v7;
	v1 =	vmul.f32 v1, v43;
	_ =	sdelay $0x1  }
0x27b: {  	v0 =	vsub.f32 v0, v1;
	_ =	sdelay $0x1  }
0x27c: {  	v1 =	vadd.f32 v0, v0;
	_ =	sdelay $0x1  }
0x27d: {  	v1 =	vmul.f32 $1.442695020e+00, v1;
	_ =	sdelay $0x1  }
0x27e: {  	(erf) = vpow2.f32 v1;
	_ =	sdelay $0x8  }
0x27f: {  	v1 =	vpop (erf)  }
0x280: {  	v1 =	vadd.f32 $1.000000000e+00, v1;
	_ =	sdelay $0x1  }
0x281: {  	(erf) = vrcp.f32 v1;
	_ =	sdelay $0x8  }
0x282: {  	v1 =	vpop (erf)  }
0x283: {  	v1 =	vadd.f32 v1, v1;
	_ =	sdelay $0x1  }
0x284: {  	v51 =	vmul.f32 $8.000000000e+00, v1;
	_ =	sdelay $0x1  }
0x285: {  	v43 =	vsub.f32 $1.600000000e+01, v51;
	_ =	sdelay $0x1  }
0x286: {  	v43 =	vadd.f32 $8.388608000e+06, v43;
	_ =	sdelay $0x1  }
0x287: {  	v43 =	vadd.f32 $-8.388608000e+06, v43;
	_ =	sdelay $0x1  }
0x288: {  	v43 =	vmin.f32 v43, $1.500000000e+01  }
0x289: {  	v43 =	vtrunc.f32 v43  }
0x28a: {  	v43 =	vcvt.f32.s32 v43;
	_ =	sdelay $0x1  }
0x28b: {  	v43 =	vand.u32 $0xF, v43  }
0x28c: {  	v52 =	vperm.xlane v16, v43;
	v43 =	vperm.xlane v17, v43;
	_ =	sdelay $0x1  }
0x28d: {  	v0 =	vadd.f32 v0, v52;
	v1 =	vmul.f32 v1, v43;
	_ =	sdelay $0x1  }
0x28e: {  	v43 =	vsub.f32 v0, v1;
	_ =	sdelay $0x1  }
0x28f: {  	v0 =	vadd.f32 v43, v43;
	_ =	sdelay $0x1  }
0x290: {  	v0 =	vmul.f32 $1.442695020e+00, v0;
	_ =	sdelay $0x1  }
0x291: {  	(erf) = vpow2.f32 v0;
	_ =	sdelay $0x3  }
0x292: {  	v53 =	vld [tilespmem:s18+$0x1300];
	_ =	sdelay $0x4  }
0x293: {  	v55 =	vadd.f32 v53, v53;
	v54 =	vpop (erf)  }
0x294: {  	v1 =	vadd.f32 $1.000000000e+00, v54  }
0x295: {  	v45 =	vmul.f32 $1.442695020e+00, v55  }
0x296: {  	(erf) = vrcp.f32 v1  }
0x297: {  	(erf) = vpow2.f32 v45;
	_ =	sdelay $0x7  }
0x298: {  	v46 =	vpop (erf)  }
0x299: {  	v56 =	vpop (erf)  }
0x29a: {  	v1 =	vadd.f32 $1.000000000e+00, v56;
	_ =	sdelay $0x1  }
0x29b: {  	(erf) = vrcp.f32 v1;
	_ =	sdelay $0x8  }
0x29c: {  	v1 =	vpop (erf)  }
0x29d: {  	v1 =	vadd.f32 v1, v1;
	_ =	sdelay $0x1  }
0x29e: {  	v57 =	vmul.f32 $8.000000000e+00, v1;
	_ =	sdelay $0x1  }
0x29f: {  	v45 =	vsub.f32 $1.600000000e+01, v57;
	_ =	sdelay $0x1  }
0x2a0: {  	v45 =	vadd.f32 $8.388608000e+06, v45;
	_ =	sdelay $0x1  }
0x2a1: {  	v45 =	vadd.f32 $-8.388608000e+06, v45;
	_ =	sdelay $0x1  }
0x2a2: {  	v45 =	vmin.f32 v45, $1.500000000e+01  }
0x2a3: {  	v45 =	vtrunc.f32 v45  }
0x2a4: {  	v45 =	vcvt.f32.s32 v45;
	_ =	sdelay $0x1  }
0x2a5: {  	v45 =	vand.u32 $0xF, v45  }
0x2a6: {  	v47 =	vperm.xlane v16, v45;
	v45 =	vperm.xlane v17, v45;
	_ =	sdelay $0x1  }
0x2a7: {  	v0 =	vadd.f32 v47, v53;
	v1 =	vmul.f32 v1, v45;
	_ =	sdelay $0x1  }
0x2a8: {  	v0 =	vsub.f32 v0, v1;
	_ =	sdelay $0x1  }
0x2a9: {  	v1 =	vadd.f32 v0, v0;
	_ =	sdelay $0x1  }
0x2aa: {  	v1 =	vmul.f32 $1.442695020e+00, v1;
	_ =	sdelay $0x1  }
0x2ab: {  	(erf) = vpow2.f32 v1;
	_ =	sdelay $0x8  }
0x2ac: {  	v1 =	vpop (erf)  }
0x2ad: {  	v1 =	vadd.f32 $1.000000000e+00, v1;
	_ =	sdelay $0x1  }
0x2ae: {  	(erf) = vrcp.f32 v1;
	_ =	sdelay $0x8  }
0x2af: {  	v1 =	vpop (erf)  }
0x2b0: {  	v1 =	vadd.f32 v1, v1;
	_ =	sdelay $0x1  }
0x2b1: {  	v58 =	vmul.f32 $8.000000000e+00, v1;
	_ =	sdelay $0x1  }
0x2b2: {  	v45 =	vsub.f32 $1.600000000e+01, v58;
	_ =	sdelay $0x1  }
0x2b3: {  	v45 =	vadd.f32 $8.388608000e+06, v45;
	_ =	sdelay $0x1  }
0x2b4: {  	v45 =	vadd.f32 $-8.388608000e+06, v45;
	_ =	sdelay $0x1  }
0x2b5: {  	v45 =	vmin.f32 v45, $1.500000000e+01  }
0x2b6: {  	v45 =	vtrunc.f32 v45  }
0x2b7: {  	v45 =	vcvt.f32.s32 v45;
	_ =	sdelay $0x1  }
0x2b8: {  	v45 =	vand.u32 $0xF, v45  }
0x2b9: {  	v59 =	vperm.xlane v16, v45;
	v45 =	vperm.xlane v17, v45;
	_ =	sdelay $0x1  }
0x2ba: {  	v0 =	vadd.f32 v0, v59;
	v1 =	vmul.f32 v1, v45;
	_ =	sdelay $0x1  }
0x2bb: {  	v45 =	vsub.f32 v0, v1;
	_ =	sdelay $0x1  }
0x2bc: {  	v0 =	vadd.f32 v45, v45;
	_ =	sdelay $0x1  }
0x2bd: {  	v0 =	vmul.f32 $1.442695020e+00, v0;
	_ =	sdelay $0x1  }
0x2be: {  	(erf) = vpow2.f32 v0;
	_ =	sdelay $0x3  }
0x2bf: {  	v60 =	vld [tilespmem:s18+$0x1380];
	_ =	sdelay $0x4  }
0x2c0: {  	v62 =	vadd.f32 v60, v60;
	v61 =	vpop (erf)  }
0x2c1: {  	v1 =	vadd.f32 $1.000000000e+00, v61  }
0x2c2: {  	v47 =	vmul.f32 $1.442695020e+00, v62  }
0x2c3: {  	(erf) = vrcp.f32 v1  }
0x2c4: {  	(erf) = vpow2.f32 v47;
	_ =	sdelay $0x7  }
0x2c5: {  	v49 =	vpop (erf)  }
0x2c6: {  	v63 =	vpop (erf)  }
0x2c7: {  	v1 =	vadd.f32 $1.000000000e+00, v63;
	_ =	sdelay $0x1  }
0x2c8: {  	(erf) = vrcp.f32 v1;
	_ =	sdelay $0x8  }
0x2c9: {  	v1 =	vpop (erf)  }
0x2ca: {  	v1 =	vadd.f32 v1, v1;
	_ =	sdelay $0x1  }
0x2cb: {  	v4 =	vmul.f32 $8.000000000e+00, v1;
	_ =	sdelay $0x1  }
0x2cc: {  	v47 =	vsub.f32 $1.600000000e+01, v4;
	_ =	sdelay $0x1  }
0x2cd: {  	v47 =	vadd.f32 $8.388608000e+06, v47;
	_ =	sdelay $0x1  }
0x2ce: {  	v47 =	vadd.f32 $-8.388608000e+06, v47;
	_ =	sdelay $0x1  }
0x2cf: {  	v47 =	vmin.f32 v47, $1.500000000e+01  }
0x2d0: {  	v47 =	vtrunc.f32 v47  }
0x2d1: {  	v47 =	vcvt.f32.s32 v47;
	_ =	sdelay $0x1  }
0x2d2: {  	v47 =	vand.u32 $0xF, v47  }
0x2d3: {  	v48 =	vperm.xlane v16, v47;
	v47 =	vperm.xlane v17, v47;
	_ =	sdelay $0x1  }
0x2d4: {  	v0 =	vadd.f32 v48, v60;
	v1 =	vmul.f32 v1, v47;
	_ =	sdelay $0x1  }
0x2d5: {  	v0 =	vsub.f32 v0, v1;
	_ =	sdelay $0x1  }
0x2d6: {  	v1 =	vadd.f32 v0, v0;
	_ =	sdelay $0x1  }
0x2d7: {  	v1 =	vmul.f32 $1.442695020e+00, v1;
	_ =	sdelay $0x1  }
0x2d8: {  	(erf) = vpow2.f32 v1;
	_ =	sdelay $0x8  }
0x2d9: {  	v1 =	vpop (erf)  }
0x2da: {  	v1 =	vadd.f32 $1.000000000e+00, v1;
	_ =	sdelay $0x1  }
0x2db: {  	(erf) = vrcp.f32 v1;
	_ =	sdelay $0x8  }
0x2dc: {  	v1 =	vpop (erf)  }
0x2dd: {  	v1 =	vadd.f32 v1, v1;
	_ =	sdelay $0x1  }
0x2de: {  	v5 =	vmul.f32 $8.000000000e+00, v1;
	_ =	sdelay $0x1  }
0x2df: {  	v47 =	vsub.f32 $1.600000000e+01, v5;
	_ =	sdelay $0x1  }
0x2e0: {  	v47 =	vadd.f32 $8.388608000e+06, v47;
	_ =	sdelay $0x1  }
0x2e1: {  	v47 =	vadd.f32 $-8.388608000e+06, v47;
	_ =	sdelay $0x1  }
0x2e2: {  	v47 =	vmin.f32 v47, $1.500000000e+01  }
0x2e3: {  	v47 =	vtrunc.f32 v47  }
0x2e4: {  	v47 =	vcvt.f32.s32 v47;
	_ =	sdelay $0x1  }
0x2e5: {  	v47 =	vand.u32 $0xF, v47  }
0x2e6: {  	v6 =	vperm.xlane v16, v47;
	v47 =	vperm.xlane v17, v47;
	_ =	sdelay $0x1  }
0x2e7: {  	v0 =	vadd.f32 v0, v6;
	v1 =	vmul.f32 v1, v47;
	_ =	sdelay $0x1  }
0x2e8: {  	v47 =	vsub.f32 v0, v1;
	_ =	sdelay $0x1  }
0x2e9: {  	v0 =	vadd.f32 v47, v47;
	_ =	sdelay $0x1  }
0x2ea: {  	v0 =	vmul.f32 $1.442695020e+00, v0;
	_ =	sdelay $0x1  }
0x2eb: {  	(erf) = vpow2.f32 v0;
	_ =	sdelay $0x3  }
0x2ec: {  	v7 =	vld [tilespmem:s18+$0x2000];
	_ =	sdelay $0x4  }
0x2ed: {  	v55 =	vadd.f32 v7, v7;
	v54 =	vpop (erf)  }
0x2ee: {  	v1 =	vadd.f32 $1.000000000e+00, v54  }
0x2ef: {  	v48 =	vmul.f32 $1.442695020e+00, v55  }
0x2f0: {  	(erf) = vrcp.f32 v1  }
0x2f1: {  	(erf) = vpow2.f32 v48;
	_ =	sdelay $0x7  }
0x2f2: {  	v51 =	vpop (erf)  }
0x2f3: {  	v56 =	vpop (erf)  }
0x2f4: {  	v1 =	vadd.f32 $1.000000000e+00, v56;
	_ =	sdelay $0x1  }
0x2f5: {  	(erf) = vrcp.f32 v1;
	_ =	sdelay $0x8  }
0x2f6: {  	v1 =	vpop (erf)  }
0x2f7: {  	v1 =	vadd.f32 v1, v1;
	_ =	sdelay $0x1  }
0x2f8: {  	v57 =	vmul.f32 $8.000000000e+00, v1;
	_ =	sdelay $0x1  }
0x2f9: {  	v48 =	vsub.f32 $1.600000000e+01, v57;
	_ =	sdelay $0x1  }
0x2fa: {  	v48 =	vadd.f32 $8.388608000e+06, v48;
	_ =	sdelay $0x1  }
0x2fb: {  	v48 =	vadd.f32 $-8.388608000e+06, v48;
	_ =	sdelay $0x1  }
0x2fc: {  	v48 =	vmin.f32 v48, $1.500000000e+01  }
0x2fd: {  	v48 =	vtrunc.f32 v48  }
0x2fe: {  	v48 =	vcvt.f32.s32 v48;
	_ =	sdelay $0x1  }
0x2ff: {  	v48 =	vand.u32 $0xF, v48  }
0x300: {  	v50 =	vperm.xlane v16, v48;
	v48 =	vperm.xlane v17, v48;
	_ =	sdelay $0x1  }
0x301: {  	v0 =	vadd.f32 v50, v7;
	v1 =	vmul.f32 v1, v48;
	_ =	sdelay $0x1  }
0x302: {  	v0 =	vsub.f32 v0, v1;
	_ =	sdelay $0x1  }
0x303: {  	v1 =	vadd.f32 v0, v0;
	_ =	sdelay $0x1  }
0x304: {  	v1 =	vmul.f32 $1.442695020e+00, v1;
	_ =	sdelay $0x1  }
0x305: {  	(erf) = vpow2.f32 v1;
	_ =	sdelay $0x8  }
0x306: {  	v1 =	vpop (erf)  }
0x307: {  	v1 =	vadd.f32 $1.000000000e+00, v1;
	_ =	sdelay $0x1  }
0x308: {  	(erf) = vrcp.f32 v1;
	_ =	sdelay $0x8  }
0x309: {  	v1 =	vpop (erf)  }
0x30a: {  	v1 =	vadd.f32 v1, v1;
	_ =	sdelay $0x1  }
0x30b: {  	v58 =	vmul.f32 $8.000000000e+00, v1;
	_ =	sdelay $0x1  }
0x30c: {  	v48 =	vsub.f32 $1.600000000e+01, v58;
	_ =	sdelay $0x1  }
0x30d: {  	v48 =	vadd.f32 $8.388608000e+06, v48;
	_ =	sdelay $0x1  }
0x30e: {  	v48 =	vadd.f32 $-8.388608000e+06, v48;
	_ =	sdelay $0x1  }
0x30f: {  	v48 =	vmin.f32 v48, $1.500000000e+01  }
0x310: {  	v48 =	vtrunc.f32 v48  }
0x311: {  	v48 =	vcvt.f32.s32 v48;
	_ =	sdelay $0x1  }
0x312: {  	v48 =	vand.u32 $0xF, v48  }
0x313: {  	v59 =	vperm.xlane v16, v48;
	v48 =	vperm.xlane v17, v48;
	_ =	sdelay $0x1  }
0x314: {  	v0 =	vadd.f32 v0, v59;
	v1 =	vmul.f32 v1, v48;
	_ =	sdelay $0x1  }
0x315: {  	v48 =	vsub.f32 v0, v1;
	_ =	sdelay $0x1  }
0x316: {  	v0 =	vadd.f32 v48, v48;
	_ =	sdelay $0x1  }
0x317: {  	v0 =	vmul.f32 $1.442695020e+00, v0;
	_ =	sdelay $0x1  }
0x318: {  	(erf) = vpow2.f32 v0;
	_ =	sdelay $0x3  }
0x319: {  	v60 =	vld [tilespmem:s18+$0x2080];
	_ =	sdelay $0x4  }
0x31a: {  	v62 =	vadd.f32 v60, v60;
	v61 =	vpop (erf)  }
0x31b: {  	v1 =	vadd.f32 $1.000000000e+00, v61  }
0x31c: {  	v50 =	vmul.f32 $1.442695020e+00, v62  }
0x31d: {  	(erf) = vrcp.f32 v1  }
0x31e: {  	(erf) = vpow2.f32 v50;
	_ =	sdelay $0x7  }
0x31f: {  	v52 =	vpop (erf)  }
0x320: {  	v63 =	vpop (erf)  }
0x321: {  	v1 =	vadd.f32 $1.000000000e+00, v63;
	_ =	sdelay $0x1  }
0x322: {  	(erf) = vrcp.f32 v1;
	_ =	sdelay $0x8  }
0x323: {  	v1 =	vpop (erf)  }
0x324: {  	v1 =	vadd.f32 v1, v1;
	_ =	sdelay $0x1  }
0x325: {  	v3 =	vmul.f32 $8.000000000e+00, v1;
	_ =	sdelay $0x1  }
0x326: {  	v50 =	vsub.f32 $1.600000000e+01, v3;
	_ =	sdelay $0x1  }
0x327: {  	v50 =	vadd.f32 $8.388608000e+06, v50;
	_ =	sdelay $0x1  }
0x328: {  	v50 =	vadd.f32 $-8.388608000e+06, v50;
	_ =	sdelay $0x1  }
0x329: {  	v50 =	vmin.f32 v50, $1.500000000e+01  }
0x32a: {  	v50 =	vtrunc.f32 v50  }
0x32b: {  	v50 =	vcvt.f32.s32 v50;
	_ =	sdelay $0x1  }
0x32c: {  	v50 =	vand.u32 $0xF, v50  }
0x32d: {  	v53 =	vperm.xlane v16, v50;
	v50 =	vperm.xlane v17, v50;
	_ =	sdelay $0x1  }
0x32e: {  	v0 =	vadd.f32 v53, v60;
	v1 =	vmul.f32 v1, v50;
	_ =	sdelay $0x1  }
0x32f: {  	v0 =	vsub.f32 v0, v1;
	_ =	sdelay $0x1  }
0x330: {  	v1 =	vadd.f32 v0, v0;
	_ =	sdelay $0x1  }
0x331: {  	v1 =	vmul.f32 $1.442695020e+00, v1;
	_ =	sdelay $0x1  }
0x332: {  	(erf) = vpow2.f32 v1;
	_ =	sdelay $0x8  }
0x333: {  	v1 =	vpop (erf)  }
0x334: {  	v1 =	vadd.f32 $1.000000000e+00, v1;
	_ =	sdelay $0x1  }
0x335: {  	(erf) = vrcp.f32 v1;
	_ =	sdelay $0x8  }
0x336: {  	v1 =	vpop (erf)  }
0x337: {  	v1 =	vadd.f32 v1, v1;
	_ =	sdelay $0x1  }
0x338: {  	v4 =	vmul.f32 $8.000000000e+00, v1;
	_ =	sdelay $0x1  }
0x339: {  	v50 =	vsub.f32 $1.600000000e+01, v4;
	_ =	sdelay $0x1  }
0x33a: {  	v50 =	vadd.f32 $8.388608000e+06, v50;
	_ =	sdelay $0x1  }
0x33b: {  	v50 =	vadd.f32 $-8.388608000e+06, v50;
	_ =	sdelay $0x1  }
0x33c: {  	v50 =	vmin.f32 v50, $1.500000000e+01  }
0x33d: {  	v50 =	vtrunc.f32 v50  }
0x33e: {  	v50 =	vcvt.f32.s32 v50;
	_ =	sdelay $0x1  }
0x33f: {  	v50 =	vand.u32 $0xF, v50  }
0x340: {  	v5 =	vperm.xlane v16, v50;
	v50 =	vperm.xlane v17, v50;
	_ =	sdelay $0x1  }
0x341: {  	v0 =	vadd.f32 v0, v5;
	v1 =	vmul.f32 v1, v50;
	_ =	sdelay $0x1  }
0x342: {  	v50 =	vsub.f32 v0, v1;
	_ =	sdelay $0x1  }
0x343: {  	v0 =	vadd.f32 v50, v50;
	_ =	sdelay $0x1  }
0x344: {  	v0 =	vmul.f32 $1.442695020e+00, v0;
	_ =	sdelay $0x1  }
0x345: {  	(erf) = vpow2.f32 v0;
	_ =	sdelay $0x3  }
0x346: {  	v6 =	vld [tilespmem:s18+$0x2100];
	_ =	sdelay $0x4  }
0x347: {  	v56 =	vadd.f32 v6, v6;
	v7 =	vpop (erf)  }
0x348: {  	v1 =	vadd.f32 $1.000000000e+00, v7  }
0x349: {  	v53 =	vmul.f32 $1.442695020e+00, v56  }
0x34a: {  	(erf) = vrcp.f32 v1  }
0x34b: {  	(erf) = vpow2.f32 v53;
	_ =	sdelay $0x7  }
0x34c: {  	v54 =	vpop (erf)  }
0x34d: {  	v57 =	vpop (erf)  }
0x34e: {  	v1 =	vadd.f32 $1.000000000e+00, v57;
	_ =	sdelay $0x1  }
0x34f: {  	(erf) = vrcp.f32 v1;
	_ =	sdelay $0x8  }
0x350: {  	v1 =	vpop (erf)  }
0x351: {  	v1 =	vadd.f32 v1, v1;
	_ =	sdelay $0x1  }
0x352: {  	v58 =	vmul.f32 $8.000000000e+00, v1;
	_ =	sdelay $0x1  }
0x353: {  	v53 =	vsub.f32 $1.600000000e+01, v58;
	_ =	sdelay $0x1  }
0x354: {  	v53 =	vadd.f32 $8.388608000e+06, v53;
	_ =	sdelay $0x1  }
0x355: {  	v53 =	vadd.f32 $-8.388608000e+06, v53;
	_ =	sdelay $0x1  }
0x356: {  	v53 =	vmin.f32 v53, $1.500000000e+01  }
0x357: {  	v53 =	vtrunc.f32 v53  }
0x358: {  	v53 =	vcvt.f32.s32 v53;
	_ =	sdelay $0x1  }
0x359: {  	v53 =	vand.u32 $0xF, v53  }
0x35a: {  	v55 =	vperm.xlane v16, v53;
	v53 =	vperm.xlane v17, v53;
	_ =	sdelay $0x1  }
0x35b: {  	v0 =	vadd.f32 v55, v6;
	v1 =	vmul.f32 v1, v53;
	_ =	sdelay $0x1  }
0x35c: {  	v0 =	vsub.f32 v0, v1;
	_ =	sdelay $0x1  }
0x35d: {  	v1 =	vadd.f32 v0, v0;
	_ =	sdelay $0x1  }
0x35e: {  	v1 =	vmul.f32 $1.442695020e+00, v1;
	_ =	sdelay $0x1  }
0x35f: {  	(erf) = vpow2.f32 v1;
	_ =	sdelay $0x8  }
0x360: {  	v1 =	vpop (erf)  }
0x361: {  	v1 =	vadd.f32 $1.000000000e+00, v1;
	_ =	sdelay $0x1  }
0x362: {  	(erf) = vrcp.f32 v1;
	_ =	sdelay $0x8  }
0x363: {  	v1 =	vpop (erf)  }
0x364: {  	v1 =	vadd.f32 v1, v1;
	_ =	sdelay $0x1  }
0x365: {  	v59 =	vmul.f32 $8.000000000e+00, v1;
	_ =	sdelay $0x1  }
0x366: {  	v53 =	vsub.f32 $1.600000000e+01, v59;
	_ =	sdelay $0x1  }
0x367: {  	v53 =	vadd.f32 $8.388608000e+06, v53;
	_ =	sdelay $0x1  }
0x368: {  	v53 =	vadd.f32 $-8.388608000e+06, v53;
	_ =	sdelay $0x1  }
0x369: {  	v53 =	vmin.f32 v53, $1.500000000e+01  }
0x36a: {  	v53 =	vtrunc.f32 v53  }
0x36b: {  	v53 =	vcvt.f32.s32 v53;
	_ =	sdelay $0x1  }
0x36c: {  	v53 =	vand.u32 $0xF, v53  }
0x36d: {  	v60 =	vperm.xlane v16, v53;
	v53 =	vperm.xlane v17, v53;
	_ =	sdelay $0x1  }
0x36e: {  	v0 =	vadd.f32 v0, v60;
	v1 =	vmul.f32 v1, v53;
	_ =	sdelay $0x1  }
0x36f: {  	v53 =	vsub.f32 v0, v1;
	_ =	sdelay $0x1  }
0x370: {  	v0 =	vadd.f32 v53, v53;
	_ =	sdelay $0x1  }
0x371: {  	v0 =	vmul.f32 $1.442695020e+00, v0;
	_ =	sdelay $0x1  }
0x372: {  	(erf) = vpow2.f32 v0;
	_ =	sdelay $0x3  }
0x373: {  	v61 =	vld [tilespmem:s18+$0x2180];
	_ =	sdelay $0x4  }
0x374: {  	v63 =	vadd.f32 v61, v61;
	v62 =	vpop (erf)  }
0x375: {  	v1 =	vadd.f32 $1.000000000e+00, v62  }
0x376: {  	v55 =	vmul.f32 $1.442695020e+00, v63  }
0x377: {  	(erf) = vrcp.f32 v1  }
0x378: {  	(erf) = vpow2.f32 v55;
	_ =	sdelay $0x7  }
0x379: {  	v56 =	vpop (erf)  }
0x37a: {  	v4 =	vpop (erf)  }
0x37b: {  	v1 =	vadd.f32 $1.000000000e+00, v4;
	_ =	sdelay $0x1  }
0x37c: {  	(erf) = vrcp.f32 v1;
	_ =	sdelay $0x8  }
0x37d: {  	v1 =	vpop (erf)  }
0x37e: {  	v1 =	vadd.f32 v1, v1;
	_ =	sdelay $0x1  }
0x37f: {  	v5 =	vmul.f32 $8.000000000e+00, v1;
	_ =	sdelay $0x1  }
0x380: {  	v55 =	vsub.f32 $1.600000000e+01, v5;
	_ =	sdelay $0x1  }
0x381: {  	v55 =	vadd.f32 $8.388608000e+06, v55;
	_ =	sdelay $0x1  }
0x382: {  	v55 =	vadd.f32 $-8.388608000e+06, v55;
	_ =	sdelay $0x1  }
0x383: {  	v55 =	vmin.f32 v55, $1.500000000e+01  }
0x384: {  	v55 =	vtrunc.f32 v55  }
0x385: {  	v55 =	vcvt.f32.s32 v55;
	_ =	sdelay $0x1  }
0x386: {  	v55 =	vand.u32 $0xF, v55  }
0x387: {  	v57 =	vperm.xlane v16, v55;
	v55 =	vperm.xlane v17, v55;
	_ =	sdelay $0x1  }
0x388: {  	v0 =	vadd.f32 v57, v61;
	v1 =	vmul.f32 v1, v55;
	_ =	sdelay $0x1  }
0x389: {  	v0 =	vsub.f32 v0, v1;
	_ =	sdelay $0x1  }
0x38a: {  	v1 =	vadd.f32 v0, v0;
	_ =	sdelay $0x1  }
0x38b: {  	v1 =	vmul.f32 $1.442695020e+00, v1;
	_ =	sdelay $0x1  }
0x38c: {  	(erf) = vpow2.f32 v1;
	_ =	sdelay $0x8  }
0x38d: {  	v1 =	vpop (erf)  }
0x38e: {  	v1 =	vadd.f32 $1.000000000e+00, v1;
	_ =	sdelay $0x1  }
0x38f: {  	(erf) = vrcp.f32 v1;
	_ =	sdelay $0x8  }
0x390: {  	v1 =	vpop (erf)  }
0x391: {  	v1 =	vadd.f32 v1, v1;
	_ =	sdelay $0x1  }
0x392: {  	v6 =	vmul.f32 $8.000000000e+00, v1;
	_ =	sdelay $0x1  }
0x393: {  	v55 =	vsub.f32 $1.600000000e+01, v6;
	_ =	sdelay $0x1  }
0x394: {  	v55 =	vadd.f32 $8.388608000e+06, v55;
	_ =	sdelay $0x1  }
0x395: {  	v55 =	vadd.f32 $-8.388608000e+06, v55;
	_ =	sdelay $0x1  }
0x396: {  	v55 =	vmin.f32 v55, $1.500000000e+01  }
0x397: {  	v55 =	vtrunc.f32 v55  }
0x398: {  	v55 =	vcvt.f32.s32 v55;
	_ =	sdelay $0x1  }
0x399: {  	v55 =	vand.u32 $0xF, v55  }
0x39a: {  	v7 =	vperm.xlane v16, v55;
	v55 =	vperm.xlane v17, v55;
	_ =	sdelay $0x1  }
0x39b: {  	v0 =	vadd.f32 v0, v7;
	v1 =	vmul.f32 v1, v55;
	_ =	sdelay $0x1  }
0x39c: {  	v55 =	vsub.f32 v0, v1;
	_ =	sdelay $0x1  }
0x39d: {  	v0 =	vadd.f32 v55, v55;
	_ =	sdelay $0x1  }
0x39e: {  	v0 =	vmul.f32 $1.442695020e+00, v0;
	_ =	sdelay $0x1  }
0x39f: {  	(erf) = vpow2.f32 v0;
	_ =	sdelay $0x3  }
0x3a0: {  	v60 =	vld [tilespmem:s18+$0x2200];
	_ =	sdelay $0x4  }
0x3a1: {  	v62 =	vadd.f32 v60, v60;
	v61 =	vpop (erf)  }
0x3a2: {  	v1 =	vadd.f32 $1.000000000e+00, v61  }
0x3a3: {  	v57 =	vmul.f32 $1.442695020e+00, v62  }
0x3a4: {  	(erf) = vrcp.f32 v1  }
0x3a5: {  	(erf) = vpow2.f32 v57;
	_ =	sdelay $0x7  }
0x3a6: {  	v58 =	vpop (erf)  }
0x3a7: {  	v63 =	vpop (erf)  }
0x3a8: {  	v1 =	vadd.f32 $1.000000000e+00, v63;
	_ =	sdelay $0x1  }
0x3a9: {  	(erf) = vrcp.f32 v1;
	_ =	sdelay $0x8  }
0x3aa: {  	v1 =	vpop (erf)  }
0x3ab: {  	v1 =	vadd.f32 v1, v1;
	_ =	sdelay $0x1  }
0x3ac: {  	v4 =	vmul.f32 $8.000000000e+00, v1;
	_ =	sdelay $0x1  }
0x3ad: {  	v57 =	vsub.f32 $1.600000000e+01, v4;
	_ =	sdelay $0x1  }
0x3ae: {  	v57 =	vadd.f32 $8.388608000e+06, v57;
	_ =	sdelay $0x1  }
0x3af: {  	v57 =	vadd.f32 $-8.388608000e+06, v57;
	_ =	sdelay $0x1  }
0x3b0: {  	v57 =	vmin.f32 v57, $1.500000000e+01  }
0x3b1: {  	v57 =	vtrunc.f32 v57  }
0x3b2: {  	v57 =	vcvt.f32.s32 v57;
	_ =	sdelay $0x1  }
0x3b3: {  	v57 =	vand.u32 $0xF, v57  }
0x3b4: {  	v59 =	vperm.xlane v16, v57;
	v57 =	vperm.xlane v17, v57;
	_ =	sdelay $0x1  }
0x3b5: {  	v0 =	vadd.f32 v59, v60;
	v1 =	vmul.f32 v1, v57;
	_ =	sdelay $0x1  }
0x3b6: {  	v0 =	vsub.f32 v0, v1;
	_ =	sdelay $0x1  }
0x3b7: {  	v1 =	vadd.f32 v0, v0;
	_ =	sdelay $0x1  }
0x3b8: {  	v1 =	vmul.f32 $1.442695020e+00, v1;
	_ =	sdelay $0x1  }
0x3b9: {  	(erf) = vpow2.f32 v1;
	_ =	sdelay $0x8  }
0x3ba: {  	v1 =	vpop (erf)  }
0x3bb: {  	v1 =	vadd.f32 $1.000000000e+00, v1;
	_ =	sdelay $0x1  }
0x3bc: {  	(erf) = vrcp.f32 v1;
	_ =	sdelay $0x8  }
0x3bd: {  	v1 =	vpop (erf)  }
0x3be: {  	v1 =	vadd.f32 v1, v1;
	_ =	sdelay $0x1  }
0x3bf: {  	v5 =	vmul.f32 $8.000000000e+00, v1;
	_ =	sdelay $0x1  }
0x3c0: {  	v57 =	vsub.f32 $1.600000000e+01, v5;
	_ =	sdelay $0x1  }
0x3c1: {  	v57 =	vadd.f32 $8.388608000e+06, v57;
	_ =	sdelay $0x1  }
0x3c2: {  	v57 =	vadd.f32 $-8.388608000e+06, v57;
	_ =	sdelay $0x1  }
0x3c3: {  	v57 =	vmin.f32 v57, $1.500000000e+01  }
0x3c4: {  	v57 =	vtrunc.f32 v57  }
0x3c5: {  	v57 =	vcvt.f32.s32 v57;
	_ =	sdelay $0x1  }
0x3c6: {  	v57 =	vand.u32 $0xF, v57  }
0x3c7: {  	v6 =	vperm.xlane v16, v57;
	v57 =	vperm.xlane v17, v57;
	_ =	sdelay $0x1  }
0x3c8: {  	v0 =	vadd.f32 v0, v6;
	v1 =	vmul.f32 v1, v57;
	_ =	sdelay $0x1  }
0x3c9: {  	v57 =	vsub.f32 v0, v1;
	_ =	sdelay $0x1  }
0x3ca: {  	v0 =	vadd.f32 v57, v57;
	_ =	sdelay $0x1  }
0x3cb: {  	v0 =	vmul.f32 $1.442695020e+00, v0;
	_ =	sdelay $0x1  }
0x3cc: {  	(erf) = vpow2.f32 v0;
	_ =	sdelay $0x3  }
0x3cd: {  	v7 =	vld [tilespmem:s18+$0x2280];
	_ =	sdelay $0x4  }
0x3ce: {  	v62 =	vadd.f32 v7, v7;
	v61 =	vpop (erf)  }
0x3cf: {  	v1 =	vadd.f32 $1.000000000e+00, v61  }
0x3d0: {  	v59 =	vmul.f32 $1.442695020e+00, v62  }
0x3d1: {  	(erf) = vrcp.f32 v1  }
0x3d2: {  	(erf) = vpow2.f32 v59;
	_ =	sdelay $0x7  }
0x3d3: {  	v61 =	vpop (erf)  }
0x3d4: {  	v63 =	vpop (erf)  }
0x3d5: {  	v1 =	vadd.f32 $1.000000000e+00, v63;
	_ =	sdelay $0x1  }
0x3d6: {  	(erf) = vrcp.f32 v1;
	_ =	sdelay $0x8  }
0x3d7: {  	v1 =	vpop (erf)  }
0x3d8: {  	v1 =	vadd.f32 v1, v1;
	_ =	sdelay $0x1  }
0x3d9: {  	v2 =	vmul.f32 $8.000000000e+00, v1;
	_ =	sdelay $0x1  }
0x3da: {  	v59 =	vsub.f32 $1.600000000e+01, v2;
	_ =	sdelay $0x1  }
0x3db: {  	v59 =	vadd.f32 $8.388608000e+06, v59;
	_ =	sdelay $0x1  }
0x3dc: {  	v59 =	vadd.f32 $-8.388608000e+06, v59;
	_ =	sdelay $0x1  }
0x3dd: {  	v59 =	vmin.f32 v59, $1.500000000e+01  }
0x3de: {  	v59 =	vtrunc.f32 v59  }
0x3df: {  	v59 =	vcvt.f32.s32 v59;
	_ =	sdelay $0x1  }
0x3e0: {  	v59 =	vand.u32 $0xF, v59  }
0x3e1: {  	v60 =	vperm.xlane v16, v59;
	v59 =	vperm.xlane v17, v59;
	_ =	sdelay $0x1  }
0x3e2: {  	v0 =	vadd.f32 v60, v7;
	v1 =	vmul.f32 v1, v59;
	_ =	sdelay $0x1  }
0x3e3: {  	v0 =	vsub.f32 v0, v1;
	_ =	sdelay $0x1  }
0x3e4: {  	v1 =	vadd.f32 v0, v0;
	_ =	sdelay $0x1  }
0x3e5: {  	v1 =	vmul.f32 $1.442695020e+00, v1;
	_ =	sdelay $0x1  }
0x3e6: {  	(erf) = vpow2.f32 v1;
	_ =	sdelay $0x8  }
0x3e7: {  	v1 =	vpop (erf)  }
0x3e8: {  	v1 =	vadd.f32 $1.000000000e+00, v1;
	_ =	sdelay $0x1  }
0x3e9: {  	(erf) = vrcp.f32 v1;
	_ =	sdelay $0x8  }
0x3ea: {  	v1 =	vpop (erf)  }
0x3eb: {  	v1 =	vadd.f32 v1, v1;
	_ =	sdelay $0x1  }
0x3ec: {  	v3 =	vmul.f32 $8.000000000e+00, v1;
	_ =	sdelay $0x1  }
0x3ed: {  	v59 =	vsub.f32 $1.600000000e+01, v3;
	_ =	sdelay $0x1  }
0x3ee: {  	v59 =	vadd.f32 $8.388608000e+06, v59;
	_ =	sdelay $0x1  }
0x3ef: {  	v59 =	vadd.f32 $-8.388608000e+06, v59;
	_ =	sdelay $0x1  }
0x3f0: {  	v59 =	vmin.f32 v59, $1.500000000e+01  }
0x3f1: {  	v59 =	vtrunc.f32 v59  }
0x3f2: {  	v59 =	vcvt.f32.s32 v59;
	_ =	sdelay $0x1  }
0x3f3: {  	v59 =	vand.u32 $0xF, v59  }
0x3f4: {  	v4 =	vperm.xlane v16, v59;
	v59 =	vperm.xlane v17, v59;
	_ =	sdelay $0x1  }
0x3f5: {  	v0 =	vadd.f32 v0, v4;
	v1 =	vmul.f32 v1, v59;
	_ =	sdelay $0x1  }
0x3f6: {  	v59 =	vsub.f32 v0, v1;
	_ =	sdelay $0x1  }
0x3f7: {  	v0 =	vadd.f32 v59, v59;
	_ =	sdelay $0x1  }
0x3f8: {  	v0 =	vmul.f32 $1.442695020e+00, v0;
	_ =	sdelay $0x1  }
0x3f9: {  	(erf) = vpow2.f32 v0;
	_ =	sdelay $0x3  }
0x3fa: {  	v5 =	vld [tilespmem:s18+$0x2300];
	_ =	sdelay $0x4  }
0x3fb: {  	v7 =	vadd.f32 v5, v5;
	v6 =	vpop (erf)  }
0x3fc: {  	v1 =	vadd.f32 $1.000000000e+00, v6  }
0x3fd: {  	v60 =	vmul.f32 $1.442695020e+00, v7  }
0x3fe: {  	(erf) = vrcp.f32 v1  }
0x3ff: {  	(erf) = vpow2.f32 v60;
	_ =	sdelay $0x7  }
0x400: {  	v62 =	vpop (erf)  }
0x401: {  	v63 =	vpop (erf)  }
0x402: {  	v1 =	vadd.f32 $1.000000000e+00, v63;
	_ =	sdelay $0x1  }
0x403: {  	(erf) = vrcp.f32 v1;
	_ =	sdelay $0x8  }
0x404: {  	v1 =	vpop (erf)  }
0x405: {  	v1 =	vadd.f32 v1, v1;
	_ =	sdelay $0x1  }
0x406: {  	v3 =	vmul.f32 $8.000000000e+00, v1;
	_ =	sdelay $0x1  }
0x407: {  	v60 =	vsub.f32 $1.600000000e+01, v3;
	_ =	sdelay $0x1  }
0x408: {  	v60 =	vadd.f32 $8.388608000e+06, v60;
	_ =	sdelay $0x1  }
0x409: {  	v60 =	vadd.f32 $-8.388608000e+06, v60;
	_ =	sdelay $0x1  }
0x40a: {  	v60 =	vmin.f32 v60, $1.500000000e+01  }
0x40b: {  	v60 =	vtrunc.f32 v60  }
0x40c: {  	v60 =	vcvt.f32.s32 v60;
	_ =	sdelay $0x1  }
0x40d: {  	v60 =	vand.u32 $0xF, v60  }
0x40e: {  	v63 =	vperm.xlane v16, v60;
	v60 =	vperm.xlane v17, v60;
	_ =	sdelay $0x1  }
0x40f: {  	v0 =	vadd.f32 v63, v5;
	v1 =	vmul.f32 v1, v60;
	_ =	sdelay $0x1  }
0x410: {  	v0 =	vsub.f32 v0, v1;
	_ =	sdelay $0x1  }
0x411: {  	v1 =	vadd.f32 v0, v0;
	_ =	sdelay $0x1  }
0x412: {  	v1 =	vmul.f32 $1.442695020e+00, v1;
	_ =	sdelay $0x1  }
0x413: {  	(erf) = vpow2.f32 v1;
	_ =	sdelay $0x8  }
0x414: {  	v1 =	vpop (erf)  }
0x415: {  	v1 =	vadd.f32 $1.000000000e+00, v1;
	_ =	sdelay $0x1  }
0x416: {  	(erf) = vrcp.f32 v1;
	_ =	sdelay $0x8  }
0x417: {  	v1 =	vpop (erf)  }
0x418: {  	v1 =	vadd.f32 v1, v1;
	_ =	sdelay $0x1  }
0x419: {  	v4 =	vmul.f32 $8.000000000e+00, v1;
	_ =	sdelay $0x1  }
0x41a: {  	v60 =	vsub.f32 $1.600000000e+01, v4;
	_ =	sdelay $0x1  }
0x41b: {  	v60 =	vadd.f32 $8.388608000e+06, v60;
	_ =	sdelay $0x1  }
0x41c: {  	v60 =	vadd.f32 $-8.388608000e+06, v60;
	_ =	sdelay $0x1  }
0x41d: {  	v60 =	vmin.f32 v60, $1.500000000e+01  }
0x41e: {  	v60 =	vtrunc.f32 v60  }
0x41f: {  	v60 =	vcvt.f32.s32 v60;
	_ =	sdelay $0x1  }
0x420: {  	v60 =	vand.u32 $0xF, v60  }
0x421: {  	v5 =	vperm.xlane v16, v60;
	v60 =	vperm.xlane v17, v60;
	_ =	sdelay $0x1  }
0x422: {  	v0 =	vadd.f32 v0, v5;
	v1 =	vmul.f32 v1, v60;
	_ =	sdelay $0x1  }
0x423: {  	v60 =	vsub.f32 v0, v1;
	_ =	sdelay $0x1  }
0x424: {  	v0 =	vadd.f32 v60, v60;
	_ =	sdelay $0x1  }
0x425: {  	v0 =	vmul.f32 $1.442695020e+00, v0;
	_ =	sdelay $0x1  }
0x426: {  	(erf) = vpow2.f32 v0;
	_ =	sdelay $0x3  }
0x427: {  	v6 =	vld [tilespmem:s18+$0x2380];
	_ =	sdelay $0x4  }
0x428: {  	v7 =	vadd.f32 v6, v6;
	v0 =	vpop (erf)  }
0x429: {  	v0 =	vadd.f32 $1.000000000e+00, v0  }
0x42a: {  	v63 =	vmul.f32 $1.442695020e+00, v7  }
0x42b: {  	(erf) = vrcp.f32 v0  }
0x42c: {  	(erf) = vpow2.f32 v63;
	_ =	sdelay $0x7  }
0x42d: {  	v0 =	vpop (erf)  }
0x42e: {  	v63 =	vpop (erf)  }
0x42f: {  	v63 =	vadd.f32 $1.000000000e+00, v63;
	_ =	sdelay $0x1  }
0x430: {  	(erf) = vrcp.f32 v63;
	_ =	sdelay $0x8  }
0x431: {  	v63 =	vpop (erf)  }
0x432: {  	v63 =	vadd.f32 v63, v63;
	_ =	sdelay $0x1  }
0x433: {  	v2 =	vmul.f32 $8.000000000e+00, v63;
	_ =	sdelay $0x1  }
0x434: {  	v2 =	vsub.f32 $1.600000000e+01, v2;
	_ =	sdelay $0x1  }
0x435: {  	v2 =	vadd.f32 $8.388608000e+06, v2;
	_ =	sdelay $0x1  }
0x436: {  	v2 =	vadd.f32 $-8.388608000e+06, v2;
	_ =	sdelay $0x1  }
0x437: {  	v2 =	vmin.f32 v2, $1.500000000e+01  }
0x438: {  	v2 =	vtrunc.f32 v2  }
0x439: {  	v2 =	vcvt.f32.s32 v2;
	_ =	sdelay $0x1  }
0x43a: {  	v2 =	vand.u32 $0xF, v2  }
0x43b: {  	v3 =	vperm.xlane v16, v2;
	v2 =	vperm.xlane v17, v2;
	_ =	sdelay $0x1  }
0x43c: {  	v1 =	vadd.f32 v3, v6;
	v2 =	vmul.f32 v63, v2;
	_ =	sdelay $0x1  }
0x43d: {  	v1 =	vsub.f32 v1, v2;
	_ =	sdelay $0x1  }
0x43e: {  	v2 =	vadd.f32 v1, v1;
	_ =	sdelay $0x1  }
0x43f: {  	v2 =	vmul.f32 $1.442695020e+00, v2;
	_ =	sdelay $0x1  }
0x440: {  	(erf) = vpow2.f32 v2;
	_ =	sdelay $0x8  }
0x441: {  	v2 =	vpop (erf)  }
0x442: {  	v2 =	vadd.f32 $1.000000000e+00, v2;
	_ =	sdelay $0x1  }
0x443: {  	(erf) = vrcp.f32 v2;
	_ =	sdelay $0x8  }
0x444: {  	v2 =	vpop (erf)  }
0x445: {  	v2 =	vadd.f32 v2, v2;
	_ =	sdelay $0x1  }
0x446: {  	v63 =	vmul.f32 $8.000000000e+00, v2;
	_ =	sdelay $0x1  }
0x447: {  	v3 =	vsub.f32 $1.600000000e+01, v63;
	_ =	sdelay $0x1  }
0x448: {  	v3 =	vadd.f32 $8.388608000e+06, v3;
	_ =	sdelay $0x1  }
0x449: {  	v3 =	vadd.f32 $-8.388608000e+06, v3;
	_ =	sdelay $0x1  }
0x44a: {  	v3 =	vmin.f32 v3, $1.500000000e+01  }
0x44b: {  	v3 =	vtrunc.f32 v3  }
0x44c: {  	v3 =	vcvt.f32.s32 v3;
	_ =	sdelay $0x1  }
0x44d: {  	v3 =	vand.u32 $0xF, v3  }
0x44e: {  	v6 =	vperm.xlane v16, v3;
	v3 =	vperm.xlane v17, v3;
	_ =	sdelay $0x1  }
0x44f: {  	v1 =	vadd.f32 v1, v6;
	v2 =	vmul.f32 v2, v3;
	_ =	sdelay $0x1  }
0x450: {  	v63 =	vsub.f32 v1, v2;
	_ =	sdelay $0x1  }
0x451: {  	v1 =	vadd.f32 v63, v63;
	_ =	sdelay $0x1  }
0x452: {  	v1 =	vmul.f32 $1.442695020e+00, v1;
	_ =	sdelay $0x1  }
0x453: {  	(erf) = vpow2.f32 v1;
	_ =	sdelay $0x3  }
0x454: {  	v2 =	vld [tilespmem:s18+$0x3000];
	_ =	sdelay $0x4  }
0x455: {  	v7 =	vadd.f32 v2, v2;
	v1 =	vpop (erf)  }
0x456: {  	v1 =	vadd.f32 $1.000000000e+00, v1  }
0x457: {  	v3 =	vmul.f32 $1.442695020e+00, v7  }
0x458: {  	(erf) = vrcp.f32 v1  }
0x459: {  	(erf) = vpow2.f32 v3;
	_ =	sdelay $0x7  }
0x45a: {  	v1 =	vpop (erf)  }
0x45b: {  	v3 =	vpop (erf)  }
0x45c: {  	v3 =	vadd.f32 $1.000000000e+00, v3;
	_ =	sdelay $0x1  }
0x45d: {  	(erf) = vrcp.f32 v3;
	_ =	sdelay $0x8  }
0x45e: {  	v3 =	vpop (erf)  }
0x45f: {  	v3 =	vadd.f32 v3, v3;
	_ =	sdelay $0x1  }
0x460: {  	v4 =	vmul.f32 $8.000000000e+00, v3;
	_ =	sdelay $0x1  }
0x461: {  	v4 =	vsub.f32 $1.600000000e+01, v4;
	_ =	sdelay $0x1  }
0x462: {  	v4 =	vadd.f32 $8.388608000e+06, v4;
	_ =	sdelay $0x1  }
0x463: {  	v4 =	vadd.f32 $-8.388608000e+06, v4;
	_ =	sdelay $0x1  }
0x464: {  	v4 =	vmin.f32 v4, $1.500000000e+01  }
0x465: {  	v4 =	vtrunc.f32 v4  }
0x466: {  	v4 =	vcvt.f32.s32 v4;
	_ =	sdelay $0x1  }
0x467: {  	v4 =	vand.u32 $0xF, v4  }
0x468: {  	v5 =	vperm.xlane v16, v4;
	v4 =	vperm.xlane v17, v4;
	_ =	sdelay $0x1  }
0x469: {  	v2 =	vadd.f32 v5, v2;
	v3 =	vmul.f32 v3, v4;
	_ =	sdelay $0x1  }
0x46a: {  	v2 =	vsub.f32 v2, v3;
	_ =	sdelay $0x1  }
0x46b: {  	v3 =	vadd.f32 v2, v2;
	_ =	sdelay $0x1  }
0x46c: {  	v3 =	vmul.f32 $1.442695020e+00, v3;
	_ =	sdelay $0x1  }
0x46d: {  	(erf) = vpow2.f32 v3;
	_ =	sdelay $0x8  }
0x46e: {  	v3 =	vpop (erf)  }
0x46f: {  	v3 =	vadd.f32 $1.000000000e+00, v3;
	_ =	sdelay $0x1  }
0x470: {  	(erf) = vrcp.f32 v3;
	_ =	sdelay $0x8  }
0x471: {  	v3 =	vpop (erf)  }
0x472: {  	v3 =	vadd.f32 v3, v3;
	_ =	sdelay $0x1  }
0x473: {  	v4 =	vmul.f32 $8.000000000e+00, v3;
	_ =	sdelay $0x1  }
0x474: {  	v4 =	vsub.f32 $1.600000000e+01, v4;
	_ =	sdelay $0x1  }
0x475: {  	v4 =	vadd.f32 $8.388608000e+06, v4;
	_ =	sdelay $0x1  }
0x476: {  	v4 =	vadd.f32 $-8.388608000e+06, v4;
	_ =	sdelay $0x1  }
0x477: {  	v4 =	vmin.f32 v4, $1.500000000e+01  }
0x478: {  	v4 =	vtrunc.f32 v4  }
0x479: {  	v5 =	vadd.f32 v19, v19;
	v4 =	vcvt.f32.s32 v4;
	_ =	sdelay $0x1  }
0x47a: {  	v6 =	vadd.f32 v22, v22;
	v19 =	vmul.f32 $8.000000000e+00, v5;
	v4 =	vand.u32 $0xF, v4  }
0x47b: {  	v22 =	vperm.xlane v16, v4;
	v4 =	vperm.xlane v17, v4  }
0x47c: {  	v7 =	vmul.f32 $8.000000000e+00, v6;
	v19 =	vsub.f32 $1.600000000e+01, v19  }
0x47d: {  	v2 =	vadd.f32 v2, v22;
	v3 =	vmul.f32 v3, v4  }
0x47e: {  	v7 =	vsub.f32 $1.600000000e+01, v7;
	v22 =	vadd.f32 $8.388608000e+06, v19  }
0x47f: {  	v19 =	vsub.f32 v2, v3  }
0x480: {  	v2 =	vadd.f32 $-8.388608000e+06, v22;
	v3 =	vadd.f32 $8.388608000e+06, v7;
	_ =	sdelay $0x1  }
0x481: {  	v22 =	vadd.f32 v19, v19;
	v2 =	vmin.f32 v2, $1.500000000e+01;
	v3 =	vadd.f32 $-8.388608000e+06, v3  }
0x482: {  	v7 =	vadd.f32 v24, v24;
	v2 =	vtrunc.f32 v2  }
0x483: {  	v4 =	vmul.f32 $1.442695020e+00, v22;
	v2 =	vcvt.f32.s32 v2;
	v3 =	vmin.f32 v3, $1.500000000e+01  }
0x484: {  	v22 =	vmul.f32 $8.000000000e+00, v7;
	v3 =	vtrunc.f32 v3  }
0x485: {  	(erf) = vpow2.f32 v4;
	v3 =	vcvt.f32.s32 v3  }
0x486: {  	v2 =	vand.u32 $0xF, v2;
	v4 =	vsub.f32 $1.600000000e+01, v22  }
0x487: {  	v22 =	vld [tilespmem:s18+$0x3080];
	v24 =	vperm.xlane v16, v2;
	v2 =	vperm.xlane v17, v2;
	v3 =	vand.u32 $0xF, v3  }
0x488: {  	v4 =	vadd.f32 $8.388608000e+06, v4;
	v8 =	vperm.xlane v16, v3  }
0x489: {  	v18 =	vadd.f32 v18, v24;
	v2 =	vmul.f32 v5, v2;
	v5 =	vadd.f32 v26, v26  }
0x48a: {  	v3 =	vperm.xlane v17, v3;
	v8 =	vadd.f32 v20, v8  }
0x48b: {  	v4 =	vadd.f32 $-8.388608000e+06, v4;
	v2 =	vsub.f32 v18, v2;
	v24 =	vmul.f32 $8.000000000e+00, v5  }
0x48c: {  	v3 =	vmul.f32 v6, v3;
	v18 =	vadd.f32 v22, v22;
	v20 =	vadd.f32 v28, v28  }
0x48d: {  	v4 =	vmin.f32 v4, $1.500000000e+01;
	v6 =	vsub.f32 $1.600000000e+01, v24;
	v24 =	vadd.f32 v30, v30  }
0x48e: {  	v3 =	vsub.f32 v8, v3;
	v2 =	vadd.f32 $0.0e+00, v2;
	v18 =	vmul.f32 $1.442695020e+00, v18;
	v8 =	vpop (erf)  }
0x48f: {  	v4 =	vtrunc.f32 v4;
	v26 =	vmul.f32 $8.000000000e+00, v24;
	v8 =	vadd.f32 $1.000000000e+00, v8  }
0x490: {  	v4 =	vcvt.f32.s32 v4;
	v6 =	vadd.f32 $8.388608000e+06, v6;
	v2 =	vadd.f32 v3, v2  }
0x491: {  	v3 =	vsub.f32 $1.600000000e+01, v26;
	(erf) = vrcp.f32 v8;
	v8 =	vmul.f32 $8.000000000e+00, v20  }
0x492: {  	v4 =	vand.u32 $0xF, v4;
	v6 =	vadd.f32 $-8.388608000e+06, v6  }
0x493: {  	(erf) = vpow2.f32 v18;
	v3 =	vadd.f32 $8.388608000e+06, v3;
	v8 =	vsub.f32 $1.600000000e+01, v8  }
0x494: {  	v6 =	vmin.f32 v6, $1.500000000e+01;
	v18 =	vperm.xlane v16, v4;
	v4 =	vperm.xlane v17, v4  }
0x495: {  	v6 =	vtrunc.f32 v6;
	v3 =	vadd.f32 $-8.388608000e+06, v3;
	v8 =	vadd.f32 $8.388608000e+06, v8  }
0x496: {  	v6 =	vcvt.f32.s32 v6;
	v21 =	vadd.f32 v21, v18;
	v4 =	vmul.f32 v7, v4  }
0x497: {  	v3 =	vmin.f32 v3, $1.500000000e+01;
	v8 =	vadd.f32 $-8.388608000e+06, v8  }
0x498: {  	v6 =	vand.u32 $0xF, v6;
	v4 =	vsub.f32 v21, v4;
	v3 =	vtrunc.f32 v3  }
0x499: {  	v3 =	vcvt.f32.s32 v3;
	v28 =	vmin.f32 v8, $1.500000000e+01;
	v8 =	vperm.xlane v16, v6  }
0x49a: {  	v6 =	vperm.xlane v17, v6;
	v7 =	vtrunc.f32 v28  }
0x49b: {  	v26 =	vadd.f32 v33, v33;
	v2 =	vadd.f32 v4, v2;
	v18 =	vpop (erf);
	v7 =	vcvt.f32.s32 v7  }
0x49c: {  	v3 =	vand.u32 $0xF, v3;
	v30 =	vpop (erf);
	v8 =	vadd.f32 v23, v8;
	v5 =	vmul.f32 v5, v6  }
0x49d: {  	v21 =	vadd.f32 $1.000000000e+00, v30;
	v30 =	vmul.f32 $8.000000000e+00, v26;
	v28 =	vand.u32 $0xF, v7  }
0x49e: {  	v5 =	vsub.f32 v8, v5;
	v8 =	vadd.f32 v35, v35;
	v35 =	vperm.xlane v16, v3  }
0x49f: {  	(erf) = vrcp.f32 v21;
	v33 =	vperm.xlane v16, v28;
	v7 =	vsub.f32 $1.600000000e+01, v30  }
0x4a0: {  	v6 =	vperm.xlane v17, v28;
	v23 =	vmul.f32 $8.000000000e+00, v8  }
0x4a1: {  	v3 =	vperm.xlane v17, v3;
	v2 =	vadd.f32 v5, v2;
	v7 =	vadd.f32 $8.388608000e+06, v7  }
0x4a2: {  	v4 =	vadd.f32 v25, v33;
	v6 =	vmul.f32 v20, v6;
	v5 =	vsub.f32 $1.600000000e+01, v23  }
0x4a3: {  	v27 =	vadd.f32 v27, v35;
	v3 =	vmul.f32 v24, v3;
	v25 =	vadd.f32 $-8.388608000e+06, v7  }
0x4a4: {  	v4 =	vsub.f32 v4, v6;
	v5 =	vadd.f32 $8.388608000e+06, v5  }
0x4a5: {  	v35 =	vadd.f32 v36, v36;
	v3 =	vsub.f32 v27, v3;
	v28 =	vmin.f32 v25, $1.500000000e+01  }
0x4a6: {  	v2 =	vadd.f32 v4, v2;
	v4 =	vtrunc.f32 v28;
	v33 =	vadd.f32 $-8.388608000e+06, v5  }
0x4a7: {  	v4 =	vcvt.f32.s32 v4  }
0x4a8: {  	v25 =	vmul.f32 $8.000000000e+00, v35;
	v2 =	vadd.f32 v3, v2;
	v30 =	vpop (erf);
	v3 =	vmin.f32 v33, $1.500000000e+01  }
0x4a9: {  	v6 =	vadd.f32 v30, v30;
	v4 =	vand.u32 $0xF, v4;
	v3 =	vtrunc.f32 v3  }
0x4aa: {  	v21 =	vsub.f32 $1.600000000e+01, v25;
	v24 =	vperm.xlane v16, v4;
	v4 =	vperm.xlane v17, v4  }
0x4ab: {  	v3 =	vcvt.f32.s32 v3;
	v36 =	vmul.f32 $8.000000000e+00, v6  }
0x4ac: {  	v21 =	vadd.f32 $8.388608000e+06, v21;
	v20 =	vadd.f32 v29, v24  }
0x4ad: {  	v4 =	vmul.f32 v26, v4;
	v3 =	vand.u32 $0xF, v3;
	v7 =	vsub.f32 $1.600000000e+01, v36  }
0x4ae: {  	v21 =	vadd.f32 $-8.388608000e+06, v21;
	v26 =	vperm.xlane v16, v3;
	v3 =	vperm.xlane v17, v3  }
0x4af: {  	v4 =	vsub.f32 v20, v4;
	v7 =	vadd.f32 $8.388608000e+06, v7  }
0x4b0: {  	v20 =	vadd.f32 v38, v38;
	v23 =	vadd.f32 v31, v26;
	v3 =	vmul.f32 v8, v3  }
0x4b1: {  	v8 =	vmin.f32 v21, $1.500000000e+01;
	v21 =	vadd.f32 v40, v40;
	v7 =	vadd.f32 $-8.388608000e+06, v7  }
0x4b2: {  	v40 =	vadd.f32 v44, v44;
	v2 =	vadd.f32 v4, v2  }
0x4b3: {  	v27 =	vmul.f32 $8.000000000e+00, v20;
	v8 =	vtrunc.f32 v8;
	v7 =	vmin.f32 v7, $1.500000000e+01  }
0x4b4: {  	v3 =	vsub.f32 v23, v3;
	v8 =	vcvt.f32.s32 v8;
	v7 =	vtrunc.f32 v7  }
0x4b5: {  	v54 =	vadd.f32 v54, v54;
	v28 =	vmul.f32 $8.000000000e+00, v21;
	v7 =	vcvt.f32.s32 v7  }
0x4b6: {  	v44 =	vmul.f32 $8.000000000e+00, v40;
	v4 =	vsub.f32 $1.600000000e+01, v27;
	v2 =	vadd.f32 v3, v2  }
0x4b7: {  	v30 =	vand.u32 $0xF, v8;
	v8 =	vsub.f32 $1.600000000e+01, v28;
	v7 =	vand.u32 $0xF, v7  }
0x4b8: {  	v27 =	vsub.f32 $1.600000000e+01, v44;
	v29 =	vperm.xlane v16, v7;
	v7 =	vperm.xlane v17, v7  }
0x4b9: {  	v28 =	vadd.f32 v46, v46;
	v4 =	vadd.f32 $8.388608000e+06, v4;
	v31 =	vperm.xlane v16, v30  }
0x4ba: {  	v8 =	vadd.f32 $8.388608000e+06, v8;
	v22 =	vadd.f32 v29, v22;
	v6 =	vmul.f32 v6, v7  }
0x4bb: {  	v3 =	vperm.xlane v17, v30;
	v4 =	vadd.f32 $-8.388608000e+06, v4;
	v23 =	vadd.f32 v32, v31  }
0x4bc: {  	v7 =	vadd.f32 v42, v42;
	v6 =	vsub.f32 v22, v6  }
0x4bd: {  	v3 =	vmul.f32 v35, v3;
	v8 =	vadd.f32 $-8.388608000e+06, v8;
	v4 =	vmin.f32 v4, $1.500000000e+01  }
0x4be: {  	v4 =	vtrunc.f32 v4;
	v33 =	vmul.f32 $8.000000000e+00, v7;
	v38 =	vadd.f32 v6, v6  }
0x4bf: {  	v3 =	vsub.f32 v23, v3;
	v8 =	vmin.f32 v8, $1.500000000e+01;
	v4 =	vcvt.f32.s32 v4  }
0x4c0: {  	v8 =	vtrunc.f32 v8;
	v36 =	vsub.f32 $1.600000000e+01, v33;
	v24 =	vmul.f32 $1.442695020e+00, v38  }
0x4c1: {  	v2 =	vadd.f32 v3, v2;
	v29 =	vmul.f32 $8.000000000e+00, v28;
	v8 =	vcvt.f32.s32 v8  }
0x4c2: {  	v4 =	vand.u32 $0xF, v4;
	v22 =	vadd.f32 $8.388608000e+06, v36;
	(erf) = vpow2.f32 v24  }
0x4c3: {  	v35 =	vperm.xlane v16, v4;
	v4 =	vperm.xlane v17, v4;
	v8 =	vand.u32 $0xF, v8  }
0x4c4: {  	v3 =	vsub.f32 $1.600000000e+01, v29;
	v25 =	vperm.xlane v16, v8;
	v42 =	vadd.f32 $-8.388608000e+06, v22  }
0x4c5: {  	v26 =	vperm.xlane v17, v8;
	v5 =	vadd.f32 v34, v35;
	v4 =	vmul.f32 v20, v4  }
0x4c6: {  	v3 =	vadd.f32 $8.388608000e+06, v3;
	v20 =	vadd.f32 $8.388608000e+06, v27;
	v8 =	vmin.f32 v42, $1.500000000e+01  }
0x4c7: {  	v34 =	vadd.f32 v49, v49;
	v24 =	vsub.f32 v5, v4;
	v8 =	vtrunc.f32 v8  }
0x4c8: {  	v4 =	vadd.f32 v37, v25;
	v5 =	vmul.f32 v21, v26;
	v8 =	vcvt.f32.s32 v8  }
0x4c9: {  	v27 =	vmul.f32 $8.000000000e+00, v54;
	v3 =	vadd.f32 $-8.388608000e+06, v3;
	v36 =	vmul.f32 $8.000000000e+00, v34  }
0x4ca: {  	v37 =	vadd.f32 v51, v51;
	v4 =	vsub.f32 v4, v5;
	v30 =	vand.u32 $0xF, v8  }
0x4cb: {  	v8 =	vadd.f32 $-8.388608000e+06, v20;
	v31 =	vperm.xlane v16, v30;
	v5 =	vperm.xlane v17, v30;
	v33 =	vpop (erf)  }
0x4cc: {  	v3 =	vmin.f32 v3, $1.500000000e+01;
	v2 =	vadd.f32 v24, v2;
	v20 =	vadd.f32 $1.000000000e+00, v33  }
0x4cd: {  	v32 =	vmin.f32 v8, $1.500000000e+01;
	v8 =	vadd.f32 v39, v31;
	v5 =	vmul.f32 v7, v5  }
0x4ce: {  	v2 =	vadd.f32 v4, v2;
	v4 =	vtrunc.f32 v32;
	(erf) = vrcp.f32 v20  }
0x4cf: {  	v4 =	vcvt.f32.s32 v4;
	v5 =	vsub.f32 v8, v5;
	v8 =	vsub.f32 $1.600000000e+01, v36  }
0x4d0: {  	v29 =	vsub.f32 $1.600000000e+01, v27;
	v3 =	vtrunc.f32 v3  }
0x4d1: {  	v4 =	vand.u32 $0xF, v4;
	v39 =	vadd.f32 $8.388608000e+06, v8;
	v8 =	vmul.f32 $8.000000000e+00, v37  }
0x4d2: {  	v3 =	vcvt.f32.s32 v3;
	v32 =	vadd.f32 $8.388608000e+06, v29;
	v35 =	vperm.xlane v16, v4  }
0x4d3: {  	v33 =	vadd.f32 v56, v56;
	v4 =	vperm.xlane v17, v4;
	v8 =	vsub.f32 $1.600000000e+01, v8  }
0x4d4: {  	v3 =	vand.u32 $0xF, v3;
	v2 =	vadd.f32 v5, v2;
	v38 =	vadd.f32 v41, v35  }
0x4d5: {  	v4 =	vmul.f32 v40, v4;
	v40 =	vperm.xlane v16, v3;
	v7 =	vadd.f32 $-8.388608000e+06, v39  }
0x4d6: {  	v3 =	vperm.xlane v17, v3;
	v35 =	vadd.f32 $-8.388608000e+06, v32;
	v39 =	vadd.f32 v58, v58  }
0x4d7: {  	v36 =	vmul.f32 $8.000000000e+00, v33;
	v4 =	vsub.f32 v38, v4;
	v42 =	vadd.f32 $8.388608000e+06, v8;
	v8 =	vpop (erf)  }
0x4d8: {  	v5 =	vadd.f32 v43, v40;
	v3 =	vmul.f32 v28, v3;
	v43 =	vadd.f32 v8, v8  }
0x4d9: {  	v41 =	vmin.f32 v7, $1.500000000e+01;
	v38 =	vsub.f32 $1.600000000e+01, v36;
	v2 =	vadd.f32 v4, v2  }
0x4da: {  	v3 =	vsub.f32 v5, v3;
	v4 =	vtrunc.f32 v41;
	v44 =	vmul.f32 $8.000000000e+00, v43  }
0x4db: {  	v7 =	vadd.f32 $-8.388608000e+06, v42;
	v4 =	vcvt.f32.s32 v4;
	v8 =	vadd.f32 v52, v52  }
0x4dc: {  	v2 =	vadd.f32 v3, v2;
	v3 =	vsub.f32 $1.600000000e+01, v44  }
0x4dd: {  	v7 =	vmin.f32 v7, $1.500000000e+01;
	v4 =	vand.u32 $0xF, v4;
	v46 =	vmul.f32 $8.000000000e+00, v8  }
0x4de: {  	v7 =	vtrunc.f32 v7;
	v49 =	vperm.xlane v16, v4;
	v3 =	vadd.f32 $8.388608000e+06, v3  }
0x4df: {  	v4 =	vperm.xlane v17, v4;
	v7 =	vcvt.f32.s32 v7;
	v22 =	vsub.f32 $1.600000000e+01, v46  }
0x4e0: {  	v23 =	vadd.f32 v45, v49;
	v3 =	vadd.f32 $-8.388608000e+06, v3  }
0x4e1: {  	v4 =	vmul.f32 v34, v4;
	v7 =	vand.u32 $0xF, v7;
	v51 =	vadd.f32 $8.388608000e+06, v22  }
0x4e2: {  	v52 =	vperm.xlane v16, v7;
	v7 =	vperm.xlane v17, v7;
	v3 =	vmin.f32 v3, $1.500000000e+01  }
0x4e3: {  	v4 =	vsub.f32 v23, v4;
	v21 =	vadd.f32 $-8.388608000e+06, v51;
	v3 =	vtrunc.f32 v3  }
0x4e4: {  	v42 =	vadd.f32 $8.388608000e+06, v38;
	v7 =	vmul.f32 v37, v7;
	v3 =	vcvt.f32.s32 v3  }
0x4e5: {  	v2 =	vadd.f32 v4, v2;
	v4 =	vmin.f32 v35, $1.500000000e+01;
	v28 =	vmin.f32 v21, $1.500000000e+01  }
0x4e6: {  	v4 =	vtrunc.f32 v4;
	v20 =	vtrunc.f32 v28;
	v3 =	vand.u32 $0xF, v3  }
0x4e7: {  	v22 =	vadd.f32 v47, v52;
	v34 =	vperm.xlane v16, v3;
	v3 =	vperm.xlane v17, v3  }
0x4e8: {  	v41 =	vcvt.f32.s32 v4;
	v4 =	vadd.f32 $-8.388608000e+06, v42;
	v31 =	vcvt.f32.s32 v20  }
0x4e9: {  	v44 =	vmul.f32 $8.000000000e+00, v39;
	v6 =	vadd.f32 v6, v34;
	v3 =	vmul.f32 v43, v3  }
0x4ea: {  	v30 =	vsub.f32 v22, v7;
	v4 =	vmin.f32 v4, $1.500000000e+01;
	v7 =	vand.u32 $0xF, v31  }
0x4eb: {  	v37 =	vperm.xlane v16, v7;
	v7 =	vperm.xlane v17, v7;
	v40 =	vsub.f32 v6, v3  }
0x4ec: {  	v1 =	vadd.f32 v1, v1;
	v4 =	vtrunc.f32 v4  }
0x4ed: {  	v43 =	vmul.f32 v8, v7;
	v7 =	vsub.f32 $1.600000000e+01, v44;
	v8 =	vadd.f32 v40, v40  }
0x4ee: {  	v46 =	vadd.f32 v61, v61;
	v52 =	vadd.f32 v62, v62;
	v4 =	vcvt.f32.s32 v4  }
0x4ef: {  	v3 =	vand.u32 $0xF, v41;
	v7 =	vadd.f32 $8.388608000e+06, v7;
	v8 =	vmul.f32 $1.442695020e+00, v8  }
0x4f0: {  	v2 =	vadd.f32 v30, v2;
	v45 =	vperm.xlane v16, v3;
	v3 =	vperm.xlane v17, v3  }
0x4f1: {  	v5 =	vadd.f32 v48, v37;
	v7 =	vadd.f32 $-8.388608000e+06, v7;
	(erf) = vpow2.f32 v8  }
0x4f2: {  	v4 =	vand.u32 $0xF, v4;
	v6 =	vadd.f32 v50, v45;
	v3 =	vmul.f32 v54, v3  }
0x4f3: {  	v49 =	vperm.xlane v16, v4;
	v5 =	vsub.f32 v5, v43;
	v48 =	vmin.f32 v7, $1.500000000e+01  }
0x4f4: {  	v3 =	vsub.f32 v6, v3;
	v6 =	vtrunc.f32 v48;
	v8 =	vmul.f32 $8.000000000e+00, v46  }
0x4f5: {  	v7 =	vadd.f32 v53, v49;
	v53 =	vmul.f32 $8.000000000e+00, v52;
	v51 =	vcvt.f32.s32 v6  }
0x4f6: {  	v2 =	vadd.f32 v5, v2;
	v47 =	vsub.f32 $1.600000000e+01, v8  }
0x4f7: {  	v50 =	vperm.xlane v17, v4;
	v21 =	vsub.f32 $1.600000000e+01, v53;
	v4 =	vand.u32 $0xF, v51  }
0x4f8: {  	v8 =	vperm.xlane v16, v4;
	v4 =	vperm.xlane v17, v4;
	v5 =	vadd.f32 $8.388608000e+06, v47  }
0x4f9: {  	v2 =	vadd.f32 v3, v2;
	v3 =	vmul.f32 v33, v50;
	v21 =	vadd.f32 $8.388608000e+06, v21  }
0x4fa: {  	v8 =	vadd.f32 v55, v8;
	v4 =	vmul.f32 v39, v4;
	v5 =	vadd.f32 $-8.388608000e+06, v5;
	v54 =	vpop (erf)  }
0x4fb: {  	v61 =	vmul.f32 $8.000000000e+00, v1;
	v3 =	vsub.f32 v7, v3;
	v7 =	vadd.f32 $1.000000000e+00, v54  }
0x4fc: {  	v4 =	vsub.f32 v8, v4;
	v8 =	vadd.f32 $-8.388608000e+06, v21;
	v5 =	vmin.f32 v5, $1.500000000e+01  }
0x4fd: {  	v0 =	vadd.f32 v0, v0;
	v5 =	vtrunc.f32 v5;
	(erf) = vrcp.f32 v7  }
0x4fe: {  	v2 =	vadd.f32 v3, v2;
	v8 =	vmin.f32 v8, $1.500000000e+01;
	v5 =	vcvt.f32.s32 v5  }
0x4ff: {  	v56 =	vmul.f32 $8.000000000e+00, v0;
	v24 =	vsub.f32 $1.600000000e+01, v61;
	v58 =	vtrunc.f32 v8  }
0x500: {  	v2 =	vadd.f32 v4, v2;
	v4 =	vcvt.f32.s32 v58;
	v5 =	vand.u32 $0xF, v5  }
0x501: {  	v8 =	vadd.f32 v18, v18;
	v7 =	vsub.f32 $1.600000000e+01, v56;
	v55 =	vperm.xlane v16, v5  }
0x502: {  	v5 =	vperm.xlane v17, v5;
	v62 =	vand.u32 $0xF, v4;
	v4 =	vadd.f32 $8.388608000e+06, v24  }
0x503: {  	v18 =	vmul.f32 $8.000000000e+00, v8;
	v7 =	vadd.f32 $8.388608000e+06, v7  }
0x504: {  	v3 =	vadd.f32 v57, v55;
	v5 =	vmul.f32 v46, v5;
	v4 =	vadd.f32 $-8.388608000e+06, v4  }
0x505: {  	v25 =	vperm.xlane v16, v62;
	v7 =	vadd.f32 $-8.388608000e+06, v7  }
0x506: {  	v18 =	vsub.f32 $1.600000000e+01, v18;
	v3 =	vsub.f32 v3, v5;
	v4 =	vmin.f32 v4, $1.500000000e+01;
	v26 =	vpop (erf)  }
0x507: {  	v7 =	vmin.f32 v7, $1.500000000e+01;
	v4 =	vtrunc.f32 v4;
	v21 =	vadd.f32 v26, v26  }
0x508: {  	v2 =	vadd.f32 v3, v2;
	v7 =	vtrunc.f32 v7;
	v3 =	vperm.xlane v17, v62  }
0x509: {  	v4 =	vcvt.f32.s32 v4;
	v27 =	vmul.f32 $8.000000000e+00, v21  }
0x50a: {  	v29 =	vadd.f32 $8.388608000e+06, v18;
	v5 =	vadd.f32 v59, v25;
	v7 =	vcvt.f32.s32 v7  }
0x50b: {  	v3 =	vmul.f32 v52, v3;
	v4 =	vand.u32 $0xF, v4;
	v22 =	vsub.f32 $1.600000000e+01, v27  }
0x50c: {  	v28 =	vand.u32 $0xF, v7;
	v7 =	vadd.f32 $-8.388608000e+06, v29;
	v32 =	vperm.xlane v17, v4  }
0x50d: {  	v4 =	vperm.xlane v16, v4;
	v6 =	vperm.xlane v17, v28;
	v30 =	vadd.f32 $8.388608000e+06, v22  }
0x50e: {  	v18 =	vperm.xlane v16, v28;
	v3 =	vsub.f32 v5, v3;
	v31 =	vmin.f32 v7, $1.500000000e+01  }
0x50f: {  	v0 =	vmul.f32 v0, v6;
	v6 =	vtrunc.f32 v31;
	v5 =	vadd.f32 $-8.388608000e+06, v30  }
0x510: {  	v1 =	vmul.f32 v1, v32;
	v6 =	vcvt.f32.s32 v6  }
0x511: {  	v4 =	vadd.f32 v63, v4;
	v18 =	vadd.f32 v60, v18;
	v5 =	vmin.f32 v5, $1.500000000e+01  }
0x512: {  	v2 =	vadd.f32 v3, v2;
	v33 =	vand.u32 $0xF, v6;
	v5 =	vtrunc.f32 v5  }
0x513: {  	v0 =	vsub.f32 v18, v0;
	v6 =	vperm.xlane v17, v33;
	v5 =	vcvt.f32.s32 v5  }
0x514: {  	v1 =	vsub.f32 v4, v1;
	v34 =	vperm.xlane v16, v33  }
0x515: {  	v0 =	vadd.f32 v0, v2;
	v35 =	vmul.f32 v8, v6;
	v36 =	vand.u32 $0xF, v5  }
0x516: {  	v2 =	vadd.f32 v19, v34;
	v5 =	vperm.xlane v16, v36;
	v4 =	vperm.xlane v17, v36  }
0x517: {  	v0 =	vadd.f32 v1, v0  }
0x518: {  	v37 =	vsub.f32 v2, v35;
	v38 =	vadd.f32 v40, v5;
	v39 =	vmul.f32 v21, v4;
	_ =	sdelay $0x1  }
0x519: {  	v0 =	vadd.f32 v37, v0;
	v40 =	vsub.f32 v38, v39;
	_ =	sdelay $0x1  }
0x51a: {  	v0 =	vadd.f32 v40, v0  }
0x51b: {  	v42 =	vimm.s32 $0x0  }
0x51c: {  	v1 =	vperm.xlane v0, v42;
	_ =	sdelay $0x1  }
0x51d: {  	[tilespmem:s15+$0xFFFFFE00] =	vst v1  }
0x51e: {  	v41 =	vimm.s32 $0x1;
	[tilespmem:s15+$0xFFFFFE10] =	vst v1  }
0x51f: {  	v43 =	vperm.xlane v0, v41;
	[tilespmem:s15+$0xFFFFFE20] =	vst v1  }
0x520: {  	[tilespmem:s15+$0xFFFFFE30] =	vst v1  }
0x521: {  	[tilespmem:s15+$0xFFFFFE40] =	vst v43  }
0x522: {  	v44 =	vimm.s32 $0x2;
	[tilespmem:s15+$0xFFFFFE50] =	vst v43  }
0x523: {  	v45 =	vperm.xlane v0, v44;
	[tilespmem:s15+$0xFFFFFE60] =	vst v43  }
0x524: {  	[tilespmem:s15+$0xFFFFFE70] =	vst v43  }
0x525: {  	[tilespmem:s15+$0xFFFFFE80] =	vst v45  }
0x526: {  	v46 =	vimm.s32 $0x3;
	[tilespmem:s15+$0xFFFFFE90] =	vst v45  }
0x527: {  	v47 =	vperm.xlane v0, v46;
	[tilespmem:s15+$0xFFFFFEA0] =	vst v45  }
0x528: {  	[tilespmem:s15+$0xFFFFFEB0] =	vst v45  }
0x529: {  	[tilespmem:s15+$0xFFFFFEC0] =	vst v47  }
0x52a: {  	v48 =	vimm.s32 $0x4;
	[tilespmem:s15+$0xFFFFFED0] =	vst v47  }
0x52b: {  	v49 =	vperm.xlane v0, v48;
	[tilespmem:s15+$0xFFFFFEE0] =	vst v47  }
0x52c: {  	[tilespmem:s15+$0xFFFFFEF0] =	vst v47  }
0x52d: {  	[tilespmem:s15+$0xFFFFFF00] =	vst v49  }
0x52e: {  	v50 =	vimm.s32 $0x5;
	[tilespmem:s15+$0xFFFFFF10] =	vst v49  }
0x52f: {  	v51 =	vperm.xlane v0, v50;
	[tilespmem:s15+$0xFFFFFF20] =	vst v49  }
0x530: {  	[tilespmem:s15+$0xFFFFFF30] =	vst v49  }
0x531: {  	[tilespmem:s15+$0xFFFFFF40] =	vst v51  }
0x532: {  	v52 =	vimm.s32 $0x6;
	[tilespmem:s15+$0xFFFFFF50] =	vst v51  }
0x533: {  	v53 =	vperm.xlane v0, v52;
	[tilespmem:s15+$0xFFFFFF60] =	vst v51  }
0x534: {  	[tilespmem:s15+$0xFFFFFF70] =	vst v51  }
0x535: {  	[tilespmem:s15+$0xFFFFFF80] =	vst v53  }
0x536: {  	v54 =	vimm.s32 $0x7;
	[tilespmem:s15+$0xFFFFFF90] =	vst v53  }
0x537: {  	v55 =	vperm.xlane v0, v54;
	[tilespmem:s15+$0xFFFFFFA0] =	vst v53  }
0x538: {  	[tilespmem:s15+$0xFFFFFFB0] =	vst v53  }
0x539: {  	[tilespmem:s15+$0xFFFFFFC0] =	vst v55  }
0x53a: {  	[tilespmem:s15+$0xFFFFFFD0] =	vst v55  }
0x53b: {  	v56 =	vperm.xlane v0, v9;
	[tilespmem:s15+$0xFFFFFFE0] =	vst v55  }
0x53c: {  	[tilespmem:s15+$0xFFFFFFF0] =	vst v55  }
0x53d: {  	[tilespmem:s15+$0x0] =	vst v56  }
0x53e: {  	[tilespmem:s15+$0x10] =	vst v56  }
0x53f: {  	v57 =	vperm.xlane v0, v10;
	[tilespmem:s15+$0x20] =	vst v56  }
0x540: {  	[tilespmem:s15+$0x30] =	vst v56  }
0x541: {  	[tilespmem:s15+$0x40] =	vst v57  }
0x542: {  	[tilespmem:s15+$0x50] =	vst v57  }
0x543: {  	v58 =	vperm.xlane v0, v11;
	[tilespmem:s15+$0x60] =	vst v57  }
0x544: {  	[tilespmem:s15+$0x70] =	vst v57  }
0x545: {  	[tilespmem:s15+$0x80] =	vst v58  }
0x546: {  	[tilespmem:s15+$0x90] =	vst v58  }
0x547: {  	v59 =	vperm.xlane v0, v12;
	[tilespmem:s15+$0xA0] =	vst v58  }
0x548: {  	[tilespmem:s15+$0xB0] =	vst v58  }
0x549: {  	[tilespmem:s15+$0xC0] =	vst v59  }
0x54a: {  	[tilespmem:s15+$0xD0] =	vst v59  }
0x54b: {  	v60 =	vperm.xlane v0, v13;
	[tilespmem:s15+$0xE0] =	vst v59  }
0x54c: {  	[tilespmem:s15+$0xF0] =	vst v59  }
0x54d: {  	[tilespmem:s15+$0x100] =	vst v60  }
0x54e: {  	[tilespmem:s15+$0x110] =	vst v60  }
0x54f: {  	v61 =	vperm.xlane v0, v14;
	[tilespmem:s15+$0x120] =	vst v60  }
0x550: {  	[tilespmem:s15+$0x130] =	vst v60  }
0x551: {  	[tilespmem:s15+$0x140] =	vst v61  }
0x552: {  	[tilespmem:s15+$0x150] =	vst v61  }
0x553: {  	v62 =	vperm.xlane v0, v15;
	[tilespmem:s15+$0x160] =	vst v61  }
0x554: {  	[tilespmem:s15+$0x170] =	vst v61  }
0x555: {  	[tilespmem:s15+$0x180] =	vst v62  }
0x556: {  	v63 =	vimm.s32 $0xF;
	[tilespmem:s15+$0x190] =	vst v62  }
0x557: {  	p0 =	sne.s32 s17, $0x1F0;
	v0 =	vperm.xlane v0, v63;
	[tilespmem:s15+$0x1A0] =	vst v62  }
.Ltmp0:
0x558: {  	[tilespmem:s15+$0x1B0] =	vst v62;
	(pc) =	sbr.rel @p0 .LBB2_2-.Ltmp0, $4  }
0x559: {  	[tilespmem:s15+$0x1C0] =	vst v0  }
0x55a: {  	[tilespmem:s15+$0x1D0] =	vst v0  }
0x55b: {  	[tilespmem:s15+$0x1E0] =	vst v0  }
0x55c: {  	s16 =	sadd.s32 $0x80, s16;
	s17 =	sadd.s32 $0x10, s17;
	[tilespmem:s15+$0x1F0] =	vst v0;
	s15 =	sadd.s32 $0x400, s15  }
0x55d: {  	s14 =	sadd.s32 $0x1, s14  }
0x55e: {  	p0 =	sne.s32 s14, s7  }
.Ltmp1:
0x55f: {  	_ = 	snop;
	(pc) =	sbr.rel @p0 .LBB2_1-.Ltmp1, $4  }
0x560: {  	[hbm4b:s6+s2] =	stream.linear.scatter [tilespmem:s13], [sflag:$0x1], $0x8000, $0x38;
	[tilespmem:$0xC100] =	vst v63  }
0x561: {  	_ =	swait.ge [sflag:s10], $0x8000  }
0x562: {  	[sflag:s10] =	ssyncset.done $0x0  }
0x563: {  	[sflag:s10] =	ssyncadd.s32 $0xFFFF8000  }
0x564: {  	_ =	sfence.sel $0x180000  }
0x565: {  	[bflag:$0x0] =	sbarrier.arrive $0xFFFF  }
0x566: {  	p0 =	sne.s32 s1, $0x0;
	_ =	strace $0x90000047  }
0x567: {  	s0 =	sadd.s32 @!p0 $0x100000, s0;
	[bflag:$0x2] =	sbarrier.arrive $0xFFFF  }
0x568: {  	[sflag:s0] =	ssyncadd.tile.s32 @!p0 $0x1;
	_ =	shalt  }
.Lfunc_end2:
_tile_overlayer_lowered:
.L_overlay_start_2:
0x569: {  	(tag) =	ssettag $0x2  }
0x56a: {  	s0 =	rddreg [dreg:$0x0];
	s2 =	stileid.u32  }
0x56b: {  	s1 =	rddreg [dreg:$0x1];
	p0 =	sne.s32 s2, $0x0  }
0x56c: {  	s3 =	rddreg [dreg:$0x2];
	[bflag:$0x3] =	sbarrier.arrive $0xFFFF;
	s2 =	simm.s32 @!p0 $0x1C01  }
0x56d: {  	[timem:s3], [sflag:s2] =	dma.local @!p0 [hbm:s0], s1  }
0x56e: {  	s0 =	simm.s32 @!p0 $0x1  }
0x56f: {  	_ =	swait.ge @!p0 [sflag:s0], s1  }
0x570: {  	s1 =	ssub.s32 @!p0 $0x0, s1;
	[sflag:s0] =	ssyncset.done @!p0 $0x0  }
0x571: {  	[sflag:s0] =	ssyncadd.s32 @!p0 s1  }
0x572: {  	[bflag:$0x3] =	sbarrier.arrive $0xFFFF  }
0x573: {  	_ =	shalt  }

</sc_bundles>
